<compile_context>
chip_gen: v7x
topology: tpu7x:2x2x1
jax: 0.10.2.dev20260603
libtpu: 0.0.44.dev20260713+nightly
codegen_flags: <defaults>
</compile_context>

<pallas_src>
import functools

import jax
import jax.numpy as jnp
from jax import lax
from jax.experimental import pallas as pl
from jax.experimental.pallas import tpu as pltpu
from jax.experimental.pallas import tpu_sc as plsc

N = 2048
E = 32768
D = 256
H = 256

NC = 2
NS = 16

EROWS = E // 128
SROWS = 32
SCELLS = SROWS * N
NPASS = N // (NC * NS * SROWS)


def _sc_adj_body(flat_ref, out_ref, fcv, slab):
    c = lax.axis_index("c")
    s = lax.axis_index("s")
    w = s * NC + c

    pltpu.sync_copy(flat_ref, fcv)

    for p in range(NPASS):
        rowbase = (w * NPASS + p) * SROWS
        base = rowbase * N

        def _zeroall(i, _):
            for k in range(8):
                slab[pl.ds(i * 128 + k * 16, 16)] = jnp.zeros((16,), jnp.int32)
            return 0
        lax.fori_loop(0, SCELLS // 128, _zeroall, 0)

        def _sweep(i, _):
            for k in range(8):
                f = fcv[i, pl.ds(k * 16, 16)]
                cell = f - base
                ok = (cell >= 0) & (cell < SCELLS)
                one = lax.shift_right_arithmetic(cell, 31) + 1
                plsc.store_scatter(slab, [cell], one, mask=ok)
            return 0
        lax.fori_loop(0, EROWS, _sweep, 0)

        pltpu.sync_copy(slab, out_ref.at[pl.ds(base, SCELLS)])


def _sc_mesh():
    return plsc.VectorSubcoreMesh(core_axis_name="c", subcore_axis_name="s",
                                  num_cores=NC, num_subcores=NS)


def _sc_adj(flat2):
    return pl.kernel(
        _sc_adj_body,
        out_type=jax.ShapeDtypeStruct((N * N,), jnp.int32),
        mesh=_sc_mesh(),
        compiler_params=pltpu.CompilerParams(needs_layout_passes=False),
        scratch_types=[
            pltpu.VMEM((EROWS, 128), jnp.int32),
            pltpu.VMEM((SCELLS,), jnp.int32),
        ],
    )(flat2)


CH = 64
CHUNKS = E // CH
CPW = CHUNKS // (NC * NS)


def _sc_edges_body(p_ref, q_ref, row_ref, col_ref, out_ref,
                   ridx, cidx, pbuf0, qbuf0, pbuf1, qbuf1,
                   sem_p, sem_q, sem_w):
    c = lax.axis_index("c")
    s = lax.axis_index("s")
    w = s * NC + c
    bufs = ((pbuf0, qbuf0), (pbuf1, qbuf1))

    pltpu.sync_copy(row_ref.at[pl.ds(w * CPW, CPW)], ridx)
    pltpu.sync_copy(col_ref.at[pl.ds(w * CPW, CPW)], cidx)

    def _fire(t, b):
        pbuf, qbuf = bufs[b]
        return (pltpu.async_copy(p_ref.at[ridx.at[t]], pbuf, sem_p),
                pltpu.async_copy(q_ref.at[cidx.at[t]], qbuf, sem_q))

    def _consume(t, b, cps):
        pbuf, qbuf = bufs[b]
        ch = w * CPW + t
        cps[0].wait()
        cps[1].wait()

        def _addg(i, _):
            e = lax.shift_right_logical(i, 4)
            goff = (i & 15) * 16
            pbuf[e, pl.ds(goff, 16)] = (
                pbuf[e, pl.ds(goff, 16)] + qbuf[e, pl.ds(goff, 16)])
            return 0
        lax.fori_loop(0, CH * (H // 16), _addg, 0)
        return pltpu.async_copy(pbuf, out_ref.at[pl.ds(ch * CH, CH)], sem_w)

    pend = _fire(0, 0)
    pw = None
    for t in range(CPW):
        b = t % 2
        nxt = _fire(t + 1, 1 - b) if t + 1 < CPW else None
        if pw is not None:
            pw.wait()
        pw = _consume(t, b, pend)
        pend = nxt
    pw.wait()


def _sc_edges(P, Q, row2, col2):
    return pl.kernel(
        _sc_edges_body,
        out_type=jax.ShapeDtypeStruct((E, H), jnp.float32),
        mesh=_sc_mesh(),
        scratch_types=[
            pltpu.VMEM((CPW, CH), jnp.int32),
            pltpu.VMEM((CPW, CH), jnp.int32),
            pltpu.VMEM((CH, H), jnp.float32),
            pltpu.VMEM((CH, H), jnp.float32),
            pltpu.VMEM((CH, H), jnp.float32),
            pltpu.VMEM((CH, H), jnp.float32),
            pltpu.SemaphoreType.DMA,
            pltpu.SemaphoreType.DMA,
            pltpu.SemaphoreType.DMA,
        ],
    )(P, Q, row2, col2)


ECH = 4096
ESTEPS = E // ECH


def _tc_agg_body(row_ref, col_ref, ntb_ref, nsum_ref, deg_ref):
    e = pl.program_id(0)
    rowv = row_ref[...].reshape(1, ECH)
    colv = col_ref[...].reshape(ECH, 1)
    iota_i = lax.broadcasted_iota(jnp.int32, (N, ECH), 0)
    ohr = (iota_i == rowv).astype(jnp.bfloat16)
    iota_n = lax.broadcasted_iota(jnp.int32, (ECH, N), 1)
    ohc = (iota_n == colv).astype(jnp.bfloat16)
    gch = jnp.dot(ohc, ntb_ref[...], preferred_element_type=jnp.float32).astype(jnp.bfloat16)
    part = jnp.dot(ohr, gch, preferred_element_type=jnp.float32)
    dpart = jnp.sum(ohr.astype(jnp.float32), axis=1, keepdims=True)
    dpart = jnp.broadcast_to(dpart, (N, 128))

    @pl.when(e == 0)
    def _init():
        nsum_ref[...] = part
        deg_ref[...] = dpart

    @pl.when(e > 0)
    def _acc():
        nsum_ref[...] = nsum_ref[...] + part
        deg_ref[...] = deg_ref[...] + dpart


def _tc_agg(rowE, colE, ntb):
    return pl.pallas_call(
        _tc_agg_body,
        grid=(ESTEPS,),
        in_specs=[
            pl.BlockSpec((1, 1, ECH), lambda e: (e, 0, 0)),
            pl.BlockSpec((1, 1, ECH), lambda e: (e, 0, 0)),
            pl.BlockSpec((N, H), lambda e: (0, 0)),
        ],
        out_specs=[
            pl.BlockSpec((N, H), lambda e: (0, 0)),
            pl.BlockSpec((N, 128), lambda e: (0, 0)),
        ],
        out_shape=[
            jax.ShapeDtypeStruct((N, H), jnp.float32),
            jax.ShapeDtypeStruct((N, 128), jnp.float32),
        ],
    )(rowE, colE, ntb)


def _tc_prep_body(x_ref, wn_ref, bn_ref, we_ref, be_ref, row_ref, col_ref,
                  nt_ref, p_ref, q_ref, flat_ref):
    xv = x_ref[...]
    nt_ref[...] = jnp.dot(xv, wn_ref[...],
                          preferred_element_type=jnp.float32) + bn_ref[...]
    p_ref[...] = jnp.dot(xv, we_ref[:D, :],
                         preferred_element_type=jnp.float32) + be_ref[...]
    q_ref[...] = jnp.dot(xv, we_ref[D:, :], preferred_element_type=jnp.float32)
    flat_ref[...] = row_ref[...] * N + col_ref[...]


def _tc_prep(x, Wn, bn, We, be, row2, col2):
    return pl.pallas_call(
        _tc_prep_body,
        out_shape=[
            jax.ShapeDtypeStruct((N, H), jnp.float32),
            jax.ShapeDtypeStruct((N, H), jnp.float32),
            jax.ShapeDtypeStruct((N, H), jnp.float32),
            jax.ShapeDtypeStruct((EROWS, 128), jnp.int32),
        ],
    )(x, Wn, bn, We, be, row2, col2)


BLK = 256


def _tc_main_body(ab_ref, af_ref, ntf_ref, ntb_ref, deg_ref, nsum_ref,
                  ws1_ref, bs1_ref, ws2_ref, bs2_ref,
                  wh1_ref, bh1_ref, wh2_ref, bh2_ref,
                  sub_ref, nb_ref):
    i = pl.program_id(0)
    ntf = ntf_ref[...]
    ntb = ntb_ref[...]

    deg = deg_ref[...][:, :1]
    nsum = nsum_ref[...]
    mean1 = jnp.where(deg > 0, nsum / jnp.maximum(deg, 1.0), 0.0)

    a2 = jnp.dot(ab_ref[...], af_ref[...], preferred_element_type=jnp.float32)
    rid = i * BLK + lax.broadcasted_iota(jnp.int32, (BLK, N), 0)
    cid = lax.broadcasted_iota(jnp.int32, (BLK, N), 1)
    m2 = jnp.where((a2 > 0) & (rid != cid), 1.0, 0.0)
    cnt2 = jnp.sum(m2, axis=1, keepdims=True)
    sum2 = jnp.dot(m2, ntf, preferred_element_type=jnp.float32)
    mean2 = jnp.where(cnt2 > 0, sum2 / jnp.maximum(cnt2, 1.0), 0.0)

    hs = jnp.maximum(
        jnp.dot(ntb, ws1_ref[:H, :], preferred_element_type=jnp.float32)
        + jnp.dot(mean1, ws1_ref[H:, :], preferred_element_type=jnp.float32)
        + bs1_ref[...], 0.0)
    sub_ref[...] = jnp.dot(hs, ws2_ref[...], preferred_element_type=jnp.float32,
                           ) + bs2_ref[...]

    hn = jnp.maximum(
        jnp.dot(ntb, wh1_ref[:H, :], preferred_element_type=jnp.float32)
        + jnp.dot(mean1, wh1_ref[H:2 * H, :], preferred_element_type=jnp.float32)
        + jnp.dot(mean2, wh1_ref[2 * H:, :], preferred_element_type=jnp.float32)
        + bh1_ref[...], 0.0)
    nb_ref[...] = jnp.dot(hn, wh2_ref[...], preferred_element_type=jnp.float32,
                          ) + bh2_ref[...]


def _tc_main(Ab, nt, deg, nsum, Ws1, bs1, Ws2, bs2, Wh1, bh1, Wh2, bh2):
    return pl.pallas_call(
        _tc_main_body,
        grid=(N // BLK,),
        in_specs=[
            pl.BlockSpec((BLK, N), lambda i: (i, 0)),
            pl.BlockSpec((N, N), lambda i: (0, 0)),
            pl.BlockSpec((N, H), lambda i: (0, 0)),
            pl.BlockSpec((BLK, H), lambda i: (i, 0)),
            pl.BlockSpec((BLK, 128), lambda i: (i, 0)),
            pl.BlockSpec((BLK, H), lambda i: (i, 0)),
            pl.BlockSpec((2 * H, H), lambda i: (0, 0)),
            pl.BlockSpec((1, H), lambda i: (0, 0)),
            pl.BlockSpec((H, H), lambda i: (0, 0)),
            pl.BlockSpec((1, H), lambda i: (0, 0)),
            pl.BlockSpec((3 * H, H), lambda i: (0, 0)),
            pl.BlockSpec((1, H), lambda i: (0, 0)),
            pl.BlockSpec((H, H), lambda i: (0, 0)),
            pl.BlockSpec((1, H), lambda i: (0, 0)),
        ],
        out_specs=[
            pl.BlockSpec((BLK, H), lambda i: (i, 0)),
            pl.BlockSpec((BLK, H), lambda i: (i, 0)),
        ],
        out_shape=[
            jax.ShapeDtypeStruct((N, H), jnp.float32),
            jax.ShapeDtypeStruct((N, H), jnp.float32),
        ],
    )(Ab, Ab, nt, nt, deg, nsum, Ws1, bs1, Ws2, bs2, Wh1, bh1, Wh2, bh2)


def kernel(x, edge_index, Wn, bn, We, be, Ws1, bs1, Ws2, bs2, Wh1, bh1, Wh2, bh2):
    row = edge_index[0]
    col = edge_index[1]

    nt, P, Q, flat2 = _tc_prep(x, Wn, bn.reshape(1, H), We, be.reshape(1, H),
                               row.reshape(EROWS, 128), col.reshape(EROWS, 128))

    Ab = _sc_adj(flat2).reshape(N, N).astype(jnp.bfloat16)

    edge_tokens = _sc_edges(P, Q, row.reshape(CHUNKS, CH),
                            col.reshape(CHUNKS, CH))

    nsum, deg = _tc_agg(row.reshape(ESTEPS, 1, ECH),
                        col.reshape(ESTEPS, 1, ECH),
                        nt.astype(jnp.bfloat16))

    sub, nb = _tc_main(Ab, nt, deg, nsum, Ws1, bs1.reshape(1, H),
                       Ws2, bs2.reshape(1, H), Wh1, bh1.reshape(1, H),
                       Wh2, bh2.reshape(1, H))
    return nt, edge_tokens, sub, nb

# --- scband reference (transcript-rebuilt; emitter-appended) ---
"""Pipeline reference for scband-multi-level-graph-tokenizer-9509057593391 (READ-ONLY COPY).

The authoritative reference and input builder live on the scoring server;
editing this copy changes nothing except your own understanding.
"""

import jax, jax.numpy as jnp
import numpy as np

N = 2048
E = 32768
D = 256
H = 256


def _lin_init(key, fan_in, fan_out):
    s = 1.0 / np.sqrt(fan_in)
    kw, kb = jax.random.split(key)
    W = jax.random.uniform(kw, (fan_in, fan_out), jnp.float32, -s, s)
    b = jax.random.uniform(kb, (fan_out,), jnp.float32, -s, s)
    return W, b


def setup_inputs(seed: int = 0) -> dict:
    key = jax.random.key(seed)
    ks = jax.random.split(key, 10)
    x = jax.random.normal(ks[0], (N, D), jnp.float32)
    edge_index = jax.random.randint(ks[1], (2, E), 0, N, dtype=jnp.int32)
    Wn, bn = _lin_init(ks[2], D, H)
    We, be = _lin_init(ks[3], 2 * D, H)
    Ws1, bs1 = _lin_init(ks[4], 2 * H, H)
    Ws2, bs2 = _lin_init(ks[5], H, H)
    Wh1, bh1 = _lin_init(ks[6], 3 * H, H)
    Wh2, bh2 = _lin_init(ks[7], H, H)
    return {"x": x, "edge_index": edge_index, "Wn": Wn, "bn": bn, "We": We, "be": be,
            "Ws1": Ws1, "bs1": bs1, "Ws2": Ws2, "bs2": bs2,
            "Wh1": Wh1, "bh1": bh1, "Wh2": Wh2, "bh2": bh2}


def reference(x, edge_index, Wn, bn, We, be, Ws1, bs1, Ws2, bs2, Wh1, bh1, Wh2, bh2):
    row = edge_index[0]
    col = edge_index[1]
    # node-level tokens
    node_tokens = x @ Wn + bn
    # edge-level tokens
    ef = jnp.concatenate([x[row], x[col]], axis=-1)
    edge_tokens = ef @ We + be
    # 1-hop neighbor mean (duplicates counted, matching col[row==i].mean())
    deg = jax.ops.segment_sum(jnp.ones((E,), jnp.float32), row, num_segments=N)
    nsum = jax.ops.segment_sum(node_tokens[col], row, num_segments=N)
    mean1 = jnp.where(deg[:, None] > 0, nsum / jnp.maximum(deg, 1.0)[:, None], 0.0)
    # subgraph tokens
    sub_in = jnp.concatenate([node_tokens, mean1], axis=-1)
    hs = jnp.maximum(sub_in @ Ws1 + bs1, 0.0)
    subgraph_tokens = hs @ Ws2 + bs2
    # 2-hop set neighborhood (deduplicated, self removed) via boolean reachability
    A = jnp.zeros((N, N), jnp.float32).at[row, col].set(1.0)
    A2 = A @ A
    mask2 = (A2 > 0) & (~jnp.eye(N, dtype=bool))
    m2f = mask2.astype(jnp.float32)
    cnt2 = m2f.sum(axis=1)
    sum2 = m2f @ node_tokens
    mean2 = jnp.where(cnt2[:, None] > 0, sum2 / jnp.maximum(cnt2, 1.0)[:, None], 0.0)
    nb_in = jnp.concatenate([node_tokens, mean1, mean2], axis=-1)
    hn = jnp.maximum(nb_in @ Wh1 + bh1, 0.0)
    neighborhood_tokens = hn @ Wh2 + bh2
    return (node_tokens, edge_tokens, subgraph_tokens, neighborhood_tokens)

if __name__ == "__main__":
    import jax
    _d = setup_inputs()
    print(jax.jit(kernel)(*tuple(_d.values())))

</pallas_src>

<mosaic_0001>
#map = affine_map<(d0, d1) -> (0, 0)>
#map1 = affine_map<(d0, d1) -> (0)>
module attributes {stable_mosaic.version = 14 : i64} {
  func.func @_sc_adj_body(%arg0: i32, %arg1: i32, %arg2: memref<256x128xi32, #tpu.memory_space<hbm>>, %arg3: memref<4194304xi32, #tpu.memory_space<hbm>>, %arg4: memref<256x128xi32, #tpu.memory_space<vmem>>, %arg5: memref<65536xi32, #tpu.memory_space<vmem>>) attributes {dimension_semantics = [#tpu.dimension_semantics<core_parallel>, #tpu.dimension_semantics<subcore_parallel>], iteration_bounds = array<i64: 2, 16>, scalar_prefetch = 0 : i64, scratch_operands = 2 : i64, tpu.core_type = #tpu.core_type<sc_vector_subcore>, window_params = [{transform_indices = #map}, {transform_indices = #map1}]} {
    %mul3A = arith.constant 2 : i32
    %mul3A_0 = arith.muli %arg1, %mul3A : i32
    %add3A = arith.addi %mul3A_0, %arg0 : i32
    "tpu.region"() ({
      %run_scoped3A = tpu.sem_alloc : memref<!tpu.dma_semaphore, #tpu.memory_space<semaphore_mem>>
      tpu.enqueue_dma source(%arg2 : memref<256x128xi32, #tpu.memory_space<hbm>>) target(%arg4 : memref<256x128xi32, #tpu.memory_space<vmem>>) target_semaphore(%run_scoped3A : memref<!tpu.dma_semaphore, #tpu.memory_space<semaphore_mem>>)
      tpu.wait_dma2 semaphore(%run_scoped3A : memref<!tpu.dma_semaphore, #tpu.memory_space<semaphore_mem>>) src(%arg2 : memref<256x128xi32, #tpu.memory_space<hbm>>) dst(%arg4 : memref<256x128xi32, #tpu.memory_space<vmem>>)
      tpu.yield
    }) : () -> ()
    %mul3A_1 = arith.constant 2 : i32
    %mul3A_2 = arith.muli %add3A, %mul3A_1 : i32
    %add3A_3 = arith.constant 0 : i32
    %add3A_4 = arith.addi %mul3A_2, %add3A_3 : i32
    %mul3A_5 = arith.constant 32 : i32
    %mul3A_6 = arith.muli %add3A_4, %mul3A_5 : i32
    %mul3A_7 = arith.constant 2048 : i32
    %mul3A_8 = arith.muli %mul3A_6, %mul3A_7 : i32
    %scan3A = arith.constant 0 : i32
    %scan3A_9 = arith.constant 0 : i32
    %scan3A_10 = arith.constant 512 : i32
    %scan3A_11 = arith.addi %scan3A_9, %scan3A_10 : i32
    %scan3A_12 = arith.constant 1 : i32
    %scan3A_13 = scf.for %scan3A_44 = %scan3A_9 to %scan3A_11 step %scan3A_12 iter_args(%scan3A_45 = %scan3A) -> (i32)  : i32 {
      %broadcast_in_dim3A = arith.constant 0 : i32
      %broadcast_in_dim3A_46 = vector.broadcast %broadcast_in_dim3A : i32 to vector<16xi32>
      %mul3A_47 = arith.constant 128 : i32
      %mul3A_48 = arith.muli %scan3A_44, %mul3A_47 : i32
      %add3A_49 = arith.constant 0 : i32
      %add3A_50 = arith.addi %mul3A_48, %add3A_49 : i32
      %swap3A = arith.index_cast %add3A_50 : i32 to index
      %swap3A_51 = tpu.vector_load %arg5[%swap3A] {strides = array<i32>} : memref<65536xi32, #tpu.memory_space<vmem>>, vector<16xi32>,
      tpu.vector_store %arg5[%swap3A], %broadcast_in_dim3A_46 {strides = array<i32>} : memref<65536xi32, #tpu.memory_space<vmem>>, vector<16xi32>,
      %broadcast_in_dim3A_52 = arith.constant 0 : i32
      %broadcast_in_dim3A_53 = vector.broadcast %broadcast_in_dim3A_52 : i32 to vector<16xi32>
      %mul3A_54 = arith.constant 128 : i32
      %mul3A_55 = arith.muli %scan3A_44, %mul3A_54 : i32
      %add3A_56 = arith.constant 16 : i32
      %add3A_57 = arith.addi %mul3A_55, %add3A_56 : i32
      %swap3A_58 = arith.index_cast %add3A_57 : i32 to index
      %swap3A_59 = tpu.vector_load %arg5[%swap3A_58] {strides = array<i32>} : memref<65536xi32, #tpu.memory_space<vmem>>, vector<16xi32>,
      tpu.vector_store %arg5[%swap3A_58], %broadcast_in_dim3A_53 {strides = array<i32>} : memref<65536xi32, #tpu.memory_space<vmem>>, vector<16xi32>,
      %broadcast_in_dim3A_60 = arith.constant 0 : i32
      %broadcast_in_dim3A_61 = vector.broadcast %broadcast_in_dim3A_60 : i32 to vector<16xi32>
      %mul3A_62 = arith.constant 128 : i32
      %mul3A_63 = arith.muli %scan3A_44, %mul3A_62 : i32
      %add3A_64 = arith.constant 32 : i32
      %add3A_65 = arith.addi %mul3A_63, %add3A_64 : i32
      %swap3A_66 = arith.index_cast %add3A_65 : i32 to index
      %swap3A_67 = tpu.vector_load %arg5[%swap3A_66] {strides = array<i32>} : memref<65536xi32, #tpu.memory_space<vmem>>, vector<16xi32>,
      tpu.vector_store %arg5[%swap3A_66], %broadcast_in_dim3A_61 {strides = array<i32>} : memref<65536xi32, #tpu.memory_space<vmem>>, vector<16xi32>,
      %broadcast_in_dim3A_68 = arith.constant 0 : i32
      %broadcast_in_dim3A_69 = vector.broadcast %broadcast_in_dim3A_68 : i32 to vector<16xi32>
      %mul3A_70 = arith.constant 128 : i32
      %mul3A_71 = arith.muli %scan3A_44, %mul3A_70 : i32
      %add3A_72 = arith.constant 48 : i32
      %add3A_73 = arith.addi %mul3A_71, %add3A_72 : i32
      %swap3A_74 = arith.index_cast %add3A_73 : i32 to index
      %swap3A_75 = tpu.vector_load %arg5[%swap3A_74] {strides = array<i32>} : memref<65536xi32, #tpu.memory_space<vmem>>, vector<16xi32>,
      tpu.vector_store %arg5[%swap3A_74], %broadcast_in_dim3A_69 {strides = array<i32>} : memref<65536xi32, #tpu.memory_space<vmem>>, vector<16xi32>,
      %broadcast_in_dim3A_76 = arith.constant 0 : i32
      %broadcast_in_dim3A_77 = vector.broadcast %broadcast_in_dim3A_76 : i32 to vector<16xi32>
      %mul3A_78 = arith.constant 128 : i32
      %mul3A_79 = arith.muli %scan3A_44, %mul3A_78 : i32
      %add3A_80 = arith.constant 64 : i32
      %add3A_81 = arith.addi %mul3A_79, %add3A_80 : i32
      %swap3A_82 = arith.index_cast %add3A_81 : i32 to index
      %swap3A_83 = tpu.vector_load %arg5[%swap3A_82] {strides = array<i32>} : memref<65536xi32, #tpu.memory_space<vmem>>, vector<16xi32>,
      tpu.vector_store %arg5[%swap3A_82], %broadcast_in_dim3A_77 {strides = array<i32>} : memref<65536xi32, #tpu.memory_space<vmem>>, vector<16xi32>,
      %broadcast_in_dim3A_84 = arith.constant 0 : i32
      %broadcast_in_dim3A_85 = vector.broadcast %broadcast_in_dim3A_84 : i32 to vector<16xi32>
      %mul3A_86 = arith.constant 128 : i32
      %mul3A_87 = arith.muli %scan3A_44, %mul3A_86 : i32
      %add3A_88 = arith.constant 80 : i32
      %add3A_89 = arith.addi %mul3A_87, %add3A_88 : i32
      %swap3A_90 = arith.index_cast %add3A_89 : i32 to index
      %swap3A_91 = tpu.vector_load %arg5[%swap3A_90] {strides = array<i32>} : memref<65536xi32, #tpu.memory_space<vmem>>, vector<16xi32>,
      tpu.vector_store %arg5[%swap3A_90], %broadcast_in_dim3A_85 {strides = array<i32>} : memref<65536xi32, #tpu.memory_space<vmem>>, vector<16xi32>,
      %broadcast_in_dim3A_92 = arith.constant 0 : i32
      %broadcast_in_dim3A_93 = vector.broadcast %broadcast_in_dim3A_92 : i32 to vector<16xi32>
      %mul3A_94 = arith.constant 128 : i32
      %mul3A_95 = arith.muli %scan3A_44, %mul3A_94 : i32
      %add3A_96 = arith.constant 96 : i32
      %add3A_97 = arith.addi %mul3A_95, %add3A_96 : i32
      %swap3A_98 = arith.index_cast %add3A_97 : i32 to index
      %swap3A_99 = tpu.vector_load %arg5[%swap3A_98] {strides = array<i32>} : memref<65536xi32, #tpu.memory_space<vmem>>, vector<16xi32>,
      tpu.vector_store %arg5[%swap3A_98], %broadcast_in_dim3A_93 {strides = array<i32>} : memref<65536xi32, #tpu.memory_space<vmem>>, vector<16xi32>,
      %broadcast_in_dim3A_100 = arith.constant 0 : i32
      %broadcast_in_dim3A_101 = vector.broadcast %broadcast_in_dim3A_100 : i32 to vector<16xi32>
      %mul3A_102 = arith.constant 128 : i32
      %mul3A_103 = arith.muli %scan3A_44, %mul3A_102 : i32
      %add3A_104 = arith.constant 112 : i32
      %add3A_105 = arith.addi %mul3A_103, %add3A_104 : i32
      %swap3A_106 = arith.index_cast %add3A_105 : i32 to index
      %swap3A_107 = tpu.vector_load %arg5[%swap3A_106] {strides = array<i32>} : memref<65536xi32, #tpu.memory_space<vmem>>, vector<16xi32>,
      tpu.vector_store %arg5[%swap3A_106], %broadcast_in_dim3A_101 {strides = array<i32>} : memref<65536xi32, #tpu.memory_space<vmem>>, vector<16xi32>,
      %scan3A_108 = arith.constant 0 : i32
      scf.yield %scan3A_108 : i32
    }
    %scan3A_14 = arith.constant 512 : i32
    %scan3A_15 = arith.constant 0 : i32
    %scan3A_16 = arith.constant 0 : i32
    %scan3A_17 = arith.constant 256 : i32
    %scan3A_18 = arith.addi %scan3A_16, %scan3A_17 : i32
    %scan3A_19 = arith.constant 1 : i32
    %scan3A_20 = scf.for %scan3A_44 = %scan3A_16 to %scan3A_18 step %scan3A_19 iter_args(%scan3A_45 = %scan3A_15) -> (i32)  : i32 {
      %get3A = arith.index_cast %scan3A_44 : i32 to index
      %get3A_46 = arith.constant 0 : index
      %get3A_47 = tpu.vector_load %arg4[%get3A, %get3A_46] {strides = array<i32>} : memref<256x128xi32, #tpu.memory_space<vmem>>, vector<16xi32>,
      %sub3A = vector.broadcast %mul3A_8 : i32 to vector<16xi32>
      %sub3A_48 = arith.subi %get3A_47, %sub3A : vector<16xi32>
      %ge3A = arith.constant 0 : i32
      %ge3A_49 = vector.broadcast %ge3A : i32 to vector<16xi32>
      %ge3A_50 = arith.cmpi sge, %sub3A_48, %ge3A_49 : vector<16xi32>
      %lt3A = arith.constant 65536 : i32
      %lt3A_51 = vector.broadcast %lt3A : i32 to vector<16xi32>
      %lt3A_52 = arith.cmpi slt, %sub3A_48, %lt3A_51 : vector<16xi32>
      %and3A = arith.andi %ge3A_50, %lt3A_52 : vector<16xi1>
      %shift_right_arithmetic3A = arith.constant 31 : i32
      %shift_right_arithmetic3A_53 = vector.broadcast %shift_right_arithmetic3A : i32 to vector<16xi32>
      %shift_right_arithmetic3A_54 = arith.shrsi %sub3A_48, %shift_right_arithmetic3A_53 : vector<16xi32>
      %add3A_55 = arith.constant 1 : i32
      %add3A_56 = vector.broadcast %add3A_55 : i32 to vector<16xi32>
      %add3A_57 = arith.addi %shift_right_arithmetic3A_54, %add3A_56 : vector<16xi32>
      tpu.vector_store_idx %arg5[%sub3A_48], %add3A_57 masked %and3A : memref<65536xi32, #tpu.memory_space<vmem>>[vector<16xi32>], vector<16xi32>, vector<16xi1>
      %get3A_58 = arith.index_cast %scan3A_44 : i32 to index
      %get3A_59 = arith.constant 16 : index
      %get3A_60 = tpu.vector_load %arg4[%get3A_58, %get3A_59] {strides = array<i32>} : memref<256x128xi32, #tpu.memory_space<vmem>>, vector<16xi32>,
      %sub3A_61 = vector.broadcast %mul3A_8 : i32 to vector<16xi32>
      %sub3A_62 = arith.subi %get3A_60, %sub3A_61 : vector<16xi32>
      %ge3A_63 = arith.constant 0 : i32
      %ge3A_64 = vector.broadcast %ge3A_63 : i32 to vector<16xi32>
      %ge3A_65 = arith.cmpi sge, %sub3A_62, %ge3A_64 : vector<16xi32>
      %lt3A_66 = arith.constant 65536 : i32
      %lt3A_67 = vector.broadcast %lt3A_66 : i32 to vector<16xi32>
      %lt3A_68 = arith.cmpi slt, %sub3A_62, %lt3A_67 : vector<16xi32>
      %and3A_69 = arith.andi %ge3A_65, %lt3A_68 : vector<16xi1>
      %shift_right_arithmetic3A_70 = arith.constant 31 : i32
      %shift_right_arithmetic3A_71 = vector.broadcast %shift_right_arithmetic3A_70 : i32 to vector<16xi32>
      %shift_right_arithmetic3A_72 = arith.shrsi %sub3A_62, %shift_right_arithmetic3A_71 : vector<16xi32>
      %add3A_73 = arith.constant 1 : i32
      %add3A_74 = vector.broadcast %add3A_73 : i32 to vector<16xi32>
      %add3A_75 = arith.addi %shift_right_arithmetic3A_72, %add3A_74 : vector<16xi32>
      tpu.vector_store_idx %arg5[%sub3A_62], %add3A_75 masked %and3A_69 : memref<65536xi32, #tpu.memory_space<vmem>>[vector<16xi32>], vector<16xi32>, vector<16xi1>
      %get3A_76 = arith.index_cast %scan3A_44 : i32 to index
      %get3A_77 = arith.constant 32 : index
      %get3A_78 = tpu.vector_load %arg4[%get3A_76, %get3A_77] {strides = array<i32>} : memref<256x128xi32, #tpu.memory_space<vmem>>, vector<16xi32>,
      %sub3A_79 = vector.broadcast %mul3A_8 : i32 to vector<16xi32>
      %sub3A_80 = arith.subi %get3A_78, %sub3A_79 : vector<16xi32>
      %ge3A_81 = arith.constant 0 : i32
      %ge3A_82 = vector.broadcast %ge3A_81 : i32 to vector<16xi32>
      %ge3A_83 = arith.cmpi sge, %sub3A_80, %ge3A_82 : vector<16xi32>
      %lt3A_84 = arith.constant 65536 : i32
      %lt3A_85 = vector.broadcast %lt3A_84 : i32 to vector<16xi32>
      %lt3A_86 = arith.cmpi slt, %sub3A_80, %lt3A_85 : vector<16xi32>
      %and3A_87 = arith.andi %ge3A_83, %lt3A_86 : vector<16xi1>
      %shift_right_arithmetic3A_88 = arith.constant 31 : i32
      %shift_right_arithmetic3A_89 = vector.broadcast %shift_right_arithmetic3A_88 : i32 to vector<16xi32>
      %shift_right_arithmetic3A_90 = arith.shrsi %sub3A_80, %shift_right_arithmetic3A_89 : vector<16xi32>
      %add3A_91 = arith.constant 1 : i32
      %add3A_92 = vector.broadcast %add3A_91 : i32 to vector<16xi32>
      %add3A_93 = arith.addi %shift_right_arithmetic3A_90, %add3A_92 : vector<16xi32>
      tpu.vector_store_idx %arg5[%sub3A_80], %add3A_93 masked %and3A_87 : memref<65536xi32, #tpu.memory_space<vmem>>[vector<16xi32>], vector<16xi32>, vector<16xi1>
      %get3A_94 = arith.index_cast %scan3A_44 : i32 to index
      %get3A_95 = arith.constant 48 : index
      %get3A_96 = tpu.vector_load %arg4[%get3A_94, %get3A_95] {strides = array<i32>} : memref<256x128xi32, #tpu.memory_space<vmem>>, vector<16xi32>,
      %sub3A_97 = vector.broadcast %mul3A_8 : i32 to vector<16xi32>
      %sub3A_98 = arith.subi %get3A_96, %sub3A_97 : vector<16xi32>
      %ge3A_99 = arith.constant 0 : i32
      %ge3A_100 = vector.broadcast %ge3A_99 : i32 to vector<16xi32>
      %ge3A_101 = arith.cmpi sge, %sub3A_98, %ge3A_100 : vector<16xi32>
      %lt3A_102 = arith.constant 65536 : i32
      %lt3A_103 = vector.broadcast %lt3A_102 : i32 to vector<16xi32>
      %lt3A_104 = arith.cmpi slt, %sub3A_98, %lt3A_103 : vector<16xi32>
      %and3A_105 = arith.andi %ge3A_101, %lt3A_104 : vector<16xi1>
      %shift_right_arithmetic3A_106 = arith.constant 31 : i32
      %shift_right_arithmetic3A_107 = vector.broadcast %shift_right_arithmetic3A_106 : i32 to vector<16xi32>
      %shift_right_arithmetic3A_108 = arith.shrsi %sub3A_98, %shift_right_arithmetic3A_107 : vector<16xi32>
      %add3A_109 = arith.constant 1 : i32
      %add3A_110 = vector.broadcast %add3A_109 : i32 to vector<16xi32>
      %add3A_111 = arith.addi %shift_right_arithmetic3A_108, %add3A_110 : vector<16xi32>
      tpu.vector_store_idx %arg5[%sub3A_98], %add3A_111 masked %and3A_105 : memref<65536xi32, #tpu.memory_space<vmem>>[vector<16xi32>], vector<16xi32>, vector<16xi1>
      %get3A_112 = arith.index_cast %scan3A_44 : i32 to index
      %get3A_113 = arith.constant 64 : index
      %get3A_114 = tpu.vector_load %arg4[%get3A_112, %get3A_113] {strides = array<i32>} : memref<256x128xi32, #tpu.memory_space<vmem>>, vector<16xi32>,
      %sub3A_115 = vector.broadcast %mul3A_8 : i32 to vector<16xi32>
      %sub3A_116 = arith.subi %get3A_114, %sub3A_115 : vector<16xi32>
      %ge3A_117 = arith.constant 0 : i32
      %ge3A_118 = vector.broadcast %ge3A_117 : i32 to vector<16xi32>
      %ge3A_119 = arith.cmpi sge, %sub3A_116, %ge3A_118 : vector<16xi32>
      %lt3A_120 = arith.constant 65536 : i32
      %lt3A_121 = vector.broadcast %lt3A_120 : i32 to vector<16xi32>
      %lt3A_122 = arith.cmpi slt, %sub3A_116, %lt3A_121 : vector<16xi32>
      %and3A_123 = arith.andi %ge3A_119, %lt3A_122 : vector<16xi1>
      %shift_right_arithmetic3A_124 = arith.constant 31 : i32
      %shift_right_arithmetic3A_125 = vector.broadcast %shift_right_arithmetic3A_124 : i32 to vector<16xi32>
      %shift_right_arithmetic3A_126 = arith.shrsi %sub3A_116, %shift_right_arithmetic3A_125 : vector<16xi32>
      %add3A_127 = arith.constant 1 : i32
      %add3A_128 = vector.broadcast %add3A_127 : i32 to vector<16xi32>
      %add3A_129 = arith.addi %shift_right_arithmetic3A_126, %add3A_128 : vector<16xi32>
      tpu.vector_store_idx %arg5[%sub3A_116], %add3A_129 masked %and3A_123 : memref<65536xi32, #tpu.memory_space<vmem>>[vector<16xi32>], vector<16xi32>, vector<16xi1>
      %get3A_130 = arith.index_cast %scan3A_44 : i32 to index
      %get3A_131 = arith.constant 80 : index
      %get3A_132 = tpu.vector_load %arg4[%get3A_130, %get3A_131] {strides = array<i32>} : memref<256x128xi32, #tpu.memory_space<vmem>>, vector<16xi32>,
      %sub3A_133 = vector.broadcast %mul3A_8 : i32 to vector<16xi32>
      %sub3A_134 = arith.subi %get3A_132, %sub3A_133 : vector<16xi32>
      %ge3A_135 = arith.constant 0 : i32
      %ge3A_136 = vector.broadcast %ge3A_135 : i32 to vector<16xi32>
      %ge3A_137 = arith.cmpi sge, %sub3A_134, %ge3A_136 : vector<16xi32>
      %lt3A_138 = arith.constant 65536 : i32
      %lt3A_139 = vector.broadcast %lt3A_138 : i32 to vector<16xi32>
      %lt3A_140 = arith.cmpi slt, %sub3A_134, %lt3A_139 : vector<16xi32>
      %and3A_141 = arith.andi %ge3A_137, %lt3A_140 : vector<16xi1>
      %shift_right_arithmetic3A_142 = arith.constant 31 : i32
      %shift_right_arithmetic3A_143 = vector.broadcast %shift_right_arithmetic3A_142 : i32 to vector<16xi32>
      %shift_right_arithmetic3A_144 = arith.shrsi %sub3A_134, %shift_right_arithmetic3A_143 : vector<16xi32>
      %add3A_145 = arith.constant 1 : i32
      %add3A_146 = vector.broadcast %add3A_145 : i32 to vector<16xi32>
      %add3A_147 = arith.addi %shift_right_arithmetic3A_144, %add3A_146 : vector<16xi32>
      tpu.vector_store_idx %arg5[%sub3A_134], %add3A_147 masked %and3A_141 : memref<65536xi32, #tpu.memory_space<vmem>>[vector<16xi32>], vector<16xi32>, vector<16xi1>
      %get3A_148 = arith.index_cast %scan3A_44 : i32 to index
      %get3A_149 = arith.constant 96 : index
      %get3A_150 = tpu.vector_load %arg4[%get3A_148, %get3A_149] {strides = array<i32>} : memref<256x128xi32, #tpu.memory_space<vmem>>, vector<16xi32>,
      %sub3A_151 = vector.broadcast %mul3A_8 : i32 to vector<16xi32>
      %sub3A_152 = arith.subi %get3A_150, %sub3A_151 : vector<16xi32>
      %ge3A_153 = arith.constant 0 : i32
      %ge3A_154 = vector.broadcast %ge3A_153 : i32 to vector<16xi32>
      %ge3A_155 = arith.cmpi sge, %sub3A_152, %ge3A_154 : vector<16xi32>
      %lt3A_156 = arith.constant 65536 : i32
      %lt3A_157 = vector.broadcast %lt3A_156 : i32 to vector<16xi32>
      %lt3A_158 = arith.cmpi slt, %sub3A_152, %lt3A_157 : vector<16xi32>
      %and3A_159 = arith.andi %ge3A_155, %lt3A_158 : vector<16xi1>
      %shift_right_arithmetic3A_160 = arith.constant 31 : i32
      %shift_right_arithmetic3A_161 = vector.broadcast %shift_right_arithmetic3A_160 : i32 to vector<16xi32>
      %shift_right_arithmetic3A_162 = arith.shrsi %sub3A_152, %shift_right_arithmetic3A_161 : vector<16xi32>
      %add3A_163 = arith.constant 1 : i32
      %add3A_164 = vector.broadcast %add3A_163 : i32 to vector<16xi32>
      %add3A_165 = arith.addi %shift_right_arithmetic3A_162, %add3A_164 : vector<16xi32>
      tpu.vector_store_idx %arg5[%sub3A_152], %add3A_165 masked %and3A_159 : memref<65536xi32, #tpu.memory_space<vmem>>[vector<16xi32>], vector<16xi32>, vector<16xi1>
      %get3A_166 = arith.index_cast %scan3A_44 : i32 to index
      %get3A_167 = arith.constant 112 : index
      %get3A_168 = tpu.vector_load %arg4[%get3A_166, %get3A_167] {strides = array<i32>} : memref<256x128xi32, #tpu.memory_space<vmem>>, vector<16xi32>,
      %sub3A_169 = vector.broadcast %mul3A_8 : i32 to vector<16xi32>
      %sub3A_170 = arith.subi %get3A_168, %sub3A_169 : vector<16xi32>
      %ge3A_171 = arith.constant 0 : i32
      %ge3A_172 = vector.broadcast %ge3A_171 : i32 to vector<16xi32>
      %ge3A_173 = arith.cmpi sge, %sub3A_170, %ge3A_172 : vector<16xi32>
      %lt3A_174 = arith.constant 65536 : i32
      %lt3A_175 = vector.broadcast %lt3A_174 : i32 to vector<16xi32>
      %lt3A_176 = arith.cmpi slt, %sub3A_170, %lt3A_175 : vector<16xi32>
      %and3A_177 = arith.andi %ge3A_173, %lt3A_176 : vector<16xi1>
      %shift_right_arithmetic3A_178 = arith.constant 31 : i32
      %shift_right_arithmetic3A_179 = vector.broadcast %shift_right_arithmetic3A_178 : i32 to vector<16xi32>
      %shift_right_arithmetic3A_180 = arith.shrsi %sub3A_170, %shift_right_arithmetic3A_179 : vector<16xi32>
      %add3A_181 = arith.constant 1 : i32
      %add3A_182 = vector.broadcast %add3A_181 : i32 to vector<16xi32>
      %add3A_183 = arith.addi %shift_right_arithmetic3A_180, %add3A_182 : vector<16xi32>
      tpu.vector_store_idx %arg5[%sub3A_170], %add3A_183 masked %and3A_177 : memref<65536xi32, #tpu.memory_space<vmem>>[vector<16xi32>], vector<16xi32>, vector<16xi1>
      %scan3A_184 = arith.constant 0 : i32
      scf.yield %scan3A_184 : i32
    }
    %scan3A_21 = arith.constant 256 : i32
    "tpu.region"() ({
      %run_scoped3A = tpu.sem_alloc : memref<!tpu.dma_semaphore, #tpu.memory_space<semaphore_mem>>
      %dma_start3A = tpu.memref_slice %arg3[%mul3A_8] : memref<4194304xi32, #tpu.memory_space<hbm>> -> memref<65536xi32, #tpu.memory_space<hbm>>
      %dma_start3A_44 = tpu.memref_slice %arg3[%mul3A_8] : memref<4194304xi32, #tpu.memory_space<hbm>> -> memref<65536xi32, #tpu.memory_space<hbm>>
      tpu.enqueue_dma source(%arg5 : memref<65536xi32, #tpu.memory_space<vmem>>) target(%dma_start3A_44 : memref<65536xi32, #tpu.memory_space<hbm>>) target_semaphore(%run_scoped3A : memref<!tpu.dma_semaphore, #tpu.memory_space<semaphore_mem>>)
      %dma_wait3A = tpu.memref_slice %arg3[%mul3A_8] : memref<4194304xi32, #tpu.memory_space<hbm>> -> memref<65536xi32, #tpu.memory_space<hbm>>
      %dma_wait3A_45 = tpu.memref_slice %arg3[%mul3A_8] : memref<4194304xi32, #tpu.memory_space<hbm>> -> memref<65536xi32, #tpu.memory_space<hbm>>
      tpu.wait_dma2 semaphore(%run_scoped3A : memref<!tpu.dma_semaphore, #tpu.memory_space<semaphore_mem>>) src(%arg5 : memref<65536xi32, #tpu.memory_space<vmem>>) dst(%dma_wait3A_45 : memref<65536xi32, #tpu.memory_space<hbm>>)
      tpu.yield
    }) : () -> ()
    %mul3A_22 = arith.constant 2 : i32
    %mul3A_23 = arith.muli %add3A, %mul3A_22 : i32
    %add3A_24 = arith.constant 1 : i32
    %add3A_25 = arith.addi %mul3A_23, %add3A_24 : i32
    %mul3A_26 = arith.constant 32 : i32
    %mul3A_27 = arith.muli %add3A_25, %mul3A_26 : i32
    %mul3A_28 = arith.constant 2048 : i32
    %mul3A_29 = arith.muli %mul3A_27, %mul3A_28 : i32
    %scan3A_30 = arith.constant 0 : i32
    %scan3A_31 = arith.constant 0 : i32
    %scan3A_32 = arith.constant 512 : i32
    %scan3A_33 = arith.addi %scan3A_31, %scan3A_32 : i32
    %scan3A_34 = arith.constant 1 : i32
    %scan3A_35 = scf.for %scan3A_44 = %scan3A_31 to %scan3A_33 step %scan3A_34 iter_args(%scan3A_45 = %scan3A_30) -> (i32)  : i32 {
      %broadcast_in_dim3A = arith.constant 0 : i32
      %broadcast_in_dim3A_46 = vector.broadcast %broadcast_in_dim3A : i32 to vector<16xi32>
      %mul3A_47 = arith.constant 128 : i32
      %mul3A_48 = arith.muli %scan3A_44, %mul3A_47 : i32
      %add3A_49 = arith.constant 0 : i32
      %add3A_50 = arith.addi %mul3A_48, %add3A_49 : i32
      %swap3A = arith.index_cast %add3A_50 : i32 to index
      %swap3A_51 = tpu.vector_load %arg5[%swap3A] {strides = array<i32>} : memref<65536xi32, #tpu.memory_space<vmem>>, vector<16xi32>,
      tpu.vector_store %arg5[%swap3A], %broadcast_in_dim3A_46 {strides = array<i32>} : memref<65536xi32, #tpu.memory_space<vmem>>, vector<16xi32>,
      %broadcast_in_dim3A_52 = arith.constant 0 : i32
      %broadcast_in_dim3A_53 = vector.broadcast %broadcast_in_dim3A_52 : i32 to vector<16xi32>
      %mul3A_54 = arith.constant 128 : i32
      %mul3A_55 = arith.muli %scan3A_44, %mul3A_54 : i32
      %add3A_56 = arith.constant 16 : i32
      %add3A_57 = arith.addi %mul3A_55, %add3A_56 : i32
      %swap3A_58 = arith.index_cast %add3A_57 : i32 to index
      %swap3A_59 = tpu.vector_load %arg5[%swap3A_58] {strides = array<i32>} : memref<65536xi32, #tpu.memory_space<vmem>>, vector<16xi32>,
      tpu.vector_store %arg5[%swap3A_58], %broadcast_in_dim3A_53 {strides = array<i32>} : memref<65536xi32, #tpu.memory_space<vmem>>, vector<16xi32>,
      %broadcast_in_dim3A_60 = arith.constant 0 : i32
      %broadcast_in_dim3A_61 = vector.broadcast %broadcast_in_dim3A_60 : i32 to vector<16xi32>
      %mul3A_62 = arith.constant 128 : i32
      %mul3A_63 = arith.muli %scan3A_44, %mul3A_62 : i32
      %add3A_64 = arith.constant 32 : i32
      %add3A_65 = arith.addi %mul3A_63, %add3A_64 : i32
      %swap3A_66 = arith.index_cast %add3A_65 : i32 to index
      %swap3A_67 = tpu.vector_load %arg5[%swap3A_66] {strides = array<i32>} : memref<65536xi32, #tpu.memory_space<vmem>>, vector<16xi32>,
      tpu.vector_store %arg5[%swap3A_66], %broadcast_in_dim3A_61 {strides = array<i32>} : memref<65536xi32, #tpu.memory_space<vmem>>, vector<16xi32>,
      %broadcast_in_dim3A_68 = arith.constant 0 : i32
      %broadcast_in_dim3A_69 = vector.broadcast %broadcast_in_dim3A_68 : i32 to vector<16xi32>
      %mul3A_70 = arith.constant 128 : i32
      %mul3A_71 = arith.muli %scan3A_44, %mul3A_70 : i32
      %add3A_72 = arith.constant 48 : i32
      %add3A_73 = arith.addi %mul3A_71, %add3A_72 : i32
      %swap3A_74 = arith.index_cast %add3A_73 : i32 to index
      %swap3A_75 = tpu.vector_load %arg5[%swap3A_74] {strides = array<i32>} : memref<65536xi32, #tpu.memory_space<vmem>>, vector<16xi32>,
      tpu.vector_store %arg5[%swap3A_74], %broadcast_in_dim3A_69 {strides = array<i32>} : memref<65536xi32, #tpu.memory_space<vmem>>, vector<16xi32>,
      %broadcast_in_dim3A_76 = arith.constant 0 : i32
      %broadcast_in_dim3A_77 = vector.broadcast %broadcast_in_dim3A_76 : i32 to vector<16xi32>
      %mul3A_78 = arith.constant 128 : i32
      %mul3A_79 = arith.muli %scan3A_44, %mul3A_78 : i32
      %add3A_80 = arith.constant 64 : i32
      %add3A_81 = arith.addi %mul3A_79, %add3A_80 : i32
      %swap3A_82 = arith.index_cast %add3A_81 : i32 to index
      %swap3A_83 = tpu.vector_load %arg5[%swap3A_82] {strides = array<i32>} : memref<65536xi32, #tpu.memory_space<vmem>>, vector<16xi32>,
      tpu.vector_store %arg5[%swap3A_82], %broadcast_in_dim3A_77 {strides = array<i32>} : memref<65536xi32, #tpu.memory_space<vmem>>, vector<16xi32>,
      %broadcast_in_dim3A_84 = arith.constant 0 : i32
      %broadcast_in_dim3A_85 = vector.broadcast %broadcast_in_dim3A_84 : i32 to vector<16xi32>
      %mul3A_86 = arith.constant 128 : i32
      %mul3A_87 = arith.muli %scan3A_44, %mul3A_86 : i32
      %add3A_88 = arith.constant 80 : i32
      %add3A_89 = arith.addi %mul3A_87, %add3A_88 : i32
      %swap3A_90 = arith.index_cast %add3A_89 : i32 to index
      %swap3A_91 = tpu.vector_load %arg5[%swap3A_90] {strides = array<i32>} : memref<65536xi32, #tpu.memory_space<vmem>>, vector<16xi32>,
      tpu.vector_store %arg5[%swap3A_90], %broadcast_in_dim3A_85 {strides = array<i32>} : memref<65536xi32, #tpu.memory_space<vmem>>, vector<16xi32>,
      %broadcast_in_dim3A_92 = arith.constant 0 : i32
      %broadcast_in_dim3A_93 = vector.broadcast %broadcast_in_dim3A_92 : i32 to vector<16xi32>
      %mul3A_94 = arith.constant 128 : i32
      %mul3A_95 = arith.muli %scan3A_44, %mul3A_94 : i32
      %add3A_96 = arith.constant 96 : i32
      %add3A_97 = arith.addi %mul3A_95, %add3A_96 : i32
      %swap3A_98 = arith.index_cast %add3A_97 : i32 to index
      %swap3A_99 = tpu.vector_load %arg5[%swap3A_98] {strides = array<i32>} : memref<65536xi32, #tpu.memory_space<vmem>>, vector<16xi32>,
      tpu.vector_store %arg5[%swap3A_98], %broadcast_in_dim3A_93 {strides = array<i32>} : memref<65536xi32, #tpu.memory_space<vmem>>, vector<16xi32>,
      %broadcast_in_dim3A_100 = arith.constant 0 : i32
      %broadcast_in_dim3A_101 = vector.broadcast %broadcast_in_dim3A_100 : i32 to vector<16xi32>
      %mul3A_102 = arith.constant 128 : i32
      %mul3A_103 = arith.muli %scan3A_44, %mul3A_102 : i32
      %add3A_104 = arith.constant 112 : i32
      %add3A_105 = arith.addi %mul3A_103, %add3A_104 : i32
      %swap3A_106 = arith.index_cast %add3A_105 : i32 to index
      %swap3A_107 = tpu.vector_load %arg5[%swap3A_106] {strides = array<i32>} : memref<65536xi32, #tpu.memory_space<vmem>>, vector<16xi32>,
      tpu.vector_store %arg5[%swap3A_106], %broadcast_in_dim3A_101 {strides = array<i32>} : memref<65536xi32, #tpu.memory_space<vmem>>, vector<16xi32>,
      %scan3A_108 = arith.constant 0 : i32
      scf.yield %scan3A_108 : i32
    }
    %scan3A_36 = arith.constant 512 : i32
    %scan3A_37 = arith.constant 0 : i32
    %scan3A_38 = arith.constant 0 : i32
    %scan3A_39 = arith.constant 256 : i32
    %scan3A_40 = arith.addi %scan3A_38, %scan3A_39 : i32
    %scan3A_41 = arith.constant 1 : i32
    %scan3A_42 = scf.for %scan3A_44 = %scan3A_38 to %scan3A_40 step %scan3A_41 iter_args(%scan3A_45 = %scan3A_37) -> (i32)  : i32 {
      %get3A = arith.index_cast %scan3A_44 : i32 to index
      %get3A_46 = arith.constant 0 : index
      %get3A_47 = tpu.vector_load %arg4[%get3A, %get3A_46] {strides = array<i32>} : memref<256x128xi32, #tpu.memory_space<vmem>>, vector<16xi32>,
      %sub3A = vector.broadcast %mul3A_29 : i32 to vector<16xi32>
      %sub3A_48 = arith.subi %get3A_47, %sub3A : vector<16xi32>
      %ge3A = arith.constant 0 : i32
      %ge3A_49 = vector.broadcast %ge3A : i32 to vector<16xi32>
      %ge3A_50 = arith.cmpi sge, %sub3A_48, %ge3A_49 : vector<16xi32>
      %lt3A = arith.constant 65536 : i32
      %lt3A_51 = vector.broadcast %lt3A : i32 to vector<16xi32>
      %lt3A_52 = arith.cmpi slt, %sub3A_48, %lt3A_51 : vector<16xi32>
      %and3A = arith.andi %ge3A_50, %lt3A_52 : vector<16xi1>
      %shift_right_arithmetic3A = arith.constant 31 : i32
      %shift_right_arithmetic3A_53 = vector.broadcast %shift_right_arithmetic3A : i32 to vector<16xi32>
      %shift_right_arithmetic3A_54 = arith.shrsi %sub3A_48, %shift_right_arithmetic3A_53 : vector<16xi32>
      %add3A_55 = arith.constant 1 : i32
      %add3A_56 = vector.broadcast %add3A_55 : i32 to vector<16xi32>
      %add3A_57 = arith.addi %shift_right_arithmetic3A_54, %add3A_56 : vector<16xi32>
      tpu.vector_store_idx %arg5[%sub3A_48], %add3A_57 masked %and3A : memref<65536xi32, #tpu.memory_space<vmem>>[vector<16xi32>], vector<16xi32>, vector<16xi1>
      %get3A_58 = arith.index_cast %scan3A_44 : i32 to index
      %get3A_59 = arith.constant 16 : index
      %get3A_60 = tpu.vector_load %arg4[%get3A_58, %get3A_59] {strides = array<i32>} : memref<256x128xi32, #tpu.memory_space<vmem>>, vector<16xi32>,
      %sub3A_61 = vector.broadcast %mul3A_29 : i32 to vector<16xi32>
      %sub3A_62 = arith.subi %get3A_60, %sub3A_61 : vector<16xi32>
      %ge3A_63 = arith.constant 0 : i32
      %ge3A_64 = vector.broadcast %ge3A_63 : i32 to vector<16xi32>
      %ge3A_65 = arith.cmpi sge, %sub3A_62, %ge3A_64 : vector<16xi32>
      %lt3A_66 = arith.constant 65536 : i32
      %lt3A_67 = vector.broadcast %lt3A_66 : i32 to vector<16xi32>
      %lt3A_68 = arith.cmpi slt, %sub3A_62, %lt3A_67 : vector<16xi32>
      %and3A_69 = arith.andi %ge3A_65, %lt3A_68 : vector<16xi1>
      %shift_right_arithmetic3A_70 = arith.constant 31 : i32
      %shift_right_arithmetic3A_71 = vector.broadcast %shift_right_arithmetic3A_70 : i32 to vector<16xi32>
      %shift_right_arithmetic3A_72 = arith.shrsi %sub3A_62, %shift_right_arithmetic3A_71 : vector<16xi32>
      %add3A_73 = arith.constant 1 : i32
      %add3A_74 = vector.broadcast %add3A_73 : i32 to vector<16xi32>
      %add3A_75 = arith.addi %shift_right_arithmetic3A_72, %add3A_74 : vector<16xi32>
      tpu.vector_store_idx %arg5[%sub3A_62], %add3A_75 masked %and3A_69 : memref<65536xi32, #tpu.memory_space<vmem>>[vector<16xi32>], vector<16xi32>, vector<16xi1>
      %get3A_76 = arith.index_cast %scan3A_44 : i32 to index
      %get3A_77 = arith.constant 32 : index
      %get3A_78 = tpu.vector_load %arg4[%get3A_76, %get3A_77] {strides = array<i32>} : memref<256x128xi32, #tpu.memory_space<vmem>>, vector<16xi32>,
      %sub3A_79 = vector.broadcast %mul3A_29 : i32 to vector<16xi32>
      %sub3A_80 = arith.subi %get3A_78, %sub3A_79 : vector<16xi32>
      %ge3A_81 = arith.constant 0 : i32
      %ge3A_82 = vector.broadcast %ge3A_81 : i32 to vector<16xi32>
      %ge3A_83 = arith.cmpi sge, %sub3A_80, %ge3A_82 : vector<16xi32>
      %lt3A_84 = arith.constant 65536 : i32
      %lt3A_85 = vector.broadcast %lt3A_84 : i32 to vector<16xi32>
      %lt3A_86 = arith.cmpi slt, %sub3A_80, %lt3A_85 : vector<16xi32>
      %and3A_87 = arith.andi %ge3A_83, %lt3A_86 : vector<16xi1>
      %shift_right_arithmetic3A_88 = arith.constant 31 : i32
      %shift_right_arithmetic3A_89 = vector.broadcast %shift_right_arithmetic3A_88 : i32 to vector<16xi32>
      %shift_right_arithmetic3A_90 = arith.shrsi %sub3A_80, %shift_right_arithmetic3A_89 : vector<16xi32>
      %add3A_91 = arith.constant 1 : i32
      %add3A_92 = vector.broadcast %add3A_91 : i32 to vector<16xi32>
      %add3A_93 = arith.addi %shift_right_arithmetic3A_90, %add3A_92 : vector<16xi32>
      tpu.vector_store_idx %arg5[%sub3A_80], %add3A_93 masked %and3A_87 : memref<65536xi32, #tpu.memory_space<vmem>>[vector<16xi32>], vector<16xi32>, vector<16xi1>
      %get3A_94 = arith.index_cast %scan3A_44 : i32 to index
      %get3A_95 = arith.constant 48 : index
      %get3A_96 = tpu.vector_load %arg4[%get3A_94, %get3A_95] {strides = array<i32>} : memref<256x128xi32, #tpu.memory_space<vmem>>, vector<16xi32>,
      %sub3A_97 = vector.broadcast %mul3A_29 : i32 to vector<16xi32>
      %sub3A_98 = arith.subi %get3A_96, %sub3A_97 : vector<16xi32>
      %ge3A_99 = arith.constant 0 : i32
      %ge3A_100 = vector.broadcast %ge3A_99 : i32 to vector<16xi32>
      %ge3A_101 = arith.cmpi sge, %sub3A_98, %ge3A_100 : vector<16xi32>
      %lt3A_102 = arith.constant 65536 : i32
      %lt3A_103 = vector.broadcast %lt3A_102 : i32 to vector<16xi32>
      %lt3A_104 = arith.cmpi slt, %sub3A_98, %lt3A_103 : vector<16xi32>
      %and3A_105 = arith.andi %ge3A_101, %lt3A_104 : vector<16xi1>
      %shift_right_arithmetic3A_106 = arith.constant 31 : i32
      %shift_right_arithmetic3A_107 = vector.broadcast %shift_right_arithmetic3A_106 : i32 to vector<16xi32>
      %shift_right_arithmetic3A_108 = arith.shrsi %sub3A_98, %shift_right_arithmetic3A_107 : vector<16xi32>
      %add3A_109 = arith.constant 1 : i32
      %add3A_110 = vector.broadcast %add3A_109 : i32 to vector<16xi32>
      %add3A_111 = arith.addi %shift_right_arithmetic3A_108, %add3A_110 : vector<16xi32>
      tpu.vector_store_idx %arg5[%sub3A_98], %add3A_111 masked %and3A_105 : memref<65536xi32, #tpu.memory_space<vmem>>[vector<16xi32>], vector<16xi32>, vector<16xi1>
      %get3A_112 = arith.index_cast %scan3A_44 : i32 to index
      %get3A_113 = arith.constant 64 : index
      %get3A_114 = tpu.vector_load %arg4[%get3A_112, %get3A_113] {strides = array<i32>} : memref<256x128xi32, #tpu.memory_space<vmem>>, vector<16xi32>,
      %sub3A_115 = vector.broadcast %mul3A_29 : i32 to vector<16xi32>
      %sub3A_116 = arith.subi %get3A_114, %sub3A_115 : vector<16xi32>
      %ge3A_117 = arith.constant 0 : i32
      %ge3A_118 = vector.broadcast %ge3A_117 : i32 to vector<16xi32>
      %ge3A_119 = arith.cmpi sge, %sub3A_116, %ge3A_118 : vector<16xi32>
      %lt3A_120 = arith.constant 65536 : i32
      %lt3A_121 = vector.broadcast %lt3A_120 : i32 to vector<16xi32>
      %lt3A_122 = arith.cmpi slt, %sub3A_116, %lt3A_121 : vector<16xi32>
      %and3A_123 = arith.andi %ge3A_119, %lt3A_122 : vector<16xi1>
      %shift_right_arithmetic3A_124 = arith.constant 31 : i32
      %shift_right_arithmetic3A_125 = vector.broadcast %shift_right_arithmetic3A_124 : i32 to vector<16xi32>
      %shift_right_arithmetic3A_126 = arith.shrsi %sub3A_116, %shift_right_arithmetic3A_125 : vector<16xi32>
      %add3A_127 = arith.constant 1 : i32
      %add3A_128 = vector.broadcast %add3A_127 : i32 to vector<16xi32>
      %add3A_129 = arith.addi %shift_right_arithmetic3A_126, %add3A_128 : vector<16xi32>
      tpu.vector_store_idx %arg5[%sub3A_116], %add3A_129 masked %and3A_123 : memref<65536xi32, #tpu.memory_space<vmem>>[vector<16xi32>], vector<16xi32>, vector<16xi1>
      %get3A_130 = arith.index_cast %scan3A_44 : i32 to index
      %get3A_131 = arith.constant 80 : index
      %get3A_132 = tpu.vector_load %arg4[%get3A_130, %get3A_131] {strides = array<i32>} : memref<256x128xi32, #tpu.memory_space<vmem>>, vector<16xi32>,
      %sub3A_133 = vector.broadcast %mul3A_29 : i32 to vector<16xi32>
      %sub3A_134 = arith.subi %get3A_132, %sub3A_133 : vector<16xi32>
      %ge3A_135 = arith.constant 0 : i32
      %ge3A_136 = vector.broadcast %ge3A_135 : i32 to vector<16xi32>
      %ge3A_137 = arith.cmpi sge, %sub3A_134, %ge3A_136 : vector<16xi32>
      %lt3A_138 = arith.constant 65536 : i32
      %lt3A_139 = vector.broadcast %lt3A_138 : i32 to vector<16xi32>
      %lt3A_140 = arith.cmpi slt, %sub3A_134, %lt3A_139 : vector<16xi32>
      %and3A_141 = arith.andi %ge3A_137, %lt3A_140 : vector<16xi1>
      %shift_right_arithmetic3A_142 = arith.constant 31 : i32
      %shift_right_arithmetic3A_143 = vector.broadcast %shift_right_arithmetic3A_142 : i32 to vector<16xi32>
      %shift_right_arithmetic3A_144 = arith.shrsi %sub3A_134, %shift_right_arithmetic3A_143 : vector<16xi32>
      %add3A_145 = arith.constant 1 : i32
      %add3A_146 = vector.broadcast %add3A_145 : i32 to vector<16xi32>
      %add3A_147 = arith.addi %shift_right_arithmetic3A_144, %add3A_146 : vector<16xi32>
      tpu.vector_store_idx %arg5[%sub3A_134], %add3A_147 masked %and3A_141 : memref<65536xi32, #tpu.memory_space<vmem>>[vector<16xi32>], vector<16xi32>, vector<16xi1>
      %get3A_148 = arith.index_cast %scan3A_44 : i32 to index
      %get3A_149 = arith.constant 96 : index
      %get3A_150 = tpu.vector_load %arg4[%get3A_148, %get3A_149] {strides = array<i32>} : memref<256x128xi32, #tpu.memory_space<vmem>>, vector<16xi32>,
      %sub3A_151 = vector.broadcast %mul3A_29 : i32 to vector<16xi32>
      %sub3A_152 = arith.subi %get3A_150, %sub3A_151 : vector<16xi32>
      %ge3A_153 = arith.constant 0 : i32
      %ge3A_154 = vector.broadcast %ge3A_153 : i32 to vector<16xi32>
      %ge3A_155 = arith.cmpi sge, %sub3A_152, %ge3A_154 : vector<16xi32>
      %lt3A_156 = arith.constant 65536 : i32
      %lt3A_157 = vector.broadcast %lt3A_156 : i32 to vector<16xi32>
      %lt3A_158 = arith.cmpi slt, %sub3A_152, %lt3A_157 : vector<16xi32>
      %and3A_159 = arith.andi %ge3A_155, %lt3A_158 : vector<16xi1>
      %shift_right_arithmetic3A_160 = arith.constant 31 : i32
      %shift_right_arithmetic3A_161 = vector.broadcast %shift_right_arithmetic3A_160 : i32 to vector<16xi32>
      %shift_right_arithmetic3A_162 = arith.shrsi %sub3A_152, %shift_right_arithmetic3A_161 : vector<16xi32>
      %add3A_163 = arith.constant 1 : i32
      %add3A_164 = vector.broadcast %add3A_163 : i32 to vector<16xi32>
      %add3A_165 = arith.addi %shift_right_arithmetic3A_162, %add3A_164 : vector<16xi32>
      tpu.vector_store_idx %arg5[%sub3A_152], %add3A_165 masked %and3A_159 : memref<65536xi32, #tpu.memory_space<vmem>>[vector<16xi32>], vector<16xi32>, vector<16xi1>
      %get3A_166 = arith.index_cast %scan3A_44 : i32 to index
      %get3A_167 = arith.constant 112 : index
      %get3A_168 = tpu.vector_load %arg4[%get3A_166, %get3A_167] {strides = array<i32>} : memref<256x128xi32, #tpu.memory_space<vmem>>, vector<16xi32>,
      %sub3A_169 = vector.broadcast %mul3A_29 : i32 to vector<16xi32>
      %sub3A_170 = arith.subi %get3A_168, %sub3A_169 : vector<16xi32>
      %ge3A_171 = arith.constant 0 : i32
      %ge3A_172 = vector.broadcast %ge3A_171 : i32 to vector<16xi32>
      %ge3A_173 = arith.cmpi sge, %sub3A_170, %ge3A_172 : vector<16xi32>
      %lt3A_174 = arith.constant 65536 : i32
      %lt3A_175 = vector.broadcast %lt3A_174 : i32 to vector<16xi32>
      %lt3A_176 = arith.cmpi slt, %sub3A_170, %lt3A_175 : vector<16xi32>
      %and3A_177 = arith.andi %ge3A_173, %lt3A_176 : vector<16xi1>
      %shift_right_arithmetic3A_178 = arith.constant 31 : i32
      %shift_right_arithmetic3A_179 = vector.broadcast %shift_right_arithmetic3A_178 : i32 to vector<16xi32>
      %shift_right_arithmetic3A_180 = arith.shrsi %sub3A_170, %shift_right_arithmetic3A_179 : vector<16xi32>
      %add3A_181 = arith.constant 1 : i32
      %add3A_182 = vector.broadcast %add3A_181 : i32 to vector<16xi32>
      %add3A_183 = arith.addi %shift_right_arithmetic3A_180, %add3A_182 : vector<16xi32>
      tpu.vector_store_idx %arg5[%sub3A_170], %add3A_183 masked %and3A_177 : memref<65536xi32, #tpu.memory_space<vmem>>[vector<16xi32>], vector<16xi32>, vector<16xi1>
      %scan3A_184 = arith.constant 0 : i32
      scf.yield %scan3A_184 : i32
    }
    %scan3A_43 = arith.constant 256 : i32
    "tpu.region"() ({
      %run_scoped3A = tpu.sem_alloc : memref<!tpu.dma_semaphore, #tpu.memory_space<semaphore_mem>>
      %dma_start3A = tpu.memref_slice %arg3[%mul3A_29] : memref<4194304xi32, #tpu.memory_space<hbm>> -> memref<65536xi32, #tpu.memory_space<hbm>>
      %dma_start3A_44 = tpu.memref_slice %arg3[%mul3A_29] : memref<4194304xi32, #tpu.memory_space<hbm>> -> memref<65536xi32, #tpu.memory_space<hbm>>
      tpu.enqueue_dma source(%arg5 : memref<65536xi32, #tpu.memory_space<vmem>>) target(%dma_start3A_44 : memref<65536xi32, #tpu.memory_space<hbm>>) target_semaphore(%run_scoped3A : memref<!tpu.dma_semaphore, #tpu.memory_space<semaphore_mem>>)
      %dma_wait3A = tpu.memref_slice %arg3[%mul3A_29] : memref<4194304xi32, #tpu.memory_space<hbm>> -> memref<65536xi32, #tpu.memory_space<hbm>>
      %dma_wait3A_45 = tpu.memref_slice %arg3[%mul3A_29] : memref<4194304xi32, #tpu.memory_space<hbm>> -> memref<65536xi32, #tpu.memory_space<hbm>>
      tpu.wait_dma2 semaphore(%run_scoped3A : memref<!tpu.dma_semaphore, #tpu.memory_space<semaphore_mem>>) src(%arg5 : memref<65536xi32, #tpu.memory_space<vmem>>) dst(%dma_wait3A_45 : memref<65536xi32, #tpu.memory_space<hbm>>)
      tpu.yield
    }) : () -> ()
    return
  }
}

#map = affine_map<(d0, d1) -> (0, 0)>
module attributes {stable_mosaic.version = 14 : i64} {
  func.func @_sc_edges_body(%arg0: i32, %arg1: i32, %arg2: memref<2048x256xf32, #tpu.memory_space<hbm>>, %arg3: memref<2048x256xf32, #tpu.memory_space<hbm>>, %arg4: memref<512x64xi32, #tpu.memory_space<hbm>>, %arg5: memref<512x64xi32, #tpu.memory_space<hbm>>, %arg6: memref<32768x256xf32, #tpu.memory_space<hbm>>, %arg7: memref<16x64xi32, #tpu.memory_space<vmem>>, %arg8: memref<16x64xi32, #tpu.memory_space<vmem>>, %arg9: memref<64x256xf32, #tpu.memory_space<vmem>>, %arg10: memref<64x256xf32, #tpu.memory_space<vmem>>, %arg11: memref<64x256xf32, #tpu.memory_space<vmem>>, %arg12: memref<64x256xf32, #tpu.memory_space<vmem>>, %arg13: memref<!tpu.dma_semaphore, #tpu.memory_space<semaphore_mem>>, %arg14: memref<!tpu.dma_semaphore, #tpu.memory_space<semaphore_mem>>, %arg15: memref<!tpu.dma_semaphore, #tpu.memory_space<semaphore_mem>>) attributes {dimension_semantics = [#tpu.dimension_semantics<core_parallel>, #tpu.dimension_semantics<subcore_parallel>], iteration_bounds = array<i64: 2, 16>, scalar_prefetch = 0 : i64, scratch_operands = 9 : i64, tpu.core_type = #tpu.core_type<sc_vector_subcore>, window_params = [{transform_indices = #map}, {transform_indices = #map}, {transform_indices = #map}, {transform_indices = #map}, {transform_indices = #map}]} {
    %mul3A = arith.constant 2 : i32
    %mul3A_0 = arith.muli %arg1, %mul3A : i32
    %add3A = arith.addi %mul3A_0, %arg0 : i32
    %mul3A_1 = arith.constant 16 : i32
    %mul3A_2 = arith.muli %add3A, %mul3A_1 : i32
    "tpu.region"() ({
      %run_scoped3A = tpu.sem_alloc : memref<!tpu.dma_semaphore, #tpu.memory_space<semaphore_mem>>
      %dma_start3A_786 = arith.constant 0 : i32
      %dma_start3A_787 = tpu.memref_slice %arg4[%mul3A_2, %dma_start3A_786] : memref<512x64xi32, #tpu.memory_space<hbm>> -> memref<16x64xi32, #tpu.memory_space<hbm>>
      %dma_start3A_788 = arith.constant 0 : i32
      %dma_start3A_789 = tpu.memref_slice %arg4[%mul3A_2, %dma_start3A_788] : memref<512x64xi32, #tpu.memory_space<hbm>> -> memref<16x64xi32, #tpu.memory_space<hbm>>
      tpu.enqueue_dma source(%dma_start3A_789 : memref<16x64xi32, #tpu.memory_space<hbm>>) target(%arg7 : memref<16x64xi32, #tpu.memory_space<vmem>>) target_semaphore(%run_scoped3A : memref<!tpu.dma_semaphore, #tpu.memory_space<semaphore_mem>>)
      %dma_wait3A_790 = arith.constant 0 : i32
      %dma_wait3A_791 = tpu.memref_slice %arg4[%mul3A_2, %dma_wait3A_790] : memref<512x64xi32, #tpu.memory_space<hbm>> -> memref<16x64xi32, #tpu.memory_space<hbm>>
      %dma_wait3A_792 = arith.constant 0 : i32
      %dma_wait3A_793 = tpu.memref_slice %arg4[%mul3A_2, %dma_wait3A_792] : memref<512x64xi32, #tpu.memory_space<hbm>> -> memref<16x64xi32, #tpu.memory_space<hbm>>
      tpu.wait_dma2 semaphore(%run_scoped3A : memref<!tpu.dma_semaphore, #tpu.memory_space<semaphore_mem>>) src(%dma_wait3A_793 : memref<16x64xi32, #tpu.memory_space<hbm>>) dst(%arg7 : memref<16x64xi32, #tpu.memory_space<vmem>>)
      tpu.yield
    }) : () -> ()
    %mul3A_3 = arith.constant 16 : i32
    %mul3A_4 = arith.muli %add3A, %mul3A_3 : i32
    "tpu.region"() ({
      %run_scoped3A = tpu.sem_alloc : memref<!tpu.dma_semaphore, #tpu.memory_space<semaphore_mem>>
      %dma_start3A_786 = arith.constant 0 : i32
      %dma_start3A_787 = tpu.memref_slice %arg5[%mul3A_4, %dma_start3A_786] : memref<512x64xi32, #tpu.memory_space<hbm>> -> memref<16x64xi32, #tpu.memory_space<hbm>>
      %dma_start3A_788 = arith.constant 0 : i32
      %dma_start3A_789 = tpu.memref_slice %arg5[%mul3A_4, %dma_start3A_788] : memref<512x64xi32, #tpu.memory_space<hbm>> -> memref<16x64xi32, #tpu.memory_space<hbm>>
      tpu.enqueue_dma source(%dma_start3A_789 : memref<16x64xi32, #tpu.memory_space<hbm>>) target(%arg8 : memref<16x64xi32, #tpu.memory_space<vmem>>) target_semaphore(%run_scoped3A : memref<!tpu.dma_semaphore, #tpu.memory_space<semaphore_mem>>)
      %dma_wait3A_790 = arith.constant 0 : i32
      %dma_wait3A_791 = tpu.memref_slice %arg5[%mul3A_4, %dma_wait3A_790] : memref<512x64xi32, #tpu.memory_space<hbm>> -> memref<16x64xi32, #tpu.memory_space<hbm>>
      %dma_wait3A_792 = arith.constant 0 : i32
      %dma_wait3A_793 = tpu.memref_slice %arg5[%mul3A_4, %dma_wait3A_792] : memref<512x64xi32, #tpu.memory_space<hbm>> -> memref<16x64xi32, #tpu.memory_space<hbm>>
      tpu.wait_dma2 semaphore(%run_scoped3A : memref<!tpu.dma_semaphore, #tpu.memory_space<semaphore_mem>>) src(%dma_wait3A_793 : memref<16x64xi32, #tpu.memory_space<hbm>>) dst(%arg8 : memref<16x64xi32, #tpu.memory_space<vmem>>)
      tpu.yield
    }) : () -> ()
    %dma_start3A = arith.constant 0 : i32
    %dma_start3A_5 = arith.constant 0 : i32
    %dma_start3A_6 = tpu.memref_slice %arg7[%dma_start3A, %dma_start3A_5] : memref<16x64xi32, #tpu.memory_space<vmem>> -> memref<1x64xi32, #tpu.memory_space<vmem>>
    %dma_start3A_7 = tpu.memref_squeeze %dma_start3A_6 : memref<1x64xi32, #tpu.memory_space<vmem>> -> memref<64xi32, #tpu.memory_space<vmem>>
    %dma_start3A_8 = arith.constant 0 : i32
    %dma_start3A_9 = arith.constant 0 : i32
    %dma_start3A_10 = tpu.memref_slice %arg2[%dma_start3A_8, %dma_start3A_9] : memref<2048x256xf32, #tpu.memory_space<hbm>> -> memref<2048x256xf32, #tpu.memory_space<hbm>>
    tpu.enqueue_indirect_dma source(%dma_start3A_10 : memref<2048x256xf32, #tpu.memory_space<hbm>>) target(%arg9 : memref<64x256xf32, #tpu.memory_space<vmem>>) offsets(%dma_start3A_7 : memref<64xi32, #tpu.memory_space<vmem>>) semaphore(%arg13 : memref<!tpu.dma_semaphore, #tpu.memory_space<semaphore_mem>>)
    %dma_start3A_11 = arith.constant 0 : i32
    %dma_start3A_12 = arith.constant 0 : i32
    %dma_start3A_13 = tpu.memref_slice %arg8[%dma_start3A_11, %dma_start3A_12] : memref<16x64xi32, #tpu.memory_space<vmem>> -> memref<1x64xi32, #tpu.memory_space<vmem>>
    %dma_start3A_14 = tpu.memref_squeeze %dma_start3A_13 : memref<1x64xi32, #tpu.memory_space<vmem>> -> memref<64xi32, #tpu.memory_space<vmem>>
    %dma_start3A_15 = arith.constant 0 : i32
    %dma_start3A_16 = arith.constant 0 : i32
    %dma_start3A_17 = tpu.memref_slice %arg3[%dma_start3A_15, %dma_start3A_16] : memref<2048x256xf32, #tpu.memory_space<hbm>> -> memref<2048x256xf32, #tpu.memory_space<hbm>>
    tpu.enqueue_indirect_dma source(%dma_start3A_17 : memref<2048x256xf32, #tpu.memory_space<hbm>>) target(%arg10 : memref<64x256xf32, #tpu.memory_space<vmem>>) offsets(%dma_start3A_14 : memref<64xi32, #tpu.memory_space<vmem>>) semaphore(%arg14 : memref<!tpu.dma_semaphore, #tpu.memory_space<semaphore_mem>>)
    %dma_start3A_18 = arith.constant 1 : i32
    %dma_start3A_19 = arith.constant 0 : i32
    %dma_start3A_20 = tpu.memref_slice %arg7[%dma_start3A_18, %dma_start3A_19] : memref<16x64xi32, #tpu.memory_space<vmem>> -> memref<1x64xi32, #tpu.memory_space<vmem>>
    %dma_start3A_21 = tpu.memref_squeeze %dma_start3A_20 : memref<1x64xi32, #tpu.memory_space<vmem>> -> memref<64xi32, #tpu.memory_space<vmem>>
    %dma_start3A_22 = arith.constant 0 : i32
    %dma_start3A_23 = arith.constant 0 : i32
    %dma_start3A_24 = tpu.memref_slice %arg2[%dma_start3A_22, %dma_start3A_23] : memref<2048x256xf32, #tpu.memory_space<hbm>> -> memref<2048x256xf32, #tpu.memory_space<hbm>>
    tpu.enqueue_indirect_dma source(%dma_start3A_24 : memref<2048x256xf32, #tpu.memory_space<hbm>>) target(%arg11 : memref<64x256xf32, #tpu.memory_space<vmem>>) offsets(%dma_start3A_21 : memref<64xi32, #tpu.memory_space<vmem>>) semaphore(%arg13 : memref<!tpu.dma_semaphore, #tpu.memory_space<semaphore_mem>>)
    %dma_start3A_25 = arith.constant 1 : i32
    %dma_start3A_26 = arith.constant 0 : i32
    %dma_start3A_27 = tpu.memref_slice %arg8[%dma_start3A_25, %dma_start3A_26] : memref<16x64xi32, #tpu.memory_space<vmem>> -> memref<1x64xi32, #tpu.memory_space<vmem>>
    %dma_start3A_28 = tpu.memref_squeeze %dma_start3A_27 : memref<1x64xi32, #tpu.memory_space<vmem>> -> memref<64xi32, #tpu.memory_space<vmem>>
    %dma_start3A_29 = arith.constant 0 : i32
    %dma_start3A_30 = arith.constant 0 : i32
    %dma_start3A_31 = tpu.memref_slice %arg3[%dma_start3A_29, %dma_start3A_30] : memref<2048x256xf32, #tpu.memory_space<hbm>> -> memref<2048x256xf32, #tpu.memory_space<hbm>>
    tpu.enqueue_indirect_dma source(%dma_start3A_31 : memref<2048x256xf32, #tpu.memory_space<hbm>>) target(%arg12 : memref<64x256xf32, #tpu.memory_space<vmem>>) offsets(%dma_start3A_28 : memref<64xi32, #tpu.memory_space<vmem>>) semaphore(%arg14 : memref<!tpu.dma_semaphore, #tpu.memory_space<semaphore_mem>>)
    %mul3A_32 = arith.constant 16 : i32
    %mul3A_33 = arith.muli %add3A, %mul3A_32 : i32
    %add3A_34 = arith.constant 0 : i32
    %add3A_35 = arith.addi %mul3A_33, %add3A_34 : i32
    %dma_wait3A = arith.constant 0 : i32
    %dma_wait3A_36 = arith.constant 0 : i32
    %dma_wait3A_37 = tpu.memref_slice %arg7[%dma_wait3A, %dma_wait3A_36] : memref<16x64xi32, #tpu.memory_space<vmem>> -> memref<1x64xi32, #tpu.memory_space<vmem>>
    %dma_wait3A_38 = tpu.memref_squeeze %dma_wait3A_37 : memref<1x64xi32, #tpu.memory_space<vmem>> -> memref<64xi32, #tpu.memory_space<vmem>>
    %dma_wait3A_39 = arith.constant 0 : i32
    %dma_wait3A_40 = arith.constant 0 : i32
    %dma_wait3A_41 = tpu.memref_slice %arg2[%dma_wait3A_39, %dma_wait3A_40] : memref<2048x256xf32, #tpu.memory_space<hbm>> -> memref<2048x256xf32, #tpu.memory_space<hbm>>
    tpu.wait_indirect_dma semaphore(%arg13 : memref<!tpu.dma_semaphore, #tpu.memory_space<semaphore_mem>>) src(%dma_wait3A_41 : memref<2048x256xf32, #tpu.memory_space<hbm>>) dst(%arg9 : memref<64x256xf32, #tpu.memory_space<vmem>>)
    %dma_wait3A_42 = arith.constant 0 : i32
    %dma_wait3A_43 = arith.constant 0 : i32
    %dma_wait3A_44 = tpu.memref_slice %arg8[%dma_wait3A_42, %dma_wait3A_43] : memref<16x64xi32, #tpu.memory_space<vmem>> -> memref<1x64xi32, #tpu.memory_space<vmem>>
    %dma_wait3A_45 = tpu.memref_squeeze %dma_wait3A_44 : memref<1x64xi32, #tpu.memory_space<vmem>> -> memref<64xi32, #tpu.memory_space<vmem>>
    %dma_wait3A_46 = arith.constant 0 : i32
    %dma_wait3A_47 = arith.constant 0 : i32
    %dma_wait3A_48 = tpu.memref_slice %arg3[%dma_wait3A_46, %dma_wait3A_47] : memref<2048x256xf32, #tpu.memory_space<hbm>> -> memref<2048x256xf32, #tpu.memory_space<hbm>>
    tpu.wait_indirect_dma semaphore(%arg14 : memref<!tpu.dma_semaphore, #tpu.memory_space<semaphore_mem>>) src(%dma_wait3A_48 : memref<2048x256xf32, #tpu.memory_space<hbm>>) dst(%arg10 : memref<64x256xf32, #tpu.memory_space<vmem>>)
    %scan3A = arith.constant 0 : i32
    %scan3A_49 = arith.constant 0 : i32
    %scan3A_50 = arith.constant 1024 : i32
    %scan3A_51 = arith.addi %scan3A_49, %scan3A_50 : i32
    %scan3A_52 = arith.constant 1 : i32
    %scan3A_53 = scf.for %scan3A_786 = %scan3A_49 to %scan3A_51 step %scan3A_52 iter_args(%scan3A_787 = %scan3A) -> (i32)  : i32 {
      %shift_right_logical3A = arith.constant 4 : i32
      %shift_right_logical3A_788 = arith.shrui %scan3A_786, %shift_right_logical3A : i32
      %and3A = arith.constant 15 : i32
      %and3A_789 = arith.andi %scan3A_786, %and3A : i32
      %mul3A_790 = arith.constant 16 : i32
      %mul3A_791 = arith.muli %and3A_789, %mul3A_790 : i32
      %get3A = arith.index_cast %shift_right_logical3A_788 : i32 to index
      %get3A_792 = arith.index_cast %mul3A_791 : i32 to index
      %get3A_793 = tpu.vector_load %arg9[%get3A, %get3A_792] {strides = array<i32>} : memref<64x256xf32, #tpu.memory_space<vmem>>, vector<1x16xf32>,
      %get3A_794 = vector.shape_cast %get3A_793 : vector<1x16xf32> to vector<16xf32>
      %get3A_795 = arith.index_cast %shift_right_logical3A_788 : i32 to index
      %get3A_796 = arith.index_cast %mul3A_791 : i32 to index
      %get3A_797 = tpu.vector_load %arg10[%get3A_795, %get3A_796] {strides = array<i32>} : memref<64x256xf32, #tpu.memory_space<vmem>>, vector<1x16xf32>,
      %get3A_798 = vector.shape_cast %get3A_797 : vector<1x16xf32> to vector<16xf32>
      %add3A_799 = arith.addf %get3A_794, %get3A_798 : vector<16xf32>
      %swap3A = arith.index_cast %shift_right_logical3A_788 : i32 to index
      %swap3A_800 = arith.index_cast %mul3A_791 : i32 to index
      %swap3A_801 = tpu.vector_load %arg9[%swap3A, %swap3A_800] {strides = array<i32>} : memref<64x256xf32, #tpu.memory_space<vmem>>, vector<1x16xf32>,
      %swap3A_802 = vector.shape_cast %swap3A_801 : vector<1x16xf32> to vector<16xf32>
      %swap3A_803 = vector.shape_cast %add3A_799 : vector<16xf32> to vector<1x16xf32>
      tpu.vector_store %arg9[%swap3A, %swap3A_800], %swap3A_803 {strides = array<i32>} : memref<64x256xf32, #tpu.memory_space<vmem>>, vector<1x16xf32>,
      %scan3A_804 = arith.constant 0 : i32
      scf.yield %scan3A_804 : i32
    }
    %scan3A_54 = arith.constant 1024 : i32
    %mul3A_55 = arith.constant 64 : i32
    %mul3A_56 = arith.muli %add3A_35, %mul3A_55 : i32
    %dma_start3A_57 = arith.constant 0 : i32
    %dma_start3A_58 = tpu.memref_slice %arg6[%mul3A_56, %dma_start3A_57] : memref<32768x256xf32, #tpu.memory_space<hbm>> -> memref<64x256xf32, #tpu.memory_space<hbm>>
    %dma_start3A_59 = arith.constant 0 : i32
    %dma_start3A_60 = tpu.memref_slice %arg6[%mul3A_56, %dma_start3A_59] : memref<32768x256xf32, #tpu.memory_space<hbm>> -> memref<64x256xf32, #tpu.memory_space<hbm>>
    tpu.enqueue_dma source(%arg9 : memref<64x256xf32, #tpu.memory_space<vmem>>) target(%dma_start3A_60 : memref<64x256xf32, #tpu.memory_space<hbm>>) target_semaphore(%arg15 : memref<!tpu.dma_semaphore, #tpu.memory_space<semaphore_mem>>)
    %dma_start3A_61 = arith.constant 2 : i32
    %dma_start3A_62 = arith.constant 0 : i32
    %dma_start3A_63 = tpu.memref_slice %arg7[%dma_start3A_61, %dma_start3A_62] : memref<16x64xi32, #tpu.memory_space<vmem>> -> memref<1x64xi32, #tpu.memory_space<vmem>>
    %dma_start3A_64 = tpu.memref_squeeze %dma_start3A_63 : memref<1x64xi32, #tpu.memory_space<vmem>> -> memref<64xi32, #tpu.memory_space<vmem>>
    %dma_start3A_65 = arith.constant 0 : i32
    %dma_start3A_66 = arith.constant 0 : i32
    %dma_start3A_67 = tpu.memref_slice %arg2[%dma_start3A_65, %dma_start3A_66] : memref<2048x256xf32, #tpu.memory_space<hbm>> -> memref<2048x256xf32, #tpu.memory_space<hbm>>
    tpu.enqueue_indirect_dma source(%dma_start3A_67 : memref<2048x256xf32, #tpu.memory_space<hbm>>) target(%arg9 : memref<64x256xf32, #tpu.memory_space<vmem>>) offsets(%dma_start3A_64 : memref<64xi32, #tpu.memory_space<vmem>>) semaphore(%arg13 : memref<!tpu.dma_semaphore, #tpu.memory_space<semaphore_mem>>)
    %dma_start3A_68 = arith.constant 2 : i32
    %dma_start3A_69 = arith.constant 0 : i32
    %dma_start3A_70 = tpu.memref_slice %arg8[%dma_start3A_68, %dma_start3A_69] : memref<16x64xi32, #tpu.memory_space<vmem>> -> memref<1x64xi32, #tpu.memory_space<vmem>>
    %dma_start3A_71 = tpu.memref_squeeze %dma_start3A_70 : memref<1x64xi32, #tpu.memory_space<vmem>> -> memref<64xi32, #tpu.memory_space<vmem>>
    %dma_start3A_72 = arith.constant 0 : i32
    %dma_start3A_73 = arith.constant 0 : i32
    %dma_start3A_74 = tpu.memref_slice %arg3[%dma_start3A_72, %dma_start3A_73] : memref<2048x256xf32, #tpu.memory_space<hbm>> -> memref<2048x256xf32, #tpu.memory_space<hbm>>
    tpu.enqueue_indirect_dma source(%dma_start3A_74 : memref<2048x256xf32, #tpu.memory_space<hbm>>) target(%arg10 : memref<64x256xf32, #tpu.memory_space<vmem>>) offsets(%dma_start3A_71 : memref<64xi32, #tpu.memory_space<vmem>>) semaphore(%arg14 : memref<!tpu.dma_semaphore, #tpu.memory_space<semaphore_mem>>)
    %dma_wait3A_75 = arith.constant 0 : i32
    %dma_wait3A_76 = tpu.memref_slice %arg6[%mul3A_56, %dma_wait3A_75] : memref<32768x256xf32, #tpu.memory_space<hbm>> -> memref<64x256xf32, #tpu.memory_space<hbm>>
    %dma_wait3A_77 = arith.constant 0 : i32
    %dma_wait3A_78 = tpu.memref_slice %arg6[%mul3A_56, %dma_wait3A_77] : memref<32768x256xf32, #tpu.memory_space<hbm>> -> memref<64x256xf32, #tpu.memory_space<hbm>>
    tpu.wait_dma2 semaphore(%arg15 : memref<!tpu.dma_semaphore, #tpu.memory_space<semaphore_mem>>) src(%arg9 : memref<64x256xf32, #tpu.memory_space<vmem>>) dst(%dma_wait3A_78 : memref<64x256xf32, #tpu.memory_space<hbm>>)
    %mul3A_79 = arith.constant 16 : i32
    %mul3A_80 = arith.muli %add3A, %mul3A_79 : i32
    %add3A_81 = arith.constant 1 : i32
    %add3A_82 = arith.addi %mul3A_80, %add3A_81 : i32
    %dma_wait3A_83 = arith.constant 1 : i32
    %dma_wait3A_84 = arith.constant 0 : i32
    %dma_wait3A_85 = tpu.memref_slice %arg7[%dma_wait3A_83, %dma_wait3A_84] : memref<16x64xi32, #tpu.memory_space<vmem>> -> memref<1x64xi32, #tpu.memory_space<vmem>>
    %dma_wait3A_86 = tpu.memref_squeeze %dma_wait3A_85 : memref<1x64xi32, #tpu.memory_space<vmem>> -> memref<64xi32, #tpu.memory_space<vmem>>
    %dma_wait3A_87 = arith.constant 0 : i32
    %dma_wait3A_88 = arith.constant 0 : i32
    %dma_wait3A_89 = tpu.memref_slice %arg2[%dma_wait3A_87, %dma_wait3A_88] : memref<2048x256xf32, #tpu.memory_space<hbm>> -> memref<2048x256xf32, #tpu.memory_space<hbm>>
    tpu.wait_indirect_dma semaphore(%arg13 : memref<!tpu.dma_semaphore, #tpu.memory_space<semaphore_mem>>) src(%dma_wait3A_89 : memref<2048x256xf32, #tpu.memory_space<hbm>>) dst(%arg11 : memref<64x256xf32, #tpu.memory_space<vmem>>)
    %dma_wait3A_90 = arith.constant 1 : i32
    %dma_wait3A_91 = arith.constant 0 : i32
    %dma_wait3A_92 = tpu.memref_slice %arg8[%dma_wait3A_90, %dma_wait3A_91] : memref<16x64xi32, #tpu.memory_space<vmem>> -> memref<1x64xi32, #tpu.memory_space<vmem>>
    %dma_wait3A_93 = tpu.memref_squeeze %dma_wait3A_92 : memref<1x64xi32, #tpu.memory_space<vmem>> -> memref<64xi32, #tpu.memory_space<vmem>>
    %dma_wait3A_94 = arith.constant 0 : i32
    %dma_wait3A_95 = arith.constant 0 : i32
    %dma_wait3A_96 = tpu.memref_slice %arg3[%dma_wait3A_94, %dma_wait3A_95] : memref<2048x256xf32, #tpu.memory_space<hbm>> -> memref<2048x256xf32, #tpu.memory_space<hbm>>
    tpu.wait_indirect_dma semaphore(%arg14 : memref<!tpu.dma_semaphore, #tpu.memory_space<semaphore_mem>>) src(%dma_wait3A_96 : memref<2048x256xf32, #tpu.memory_space<hbm>>) dst(%arg12 : memref<64x256xf32, #tpu.memory_space<vmem>>)
    %scan3A_97 = arith.constant 0 : i32
    %scan3A_98 = arith.constant 0 : i32
    %scan3A_99 = arith.constant 1024 : i32
    %scan3A_100 = arith.addi %scan3A_98, %scan3A_99 : i32
    %scan3A_101 = arith.constant 1 : i32
    %scan3A_102 = scf.for %scan3A_786 = %scan3A_98 to %scan3A_100 step %scan3A_101 iter_args(%scan3A_787 = %scan3A_97) -> (i32)  : i32 {
      %shift_right_logical3A = arith.constant 4 : i32
      %shift_right_logical3A_788 = arith.shrui %scan3A_786, %shift_right_logical3A : i32
      %and3A = arith.constant 15 : i32
      %and3A_789 = arith.andi %scan3A_786, %and3A : i32
      %mul3A_790 = arith.constant 16 : i32
      %mul3A_791 = arith.muli %and3A_789, %mul3A_790 : i32
      %get3A = arith.index_cast %shift_right_logical3A_788 : i32 to index
      %get3A_792 = arith.index_cast %mul3A_791 : i32 to index
      %get3A_793 = tpu.vector_load %arg11[%get3A, %get3A_792] {strides = array<i32>} : memref<64x256xf32, #tpu.memory_space<vmem>>, vector<1x16xf32>,
      %get3A_794 = vector.shape_cast %get3A_793 : vector<1x16xf32> to vector<16xf32>
      %get3A_795 = arith.index_cast %shift_right_logical3A_788 : i32 to index
      %get3A_796 = arith.index_cast %mul3A_791 : i32 to index
      %get3A_797 = tpu.vector_load %arg12[%get3A_795, %get3A_796] {strides = array<i32>} : memref<64x256xf32, #tpu.memory_space<vmem>>, vector<1x16xf32>,
      %get3A_798 = vector.shape_cast %get3A_797 : vector<1x16xf32> to vector<16xf32>
      %add3A_799 = arith.addf %get3A_794, %get3A_798 : vector<16xf32>
      %swap3A = arith.index_cast %shift_right_logical3A_788 : i32 to index
      %swap3A_800 = arith.index_cast %mul3A_791 : i32 to index
      %swap3A_801 = tpu.vector_load %arg11[%swap3A, %swap3A_800] {strides = array<i32>} : memref<64x256xf32, #tpu.memory_space<vmem>>, vector<1x16xf32>,
      %swap3A_802 = vector.shape_cast %swap3A_801 : vector<1x16xf32> to vector<16xf32>
      %swap3A_803 = vector.shape_cast %add3A_799 : vector<16xf32> to vector<1x16xf32>
      tpu.vector_store %arg11[%swap3A, %swap3A_800], %swap3A_803 {strides = array<i32>} : memref<64x256xf32, #tpu.memory_space<vmem>>, vector<1x16xf32>,
      %scan3A_804 = arith.constant 0 : i32
      scf.yield %scan3A_804 : i32
    }
    %scan3A_103 = arith.constant 1024 : i32
    %mul3A_104 = arith.constant 64 : i32
    %mul3A_105 = arith.muli %add3A_82, %mul3A_104 : i32
    %dma_start3A_106 = arith.constant 0 : i32
    %dma_start3A_107 = tpu.memref_slice %arg6[%mul3A_105, %dma_start3A_106] : memref<32768x256xf32, #tpu.memory_space<hbm>> -> memref<64x256xf32, #tpu.memory_space<hbm>>
    %dma_start3A_108 = arith.constant 0 : i32
    %dma_start3A_109 = tpu.memref_slice %arg6[%mul3A_105, %dma_start3A_108] : memref<32768x256xf32, #tpu.memory_space<hbm>> -> memref<64x256xf32, #tpu.memory_space<hbm>>
    tpu.enqueue_dma source(%arg11 : memref<64x256xf32, #tpu.memory_space<vmem>>) target(%dma_start3A_109 : memref<64x256xf32, #tpu.memory_space<hbm>>) target_semaphore(%arg15 : memref<!tpu.dma_semaphore, #tpu.memory_space<semaphore_mem>>)
    %dma_start3A_110 = arith.constant 3 : i32
    %dma_start3A_111 = arith.constant 0 : i32
    %dma_start3A_112 = tpu.memref_slice %arg7[%dma_start3A_110, %dma_start3A_111] : memref<16x64xi32, #tpu.memory_space<vmem>> -> memref<1x64xi32, #tpu.memory_space<vmem>>
    %dma_start3A_113 = tpu.memref_squeeze %dma_start3A_112 : memref<1x64xi32, #tpu.memory_space<vmem>> -> memref<64xi32, #tpu.memory_space<vmem>>
    %dma_start3A_114 = arith.constant 0 : i32
    %dma_start3A_115 = arith.constant 0 : i32
    %dma_start3A_116 = tpu.memref_slice %arg2[%dma_start3A_114, %dma_start3A_115] : memref<2048x256xf32, #tpu.memory_space<hbm>> -> memref<2048x256xf32, #tpu.memory_space<hbm>>
    tpu.enqueue_indirect_dma source(%dma_start3A_116 : memref<2048x256xf32, #tpu.memory_space<hbm>>) target(%arg11 : memref<64x256xf32, #tpu.memory_space<vmem>>) offsets(%dma_start3A_113 : memref<64xi32, #tpu.memory_space<vmem>>) semaphore(%arg13 : memref<!tpu.dma_semaphore, #tpu.memory_space<semaphore_mem>>)
    %dma_start3A_117 = arith.constant 3 : i32
    %dma_start3A_118 = arith.constant 0 : i32
    %dma_start3A_119 = tpu.memref_slice %arg8[%dma_start3A_117, %dma_start3A_118] : memref<16x64xi32, #tpu.memory_space<vmem>> -> memref<1x64xi32, #tpu.memory_space<vmem>>
    %dma_start3A_120 = tpu.memref_squeeze %dma_start3A_119 : memref<1x64xi32, #tpu.memory_space<vmem>> -> memref<64xi32, #tpu.memory_space<vmem>>
    %dma_start3A_121 = arith.constant 0 : i32
    %dma_start3A_122 = arith.constant 0 : i32
    %dma_start3A_123 = tpu.memref_slice %arg3[%dma_start3A_121, %dma_start3A_122] : memref<2048x256xf32, #tpu.memory_space<hbm>> -> memref<2048x256xf32, #tpu.memory_space<hbm>>
    tpu.enqueue_indirect_dma source(%dma_start3A_123 : memref<2048x256xf32, #tpu.memory_space<hbm>>) target(%arg12 : memref<64x256xf32, #tpu.memory_space<vmem>>) offsets(%dma_start3A_120 : memref<64xi32, #tpu.memory_space<vmem>>) semaphore(%arg14 : memref<!tpu.dma_semaphore, #tpu.memory_space<semaphore_mem>>)
    %dma_wait3A_124 = arith.constant 0 : i32
    %dma_wait3A_125 = tpu.memref_slice %arg6[%mul3A_105, %dma_wait3A_124] : memref<32768x256xf32, #tpu.memory_space<hbm>> -> memref<64x256xf32, #tpu.memory_space<hbm>>
    %dma_wait3A_126 = arith.constant 0 : i32
    %dma_wait3A_127 = tpu.memref_slice %arg6[%mul3A_105, %dma_wait3A_126] : memref<32768x256xf32, #tpu.memory_space<hbm>> -> memref<64x256xf32, #tpu.memory_space<hbm>>
    tpu.wait_dma2 semaphore(%arg15 : memref<!tpu.dma_semaphore, #tpu.memory_space<semaphore_mem>>) src(%arg11 : memref<64x256xf32, #tpu.memory_space<vmem>>) dst(%dma_wait3A_127 : memref<64x256xf32, #tpu.memory_space<hbm>>)
    %mul3A_128 = arith.constant 16 : i32
    %mul3A_129 = arith.muli %add3A, %mul3A_128 : i32
    %add3A_130 = arith.constant 2 : i32
    %add3A_131 = arith.addi %mul3A_129, %add3A_130 : i32
    %dma_wait3A_132 = arith.constant 2 : i32
    %dma_wait3A_133 = arith.constant 0 : i32
    %dma_wait3A_134 = tpu.memref_slice %arg7[%dma_wait3A_132, %dma_wait3A_133] : memref<16x64xi32, #tpu.memory_space<vmem>> -> memref<1x64xi32, #tpu.memory_space<vmem>>
    %dma_wait3A_135 = tpu.memref_squeeze %dma_wait3A_134 : memref<1x64xi32, #tpu.memory_space<vmem>> -> memref<64xi32, #tpu.memory_space<vmem>>
    %dma_wait3A_136 = arith.constant 0 : i32
    %dma_wait3A_137 = arith.constant 0 : i32
    %dma_wait3A_138 = tpu.memref_slice %arg2[%dma_wait3A_136, %dma_wait3A_137] : memref<2048x256xf32, #tpu.memory_space<hbm>> -> memref<2048x256xf32, #tpu.memory_space<hbm>>
    tpu.wait_indirect_dma semaphore(%arg13 : memref<!tpu.dma_semaphore, #tpu.memory_space<semaphore_mem>>) src(%dma_wait3A_138 : memref<2048x256xf32, #tpu.memory_space<hbm>>) dst(%arg9 : memref<64x256xf32, #tpu.memory_space<vmem>>)
    %dma_wait3A_139 = arith.constant 2 : i32
    %dma_wait3A_140 = arith.constant 0 : i32
    %dma_wait3A_141 = tpu.memref_slice %arg8[%dma_wait3A_139, %dma_wait3A_140] : memref<16x64xi32, #tpu.memory_space<vmem>> -> memref<1x64xi32, #tpu.memory_space<vmem>>
    %dma_wait3A_142 = tpu.memref_squeeze %dma_wait3A_141 : memref<1x64xi32, #tpu.memory_space<vmem>> -> memref<64xi32, #tpu.memory_space<vmem>>
    %dma_wait3A_143 = arith.constant 0 : i32
    %dma_wait3A_144 = arith.constant 0 : i32
    %dma_wait3A_145 = tpu.memref_slice %arg3[%dma_wait3A_143, %dma_wait3A_144] : memref<2048x256xf32, #tpu.memory_space<hbm>> -> memref<2048x256xf32, #tpu.memory_space<hbm>>
    tpu.wait_indirect_dma semaphore(%arg14 : memref<!tpu.dma_semaphore, #tpu.memory_space<semaphore_mem>>) src(%dma_wait3A_145 : memref<2048x256xf32, #tpu.memory_space<hbm>>) dst(%arg10 : memref<64x256xf32, #tpu.memory_space<vmem>>)
    %scan3A_146 = arith.constant 0 : i32
    %scan3A_147 = arith.constant 0 : i32
    %scan3A_148 = arith.constant 1024 : i32
    %scan3A_149 = arith.addi %scan3A_147, %scan3A_148 : i32
    %scan3A_150 = arith.constant 1 : i32
    %scan3A_151 = scf.for %scan3A_786 = %scan3A_147 to %scan3A_149 step %scan3A_150 iter_args(%scan3A_787 = %scan3A_146) -> (i32)  : i32 {
      %shift_right_logical3A = arith.constant 4 : i32
      %shift_right_logical3A_788 = arith.shrui %scan3A_786, %shift_right_logical3A : i32
      %and3A = arith.constant 15 : i32
      %and3A_789 = arith.andi %scan3A_786, %and3A : i32
      %mul3A_790 = arith.constant 16 : i32
      %mul3A_791 = arith.muli %and3A_789, %mul3A_790 : i32
      %get3A = arith.index_cast %shift_right_logical3A_788 : i32 to index
      %get3A_792 = arith.index_cast %mul3A_791 : i32 to index
      %get3A_793 = tpu.vector_load %arg9[%get3A, %get3A_792] {strides = array<i32>} : memref<64x256xf32, #tpu.memory_space<vmem>>, vector<1x16xf32>,
      %get3A_794 = vector.shape_cast %get3A_793 : vector<1x16xf32> to vector<16xf32>
      %get3A_795 = arith.index_cast %shift_right_logical3A_788 : i32 to index
      %get3A_796 = arith.index_cast %mul3A_791 : i32 to index
      %get3A_797 = tpu.vector_load %arg10[%get3A_795, %get3A_796] {strides = array<i32>} : memref<64x256xf32, #tpu.memory_space<vmem>>, vector<1x16xf32>,
      %get3A_798 = vector.shape_cast %get3A_797 : vector<1x16xf32> to vector<16xf32>
      %add3A_799 = arith.addf %get3A_794, %get3A_798 : vector<16xf32>
      %swap3A = arith.index_cast %shift_right_logical3A_788 : i32 to index
      %swap3A_800 = arith.index_cast %mul3A_791 : i32 to index
      %swap3A_801 = tpu.vector_load %arg9[%swap3A, %swap3A_800] {strides = array<i32>} : memref<64x256xf32, #tpu.memory_space<vmem>>, vector<1x16xf32>,
      %swap3A_802 = vector.shape_cast %swap3A_801 : vector<1x16xf32> to vector<16xf32>
      %swap3A_803 = vector.shape_cast %add3A_799 : vector<16xf32> to vector<1x16xf32>
      tpu.vector_store %arg9[%swap3A, %swap3A_800], %swap3A_803 {strides = array<i32>} : memref<64x256xf32, #tpu.memory_space<vmem>>, vector<1x16xf32>,
      %scan3A_804 = arith.constant 0 : i32
      scf.yield %scan3A_804 : i32
    }
    %scan3A_152 = arith.constant 1024 : i32
    %mul3A_153 = arith.constant 64 : i32
    %mul3A_154 = arith.muli %add3A_131, %mul3A_153 : i32
    %dma_start3A_155 = arith.constant 0 : i32
    %dma_start3A_156 = tpu.memref_slice %arg6[%mul3A_154, %dma_start3A_155] : memref<32768x256xf32, #tpu.memory_space<hbm>> -> memref<64x256xf32, #tpu.memory_space<hbm>>
    %dma_start3A_157 = arith.constant 0 : i32
    %dma_start3A_158 = tpu.memref_slice %arg6[%mul3A_154, %dma_start3A_157] : memref<32768x256xf32, #tpu.memory_space<hbm>> -> memref<64x256xf32, #tpu.memory_space<hbm>>
    tpu.enqueue_dma source(%arg9 : memref<64x256xf32, #tpu.memory_space<vmem>>) target(%dma_start3A_158 : memref<64x256xf32, #tpu.memory_space<hbm>>) target_semaphore(%arg15 : memref<!tpu.dma_semaphore, #tpu.memory_space<semaphore_mem>>)
    %dma_start3A_159 = arith.constant 4 : i32
    %dma_start3A_160 = arith.constant 0 : i32
    %dma_start3A_161 = tpu.memref_slice %arg7[%dma_start3A_159, %dma_start3A_160] : memref<16x64xi32, #tpu.memory_space<vmem>> -> memref<1x64xi32, #tpu.memory_space<vmem>>
    %dma_start3A_162 = tpu.memref_squeeze %dma_start3A_161 : memref<1x64xi32, #tpu.memory_space<vmem>> -> memref<64xi32, #tpu.memory_space<vmem>>
    %dma_start3A_163 = arith.constant 0 : i32
    %dma_start3A_164 = arith.constant 0 : i32
    %dma_start3A_165 = tpu.memref_slice %arg2[%dma_start3A_163, %dma_start3A_164] : memref<2048x256xf32, #tpu.memory_space<hbm>> -> memref<2048x256xf32, #tpu.memory_space<hbm>>
    tpu.enqueue_indirect_dma source(%dma_start3A_165 : memref<2048x256xf32, #tpu.memory_space<hbm>>) target(%arg9 : memref<64x256xf32, #tpu.memory_space<vmem>>) offsets(%dma_start3A_162 : memref<64xi32, #tpu.memory_space<vmem>>) semaphore(%arg13 : memref<!tpu.dma_semaphore, #tpu.memory_space<semaphore_mem>>)
    %dma_start3A_166 = arith.constant 4 : i32
    %dma_start3A_167 = arith.constant 0 : i32
    %dma_start3A_168 = tpu.memref_slice %arg8[%dma_start3A_166, %dma_start3A_167] : memref<16x64xi32, #tpu.memory_space<vmem>> -> memref<1x64xi32, #tpu.memory_space<vmem>>
    %dma_start3A_169 = tpu.memref_squeeze %dma_start3A_168 : memref<1x64xi32, #tpu.memory_space<vmem>> -> memref<64xi32, #tpu.memory_space<vmem>>
    %dma_start3A_170 = arith.constant 0 : i32
    %dma_start3A_171 = arith.constant 0 : i32
    %dma_start3A_172 = tpu.memref_slice %arg3[%dma_start3A_170, %dma_start3A_171] : memref<2048x256xf32, #tpu.memory_space<hbm>> -> memref<2048x256xf32, #tpu.memory_space<hbm>>
    tpu.enqueue_indirect_dma source(%dma_start3A_172 : memref<2048x256xf32, #tpu.memory_space<hbm>>) target(%arg10 : memref<64x256xf32, #tpu.memory_space<vmem>>) offsets(%dma_start3A_169 : memref<64xi32, #tpu.memory_space<vmem>>) semaphore(%arg14 : memref<!tpu.dma_semaphore, #tpu.memory_space<semaphore_mem>>)
    %dma_wait3A_173 = arith.constant 0 : i32
    %dma_wait3A_174 = tpu.memref_slice %arg6[%mul3A_154, %dma_wait3A_173] : memref<32768x256xf32, #tpu.memory_space<hbm>> -> memref<64x256xf32, #tpu.memory_space<hbm>>
    %dma_wait3A_175 = arith.constant 0 : i32
    %dma_wait3A_176 = tpu.memref_slice %arg6[%mul3A_154, %dma_wait3A_175] : memref<32768x256xf32, #tpu.memory_space<hbm>> -> memref<64x256xf32, #tpu.memory_space<hbm>>
    tpu.wait_dma2 semaphore(%arg15 : memref<!tpu.dma_semaphore, #tpu.memory_space<semaphore_mem>>) src(%arg9 : memref<64x256xf32, #tpu.memory_space<vmem>>) dst(%dma_wait3A_176 : memref<64x256xf32, #tpu.memory_space<hbm>>)
    %mul3A_177 = arith.constant 16 : i32
    %mul3A_178 = arith.muli %add3A, %mul3A_177 : i32
    %add3A_179 = arith.constant 3 : i32
    %add3A_180 = arith.addi %mul3A_178, %add3A_179 : i32
    %dma_wait3A_181 = arith.constant 3 : i32
    %dma_wait3A_182 = arith.constant 0 : i32
    %dma_wait3A_183 = tpu.memref_slice %arg7[%dma_wait3A_181, %dma_wait3A_182] : memref<16x64xi32, #tpu.memory_space<vmem>> -> memref<1x64xi32, #tpu.memory_space<vmem>>
    %dma_wait3A_184 = tpu.memref_squeeze %dma_wait3A_183 : memref<1x64xi32, #tpu.memory_space<vmem>> -> memref<64xi32, #tpu.memory_space<vmem>>
    %dma_wait3A_185 = arith.constant 0 : i32
    %dma_wait3A_186 = arith.constant 0 : i32
    %dma_wait3A_187 = tpu.memref_slice %arg2[%dma_wait3A_185, %dma_wait3A_186] : memref<2048x256xf32, #tpu.memory_space<hbm>> -> memref<2048x256xf32, #tpu.memory_space<hbm>>
    tpu.wait_indirect_dma semaphore(%arg13 : memref<!tpu.dma_semaphore, #tpu.memory_space<semaphore_mem>>) src(%dma_wait3A_187 : memref<2048x256xf32, #tpu.memory_space<hbm>>) dst(%arg11 : memref<64x256xf32, #tpu.memory_space<vmem>>)
    %dma_wait3A_188 = arith.constant 3 : i32
    %dma_wait3A_189 = arith.constant 0 : i32
    %dma_wait3A_190 = tpu.memref_slice %arg8[%dma_wait3A_188, %dma_wait3A_189] : memref<16x64xi32, #tpu.memory_space<vmem>> -> memref<1x64xi32, #tpu.memory_space<vmem>>
    %dma_wait3A_191 = tpu.memref_squeeze %dma_wait3A_190 : memref<1x64xi32, #tpu.memory_space<vmem>> -> memref<64xi32, #tpu.memory_space<vmem>>
    %dma_wait3A_192 = arith.constant 0 : i32
    %dma_wait3A_193 = arith.constant 0 : i32
    %dma_wait3A_194 = tpu.memref_slice %arg3[%dma_wait3A_192, %dma_wait3A_193] : memref<2048x256xf32, #tpu.memory_space<hbm>> -> memref<2048x256xf32, #tpu.memory_space<hbm>>
    tpu.wait_indirect_dma semaphore(%arg14 : memref<!tpu.dma_semaphore, #tpu.memory_space<semaphore_mem>>) src(%dma_wait3A_194 : memref<2048x256xf32, #tpu.memory_space<hbm>>) dst(%arg12 : memref<64x256xf32, #tpu.memory_space<vmem>>)
    %scan3A_195 = arith.constant 0 : i32
    %scan3A_196 = arith.constant 0 : i32
    %scan3A_197 = arith.constant 1024 : i32
    %scan3A_198 = arith.addi %scan3A_196, %scan3A_197 : i32
    %scan3A_199 = arith.constant 1 : i32
    %scan3A_200 = scf.for %scan3A_786 = %scan3A_196 to %scan3A_198 step %scan3A_199 iter_args(%scan3A_787 = %scan3A_195) -> (i32)  : i32 {
      %shift_right_logical3A = arith.constant 4 : i32
      %shift_right_logical3A_788 = arith.shrui %scan3A_786, %shift_right_logical3A : i32
      %and3A = arith.constant 15 : i32
      %and3A_789 = arith.andi %scan3A_786, %and3A : i32
      %mul3A_790 = arith.constant 16 : i32
      %mul3A_791 = arith.muli %and3A_789, %mul3A_790 : i32
      %get3A = arith.index_cast %shift_right_logical3A_788 : i32 to index
      %get3A_792 = arith.index_cast %mul3A_791 : i32 to index
      %get3A_793 = tpu.vector_load %arg11[%get3A, %get3A_792] {strides = array<i32>} : memref<64x256xf32, #tpu.memory_space<vmem>>, vector<1x16xf32>,
      %get3A_794 = vector.shape_cast %get3A_793 : vector<1x16xf32> to vector<16xf32>
      %get3A_795 = arith.index_cast %shift_right_logical3A_788 : i32 to index
      %get3A_796 = arith.index_cast %mul3A_791 : i32 to index
      %get3A_797 = tpu.vector_load %arg12[%get3A_795, %get3A_796] {strides = array<i32>} : memref<64x256xf32, #tpu.memory_space<vmem>>, vector<1x16xf32>,
      %get3A_798 = vector.shape_cast %get3A_797 : vector<1x16xf32> to vector<16xf32>
      %add3A_799 = arith.addf %get3A_794, %get3A_798 : vector<16xf32>
      %swap3A = arith.index_cast %shift_right_logical3A_788 : i32 to index
      %swap3A_800 = arith.index_cast %mul3A_791 : i32 to index
      %swap3A_801 = tpu.vector_load %arg11[%swap3A, %swap3A_800] {strides = array<i32>} : memref<64x256xf32, #tpu.memory_space<vmem>>, vector<1x16xf32>,
      %swap3A_802 = vector.shape_cast %swap3A_801 : vector<1x16xf32> to vector<16xf32>
      %swap3A_803 = vector.shape_cast %add3A_799 : vector<16xf32> to vector<1x16xf32>
      tpu.vector_store %arg11[%swap3A, %swap3A_800], %swap3A_803 {strides = array<i32>} : memref<64x256xf32, #tpu.memory_space<vmem>>, vector<1x16xf32>,
      %scan3A_804 = arith.constant 0 : i32
      scf.yield %scan3A_804 : i32
    }
    %scan3A_201 = arith.constant 1024 : i32
    %mul3A_202 = arith.constant 64 : i32
    %mul3A_203 = arith.muli %add3A_180, %mul3A_202 : i32
    %dma_start3A_204 = arith.constant 0 : i32
    %dma_start3A_205 = tpu.memref_slice %arg6[%mul3A_203, %dma_start3A_204] : memref<32768x256xf32, #tpu.memory_space<hbm>> -> memref<64x256xf32, #tpu.memory_space<hbm>>
    %dma_start3A_206 = arith.constant 0 : i32
    %dma_start3A_207 = tpu.memref_slice %arg6[%mul3A_203, %dma_start3A_206] : memref<32768x256xf32, #tpu.memory_space<hbm>> -> memref<64x256xf32, #tpu.memory_space<hbm>>
    tpu.enqueue_dma source(%arg11 : memref<64x256xf32, #tpu.memory_space<vmem>>) target(%dma_start3A_207 : memref<64x256xf32, #tpu.memory_space<hbm>>) target_semaphore(%arg15 : memref<!tpu.dma_semaphore, #tpu.memory_space<semaphore_mem>>)
    %dma_start3A_208 = arith.constant 5 : i32
    %dma_start3A_209 = arith.constant 0 : i32
    %dma_start3A_210 = tpu.memref_slice %arg7[%dma_start3A_208, %dma_start3A_209] : memref<16x64xi32, #tpu.memory_space<vmem>> -> memref<1x64xi32, #tpu.memory_space<vmem>>
    %dma_start3A_211 = tpu.memref_squeeze %dma_start3A_210 : memref<1x64xi32, #tpu.memory_space<vmem>> -> memref<64xi32, #tpu.memory_space<vmem>>
    %dma_start3A_212 = arith.constant 0 : i32
    %dma_start3A_213 = arith.constant 0 : i32
    %dma_start3A_214 = tpu.memref_slice %arg2[%dma_start3A_212, %dma_start3A_213] : memref<2048x256xf32, #tpu.memory_space<hbm>> -> memref<2048x256xf32, #tpu.memory_space<hbm>>
    tpu.enqueue_indirect_dma source(%dma_start3A_214 : memref<2048x256xf32, #tpu.memory_space<hbm>>) target(%arg11 : memref<64x256xf32, #tpu.memory_space<vmem>>) offsets(%dma_start3A_211 : memref<64xi32, #tpu.memory_space<vmem>>) semaphore(%arg13 : memref<!tpu.dma_semaphore, #tpu.memory_space<semaphore_mem>>)
    %dma_start3A_215 = arith.constant 5 : i32
    %dma_start3A_216 = arith.constant 0 : i32
    %dma_start3A_217 = tpu.memref_slice %arg8[%dma_start3A_215, %dma_start3A_216] : memref<16x64xi32, #tpu.memory_space<vmem>> -> memref<1x64xi32, #tpu.memory_space<vmem>>
    %dma_start3A_218 = tpu.memref_squeeze %dma_start3A_217 : memref<1x64xi32, #tpu.memory_space<vmem>> -> memref<64xi32, #tpu.memory_space<vmem>>
    %dma_start3A_219 = arith.constant 0 : i32
    %dma_start3A_220 = arith.constant 0 : i32
    %dma_start3A_221 = tpu.memref_slice %arg3[%dma_start3A_219, %dma_start3A_220] : memref<2048x256xf32, #tpu.memory_space<hbm>> -> memref<2048x256xf32, #tpu.memory_space<hbm>>
    tpu.enqueue_indirect_dma source(%dma_start3A_221 : memref<2048x256xf32, #tpu.memory_space<hbm>>) target(%arg12 : memref<64x256xf32, #tpu.memory_space<vmem>>) offsets(%dma_start3A_218 : memref<64xi32, #tpu.memory_space<vmem>>) semaphore(%arg14 : memref<!tpu.dma_semaphore, #tpu.memory_space<semaphore_mem>>)
    %dma_wait3A_222 = arith.constant 0 : i32
    %dma_wait3A_223 = tpu.memref_slice %arg6[%mul3A_203, %dma_wait3A_222] : memref<32768x256xf32, #tpu.memory_space<hbm>> -> memref<64x256xf32, #tpu.memory_space<hbm>>
    %dma_wait3A_224 = arith.constant 0 : i32
    %dma_wait3A_225 = tpu.memref_slice %arg6[%mul3A_203, %dma_wait3A_224] : memref<32768x256xf32, #tpu.memory_space<hbm>> -> memref<64x256xf32, #tpu.memory_space<hbm>>
    tpu.wait_dma2 semaphore(%arg15 : memref<!tpu.dma_semaphore, #tpu.memory_space<semaphore_mem>>) src(%arg11 : memref<64x256xf32, #tpu.memory_space<vmem>>) dst(%dma_wait3A_225 : memref<64x256xf32, #tpu.memory_space<hbm>>)
    %mul3A_226 = arith.constant 16 : i32
    %mul3A_227 = arith.muli %add3A, %mul3A_226 : i32
    %add3A_228 = arith.constant 4 : i32
    %add3A_229 = arith.addi %mul3A_227, %add3A_228 : i32
    %dma_wait3A_230 = arith.constant 4 : i32
    %dma_wait3A_231 = arith.constant 0 : i32
    %dma_wait3A_232 = tpu.memref_slice %arg7[%dma_wait3A_230, %dma_wait3A_231] : memref<16x64xi32, #tpu.memory_space<vmem>> -> memref<1x64xi32, #tpu.memory_space<vmem>>
    %dma_wait3A_233 = tpu.memref_squeeze %dma_wait3A_232 : memref<1x64xi32, #tpu.memory_space<vmem>> -> memref<64xi32, #tpu.memory_space<vmem>>
    %dma_wait3A_234 = arith.constant 0 : i32
    %dma_wait3A_235 = arith.constant 0 : i32
    %dma_wait3A_236 = tpu.memref_slice %arg2[%dma_wait3A_234, %dma_wait3A_235] : memref<2048x256xf32, #tpu.memory_space<hbm>> -> memref<2048x256xf32, #tpu.memory_space<hbm>>
    tpu.wait_indirect_dma semaphore(%arg13 : memref<!tpu.dma_semaphore, #tpu.memory_space<semaphore_mem>>) src(%dma_wait3A_236 : memref<2048x256xf32, #tpu.memory_space<hbm>>) dst(%arg9 : memref<64x256xf32, #tpu.memory_space<vmem>>)
    %dma_wait3A_237 = arith.constant 4 : i32
    %dma_wait3A_238 = arith.constant 0 : i32
    %dma_wait3A_239 = tpu.memref_slice %arg8[%dma_wait3A_237, %dma_wait3A_238] : memref<16x64xi32, #tpu.memory_space<vmem>> -> memref<1x64xi32, #tpu.memory_space<vmem>>
    %dma_wait3A_240 = tpu.memref_squeeze %dma_wait3A_239 : memref<1x64xi32, #tpu.memory_space<vmem>> -> memref<64xi32, #tpu.memory_space<vmem>>
    %dma_wait3A_241 = arith.constant 0 : i32
    %dma_wait3A_242 = arith.constant 0 : i32
    %dma_wait3A_243 = tpu.memref_slice %arg3[%dma_wait3A_241, %dma_wait3A_242] : memref<2048x256xf32, #tpu.memory_space<hbm>> -> memref<2048x256xf32, #tpu.memory_space<hbm>>
    tpu.wait_indirect_dma semaphore(%arg14 : memref<!tpu.dma_semaphore, #tpu.memory_space<semaphore_mem>>) src(%dma_wait3A_243 : memref<2048x256xf32, #tpu.memory_space<hbm>>) dst(%arg10 : memref<64x256xf32, #tpu.memory_space<vmem>>)
    %scan3A_244 = arith.constant 0 : i32
    %scan3A_245 = arith.constant 0 : i32
    %scan3A_246 = arith.constant 1024 : i32
    %scan3A_247 = arith.addi %scan3A_245, %scan3A_246 : i32
    %scan3A_248 = arith.constant 1 : i32
    %scan3A_249 = scf.for %scan3A_786 = %scan3A_245 to %scan3A_247 step %scan3A_248 iter_args(%scan3A_787 = %scan3A_244) -> (i32)  : i32 {
      %shift_right_logical3A = arith.constant 4 : i32
      %shift_right_logical3A_788 = arith.shrui %scan3A_786, %shift_right_logical3A : i32
      %and3A = arith.constant 15 : i32
      %and3A_789 = arith.andi %scan3A_786, %and3A : i32
      %mul3A_790 = arith.constant 16 : i32
      %mul3A_791 = arith.muli %and3A_789, %mul3A_790 : i32
      %get3A = arith.index_cast %shift_right_logical3A_788 : i32 to index
      %get3A_792 = arith.index_cast %mul3A_791 : i32 to index
      %get3A_793 = tpu.vector_load %arg9[%get3A, %get3A_792] {strides = array<i32>} : memref<64x256xf32, #tpu.memory_space<vmem>>, vector<1x16xf32>,
      %get3A_794 = vector.shape_cast %get3A_793 : vector<1x16xf32> to vector<16xf32>
      %get3A_795 = arith.index_cast %shift_right_logical3A_788 : i32 to index
      %get3A_796 = arith.index_cast %mul3A_791 : i32 to index
      %get3A_797 = tpu.vector_load %arg10[%get3A_795, %get3A_796] {strides = array<i32>} : memref<64x256xf32, #tpu.memory_space<vmem>>, vector<1x16xf32>,
      %get3A_798 = vector.shape_cast %get3A_797 : vector<1x16xf32> to vector<16xf32>
      %add3A_799 = arith.addf %get3A_794, %get3A_798 : vector<16xf32>
      %swap3A = arith.index_cast %shift_right_logical3A_788 : i32 to index
      %swap3A_800 = arith.index_cast %mul3A_791 : i32 to index
      %swap3A_801 = tpu.vector_load %arg9[%swap3A, %swap3A_800] {strides = array<i32>} : memref<64x256xf32, #tpu.memory_space<vmem>>, vector<1x16xf32>,
      %swap3A_802 = vector.shape_cast %swap3A_801 : vector<1x16xf32> to vector<16xf32>
      %swap3A_803 = vector.shape_cast %add3A_799 : vector<16xf32> to vector<1x16xf32>
      tpu.vector_store %arg9[%swap3A, %swap3A_800], %swap3A_803 {strides = array<i32>} : memref<64x256xf32, #tpu.memory_space<vmem>>, vector<1x16xf32>,
      %scan3A_804 = arith.constant 0 : i32
      scf.yield %scan3A_804 : i32
    }
    %scan3A_250 = arith.constant 1024 : i32
    %mul3A_251 = arith.constant 64 : i32
    %mul3A_252 = arith.muli %add3A_229, %mul3A_251 : i32
    %dma_start3A_253 = arith.constant 0 : i32
    %dma_start3A_254 = tpu.memref_slice %arg6[%mul3A_252, %dma_start3A_253] : memref<32768x256xf32, #tpu.memory_space<hbm>> -> memref<64x256xf32, #tpu.memory_space<hbm>>
    %dma_start3A_255 = arith.constant 0 : i32
    %dma_start3A_256 = tpu.memref_slice %arg6[%mul3A_252, %dma_start3A_255] : memref<32768x256xf32, #tpu.memory_space<hbm>> -> memref<64x256xf32, #tpu.memory_space<hbm>>
    tpu.enqueue_dma source(%arg9 : memref<64x256xf32, #tpu.memory_space<vmem>>) target(%dma_start3A_256 : memref<64x256xf32, #tpu.memory_space<hbm>>) target_semaphore(%arg15 : memref<!tpu.dma_semaphore, #tpu.memory_space<semaphore_mem>>)
    %dma_start3A_257 = arith.constant 6 : i32
    %dma_start3A_258 = arith.constant 0 : i32
    %dma_start3A_259 = tpu.memref_slice %arg7[%dma_start3A_257, %dma_start3A_258] : memref<16x64xi32, #tpu.memory_space<vmem>> -> memref<1x64xi32, #tpu.memory_space<vmem>>
    %dma_start3A_260 = tpu.memref_squeeze %dma_start3A_259 : memref<1x64xi32, #tpu.memory_space<vmem>> -> memref<64xi32, #tpu.memory_space<vmem>>
    %dma_start3A_261 = arith.constant 0 : i32
    %dma_start3A_262 = arith.constant 0 : i32
    %dma_start3A_263 = tpu.memref_slice %arg2[%dma_start3A_261, %dma_start3A_262] : memref<2048x256xf32, #tpu.memory_space<hbm>> -> memref<2048x256xf32, #tpu.memory_space<hbm>>
    tpu.enqueue_indirect_dma source(%dma_start3A_263 : memref<2048x256xf32, #tpu.memory_space<hbm>>) target(%arg9 : memref<64x256xf32, #tpu.memory_space<vmem>>) offsets(%dma_start3A_260 : memref<64xi32, #tpu.memory_space<vmem>>) semaphore(%arg13 : memref<!tpu.dma_semaphore, #tpu.memory_space<semaphore_mem>>)
    %dma_start3A_264 = arith.constant 6 : i32
    %dma_start3A_265 = arith.constant 0 : i32
    %dma_start3A_266 = tpu.memref_slice %arg8[%dma_start3A_264, %dma_start3A_265] : memref<16x64xi32, #tpu.memory_space<vmem>> -> memref<1x64xi32, #tpu.memory_space<vmem>>
    %dma_start3A_267 = tpu.memref_squeeze %dma_start3A_266 : memref<1x64xi32, #tpu.memory_space<vmem>> -> memref<64xi32, #tpu.memory_space<vmem>>
    %dma_start3A_268 = arith.constant 0 : i32
    %dma_start3A_269 = arith.constant 0 : i32
    %dma_start3A_270 = tpu.memref_slice %arg3[%dma_start3A_268, %dma_start3A_269] : memref<2048x256xf32, #tpu.memory_space<hbm>> -> memref<2048x256xf32, #tpu.memory_space<hbm>>
    tpu.enqueue_indirect_dma source(%dma_start3A_270 : memref<2048x256xf32, #tpu.memory_space<hbm>>) target(%arg10 : memref<64x256xf32, #tpu.memory_space<vmem>>) offsets(%dma_start3A_267 : memref<64xi32, #tpu.memory_space<vmem>>) semaphore(%arg14 : memref<!tpu.dma_semaphore, #tpu.memory_space<semaphore_mem>>)
    %dma_wait3A_271 = arith.constant 0 : i32
    %dma_wait3A_272 = tpu.memref_slice %arg6[%mul3A_252, %dma_wait3A_271] : memref<32768x256xf32, #tpu.memory_space<hbm>> -> memref<64x256xf32, #tpu.memory_space<hbm>>
    %dma_wait3A_273 = arith.constant 0 : i32
    %dma_wait3A_274 = tpu.memref_slice %arg6[%mul3A_252, %dma_wait3A_273] : memref<32768x256xf32, #tpu.memory_space<hbm>> -> memref<64x256xf32, #tpu.memory_space<hbm>>
    tpu.wait_dma2 semaphore(%arg15 : memref<!tpu.dma_semaphore, #tpu.memory_space<semaphore_mem>>) src(%arg9 : memref<64x256xf32, #tpu.memory_space<vmem>>) dst(%dma_wait3A_274 : memref<64x256xf32, #tpu.memory_space<hbm>>)
    %mul3A_275 = arith.constant 16 : i32
    %mul3A_276 = arith.muli %add3A, %mul3A_275 : i32
    %add3A_277 = arith.constant 5 : i32
    %add3A_278 = arith.addi %mul3A_276, %add3A_277 : i32
    %dma_wait3A_279 = arith.constant 5 : i32
    %dma_wait3A_280 = arith.constant 0 : i32
    %dma_wait3A_281 = tpu.memref_slice %arg7[%dma_wait3A_279, %dma_wait3A_280] : memref<16x64xi32, #tpu.memory_space<vmem>> -> memref<1x64xi32, #tpu.memory_space<vmem>>
    %dma_wait3A_282 = tpu.memref_squeeze %dma_wait3A_281 : memref<1x64xi32, #tpu.memory_space<vmem>> -> memref<64xi32, #tpu.memory_space<vmem>>
    %dma_wait3A_283 = arith.constant 0 : i32
    %dma_wait3A_284 = arith.constant 0 : i32
    %dma_wait3A_285 = tpu.memref_slice %arg2[%dma_wait3A_283, %dma_wait3A_284] : memref<2048x256xf32, #tpu.memory_space<hbm>> -> memref<2048x256xf32, #tpu.memory_space<hbm>>
    tpu.wait_indirect_dma semaphore(%arg13 : memref<!tpu.dma_semaphore, #tpu.memory_space<semaphore_mem>>) src(%dma_wait3A_285 : memref<2048x256xf32, #tpu.memory_space<hbm>>) dst(%arg11 : memref<64x256xf32, #tpu.memory_space<vmem>>)
    %dma_wait3A_286 = arith.constant 5 : i32
    %dma_wait3A_287 = arith.constant 0 : i32
    %dma_wait3A_288 = tpu.memref_slice %arg8[%dma_wait3A_286, %dma_wait3A_287] : memref<16x64xi32, #tpu.memory_space<vmem>> -> memref<1x64xi32, #tpu.memory_space<vmem>>
    %dma_wait3A_289 = tpu.memref_squeeze %dma_wait3A_288 : memref<1x64xi32, #tpu.memory_space<vmem>> -> memref<64xi32, #tpu.memory_space<vmem>>
    %dma_wait3A_290 = arith.constant 0 : i32
    %dma_wait3A_291 = arith.constant 0 : i32
    %dma_wait3A_292 = tpu.memref_slice %arg3[%dma_wait3A_290, %dma_wait3A_291] : memref<2048x256xf32, #tpu.memory_space<hbm>> -> memref<2048x256xf32, #tpu.memory_space<hbm>>
    tpu.wait_indirect_dma semaphore(%arg14 : memref<!tpu.dma_semaphore, #tpu.memory_space<semaphore_mem>>) src(%dma_wait3A_292 : memref<2048x256xf32, #tpu.memory_space<hbm>>) dst(%arg12 : memref<64x256xf32, #tpu.memory_space<vmem>>)
    %scan3A_293 = arith.constant 0 : i32
    %scan3A_294 = arith.constant 0 : i32
    %scan3A_295 = arith.constant 1024 : i32
    %scan3A_296 = arith.addi %scan3A_294, %scan3A_295 : i32
    %scan3A_297 = arith.constant 1 : i32
    %scan3A_298 = scf.for %scan3A_786 = %scan3A_294 to %scan3A_296 step %scan3A_297 iter_args(%scan3A_787 = %scan3A_293) -> (i32)  : i32 {
      %shift_right_logical3A = arith.constant 4 : i32
      %shift_right_logical3A_788 = arith.shrui %scan3A_786, %shift_right_logical3A : i32
      %and3A = arith.constant 15 : i32
      %and3A_789 = arith.andi %scan3A_786, %and3A : i32
      %mul3A_790 = arith.constant 16 : i32
      %mul3A_791 = arith.muli %and3A_789, %mul3A_790 : i32
      %get3A = arith.index_cast %shift_right_logical3A_788 : i32 to index
      %get3A_792 = arith.index_cast %mul3A_791 : i32 to index
      %get3A_793 = tpu.vector_load %arg11[%get3A, %get3A_792] {strides = array<i32>} : memref<64x256xf32, #tpu.memory_space<vmem>>, vector<1x16xf32>,
      %get3A_794 = vector.shape_cast %get3A_793 : vector<1x16xf32> to vector<16xf32>
      %get3A_795 = arith.index_cast %shift_right_logical3A_788 : i32 to index
      %get3A_796 = arith.index_cast %mul3A_791 : i32 to index
      %get3A_797 = tpu.vector_load %arg12[%get3A_795, %get3A_796] {strides = array<i32>} : memref<64x256xf32, #tpu.memory_space<vmem>>, vector<1x16xf32>,
      %get3A_798 = vector.shape_cast %get3A_797 : vector<1x16xf32> to vector<16xf32>
      %add3A_799 = arith.addf %get3A_794, %get3A_798 : vector<16xf32>
      %swap3A = arith.index_cast %shift_right_logical3A_788 : i32 to index
      %swap3A_800 = arith.index_cast %mul3A_791 : i32 to index
      %swap3A_801 = tpu.vector_load %arg11[%swap3A, %swap3A_800] {strides = array<i32>} : memref<64x256xf32, #tpu.memory_space<vmem>>, vector<1x16xf32>,
      %swap3A_802 = vector.shape_cast %swap3A_801 : vector<1x16xf32> to vector<16xf32>
      %swap3A_803 = vector.shape_cast %add3A_799 : vector<16xf32> to vector<1x16xf32>
      tpu.vector_store %arg11[%swap3A, %swap3A_800], %swap3A_803 {strides = array<i32>} : memref<64x256xf32, #tpu.memory_space<vmem>>, vector<1x16xf32>,
      %scan3A_804 = arith.constant 0 : i32
      scf.yield %scan3A_804 : i32
    }
    %scan3A_299 = arith.constant 1024 : i32
    %mul3A_300 = arith.constant 64 : i32
    %mul3A_301 = arith.muli %add3A_278, %mul3A_300 : i32
    %dma_start3A_302 = arith.constant 0 : i32
    %dma_start3A_303 = tpu.memref_slice %arg6[%mul3A_301, %dma_start3A_302] : memref<32768x256xf32, #tpu.memory_space<hbm>> -> memref<64x256xf32, #tpu.memory_space<hbm>>
    %dma_start3A_304 = arith.constant 0 : i32
    %dma_start3A_305 = tpu.memref_slice %arg6[%mul3A_301, %dma_start3A_304] : memref<32768x256xf32, #tpu.memory_space<hbm>> -> memref<64x256xf32, #tpu.memory_space<hbm>>
    tpu.enqueue_dma source(%arg11 : memref<64x256xf32, #tpu.memory_space<vmem>>) target(%dma_start3A_305 : memref<64x256xf32, #tpu.memory_space<hbm>>) target_semaphore(%arg15 : memref<!tpu.dma_semaphore, #tpu.memory_space<semaphore_mem>>)
    %dma_start3A_306 = arith.constant 7 : i32
    %dma_start3A_307 = arith.constant 0 : i32
    %dma_start3A_308 = tpu.memref_slice %arg7[%dma_start3A_306, %dma_start3A_307] : memref<16x64xi32, #tpu.memory_space<vmem>> -> memref<1x64xi32, #tpu.memory_space<vmem>>
    %dma_start3A_309 = tpu.memref_squeeze %dma_start3A_308 : memref<1x64xi32, #tpu.memory_space<vmem>> -> memref<64xi32, #tpu.memory_space<vmem>>
    %dma_start3A_310 = arith.constant 0 : i32
    %dma_start3A_311 = arith.constant 0 : i32
    %dma_start3A_312 = tpu.memref_slice %arg2[%dma_start3A_310, %dma_start3A_311] : memref<2048x256xf32, #tpu.memory_space<hbm>> -> memref<2048x256xf32, #tpu.memory_space<hbm>>
    tpu.enqueue_indirect_dma source(%dma_start3A_312 : memref<2048x256xf32, #tpu.memory_space<hbm>>) target(%arg11 : memref<64x256xf32, #tpu.memory_space<vmem>>) offsets(%dma_start3A_309 : memref<64xi32, #tpu.memory_space<vmem>>) semaphore(%arg13 : memref<!tpu.dma_semaphore, #tpu.memory_space<semaphore_mem>>)
    %dma_start3A_313 = arith.constant 7 : i32
    %dma_start3A_314 = arith.constant 0 : i32
    %dma_start3A_315 = tpu.memref_slice %arg8[%dma_start3A_313, %dma_start3A_314] : memref<16x64xi32, #tpu.memory_space<vmem>> -> memref<1x64xi32, #tpu.memory_space<vmem>>
    %dma_start3A_316 = tpu.memref_squeeze %dma_start3A_315 : memref<1x64xi32, #tpu.memory_space<vmem>> -> memref<64xi32, #tpu.memory_space<vmem>>
    %dma_start3A_317 = arith.constant 0 : i32
    %dma_start3A_318 = arith.constant 0 : i32
    %dma_start3A_319 = tpu.memref_slice %arg3[%dma_start3A_317, %dma_start3A_318] : memref<2048x256xf32, #tpu.memory_space<hbm>> -> memref<2048x256xf32, #tpu.memory_space<hbm>>
    tpu.enqueue_indirect_dma source(%dma_start3A_319 : memref<2048x256xf32, #tpu.memory_space<hbm>>) target(%arg12 : memref<64x256xf32, #tpu.memory_space<vmem>>) offsets(%dma_start3A_316 : memref<64xi32, #tpu.memory_space<vmem>>) semaphore(%arg14 : memref<!tpu.dma_semaphore, #tpu.memory_space<semaphore_mem>>)
    %dma_wait3A_320 = arith.constant 0 : i32
    %dma_wait3A_321 = tpu.memref_slice %arg6[%mul3A_301, %dma_wait3A_320] : memref<32768x256xf32, #tpu.memory_space<hbm>> -> memref<64x256xf32, #tpu.memory_space<hbm>>
    %dma_wait3A_322 = arith.constant 0 : i32
    %dma_wait3A_323 = tpu.memref_slice %arg6[%mul3A_301, %dma_wait3A_322] : memref<32768x256xf32, #tpu.memory_space<hbm>> -> memref<64x256xf32, #tpu.memory_space<hbm>>
    tpu.wait_dma2 semaphore(%arg15 : memref<!tpu.dma_semaphore, #tpu.memory_space<semaphore_mem>>) src(%arg11 : memref<64x256xf32, #tpu.memory_space<vmem>>) dst(%dma_wait3A_323 : memref<64x256xf32, #tpu.memory_space<hbm>>)
    %mul3A_324 = arith.constant 16 : i32
    %mul3A_325 = arith.muli %add3A, %mul3A_324 : i32
    %add3A_326 = arith.constant 6 : i32
    %add3A_327 = arith.addi %mul3A_325, %add3A_326 : i32
    %dma_wait3A_328 = arith.constant 6 : i32
    %dma_wait3A_329 = arith.constant 0 : i32
    %dma_wait3A_330 = tpu.memref_slice %arg7[%dma_wait3A_328, %dma_wait3A_329] : memref<16x64xi32, #tpu.memory_space<vmem>> -> memref<1x64xi32, #tpu.memory_space<vmem>>
    %dma_wait3A_331 = tpu.memref_squeeze %dma_wait3A_330 : memref<1x64xi32, #tpu.memory_space<vmem>> -> memref<64xi32, #tpu.memory_space<vmem>>
    %dma_wait3A_332 = arith.constant 0 : i32
    %dma_wait3A_333 = arith.constant 0 : i32
    %dma_wait3A_334 = tpu.memref_slice %arg2[%dma_wait3A_332, %dma_wait3A_333] : memref<2048x256xf32, #tpu.memory_space<hbm>> -> memref<2048x256xf32, #tpu.memory_space<hbm>>
    tpu.wait_indirect_dma semaphore(%arg13 : memref<!tpu.dma_semaphore, #tpu.memory_space<semaphore_mem>>) src(%dma_wait3A_334 : memref<2048x256xf32, #tpu.memory_space<hbm>>) dst(%arg9 : memref<64x256xf32, #tpu.memory_space<vmem>>)
    %dma_wait3A_335 = arith.constant 6 : i32
    %dma_wait3A_336 = arith.constant 0 : i32
    %dma_wait3A_337 = tpu.memref_slice %arg8[%dma_wait3A_335, %dma_wait3A_336] : memref<16x64xi32, #tpu.memory_space<vmem>> -> memref<1x64xi32, #tpu.memory_space<vmem>>
    %dma_wait3A_338 = tpu.memref_squeeze %dma_wait3A_337 : memref<1x64xi32, #tpu.memory_space<vmem>> -> memref<64xi32, #tpu.memory_space<vmem>>
    %dma_wait3A_339 = arith.constant 0 : i32
    %dma_wait3A_340 = arith.constant 0 : i32
    %dma_wait3A_341 = tpu.memref_slice %arg3[%dma_wait3A_339, %dma_wait3A_340] : memref<2048x256xf32, #tpu.memory_space<hbm>> -> memref<2048x256xf32, #tpu.memory_space<hbm>>
    tpu.wait_indirect_dma semaphore(%arg14 : memref<!tpu.dma_semaphore, #tpu.memory_space<semaphore_mem>>) src(%dma_wait3A_341 : memref<2048x256xf32, #tpu.memory_space<hbm>>) dst(%arg10 : memref<64x256xf32, #tpu.memory_space<vmem>>)
    %scan3A_342 = arith.constant 0 : i32
    %scan3A_343 = arith.constant 0 : i32
    %scan3A_344 = arith.constant 1024 : i32
    %scan3A_345 = arith.addi %scan3A_343, %scan3A_344 : i32
    %scan3A_346 = arith.constant 1 : i32
    %scan3A_347 = scf.for %scan3A_786 = %scan3A_343 to %scan3A_345 step %scan3A_346 iter_args(%scan3A_787 = %scan3A_342) -> (i32)  : i32 {
      %shift_right_logical3A = arith.constant 4 : i32
      %shift_right_logical3A_788 = arith.shrui %scan3A_786, %shift_right_logical3A : i32
      %and3A = arith.constant 15 : i32
      %and3A_789 = arith.andi %scan3A_786, %and3A : i32
      %mul3A_790 = arith.constant 16 : i32
      %mul3A_791 = arith.muli %and3A_789, %mul3A_790 : i32
      %get3A = arith.index_cast %shift_right_logical3A_788 : i32 to index
      %get3A_792 = arith.index_cast %mul3A_791 : i32 to index
      %get3A_793 = tpu.vector_load %arg9[%get3A, %get3A_792] {strides = array<i32>} : memref<64x256xf32, #tpu.memory_space<vmem>>, vector<1x16xf32>,
      %get3A_794 = vector.shape_cast %get3A_793 : vector<1x16xf32> to vector<16xf32>
      %get3A_795 = arith.index_cast %shift_right_logical3A_788 : i32 to index
      %get3A_796 = arith.index_cast %mul3A_791 : i32 to index
      %get3A_797 = tpu.vector_load %arg10[%get3A_795, %get3A_796] {strides = array<i32>} : memref<64x256xf32, #tpu.memory_space<vmem>>, vector<1x16xf32>,
      %get3A_798 = vector.shape_cast %get3A_797 : vector<1x16xf32> to vector<16xf32>
      %add3A_799 = arith.addf %get3A_794, %get3A_798 : vector<16xf32>
      %swap3A = arith.index_cast %shift_right_logical3A_788 : i32 to index
      %swap3A_800 = arith.index_cast %mul3A_791 : i32 to index
      %swap3A_801 = tpu.vector_load %arg9[%swap3A, %swap3A_800] {strides = array<i32>} : memref<64x256xf32, #tpu.memory_space<vmem>>, vector<1x16xf32>,
      %swap3A_802 = vector.shape_cast %swap3A_801 : vector<1x16xf32> to vector<16xf32>
      %swap3A_803 = vector.shape_cast %add3A_799 : vector<16xf32> to vector<1x16xf32>
      tpu.vector_store %arg9[%swap3A, %swap3A_800], %swap3A_803 {strides = array<i32>} : memref<64x256xf32, #tpu.memory_space<vmem>>, vector<1x16xf32>,
      %scan3A_804 = arith.constant 0 : i32
      scf.yield %scan3A_804 : i32
    }
    %scan3A_348 = arith.constant 1024 : i32
    %mul3A_349 = arith.constant 64 : i32
    %mul3A_350 = arith.muli %add3A_327, %mul3A_349 : i32
    %dma_start3A_351 = arith.constant 0 : i32
    %dma_start3A_352 = tpu.memref_slice %arg6[%mul3A_350, %dma_start3A_351] : memref<32768x256xf32, #tpu.memory_space<hbm>> -> memref<64x256xf32, #tpu.memory_space<hbm>>
    %dma_start3A_353 = arith.constant 0 : i32
    %dma_start3A_354 = tpu.memref_slice %arg6[%mul3A_350, %dma_start3A_353] : memref<32768x256xf32, #tpu.memory_space<hbm>> -> memref<64x256xf32, #tpu.memory_space<hbm>>
    tpu.enqueue_dma source(%arg9 : memref<64x256xf32, #tpu.memory_space<vmem>>) target(%dma_start3A_354 : memref<64x256xf32, #tpu.memory_space<hbm>>) target_semaphore(%arg15 : memref<!tpu.dma_semaphore, #tpu.memory_space<semaphore_mem>>)
    %dma_start3A_355 = arith.constant 8 : i32
    %dma_start3A_356 = arith.constant 0 : i32
    %dma_start3A_357 = tpu.memref_slice %arg7[%dma_start3A_355, %dma_start3A_356] : memref<16x64xi32, #tpu.memory_space<vmem>> -> memref<1x64xi32, #tpu.memory_space<vmem>>
    %dma_start3A_358 = tpu.memref_squeeze %dma_start3A_357 : memref<1x64xi32, #tpu.memory_space<vmem>> -> memref<64xi32, #tpu.memory_space<vmem>>
    %dma_start3A_359 = arith.constant 0 : i32
    %dma_start3A_360 = arith.constant 0 : i32
    %dma_start3A_361 = tpu.memref_slice %arg2[%dma_start3A_359, %dma_start3A_360] : memref<2048x256xf32, #tpu.memory_space<hbm>> -> memref<2048x256xf32, #tpu.memory_space<hbm>>
    tpu.enqueue_indirect_dma source(%dma_start3A_361 : memref<2048x256xf32, #tpu.memory_space<hbm>>) target(%arg9 : memref<64x256xf32, #tpu.memory_space<vmem>>) offsets(%dma_start3A_358 : memref<64xi32, #tpu.memory_space<vmem>>) semaphore(%arg13 : memref<!tpu.dma_semaphore, #tpu.memory_space<semaphore_mem>>)
    %dma_start3A_362 = arith.constant 8 : i32
    %dma_start3A_363 = arith.constant 0 : i32
    %dma_start3A_364 = tpu.memref_slice %arg8[%dma_start3A_362, %dma_start3A_363] : memref<16x64xi32, #tpu.memory_space<vmem>> -> memref<1x64xi32, #tpu.memory_space<vmem>>
    %dma_start3A_365 = tpu.memref_squeeze %dma_start3A_364 : memref<1x64xi32, #tpu.memory_space<vmem>> -> memref<64xi32, #tpu.memory_space<vmem>>
    %dma_start3A_366 = arith.constant 0 : i32
    %dma_start3A_367 = arith.constant 0 : i32
    %dma_start3A_368 = tpu.memref_slice %arg3[%dma_start3A_366, %dma_start3A_367] : memref<2048x256xf32, #tpu.memory_space<hbm>> -> memref<2048x256xf32, #tpu.memory_space<hbm>>
    tpu.enqueue_indirect_dma source(%dma_start3A_368 : memref<2048x256xf32, #tpu.memory_space<hbm>>) target(%arg10 : memref<64x256xf32, #tpu.memory_space<vmem>>) offsets(%dma_start3A_365 : memref<64xi32, #tpu.memory_space<vmem>>) semaphore(%arg14 : memref<!tpu.dma_semaphore, #tpu.memory_space<semaphore_mem>>)
    %dma_wait3A_369 = arith.constant 0 : i32
    %dma_wait3A_370 = tpu.memref_slice %arg6[%mul3A_350, %dma_wait3A_369] : memref<32768x256xf32, #tpu.memory_space<hbm>> -> memref<64x256xf32, #tpu.memory_space<hbm>>
    %dma_wait3A_371 = arith.constant 0 : i32
    %dma_wait3A_372 = tpu.memref_slice %arg6[%mul3A_350, %dma_wait3A_371] : memref<32768x256xf32, #tpu.memory_space<hbm>> -> memref<64x256xf32, #tpu.memory_space<hbm>>
    tpu.wait_dma2 semaphore(%arg15 : memref<!tpu.dma_semaphore, #tpu.memory_space<semaphore_mem>>) src(%arg9 : memref<64x256xf32, #tpu.memory_space<vmem>>) dst(%dma_wait3A_372 : memref<64x256xf32, #tpu.memory_space<hbm>>)
    %mul3A_373 = arith.constant 16 : i32
    %mul3A_374 = arith.muli %add3A, %mul3A_373 : i32
    %add3A_375 = arith.constant 7 : i32
    %add3A_376 = arith.addi %mul3A_374, %add3A_375 : i32
    %dma_wait3A_377 = arith.constant 7 : i32
    %dma_wait3A_378 = arith.constant 0 : i32
    %dma_wait3A_379 = tpu.memref_slice %arg7[%dma_wait3A_377, %dma_wait3A_378] : memref<16x64xi32, #tpu.memory_space<vmem>> -> memref<1x64xi32, #tpu.memory_space<vmem>>
    %dma_wait3A_380 = tpu.memref_squeeze %dma_wait3A_379 : memref<1x64xi32, #tpu.memory_space<vmem>> -> memref<64xi32, #tpu.memory_space<vmem>>
    %dma_wait3A_381 = arith.constant 0 : i32
    %dma_wait3A_382 = arith.constant 0 : i32
    %dma_wait3A_383 = tpu.memref_slice %arg2[%dma_wait3A_381, %dma_wait3A_382] : memref<2048x256xf32, #tpu.memory_space<hbm>> -> memref<2048x256xf32, #tpu.memory_space<hbm>>
    tpu.wait_indirect_dma semaphore(%arg13 : memref<!tpu.dma_semaphore, #tpu.memory_space<semaphore_mem>>) src(%dma_wait3A_383 : memref<2048x256xf32, #tpu.memory_space<hbm>>) dst(%arg11 : memref<64x256xf32, #tpu.memory_space<vmem>>)
    %dma_wait3A_384 = arith.constant 7 : i32
    %dma_wait3A_385 = arith.constant 0 : i32
    %dma_wait3A_386 = tpu.memref_slice %arg8[%dma_wait3A_384, %dma_wait3A_385] : memref<16x64xi32, #tpu.memory_space<vmem>> -> memref<1x64xi32, #tpu.memory_space<vmem>>
    %dma_wait3A_387 = tpu.memref_squeeze %dma_wait3A_386 : memref<1x64xi32, #tpu.memory_space<vmem>> -> memref<64xi32, #tpu.memory_space<vmem>>
    %dma_wait3A_388 = arith.constant 0 : i32
    %dma_wait3A_389 = arith.constant 0 : i32
    %dma_wait3A_390 = tpu.memref_slice %arg3[%dma_wait3A_388, %dma_wait3A_389] : memref<2048x256xf32, #tpu.memory_space<hbm>> -> memref<2048x256xf32, #tpu.memory_space<hbm>>
    tpu.wait_indirect_dma semaphore(%arg14 : memref<!tpu.dma_semaphore, #tpu.memory_space<semaphore_mem>>) src(%dma_wait3A_390 : memref<2048x256xf32, #tpu.memory_space<hbm>>) dst(%arg12 : memref<64x256xf32, #tpu.memory_space<vmem>>)
    %scan3A_391 = arith.constant 0 : i32
    %scan3A_392 = arith.constant 0 : i32
    %scan3A_393 = arith.constant 1024 : i32
    %scan3A_394 = arith.addi %scan3A_392, %scan3A_393 : i32
    %scan3A_395 = arith.constant 1 : i32
    %scan3A_396 = scf.for %scan3A_786 = %scan3A_392 to %scan3A_394 step %scan3A_395 iter_args(%scan3A_787 = %scan3A_391) -> (i32)  : i32 {
      %shift_right_logical3A = arith.constant 4 : i32
      %shift_right_logical3A_788 = arith.shrui %scan3A_786, %shift_right_logical3A : i32
      %and3A = arith.constant 15 : i32
      %and3A_789 = arith.andi %scan3A_786, %and3A : i32
      %mul3A_790 = arith.constant 16 : i32
      %mul3A_791 = arith.muli %and3A_789, %mul3A_790 : i32
      %get3A = arith.index_cast %shift_right_logical3A_788 : i32 to index
      %get3A_792 = arith.index_cast %mul3A_791 : i32 to index
      %get3A_793 = tpu.vector_load %arg11[%get3A, %get3A_792] {strides = array<i32>} : memref<64x256xf32, #tpu.memory_space<vmem>>, vector<1x16xf32>,
      %get3A_794 = vector.shape_cast %get3A_793 : vector<1x16xf32> to vector<16xf32>
      %get3A_795 = arith.index_cast %shift_right_logical3A_788 : i32 to index
      %get3A_796 = arith.index_cast %mul3A_791 : i32 to index
      %get3A_797 = tpu.vector_load %arg12[%get3A_795, %get3A_796] {strides = array<i32>} : memref<64x256xf32, #tpu.memory_space<vmem>>, vector<1x16xf32>,
      %get3A_798 = vector.shape_cast %get3A_797 : vector<1x16xf32> to vector<16xf32>
      %add3A_799 = arith.addf %get3A_794, %get3A_798 : vector<16xf32>
      %swap3A = arith.index_cast %shift_right_logical3A_788 : i32 to index
      %swap3A_800 = arith.index_cast %mul3A_791 : i32 to index
      %swap3A_801 = tpu.vector_load %arg11[%swap3A, %swap3A_800] {strides = array<i32>} : memref<64x256xf32, #tpu.memory_space<vmem>>, vector<1x16xf32>,
      %swap3A_802 = vector.shape_cast %swap3A_801 : vector<1x16xf32> to vector<16xf32>
      %swap3A_803 = vector.shape_cast %add3A_799 : vector<16xf32> to vector<1x16xf32>
      tpu.vector_store %arg11[%swap3A, %swap3A_800], %swap3A_803 {strides = array<i32>} : memref<64x256xf32, #tpu.memory_space<vmem>>, vector<1x16xf32>,
      %scan3A_804 = arith.constant 0 : i32
      scf.yield %scan3A_804 : i32
    }
    %scan3A_397 = arith.constant 1024 : i32
    %mul3A_398 = arith.constant 64 : i32
    %mul3A_399 = arith.muli %add3A_376, %mul3A_398 : i32
    %dma_start3A_400 = arith.constant 0 : i32
    %dma_start3A_401 = tpu.memref_slice %arg6[%mul3A_399, %dma_start3A_400] : memref<32768x256xf32, #tpu.memory_space<hbm>> -> memref<64x256xf32, #tpu.memory_space<hbm>>
    %dma_start3A_402 = arith.constant 0 : i32
    %dma_start3A_403 = tpu.memref_slice %arg6[%mul3A_399, %dma_start3A_402] : memref<32768x256xf32, #tpu.memory_space<hbm>> -> memref<64x256xf32, #tpu.memory_space<hbm>>
    tpu.enqueue_dma source(%arg11 : memref<64x256xf32, #tpu.memory_space<vmem>>) target(%dma_start3A_403 : memref<64x256xf32, #tpu.memory_space<hbm>>) target_semaphore(%arg15 : memref<!tpu.dma_semaphore, #tpu.memory_space<semaphore_mem>>)
    %dma_start3A_404 = arith.constant 9 : i32
    %dma_start3A_405 = arith.constant 0 : i32
    %dma_start3A_406 = tpu.memref_slice %arg7[%dma_start3A_404, %dma_start3A_405] : memref<16x64xi32, #tpu.memory_space<vmem>> -> memref<1x64xi32, #tpu.memory_space<vmem>>
    %dma_start3A_407 = tpu.memref_squeeze %dma_start3A_406 : memref<1x64xi32, #tpu.memory_space<vmem>> -> memref<64xi32, #tpu.memory_space<vmem>>
    %dma_start3A_408 = arith.constant 0 : i32
    %dma_start3A_409 = arith.constant 0 : i32
    %dma_start3A_410 = tpu.memref_slice %arg2[%dma_start3A_408, %dma_start3A_409] : memref<2048x256xf32, #tpu.memory_space<hbm>> -> memref<2048x256xf32, #tpu.memory_space<hbm>>
    tpu.enqueue_indirect_dma source(%dma_start3A_410 : memref<2048x256xf32, #tpu.memory_space<hbm>>) target(%arg11 : memref<64x256xf32, #tpu.memory_space<vmem>>) offsets(%dma_start3A_407 : memref<64xi32, #tpu.memory_space<vmem>>) semaphore(%arg13 : memref<!tpu.dma_semaphore, #tpu.memory_space<semaphore_mem>>)
    %dma_start3A_411 = arith.constant 9 : i32
    %dma_start3A_412 = arith.constant 0 : i32
    %dma_start3A_413 = tpu.memref_slice %arg8[%dma_start3A_411, %dma_start3A_412] : memref<16x64xi32, #tpu.memory_space<vmem>> -> memref<1x64xi32, #tpu.memory_space<vmem>>
    %dma_start3A_414 = tpu.memref_squeeze %dma_start3A_413 : memref<1x64xi32, #tpu.memory_space<vmem>> -> memref<64xi32, #tpu.memory_space<vmem>>
    %dma_start3A_415 = arith.constant 0 : i32
    %dma_start3A_416 = arith.constant 0 : i32
    %dma_start3A_417 = tpu.memref_slice %arg3[%dma_start3A_415, %dma_start3A_416] : memref<2048x256xf32, #tpu.memory_space<hbm>> -> memref<2048x256xf32, #tpu.memory_space<hbm>>
    tpu.enqueue_indirect_dma source(%dma_start3A_417 : memref<2048x256xf32, #tpu.memory_space<hbm>>) target(%arg12 : memref<64x256xf32, #tpu.memory_space<vmem>>) offsets(%dma_start3A_414 : memref<64xi32, #tpu.memory_space<vmem>>) semaphore(%arg14 : memref<!tpu.dma_semaphore, #tpu.memory_space<semaphore_mem>>)
    %dma_wait3A_418 = arith.constant 0 : i32
    %dma_wait3A_419 = tpu.memref_slice %arg6[%mul3A_399, %dma_wait3A_418] : memref<32768x256xf32, #tpu.memory_space<hbm>> -> memref<64x256xf32, #tpu.memory_space<hbm>>
    %dma_wait3A_420 = arith.constant 0 : i32
    %dma_wait3A_421 = tpu.memref_slice %arg6[%mul3A_399, %dma_wait3A_420] : memref<32768x256xf32, #tpu.memory_space<hbm>> -> memref<64x256xf32, #tpu.memory_space<hbm>>
    tpu.wait_dma2 semaphore(%arg15 : memref<!tpu.dma_semaphore, #tpu.memory_space<semaphore_mem>>) src(%arg11 : memref<64x256xf32, #tpu.memory_space<vmem>>) dst(%dma_wait3A_421 : memref<64x256xf32, #tpu.memory_space<hbm>>)
    %mul3A_422 = arith.constant 16 : i32
    %mul3A_423 = arith.muli %add3A, %mul3A_422 : i32
    %add3A_424 = arith.constant 8 : i32
    %add3A_425 = arith.addi %mul3A_423, %add3A_424 : i32
    %dma_wait3A_426 = arith.constant 8 : i32
    %dma_wait3A_427 = arith.constant 0 : i32
    %dma_wait3A_428 = tpu.memref_slice %arg7[%dma_wait3A_426, %dma_wait3A_427] : memref<16x64xi32, #tpu.memory_space<vmem>> -> memref<1x64xi32, #tpu.memory_space<vmem>>
    %dma_wait3A_429 = tpu.memref_squeeze %dma_wait3A_428 : memref<1x64xi32, #tpu.memory_space<vmem>> -> memref<64xi32, #tpu.memory_space<vmem>>
    %dma_wait3A_430 = arith.constant 0 : i32
    %dma_wait3A_431 = arith.constant 0 : i32
    %dma_wait3A_432 = tpu.memref_slice %arg2[%dma_wait3A_430, %dma_wait3A_431] : memref<2048x256xf32, #tpu.memory_space<hbm>> -> memref<2048x256xf32, #tpu.memory_space<hbm>>
    tpu.wait_indirect_dma semaphore(%arg13 : memref<!tpu.dma_semaphore, #tpu.memory_space<semaphore_mem>>) src(%dma_wait3A_432 : memref<2048x256xf32, #tpu.memory_space<hbm>>) dst(%arg9 : memref<64x256xf32, #tpu.memory_space<vmem>>)
    %dma_wait3A_433 = arith.constant 8 : i32
    %dma_wait3A_434 = arith.constant 0 : i32
    %dma_wait3A_435 = tpu.memref_slice %arg8[%dma_wait3A_433, %dma_wait3A_434] : memref<16x64xi32, #tpu.memory_space<vmem>> -> memref<1x64xi32, #tpu.memory_space<vmem>>
    %dma_wait3A_436 = tpu.memref_squeeze %dma_wait3A_435 : memref<1x64xi32, #tpu.memory_space<vmem>> -> memref<64xi32, #tpu.memory_space<vmem>>
    %dma_wait3A_437 = arith.constant 0 : i32
    %dma_wait3A_438 = arith.constant 0 : i32
    %dma_wait3A_439 = tpu.memref_slice %arg3[%dma_wait3A_437, %dma_wait3A_438] : memref<2048x256xf32, #tpu.memory_space<hbm>> -> memref<2048x256xf32, #tpu.memory_space<hbm>>
    tpu.wait_indirect_dma semaphore(%arg14 : memref<!tpu.dma_semaphore, #tpu.memory_space<semaphore_mem>>) src(%dma_wait3A_439 : memref<2048x256xf32, #tpu.memory_space<hbm>>) dst(%arg10 : memref<64x256xf32, #tpu.memory_space<vmem>>)
    %scan3A_440 = arith.constant 0 : i32
    %scan3A_441 = arith.constant 0 : i32
    %scan3A_442 = arith.constant 1024 : i32
    %scan3A_443 = arith.addi %scan3A_441, %scan3A_442 : i32
    %scan3A_444 = arith.constant 1 : i32
    %scan3A_445 = scf.for %scan3A_786 = %scan3A_441 to %scan3A_443 step %scan3A_444 iter_args(%scan3A_787 = %scan3A_440) -> (i32)  : i32 {
      %shift_right_logical3A = arith.constant 4 : i32
      %shift_right_logical3A_788 = arith.shrui %scan3A_786, %shift_right_logical3A : i32
      %and3A = arith.constant 15 : i32
      %and3A_789 = arith.andi %scan3A_786, %and3A : i32
      %mul3A_790 = arith.constant 16 : i32
      %mul3A_791 = arith.muli %and3A_789, %mul3A_790 : i32
      %get3A = arith.index_cast %shift_right_logical3A_788 : i32 to index
      %get3A_792 = arith.index_cast %mul3A_791 : i32 to index
      %get3A_793 = tpu.vector_load %arg9[%get3A, %get3A_792] {strides = array<i32>} : memref<64x256xf32, #tpu.memory_space<vmem>>, vector<1x16xf32>,
      %get3A_794 = vector.shape_cast %get3A_793 : vector<1x16xf32> to vector<16xf32>
      %get3A_795 = arith.index_cast %shift_right_logical3A_788 : i32 to index
      %get3A_796 = arith.index_cast %mul3A_791 : i32 to index
      %get3A_797 = tpu.vector_load %arg10[%get3A_795, %get3A_796] {strides = array<i32>} : memref<64x256xf32, #tpu.memory_space<vmem>>, vector<1x16xf32>,
      %get3A_798 = vector.shape_cast %get3A_797 : vector<1x16xf32> to vector<16xf32>
      %add3A_799 = arith.addf %get3A_794, %get3A_798 : vector<16xf32>
      %swap3A = arith.index_cast %shift_right_logical3A_788 : i32 to index
      %swap3A_800 = arith.index_cast %mul3A_791 : i32 to index
      %swap3A_801 = tpu.vector_load %arg9[%swap3A, %swap3A_800] {strides = array<i32>} : memref<64x256xf32, #tpu.memory_space<vmem>>, vector<1x16xf32>,
      %swap3A_802 = vector.shape_cast %swap3A_801 : vector<1x16xf32> to vector<16xf32>
      %swap3A_803 = vector.shape_cast %add3A_799 : vector<16xf32> to vector<1x16xf32>
      tpu.vector_store %arg9[%swap3A, %swap3A_800], %swap3A_803 {strides = array<i32>} : memref<64x256xf32, #tpu.memory_space<vmem>>, vector<1x16xf32>,
      %scan3A_804 = arith.constant 0 : i32
      scf.yield %scan3A_804 : i32
    }
    %scan3A_446 = arith.constant 1024 : i32
    %mul3A_447 = arith.constant 64 : i32
    %mul3A_448 = arith.muli %add3A_425, %mul3A_447 : i32
    %dma_start3A_449 = arith.constant 0 : i32
    %dma_start3A_450 = tpu.memref_slice %arg6[%mul3A_448, %dma_start3A_449] : memref<32768x256xf32, #tpu.memory_space<hbm>> -> memref<64x256xf32, #tpu.memory_space<hbm>>
    %dma_start3A_451 = arith.constant 0 : i32
    %dma_start3A_452 = tpu.memref_slice %arg6[%mul3A_448, %dma_start3A_451] : memref<32768x256xf32, #tpu.memory_space<hbm>> -> memref<64x256xf32, #tpu.memory_space<hbm>>
    tpu.enqueue_dma source(%arg9 : memref<64x256xf32, #tpu.memory_space<vmem>>) target(%dma_start3A_452 : memref<64x256xf32, #tpu.memory_space<hbm>>) target_semaphore(%arg15 : memref<!tpu.dma_semaphore, #tpu.memory_space<semaphore_mem>>)
    %dma_start3A_453 = arith.constant 10 : i32
    %dma_start3A_454 = arith.constant 0 : i32
    %dma_start3A_455 = tpu.memref_slice %arg7[%dma_start3A_453, %dma_start3A_454] : memref<16x64xi32, #tpu.memory_space<vmem>> -> memref<1x64xi32, #tpu.memory_space<vmem>>
    %dma_start3A_456 = tpu.memref_squeeze %dma_start3A_455 : memref<1x64xi32, #tpu.memory_space<vmem>> -> memref<64xi32, #tpu.memory_space<vmem>>
    %dma_start3A_457 = arith.constant 0 : i32
    %dma_start3A_458 = arith.constant 0 : i32
    %dma_start3A_459 = tpu.memref_slice %arg2[%dma_start3A_457, %dma_start3A_458] : memref<2048x256xf32, #tpu.memory_space<hbm>> -> memref<2048x256xf32, #tpu.memory_space<hbm>>
    tpu.enqueue_indirect_dma source(%dma_start3A_459 : memref<2048x256xf32, #tpu.memory_space<hbm>>) target(%arg9 : memref<64x256xf32, #tpu.memory_space<vmem>>) offsets(%dma_start3A_456 : memref<64xi32, #tpu.memory_space<vmem>>) semaphore(%arg13 : memref<!tpu.dma_semaphore, #tpu.memory_space<semaphore_mem>>)
    %dma_start3A_460 = arith.constant 10 : i32
    %dma_start3A_461 = arith.constant 0 : i32
    %dma_start3A_462 = tpu.memref_slice %arg8[%dma_start3A_460, %dma_start3A_461] : memref<16x64xi32, #tpu.memory_space<vmem>> -> memref<1x64xi32, #tpu.memory_space<vmem>>
    %dma_start3A_463 = tpu.memref_squeeze %dma_start3A_462 : memref<1x64xi32, #tpu.memory_space<vmem>> -> memref<64xi32, #tpu.memory_space<vmem>>
    %dma_start3A_464 = arith.constant 0 : i32
    %dma_start3A_465 = arith.constant 0 : i32
    %dma_start3A_466 = tpu.memref_slice %arg3[%dma_start3A_464, %dma_start3A_465] : memref<2048x256xf32, #tpu.memory_space<hbm>> -> memref<2048x256xf32, #tpu.memory_space<hbm>>
    tpu.enqueue_indirect_dma source(%dma_start3A_466 : memref<2048x256xf32, #tpu.memory_space<hbm>>) target(%arg10 : memref<64x256xf32, #tpu.memory_space<vmem>>) offsets(%dma_start3A_463 : memref<64xi32, #tpu.memory_space<vmem>>) semaphore(%arg14 : memref<!tpu.dma_semaphore, #tpu.memory_space<semaphore_mem>>)
    %dma_wait3A_467 = arith.constant 0 : i32
    %dma_wait3A_468 = tpu.memref_slice %arg6[%mul3A_448, %dma_wait3A_467] : memref<32768x256xf32, #tpu.memory_space<hbm>> -> memref<64x256xf32, #tpu.memory_space<hbm>>
    %dma_wait3A_469 = arith.constant 0 : i32
    %dma_wait3A_470 = tpu.memref_slice %arg6[%mul3A_448, %dma_wait3A_469] : memref<32768x256xf32, #tpu.memory_space<hbm>> -> memref<64x256xf32, #tpu.memory_space<hbm>>
    tpu.wait_dma2 semaphore(%arg15 : memref<!tpu.dma_semaphore, #tpu.memory_space<semaphore_mem>>) src(%arg9 : memref<64x256xf32, #tpu.memory_space<vmem>>) dst(%dma_wait3A_470 : memref<64x256xf32, #tpu.memory_space<hbm>>)
    %mul3A_471 = arith.constant 16 : i32
    %mul3A_472 = arith.muli %add3A, %mul3A_471 : i32
    %add3A_473 = arith.constant 9 : i32
    %add3A_474 = arith.addi %mul3A_472, %add3A_473 : i32
    %dma_wait3A_475 = arith.constant 9 : i32
    %dma_wait3A_476 = arith.constant 0 : i32
    %dma_wait3A_477 = tpu.memref_slice %arg7[%dma_wait3A_475, %dma_wait3A_476] : memref<16x64xi32, #tpu.memory_space<vmem>> -> memref<1x64xi32, #tpu.memory_space<vmem>>
    %dma_wait3A_478 = tpu.memref_squeeze %dma_wait3A_477 : memref<1x64xi32, #tpu.memory_space<vmem>> -> memref<64xi32, #tpu.memory_space<vmem>>
    %dma_wait3A_479 = arith.constant 0 : i32
    %dma_wait3A_480 = arith.constant 0 : i32
    %dma_wait3A_481 = tpu.memref_slice %arg2[%dma_wait3A_479, %dma_wait3A_480] : memref<2048x256xf32, #tpu.memory_space<hbm>> -> memref<2048x256xf32, #tpu.memory_space<hbm>>
    tpu.wait_indirect_dma semaphore(%arg13 : memref<!tpu.dma_semaphore, #tpu.memory_space<semaphore_mem>>) src(%dma_wait3A_481 : memref<2048x256xf32, #tpu.memory_space<hbm>>) dst(%arg11 : memref<64x256xf32, #tpu.memory_space<vmem>>)
    %dma_wait3A_482 = arith.constant 9 : i32
    %dma_wait3A_483 = arith.constant 0 : i32
    %dma_wait3A_484 = tpu.memref_slice %arg8[%dma_wait3A_482, %dma_wait3A_483] : memref<16x64xi32, #tpu.memory_space<vmem>> -> memref<1x64xi32, #tpu.memory_space<vmem>>
    %dma_wait3A_485 = tpu.memref_squeeze %dma_wait3A_484 : memref<1x64xi32, #tpu.memory_space<vmem>> -> memref<64xi32, #tpu.memory_space<vmem>>
    %dma_wait3A_486 = arith.constant 0 : i32
    %dma_wait3A_487 = arith.constant 0 : i32
    %dma_wait3A_488 = tpu.memref_slice %arg3[%dma_wait3A_486, %dma_wait3A_487] : memref<2048x256xf32, #tpu.memory_space<hbm>> -> memref<2048x256xf32, #tpu.memory_space<hbm>>
    tpu.wait_indirect_dma semaphore(%arg14 : memref<!tpu.dma_semaphore, #tpu.memory_space<semaphore_mem>>) src(%dma_wait3A_488 : memref<2048x256xf32, #tpu.memory_space<hbm>>) dst(%arg12 : memref<64x256xf32, #tpu.memory_space<vmem>>)
    %scan3A_489 = arith.constant 0 : i32
    %scan3A_490 = arith.constant 0 : i32
    %scan3A_491 = arith.constant 1024 : i32
    %scan3A_492 = arith.addi %scan3A_490, %scan3A_491 : i32
    %scan3A_493 = arith.constant 1 : i32
    %scan3A_494 = scf.for %scan3A_786 = %scan3A_490 to %scan3A_492 step %scan3A_493 iter_args(%scan3A_787 = %scan3A_489) -> (i32)  : i32 {
      %shift_right_logical3A = arith.constant 4 : i32
      %shift_right_logical3A_788 = arith.shrui %scan3A_786, %shift_right_logical3A : i32
      %and3A = arith.constant 15 : i32
      %and3A_789 = arith.andi %scan3A_786, %and3A : i32
      %mul3A_790 = arith.constant 16 : i32
      %mul3A_791 = arith.muli %and3A_789, %mul3A_790 : i32
      %get3A = arith.index_cast %shift_right_logical3A_788 : i32 to index
      %get3A_792 = arith.index_cast %mul3A_791 : i32 to index
      %get3A_793 = tpu.vector_load %arg11[%get3A, %get3A_792] {strides = array<i32>} : memref<64x256xf32, #tpu.memory_space<vmem>>, vector<1x16xf32>,
      %get3A_794 = vector.shape_cast %get3A_793 : vector<1x16xf32> to vector<16xf32>
      %get3A_795 = arith.index_cast %shift_right_logical3A_788 : i32 to index
      %get3A_796 = arith.index_cast %mul3A_791 : i32 to index
      %get3A_797 = tpu.vector_load %arg12[%get3A_795, %get3A_796] {strides = array<i32>} : memref<64x256xf32, #tpu.memory_space<vmem>>, vector<1x16xf32>,
      %get3A_798 = vector.shape_cast %get3A_797 : vector<1x16xf32> to vector<16xf32>
      %add3A_799 = arith.addf %get3A_794, %get3A_798 : vector<16xf32>
      %swap3A = arith.index_cast %shift_right_logical3A_788 : i32 to index
      %swap3A_800 = arith.index_cast %mul3A_791 : i32 to index
      %swap3A_801 = tpu.vector_load %arg11[%swap3A, %swap3A_800] {strides = array<i32>} : memref<64x256xf32, #tpu.memory_space<vmem>>, vector<1x16xf32>,
      %swap3A_802 = vector.shape_cast %swap3A_801 : vector<1x16xf32> to vector<16xf32>
      %swap3A_803 = vector.shape_cast %add3A_799 : vector<16xf32> to vector<1x16xf32>
      tpu.vector_store %arg11[%swap3A, %swap3A_800], %swap3A_803 {strides = array<i32>} : memref<64x256xf32, #tpu.memory_space<vmem>>, vector<1x16xf32>,
      %scan3A_804 = arith.constant 0 : i32
      scf.yield %scan3A_804 : i32
    }
    %scan3A_495 = arith.constant 1024 : i32
    %mul3A_496 = arith.constant 64 : i32
    %mul3A_497 = arith.muli %add3A_474, %mul3A_496 : i32
    %dma_start3A_498 = arith.constant 0 : i32
    %dma_start3A_499 = tpu.memref_slice %arg6[%mul3A_497, %dma_start3A_498] : memref<32768x256xf32, #tpu.memory_space<hbm>> -> memref<64x256xf32, #tpu.memory_space<hbm>>
    %dma_start3A_500 = arith.constant 0 : i32
    %dma_start3A_501 = tpu.memref_slice %arg6[%mul3A_497, %dma_start3A_500] : memref<32768x256xf32, #tpu.memory_space<hbm>> -> memref<64x256xf32, #tpu.memory_space<hbm>>
    tpu.enqueue_dma source(%arg11 : memref<64x256xf32, #tpu.memory_space<vmem>>) target(%dma_start3A_501 : memref<64x256xf32, #tpu.memory_space<hbm>>) target_semaphore(%arg15 : memref<!tpu.dma_semaphore, #tpu.memory_space<semaphore_mem>>)
    %dma_start3A_502 = arith.constant 11 : i32
    %dma_start3A_503 = arith.constant 0 : i32
    %dma_start3A_504 = tpu.memref_slice %arg7[%dma_start3A_502, %dma_start3A_503] : memref<16x64xi32, #tpu.memory_space<vmem>> -> memref<1x64xi32, #tpu.memory_space<vmem>>
    %dma_start3A_505 = tpu.memref_squeeze %dma_start3A_504 : memref<1x64xi32, #tpu.memory_space<vmem>> -> memref<64xi32, #tpu.memory_space<vmem>>
    %dma_start3A_506 = arith.constant 0 : i32
    %dma_start3A_507 = arith.constant 0 : i32
    %dma_start3A_508 = tpu.memref_slice %arg2[%dma_start3A_506, %dma_start3A_507] : memref<2048x256xf32, #tpu.memory_space<hbm>> -> memref<2048x256xf32, #tpu.memory_space<hbm>>
    tpu.enqueue_indirect_dma source(%dma_start3A_508 : memref<2048x256xf32, #tpu.memory_space<hbm>>) target(%arg11 : memref<64x256xf32, #tpu.memory_space<vmem>>) offsets(%dma_start3A_505 : memref<64xi32, #tpu.memory_space<vmem>>) semaphore(%arg13 : memref<!tpu.dma_semaphore, #tpu.memory_space<semaphore_mem>>)
    %dma_start3A_509 = arith.constant 11 : i32
    %dma_start3A_510 = arith.constant 0 : i32
    %dma_start3A_511 = tpu.memref_slice %arg8[%dma_start3A_509, %dma_start3A_510] : memref<16x64xi32, #tpu.memory_space<vmem>> -> memref<1x64xi32, #tpu.memory_space<vmem>>
    %dma_start3A_512 = tpu.memref_squeeze %dma_start3A_511 : memref<1x64xi32, #tpu.memory_space<vmem>> -> memref<64xi32, #tpu.memory_space<vmem>>
    %dma_start3A_513 = arith.constant 0 : i32
    %dma_start3A_514 = arith.constant 0 : i32
    %dma_start3A_515 = tpu.memref_slice %arg3[%dma_start3A_513, %dma_start3A_514] : memref<2048x256xf32, #tpu.memory_space<hbm>> -> memref<2048x256xf32, #tpu.memory_space<hbm>>
    tpu.enqueue_indirect_dma source(%dma_start3A_515 : memref<2048x256xf32, #tpu.memory_space<hbm>>) target(%arg12 : memref<64x256xf32, #tpu.memory_space<vmem>>) offsets(%dma_start3A_512 : memref<64xi32, #tpu.memory_space<vmem>>) semaphore(%arg14 : memref<!tpu.dma_semaphore, #tpu.memory_space<semaphore_mem>>)
    %dma_wait3A_516 = arith.constant 0 : i32
    %dma_wait3A_517 = tpu.memref_slice %arg6[%mul3A_497, %dma_wait3A_516] : memref<32768x256xf32, #tpu.memory_space<hbm>> -> memref<64x256xf32, #tpu.memory_space<hbm>>
    %dma_wait3A_518 = arith.constant 0 : i32
    %dma_wait3A_519 = tpu.memref_slice %arg6[%mul3A_497, %dma_wait3A_518] : memref<32768x256xf32, #tpu.memory_space<hbm>> -> memref<64x256xf32, #tpu.memory_space<hbm>>
    tpu.wait_dma2 semaphore(%arg15 : memref<!tpu.dma_semaphore, #tpu.memory_space<semaphore_mem>>) src(%arg11 : memref<64x256xf32, #tpu.memory_space<vmem>>) dst(%dma_wait3A_519 : memref<64x256xf32, #tpu.memory_space<hbm>>)
    %mul3A_520 = arith.constant 16 : i32
    %mul3A_521 = arith.muli %add3A, %mul3A_520 : i32
    %add3A_522 = arith.constant 10 : i32
    %add3A_523 = arith.addi %mul3A_521, %add3A_522 : i32
    %dma_wait3A_524 = arith.constant 10 : i32
    %dma_wait3A_525 = arith.constant 0 : i32
    %dma_wait3A_526 = tpu.memref_slice %arg7[%dma_wait3A_524, %dma_wait3A_525] : memref<16x64xi32, #tpu.memory_space<vmem>> -> memref<1x64xi32, #tpu.memory_space<vmem>>
    %dma_wait3A_527 = tpu.memref_squeeze %dma_wait3A_526 : memref<1x64xi32, #tpu.memory_space<vmem>> -> memref<64xi32, #tpu.memory_space<vmem>>
    %dma_wait3A_528 = arith.constant 0 : i32
    %dma_wait3A_529 = arith.constant 0 : i32
    %dma_wait3A_530 = tpu.memref_slice %arg2[%dma_wait3A_528, %dma_wait3A_529] : memref<2048x256xf32, #tpu.memory_space<hbm>> -> memref<2048x256xf32, #tpu.memory_space<hbm>>
    tpu.wait_indirect_dma semaphore(%arg13 : memref<!tpu.dma_semaphore, #tpu.memory_space<semaphore_mem>>) src(%dma_wait3A_530 : memref<2048x256xf32, #tpu.memory_space<hbm>>) dst(%arg9 : memref<64x256xf32, #tpu.memory_space<vmem>>)
    %dma_wait3A_531 = arith.constant 10 : i32
    %dma_wait3A_532 = arith.constant 0 : i32
    %dma_wait3A_533 = tpu.memref_slice %arg8[%dma_wait3A_531, %dma_wait3A_532] : memref<16x64xi32, #tpu.memory_space<vmem>> -> memref<1x64xi32, #tpu.memory_space<vmem>>
    %dma_wait3A_534 = tpu.memref_squeeze %dma_wait3A_533 : memref<1x64xi32, #tpu.memory_space<vmem>> -> memref<64xi32, #tpu.memory_space<vmem>>
    %dma_wait3A_535 = arith.constant 0 : i32
    %dma_wait3A_536 = arith.constant 0 : i32
    %dma_wait3A_537 = tpu.memref_slice %arg3[%dma_wait3A_535, %dma_wait3A_536] : memref<2048x256xf32, #tpu.memory_space<hbm>> -> memref<2048x256xf32, #tpu.memory_space<hbm>>
    tpu.wait_indirect_dma semaphore(%arg14 : memref<!tpu.dma_semaphore, #tpu.memory_space<semaphore_mem>>) src(%dma_wait3A_537 : memref<2048x256xf32, #tpu.memory_space<hbm>>) dst(%arg10 : memref<64x256xf32, #tpu.memory_space<vmem>>)
    %scan3A_538 = arith.constant 0 : i32
    %scan3A_539 = arith.constant 0 : i32
    %scan3A_540 = arith.constant 1024 : i32
    %scan3A_541 = arith.addi %scan3A_539, %scan3A_540 : i32
    %scan3A_542 = arith.constant 1 : i32
    %scan3A_543 = scf.for %scan3A_786 = %scan3A_539 to %scan3A_541 step %scan3A_542 iter_args(%scan3A_787 = %scan3A_538) -> (i32)  : i32 {
      %shift_right_logical3A = arith.constant 4 : i32
      %shift_right_logical3A_788 = arith.shrui %scan3A_786, %shift_right_logical3A : i32
      %and3A = arith.constant 15 : i32
      %and3A_789 = arith.andi %scan3A_786, %and3A : i32
      %mul3A_790 = arith.constant 16 : i32
      %mul3A_791 = arith.muli %and3A_789, %mul3A_790 : i32
      %get3A = arith.index_cast %shift_right_logical3A_788 : i32 to index
      %get3A_792 = arith.index_cast %mul3A_791 : i32 to index
      %get3A_793 = tpu.vector_load %arg9[%get3A, %get3A_792] {strides = array<i32>} : memref<64x256xf32, #tpu.memory_space<vmem>>, vector<1x16xf32>,
      %get3A_794 = vector.shape_cast %get3A_793 : vector<1x16xf32> to vector<16xf32>
      %get3A_795 = arith.index_cast %shift_right_logical3A_788 : i32 to index
      %get3A_796 = arith.index_cast %mul3A_791 : i32 to index
      %get3A_797 = tpu.vector_load %arg10[%get3A_795, %get3A_796] {strides = array<i32>} : memref<64x256xf32, #tpu.memory_space<vmem>>, vector<1x16xf32>,
      %get3A_798 = vector.shape_cast %get3A_797 : vector<1x16xf32> to vector<16xf32>
      %add3A_799 = arith.addf %get3A_794, %get3A_798 : vector<16xf32>
      %swap3A = arith.index_cast %shift_right_logical3A_788 : i32 to index
      %swap3A_800 = arith.index_cast %mul3A_791 : i32 to index
      %swap3A_801 = tpu.vector_load %arg9[%swap3A, %swap3A_800] {strides = array<i32>} : memref<64x256xf32, #tpu.memory_space<vmem>>, vector<1x16xf32>,
      %swap3A_802 = vector.shape_cast %swap3A_801 : vector<1x16xf32> to vector<16xf32>
      %swap3A_803 = vector.shape_cast %add3A_799 : vector<16xf32> to vector<1x16xf32>
      tpu.vector_store %arg9[%swap3A, %swap3A_800], %swap3A_803 {strides = array<i32>} : memref<64x256xf32, #tpu.memory_space<vmem>>, vector<1x16xf32>,
      %scan3A_804 = arith.constant 0 : i32
      scf.yield %scan3A_804 : i32
    }
    %scan3A_544 = arith.constant 1024 : i32
    %mul3A_545 = arith.constant 64 : i32
    %mul3A_546 = arith.muli %add3A_523, %mul3A_545 : i32
    %dma_start3A_547 = arith.constant 0 : i32
    %dma_start3A_548 = tpu.memref_slice %arg6[%mul3A_546, %dma_start3A_547] : memref<32768x256xf32, #tpu.memory_space<hbm>> -> memref<64x256xf32, #tpu.memory_space<hbm>>
    %dma_start3A_549 = arith.constant 0 : i32
    %dma_start3A_550 = tpu.memref_slice %arg6[%mul3A_546, %dma_start3A_549] : memref<32768x256xf32, #tpu.memory_space<hbm>> -> memref<64x256xf32, #tpu.memory_space<hbm>>
    tpu.enqueue_dma source(%arg9 : memref<64x256xf32, #tpu.memory_space<vmem>>) target(%dma_start3A_550 : memref<64x256xf32, #tpu.memory_space<hbm>>) target_semaphore(%arg15 : memref<!tpu.dma_semaphore, #tpu.memory_space<semaphore_mem>>)
    %dma_start3A_551 = arith.constant 12 : i32
    %dma_start3A_552 = arith.constant 0 : i32
    %dma_start3A_553 = tpu.memref_slice %arg7[%dma_start3A_551, %dma_start3A_552] : memref<16x64xi32, #tpu.memory_space<vmem>> -> memref<1x64xi32, #tpu.memory_space<vmem>>
    %dma_start3A_554 = tpu.memref_squeeze %dma_start3A_553 : memref<1x64xi32, #tpu.memory_space<vmem>> -> memref<64xi32, #tpu.memory_space<vmem>>
    %dma_start3A_555 = arith.constant 0 : i32
    %dma_start3A_556 = arith.constant 0 : i32
    %dma_start3A_557 = tpu.memref_slice %arg2[%dma_start3A_555, %dma_start3A_556] : memref<2048x256xf32, #tpu.memory_space<hbm>> -> memref<2048x256xf32, #tpu.memory_space<hbm>>
    tpu.enqueue_indirect_dma source(%dma_start3A_557 : memref<2048x256xf32, #tpu.memory_space<hbm>>) target(%arg9 : memref<64x256xf32, #tpu.memory_space<vmem>>) offsets(%dma_start3A_554 : memref<64xi32, #tpu.memory_space<vmem>>) semaphore(%arg13 : memref<!tpu.dma_semaphore, #tpu.memory_space<semaphore_mem>>)
    %dma_start3A_558 = arith.constant 12 : i32
    %dma_start3A_559 = arith.constant 0 : i32
    %dma_start3A_560 = tpu.memref_slice %arg8[%dma_start3A_558, %dma_start3A_559] : memref<16x64xi32, #tpu.memory_space<vmem>> -> memref<1x64xi32, #tpu.memory_space<vmem>>
    %dma_start3A_561 = tpu.memref_squeeze %dma_start3A_560 : memref<1x64xi32, #tpu.memory_space<vmem>> -> memref<64xi32, #tpu.memory_space<vmem>>
    %dma_start3A_562 = arith.constant 0 : i32
    %dma_start3A_563 = arith.constant 0 : i32
    %dma_start3A_564 = tpu.memref_slice %arg3[%dma_start3A_562, %dma_start3A_563] : memref<2048x256xf32, #tpu.memory_space<hbm>> -> memref<2048x256xf32, #tpu.memory_space<hbm>>
    tpu.enqueue_indirect_dma source(%dma_start3A_564 : memref<2048x256xf32, #tpu.memory_space<hbm>>) target(%arg10 : memref<64x256xf32, #tpu.memory_space<vmem>>) offsets(%dma_start3A_561 : memref<64xi32, #tpu.memory_space<vmem>>) semaphore(%arg14 : memref<!tpu.dma_semaphore, #tpu.memory_space<semaphore_mem>>)
    %dma_wait3A_565 = arith.constant 0 : i32
    %dma_wait3A_566 = tpu.memref_slice %arg6[%mul3A_546, %dma_wait3A_565] : memref<32768x256xf32, #tpu.memory_space<hbm>> -> memref<64x256xf32, #tpu.memory_space<hbm>>
    %dma_wait3A_567 = arith.constant 0 : i32
    %dma_wait3A_568 = tpu.memref_slice %arg6[%mul3A_546, %dma_wait3A_567] : memref<32768x256xf32, #tpu.memory_space<hbm>> -> memref<64x256xf32, #tpu.memory_space<hbm>>
    tpu.wait_dma2 semaphore(%arg15 : memref<!tpu.dma_semaphore, #tpu.memory_space<semaphore_mem>>) src(%arg9 : memref<64x256xf32, #tpu.memory_space<vmem>>) dst(%dma_wait3A_568 : memref<64x256xf32, #tpu.memory_space<hbm>>)
    %mul3A_569 = arith.constant 16 : i32
    %mul3A_570 = arith.muli %add3A, %mul3A_569 : i32
    %add3A_571 = arith.constant 11 : i32
    %add3A_572 = arith.addi %mul3A_570, %add3A_571 : i32
    %dma_wait3A_573 = arith.constant 11 : i32
    %dma_wait3A_574 = arith.constant 0 : i32
    %dma_wait3A_575 = tpu.memref_slice %arg7[%dma_wait3A_573, %dma_wait3A_574] : memref<16x64xi32, #tpu.memory_space<vmem>> -> memref<1x64xi32, #tpu.memory_space<vmem>>
    %dma_wait3A_576 = tpu.memref_squeeze %dma_wait3A_575 : memref<1x64xi32, #tpu.memory_space<vmem>> -> memref<64xi32, #tpu.memory_space<vmem>>
    %dma_wait3A_577 = arith.constant 0 : i32
    %dma_wait3A_578 = arith.constant 0 : i32
    %dma_wait3A_579 = tpu.memref_slice %arg2[%dma_wait3A_577, %dma_wait3A_578] : memref<2048x256xf32, #tpu.memory_space<hbm>> -> memref<2048x256xf32, #tpu.memory_space<hbm>>
    tpu.wait_indirect_dma semaphore(%arg13 : memref<!tpu.dma_semaphore, #tpu.memory_space<semaphore_mem>>) src(%dma_wait3A_579 : memref<2048x256xf32, #tpu.memory_space<hbm>>) dst(%arg11 : memref<64x256xf32, #tpu.memory_space<vmem>>)
    %dma_wait3A_580 = arith.constant 11 : i32
    %dma_wait3A_581 = arith.constant 0 : i32
    %dma_wait3A_582 = tpu.memref_slice %arg8[%dma_wait3A_580, %dma_wait3A_581] : memref<16x64xi32, #tpu.memory_space<vmem>> -> memref<1x64xi32, #tpu.memory_space<vmem>>
    %dma_wait3A_583 = tpu.memref_squeeze %dma_wait3A_582 : memref<1x64xi32, #tpu.memory_space<vmem>> -> memref<64xi32, #tpu.memory_space<vmem>>
    %dma_wait3A_584 = arith.constant 0 : i32
    %dma_wait3A_585 = arith.constant 0 : i32
    %dma_wait3A_586 = tpu.memref_slice %arg3[%dma_wait3A_584, %dma_wait3A_585] : memref<2048x256xf32, #tpu.memory_space<hbm>> -> memref<2048x256xf32, #tpu.memory_space<hbm>>
    tpu.wait_indirect_dma semaphore(%arg14 : memref<!tpu.dma_semaphore, #tpu.memory_space<semaphore_mem>>) src(%dma_wait3A_586 : memref<2048x256xf32, #tpu.memory_space<hbm>>) dst(%arg12 : memref<64x256xf32, #tpu.memory_space<vmem>>)
    %scan3A_587 = arith.constant 0 : i32
    %scan3A_588 = arith.constant 0 : i32
    %scan3A_589 = arith.constant 1024 : i32
    %scan3A_590 = arith.addi %scan3A_588, %scan3A_589 : i32
    %scan3A_591 = arith.constant 1 : i32
    %scan3A_592 = scf.for %scan3A_786 = %scan3A_588 to %scan3A_590 step %scan3A_591 iter_args(%scan3A_787 = %scan3A_587) -> (i32)  : i32 {
      %shift_right_logical3A = arith.constant 4 : i32
      %shift_right_logical3A_788 = arith.shrui %scan3A_786, %shift_right_logical3A : i32
      %and3A = arith.constant 15 : i32
      %and3A_789 = arith.andi %scan3A_786, %and3A : i32
      %mul3A_790 = arith.constant 16 : i32
      %mul3A_791 = arith.muli %and3A_789, %mul3A_790 : i32
      %get3A = arith.index_cast %shift_right_logical3A_788 : i32 to index
      %get3A_792 = arith.index_cast %mul3A_791 : i32 to index
      %get3A_793 = tpu.vector_load %arg11[%get3A, %get3A_792] {strides = array<i32>} : memref<64x256xf32, #tpu.memory_space<vmem>>, vector<1x16xf32>,
      %get3A_794 = vector.shape_cast %get3A_793 : vector<1x16xf32> to vector<16xf32>
      %get3A_795 = arith.index_cast %shift_right_logical3A_788 : i32 to index
      %get3A_796 = arith.index_cast %mul3A_791 : i32 to index
      %get3A_797 = tpu.vector_load %arg12[%get3A_795, %get3A_796] {strides = array<i32>} : memref<64x256xf32, #tpu.memory_space<vmem>>, vector<1x16xf32>,
      %get3A_798 = vector.shape_cast %get3A_797 : vector<1x16xf32> to vector<16xf32>
      %add3A_799 = arith.addf %get3A_794, %get3A_798 : vector<16xf32>
      %swap3A = arith.index_cast %shift_right_logical3A_788 : i32 to index
      %swap3A_800 = arith.index_cast %mul3A_791 : i32 to index
      %swap3A_801 = tpu.vector_load %arg11[%swap3A, %swap3A_800] {strides = array<i32>} : memref<64x256xf32, #tpu.memory_space<vmem>>, vector<1x16xf32>,
      %swap3A_802 = vector.shape_cast %swap3A_801 : vector<1x16xf32> to vector<16xf32>
      %swap3A_803 = vector.shape_cast %add3A_799 : vector<16xf32> to vector<1x16xf32>
      tpu.vector_store %arg11[%swap3A, %swap3A_800], %swap3A_803 {strides = array<i32>} : memref<64x256xf32, #tpu.memory_space<vmem>>, vector<1x16xf32>,
      %scan3A_804 = arith.constant 0 : i32
      scf.yield %scan3A_804 : i32
    }
    %scan3A_593 = arith.constant 1024 : i32
    %mul3A_594 = arith.constant 64 : i32
    %mul3A_595 = arith.muli %add3A_572, %mul3A_594 : i32
    %dma_start3A_596 = arith.constant 0 : i32
    %dma_start3A_597 = tpu.memref_slice %arg6[%mul3A_595, %dma_start3A_596] : memref<32768x256xf32, #tpu.memory_space<hbm>> -> memref<64x256xf32, #tpu.memory_space<hbm>>
    %dma_start3A_598 = arith.constant 0 : i32
    %dma_start3A_599 = tpu.memref_slice %arg6[%mul3A_595, %dma_start3A_598] : memref<32768x256xf32, #tpu.memory_space<hbm>> -> memref<64x256xf32, #tpu.memory_space<hbm>>
    tpu.enqueue_dma source(%arg11 : memref<64x256xf32, #tpu.memory_space<vmem>>) target(%dma_start3A_599 : memref<64x256xf32, #tpu.memory_space<hbm>>) target_semaphore(%arg15 : memref<!tpu.dma_semaphore, #tpu.memory_space<semaphore_mem>>)
    %dma_start3A_600 = arith.constant 13 : i32
    %dma_start3A_601 = arith.constant 0 : i32
    %dma_start3A_602 = tpu.memref_slice %arg7[%dma_start3A_600, %dma_start3A_601] : memref<16x64xi32, #tpu.memory_space<vmem>> -> memref<1x64xi32, #tpu.memory_space<vmem>>
    %dma_start3A_603 = tpu.memref_squeeze %dma_start3A_602 : memref<1x64xi32, #tpu.memory_space<vmem>> -> memref<64xi32, #tpu.memory_space<vmem>>
    %dma_start3A_604 = arith.constant 0 : i32
    %dma_start3A_605 = arith.constant 0 : i32
    %dma_start3A_606 = tpu.memref_slice %arg2[%dma_start3A_604, %dma_start3A_605] : memref<2048x256xf32, #tpu.memory_space<hbm>> -> memref<2048x256xf32, #tpu.memory_space<hbm>>
    tpu.enqueue_indirect_dma source(%dma_start3A_606 : memref<2048x256xf32, #tpu.memory_space<hbm>>) target(%arg11 : memref<64x256xf32, #tpu.memory_space<vmem>>) offsets(%dma_start3A_603 : memref<64xi32, #tpu.memory_space<vmem>>) semaphore(%arg13 : memref<!tpu.dma_semaphore, #tpu.memory_space<semaphore_mem>>)
    %dma_start3A_607 = arith.constant 13 : i32
    %dma_start3A_608 = arith.constant 0 : i32
    %dma_start3A_609 = tpu.memref_slice %arg8[%dma_start3A_607, %dma_start3A_608] : memref<16x64xi32, #tpu.memory_space<vmem>> -> memref<1x64xi32, #tpu.memory_space<vmem>>
    %dma_start3A_610 = tpu.memref_squeeze %dma_start3A_609 : memref<1x64xi32, #tpu.memory_space<vmem>> -> memref<64xi32, #tpu.memory_space<vmem>>
    %dma_start3A_611 = arith.constant 0 : i32
    %dma_start3A_612 = arith.constant 0 : i32
    %dma_start3A_613 = tpu.memref_slice %arg3[%dma_start3A_611, %dma_start3A_612] : memref<2048x256xf32, #tpu.memory_space<hbm>> -> memref<2048x256xf32, #tpu.memory_space<hbm>>
    tpu.enqueue_indirect_dma source(%dma_start3A_613 : memref<2048x256xf32, #tpu.memory_space<hbm>>) target(%arg12 : memref<64x256xf32, #tpu.memory_space<vmem>>) offsets(%dma_start3A_610 : memref<64xi32, #tpu.memory_space<vmem>>) semaphore(%arg14 : memref<!tpu.dma_semaphore, #tpu.memory_space<semaphore_mem>>)
    %dma_wait3A_614 = arith.constant 0 : i32
    %dma_wait3A_615 = tpu.memref_slice %arg6[%mul3A_595, %dma_wait3A_614] : memref<32768x256xf32, #tpu.memory_space<hbm>> -> memref<64x256xf32, #tpu.memory_space<hbm>>
    %dma_wait3A_616 = arith.constant 0 : i32
    %dma_wait3A_617 = tpu.memref_slice %arg6[%mul3A_595, %dma_wait3A_616] : memref<32768x256xf32, #tpu.memory_space<hbm>> -> memref<64x256xf32, #tpu.memory_space<hbm>>
    tpu.wait_dma2 semaphore(%arg15 : memref<!tpu.dma_semaphore, #tpu.memory_space<semaphore_mem>>) src(%arg11 : memref<64x256xf32, #tpu.memory_space<vmem>>) dst(%dma_wait3A_617 : memref<64x256xf32, #tpu.memory_space<hbm>>)
    %mul3A_618 = arith.constant 16 : i32
    %mul3A_619 = arith.muli %add3A, %mul3A_618 : i32
    %add3A_620 = arith.constant 12 : i32
    %add3A_621 = arith.addi %mul3A_619, %add3A_620 : i32
    %dma_wait3A_622 = arith.constant 12 : i32
    %dma_wait3A_623 = arith.constant 0 : i32
    %dma_wait3A_624 = tpu.memref_slice %arg7[%dma_wait3A_622, %dma_wait3A_623] : memref<16x64xi32, #tpu.memory_space<vmem>> -> memref<1x64xi32, #tpu.memory_space<vmem>>
    %dma_wait3A_625 = tpu.memref_squeeze %dma_wait3A_624 : memref<1x64xi32, #tpu.memory_space<vmem>> -> memref<64xi32, #tpu.memory_space<vmem>>
    %dma_wait3A_626 = arith.constant 0 : i32
    %dma_wait3A_627 = arith.constant 0 : i32
    %dma_wait3A_628 = tpu.memref_slice %arg2[%dma_wait3A_626, %dma_wait3A_627] : memref<2048x256xf32, #tpu.memory_space<hbm>> -> memref<2048x256xf32, #tpu.memory_space<hbm>>
    tpu.wait_indirect_dma semaphore(%arg13 : memref<!tpu.dma_semaphore, #tpu.memory_space<semaphore_mem>>) src(%dma_wait3A_628 : memref<2048x256xf32, #tpu.memory_space<hbm>>) dst(%arg9 : memref<64x256xf32, #tpu.memory_space<vmem>>)
    %dma_wait3A_629 = arith.constant 12 : i32
    %dma_wait3A_630 = arith.constant 0 : i32
    %dma_wait3A_631 = tpu.memref_slice %arg8[%dma_wait3A_629, %dma_wait3A_630] : memref<16x64xi32, #tpu.memory_space<vmem>> -> memref<1x64xi32, #tpu.memory_space<vmem>>
    %dma_wait3A_632 = tpu.memref_squeeze %dma_wait3A_631 : memref<1x64xi32, #tpu.memory_space<vmem>> -> memref<64xi32, #tpu.memory_space<vmem>>
    %dma_wait3A_633 = arith.constant 0 : i32
    %dma_wait3A_634 = arith.constant 0 : i32
    %dma_wait3A_635 = tpu.memref_slice %arg3[%dma_wait3A_633, %dma_wait3A_634] : memref<2048x256xf32, #tpu.memory_space<hbm>> -> memref<2048x256xf32, #tpu.memory_space<hbm>>
    tpu.wait_indirect_dma semaphore(%arg14 : memref<!tpu.dma_semaphore, #tpu.memory_space<semaphore_mem>>) src(%dma_wait3A_635 : memref<2048x256xf32, #tpu.memory_space<hbm>>) dst(%arg10 : memref<64x256xf32, #tpu.memory_space<vmem>>)
    %scan3A_636 = arith.constant 0 : i32
    %scan3A_637 = arith.constant 0 : i32
    %scan3A_638 = arith.constant 1024 : i32
    %scan3A_639 = arith.addi %scan3A_637, %scan3A_638 : i32
    %scan3A_640 = arith.constant 1 : i32
    %scan3A_641 = scf.for %scan3A_786 = %scan3A_637 to %scan3A_639 step %scan3A_640 iter_args(%scan3A_787 = %scan3A_636) -> (i32)  : i32 {
      %shift_right_logical3A = arith.constant 4 : i32
      %shift_right_logical3A_788 = arith.shrui %scan3A_786, %shift_right_logical3A : i32
      %and3A = arith.constant 15 : i32
      %and3A_789 = arith.andi %scan3A_786, %and3A : i32
      %mul3A_790 = arith.constant 16 : i32
      %mul3A_791 = arith.muli %and3A_789, %mul3A_790 : i32
      %get3A = arith.index_cast %shift_right_logical3A_788 : i32 to index
      %get3A_792 = arith.index_cast %mul3A_791 : i32 to index
      %get3A_793 = tpu.vector_load %arg9[%get3A, %get3A_792] {strides = array<i32>} : memref<64x256xf32, #tpu.memory_space<vmem>>, vector<1x16xf32>,
      %get3A_794 = vector.shape_cast %get3A_793 : vector<1x16xf32> to vector<16xf32>
      %get3A_795 = arith.index_cast %shift_right_logical3A_788 : i32 to index
      %get3A_796 = arith.index_cast %mul3A_791 : i32 to index
      %get3A_797 = tpu.vector_load %arg10[%get3A_795, %get3A_796] {strides = array<i32>} : memref<64x256xf32, #tpu.memory_space<vmem>>, vector<1x16xf32>,
      %get3A_798 = vector.shape_cast %get3A_797 : vector<1x16xf32> to vector<16xf32>
      %add3A_799 = arith.addf %get3A_794, %get3A_798 : vector<16xf32>
      %swap3A = arith.index_cast %shift_right_logical3A_788 : i32 to index
      %swap3A_800 = arith.index_cast %mul3A_791 : i32 to index
      %swap3A_801 = tpu.vector_load %arg9[%swap3A, %swap3A_800] {strides = array<i32>} : memref<64x256xf32, #tpu.memory_space<vmem>>, vector<1x16xf32>,
      %swap3A_802 = vector.shape_cast %swap3A_801 : vector<1x16xf32> to vector<16xf32>
      %swap3A_803 = vector.shape_cast %add3A_799 : vector<16xf32> to vector<1x16xf32>
      tpu.vector_store %arg9[%swap3A, %swap3A_800], %swap3A_803 {strides = array<i32>} : memref<64x256xf32, #tpu.memory_space<vmem>>, vector<1x16xf32>,
      %scan3A_804 = arith.constant 0 : i32
      scf.yield %scan3A_804 : i32
    }
    %scan3A_642 = arith.constant 1024 : i32
    %mul3A_643 = arith.constant 64 : i32
    %mul3A_644 = arith.muli %add3A_621, %mul3A_643 : i32
    %dma_start3A_645 = arith.constant 0 : i32
    %dma_start3A_646 = tpu.memref_slice %arg6[%mul3A_644, %dma_start3A_645] : memref<32768x256xf32, #tpu.memory_space<hbm>> -> memref<64x256xf32, #tpu.memory_space<hbm>>
    %dma_start3A_647 = arith.constant 0 : i32
    %dma_start3A_648 = tpu.memref_slice %arg6[%mul3A_644, %dma_start3A_647] : memref<32768x256xf32, #tpu.memory_space<hbm>> -> memref<64x256xf32, #tpu.memory_space<hbm>>
    tpu.enqueue_dma source(%arg9 : memref<64x256xf32, #tpu.memory_space<vmem>>) target(%dma_start3A_648 : memref<64x256xf32, #tpu.memory_space<hbm>>) target_semaphore(%arg15 : memref<!tpu.dma_semaphore, #tpu.memory_space<semaphore_mem>>)
    %dma_start3A_649 = arith.constant 14 : i32
    %dma_start3A_650 = arith.constant 0 : i32
    %dma_start3A_651 = tpu.memref_slice %arg7[%dma_start3A_649, %dma_start3A_650] : memref<16x64xi32, #tpu.memory_space<vmem>> -> memref<1x64xi32, #tpu.memory_space<vmem>>
    %dma_start3A_652 = tpu.memref_squeeze %dma_start3A_651 : memref<1x64xi32, #tpu.memory_space<vmem>> -> memref<64xi32, #tpu.memory_space<vmem>>
    %dma_start3A_653 = arith.constant 0 : i32
    %dma_start3A_654 = arith.constant 0 : i32
    %dma_start3A_655 = tpu.memref_slice %arg2[%dma_start3A_653, %dma_start3A_654] : memref<2048x256xf32, #tpu.memory_space<hbm>> -> memref<2048x256xf32, #tpu.memory_space<hbm>>
    tpu.enqueue_indirect_dma source(%dma_start3A_655 : memref<2048x256xf32, #tpu.memory_space<hbm>>) target(%arg9 : memref<64x256xf32, #tpu.memory_space<vmem>>) offsets(%dma_start3A_652 : memref<64xi32, #tpu.memory_space<vmem>>) semaphore(%arg13 : memref<!tpu.dma_semaphore, #tpu.memory_space<semaphore_mem>>)
    %dma_start3A_656 = arith.constant 14 : i32
    %dma_start3A_657 = arith.constant 0 : i32
    %dma_start3A_658 = tpu.memref_slice %arg8[%dma_start3A_656, %dma_start3A_657] : memref<16x64xi32, #tpu.memory_space<vmem>> -> memref<1x64xi32, #tpu.memory_space<vmem>>
    %dma_start3A_659 = tpu.memref_squeeze %dma_start3A_658 : memref<1x64xi32, #tpu.memory_space<vmem>> -> memref<64xi32, #tpu.memory_space<vmem>>
    %dma_start3A_660 = arith.constant 0 : i32
    %dma_start3A_661 = arith.constant 0 : i32
    %dma_start3A_662 = tpu.memref_slice %arg3[%dma_start3A_660, %dma_start3A_661] : memref<2048x256xf32, #tpu.memory_space<hbm>> -> memref<2048x256xf32, #tpu.memory_space<hbm>>
    tpu.enqueue_indirect_dma source(%dma_start3A_662 : memref<2048x256xf32, #tpu.memory_space<hbm>>) target(%arg10 : memref<64x256xf32, #tpu.memory_space<vmem>>) offsets(%dma_start3A_659 : memref<64xi32, #tpu.memory_space<vmem>>) semaphore(%arg14 : memref<!tpu.dma_semaphore, #tpu.memory_space<semaphore_mem>>)
    %dma_wait3A_663 = arith.constant 0 : i32
    %dma_wait3A_664 = tpu.memref_slice %arg6[%mul3A_644, %dma_wait3A_663] : memref<32768x256xf32, #tpu.memory_space<hbm>> -> memref<64x256xf32, #tpu.memory_space<hbm>>
    %dma_wait3A_665 = arith.constant 0 : i32
    %dma_wait3A_666 = tpu.memref_slice %arg6[%mul3A_644, %dma_wait3A_665] : memref<32768x256xf32, #tpu.memory_space<hbm>> -> memref<64x256xf32, #tpu.memory_space<hbm>>
    tpu.wait_dma2 semaphore(%arg15 : memref<!tpu.dma_semaphore, #tpu.memory_space<semaphore_mem>>) src(%arg9 : memref<64x256xf32, #tpu.memory_space<vmem>>) dst(%dma_wait3A_666 : memref<64x256xf32, #tpu.memory_space<hbm>>)
    %mul3A_667 = arith.constant 16 : i32
    %mul3A_668 = arith.muli %add3A, %mul3A_667 : i32
    %add3A_669 = arith.constant 13 : i32
    %add3A_670 = arith.addi %mul3A_668, %add3A_669 : i32
    %dma_wait3A_671 = arith.constant 13 : i32
    %dma_wait3A_672 = arith.constant 0 : i32
    %dma_wait3A_673 = tpu.memref_slice %arg7[%dma_wait3A_671, %dma_wait3A_672] : memref<16x64xi32, #tpu.memory_space<vmem>> -> memref<1x64xi32, #tpu.memory_space<vmem>>
    %dma_wait3A_674 = tpu.memref_squeeze %dma_wait3A_673 : memref<1x64xi32, #tpu.memory_space<vmem>> -> memref<64xi32, #tpu.memory_space<vmem>>
    %dma_wait3A_675 = arith.constant 0 : i32
    %dma_wait3A_676 = arith.constant 0 : i32
    %dma_wait3A_677 = tpu.memref_slice %arg2[%dma_wait3A_675, %dma_wait3A_676] : memref<2048x256xf32, #tpu.memory_space<hbm>> -> memref<2048x256xf32, #tpu.memory_space<hbm>>
    tpu.wait_indirect_dma semaphore(%arg13 : memref<!tpu.dma_semaphore, #tpu.memory_space<semaphore_mem>>) src(%dma_wait3A_677 : memref<2048x256xf32, #tpu.memory_space<hbm>>) dst(%arg11 : memref<64x256xf32, #tpu.memory_space<vmem>>)
    %dma_wait3A_678 = arith.constant 13 : i32
    %dma_wait3A_679 = arith.constant 0 : i32
    %dma_wait3A_680 = tpu.memref_slice %arg8[%dma_wait3A_678, %dma_wait3A_679] : memref<16x64xi32, #tpu.memory_space<vmem>> -> memref<1x64xi32, #tpu.memory_space<vmem>>
    %dma_wait3A_681 = tpu.memref_squeeze %dma_wait3A_680 : memref<1x64xi32, #tpu.memory_space<vmem>> -> memref<64xi32, #tpu.memory_space<vmem>>
    %dma_wait3A_682 = arith.constant 0 : i32
    %dma_wait3A_683 = arith.constant 0 : i32
    %dma_wait3A_684 = tpu.memref_slice %arg3[%dma_wait3A_682, %dma_wait3A_683] : memref<2048x256xf32, #tpu.memory_space<hbm>> -> memref<2048x256xf32, #tpu.memory_space<hbm>>
    tpu.wait_indirect_dma semaphore(%arg14 : memref<!tpu.dma_semaphore, #tpu.memory_space<semaphore_mem>>) src(%dma_wait3A_684 : memref<2048x256xf32, #tpu.memory_space<hbm>>) dst(%arg12 : memref<64x256xf32, #tpu.memory_space<vmem>>)
    %scan3A_685 = arith.constant 0 : i32
    %scan3A_686 = arith.constant 0 : i32
    %scan3A_687 = arith.constant 1024 : i32
    %scan3A_688 = arith.addi %scan3A_686, %scan3A_687 : i32
    %scan3A_689 = arith.constant 1 : i32
    %scan3A_690 = scf.for %scan3A_786 = %scan3A_686 to %scan3A_688 step %scan3A_689 iter_args(%scan3A_787 = %scan3A_685) -> (i32)  : i32 {
      %shift_right_logical3A = arith.constant 4 : i32
      %shift_right_logical3A_788 = arith.shrui %scan3A_786, %shift_right_logical3A : i32
      %and3A = arith.constant 15 : i32
      %and3A_789 = arith.andi %scan3A_786, %and3A : i32
      %mul3A_790 = arith.constant 16 : i32
      %mul3A_791 = arith.muli %and3A_789, %mul3A_790 : i32
      %get3A = arith.index_cast %shift_right_logical3A_788 : i32 to index
      %get3A_792 = arith.index_cast %mul3A_791 : i32 to index
      %get3A_793 = tpu.vector_load %arg11[%get3A, %get3A_792] {strides = array<i32>} : memref<64x256xf32, #tpu.memory_space<vmem>>, vector<1x16xf32>,
      %get3A_794 = vector.shape_cast %get3A_793 : vector<1x16xf32> to vector<16xf32>
      %get3A_795 = arith.index_cast %shift_right_logical3A_788 : i32 to index
      %get3A_796 = arith.index_cast %mul3A_791 : i32 to index
      %get3A_797 = tpu.vector_load %arg12[%get3A_795, %get3A_796] {strides = array<i32>} : memref<64x256xf32, #tpu.memory_space<vmem>>, vector<1x16xf32>,
      %get3A_798 = vector.shape_cast %get3A_797 : vector<1x16xf32> to vector<16xf32>
      %add3A_799 = arith.addf %get3A_794, %get3A_798 : vector<16xf32>
      %swap3A = arith.index_cast %shift_right_logical3A_788 : i32 to index
      %swap3A_800 = arith.index_cast %mul3A_791 : i32 to index
      %swap3A_801 = tpu.vector_load %arg11[%swap3A, %swap3A_800] {strides = array<i32>} : memref<64x256xf32, #tpu.memory_space<vmem>>, vector<1x16xf32>,
      %swap3A_802 = vector.shape_cast %swap3A_801 : vector<1x16xf32> to vector<16xf32>
      %swap3A_803 = vector.shape_cast %add3A_799 : vector<16xf32> to vector<1x16xf32>
      tpu.vector_store %arg11[%swap3A, %swap3A_800], %swap3A_803 {strides = array<i32>} : memref<64x256xf32, #tpu.memory_space<vmem>>, vector<1x16xf32>,
      %scan3A_804 = arith.constant 0 : i32
      scf.yield %scan3A_804 : i32
    }
    %scan3A_691 = arith.constant 1024 : i32
    %mul3A_692 = arith.constant 64 : i32
    %mul3A_693 = arith.muli %add3A_670, %mul3A_692 : i32
    %dma_start3A_694 = arith.constant 0 : i32
    %dma_start3A_695 = tpu.memref_slice %arg6[%mul3A_693, %dma_start3A_694] : memref<32768x256xf32, #tpu.memory_space<hbm>> -> memref<64x256xf32, #tpu.memory_space<hbm>>
    %dma_start3A_696 = arith.constant 0 : i32
    %dma_start3A_697 = tpu.memref_slice %arg6[%mul3A_693, %dma_start3A_696] : memref<32768x256xf32, #tpu.memory_space<hbm>> -> memref<64x256xf32, #tpu.memory_space<hbm>>
    tpu.enqueue_dma source(%arg11 : memref<64x256xf32, #tpu.memory_space<vmem>>) target(%dma_start3A_697 : memref<64x256xf32, #tpu.memory_space<hbm>>) target_semaphore(%arg15 : memref<!tpu.dma_semaphore, #tpu.memory_space<semaphore_mem>>)
    %dma_start3A_698 = arith.constant 15 : i32
    %dma_start3A_699 = arith.constant 0 : i32
    %dma_start3A_700 = tpu.memref_slice %arg7[%dma_start3A_698, %dma_start3A_699] : memref<16x64xi32, #tpu.memory_space<vmem>> -> memref<1x64xi32, #tpu.memory_space<vmem>>
    %dma_start3A_701 = tpu.memref_squeeze %dma_start3A_700 : memref<1x64xi32, #tpu.memory_space<vmem>> -> memref<64xi32, #tpu.memory_space<vmem>>
    %dma_start3A_702 = arith.constant 0 : i32
    %dma_start3A_703 = arith.constant 0 : i32
    %dma_start3A_704 = tpu.memref_slice %arg2[%dma_start3A_702, %dma_start3A_703] : memref<2048x256xf32, #tpu.memory_space<hbm>> -> memref<2048x256xf32, #tpu.memory_space<hbm>>
    tpu.enqueue_indirect_dma source(%dma_start3A_704 : memref<2048x256xf32, #tpu.memory_space<hbm>>) target(%arg11 : memref<64x256xf32, #tpu.memory_space<vmem>>) offsets(%dma_start3A_701 : memref<64xi32, #tpu.memory_space<vmem>>) semaphore(%arg13 : memref<!tpu.dma_semaphore, #tpu.memory_space<semaphore_mem>>)
    %dma_start3A_705 = arith.constant 15 : i32
    %dma_start3A_706 = arith.constant 0 : i32
    %dma_start3A_707 = tpu.memref_slice %arg8[%dma_start3A_705, %dma_start3A_706] : memref<16x64xi32, #tpu.memory_space<vmem>> -> memref<1x64xi32, #tpu.memory_space<vmem>>
    %dma_start3A_708 = tpu.memref_squeeze %dma_start3A_707 : memref<1x64xi32, #tpu.memory_space<vmem>> -> memref<64xi32, #tpu.memory_space<vmem>>
    %dma_start3A_709 = arith.constant 0 : i32
    %dma_start3A_710 = arith.constant 0 : i32
    %dma_start3A_711 = tpu.memref_slice %arg3[%dma_start3A_709, %dma_start3A_710] : memref<2048x256xf32, #tpu.memory_space<hbm>> -> memref<2048x256xf32, #tpu.memory_space<hbm>>
    tpu.enqueue_indirect_dma source(%dma_start3A_711 : memref<2048x256xf32, #tpu.memory_space<hbm>>) target(%arg12 : memref<64x256xf32, #tpu.memory_space<vmem>>) offsets(%dma_start3A_708 : memref<64xi32, #tpu.memory_space<vmem>>) semaphore(%arg14 : memref<!tpu.dma_semaphore, #tpu.memory_space<semaphore_mem>>)
    %dma_wait3A_712 = arith.constant 0 : i32
    %dma_wait3A_713 = tpu.memref_slice %arg6[%mul3A_693, %dma_wait3A_712] : memref<32768x256xf32, #tpu.memory_space<hbm>> -> memref<64x256xf32, #tpu.memory_space<hbm>>
    %dma_wait3A_714 = arith.constant 0 : i32
    %dma_wait3A_715 = tpu.memref_slice %arg6[%mul3A_693, %dma_wait3A_714] : memref<32768x256xf32, #tpu.memory_space<hbm>> -> memref<64x256xf32, #tpu.memory_space<hbm>>
    tpu.wait_dma2 semaphore(%arg15 : memref<!tpu.dma_semaphore, #tpu.memory_space<semaphore_mem>>) src(%arg11 : memref<64x256xf32, #tpu.memory_space<vmem>>) dst(%dma_wait3A_715 : memref<64x256xf32, #tpu.memory_space<hbm>>)
    %mul3A_716 = arith.constant 16 : i32
    %mul3A_717 = arith.muli %add3A, %mul3A_716 : i32
    %add3A_718 = arith.constant 14 : i32
    %add3A_719 = arith.addi %mul3A_717, %add3A_718 : i32
    %dma_wait3A_720 = arith.constant 14 : i32
    %dma_wait3A_721 = arith.constant 0 : i32
    %dma_wait3A_722 = tpu.memref_slice %arg7[%dma_wait3A_720, %dma_wait3A_721] : memref<16x64xi32, #tpu.memory_space<vmem>> -> memref<1x64xi32, #tpu.memory_space<vmem>>
    %dma_wait3A_723 = tpu.memref_squeeze %dma_wait3A_722 : memref<1x64xi32, #tpu.memory_space<vmem>> -> memref<64xi32, #tpu.memory_space<vmem>>
    %dma_wait3A_724 = arith.constant 0 : i32
    %dma_wait3A_725 = arith.constant 0 : i32
    %dma_wait3A_726 = tpu.memref_slice %arg2[%dma_wait3A_724, %dma_wait3A_725] : memref<2048x256xf32, #tpu.memory_space<hbm>> -> memref<2048x256xf32, #tpu.memory_space<hbm>>
    tpu.wait_indirect_dma semaphore(%arg13 : memref<!tpu.dma_semaphore, #tpu.memory_space<semaphore_mem>>) src(%dma_wait3A_726 : memref<2048x256xf32, #tpu.memory_space<hbm>>) dst(%arg9 : memref<64x256xf32, #tpu.memory_space<vmem>>)
    %dma_wait3A_727 = arith.constant 14 : i32
    %dma_wait3A_728 = arith.constant 0 : i32
    %dma_wait3A_729 = tpu.memref_slice %arg8[%dma_wait3A_727, %dma_wait3A_728] : memref<16x64xi32, #tpu.memory_space<vmem>> -> memref<1x64xi32, #tpu.memory_space<vmem>>
    %dma_wait3A_730 = tpu.memref_squeeze %dma_wait3A_729 : memref<1x64xi32, #tpu.memory_space<vmem>> -> memref<64xi32, #tpu.memory_space<vmem>>
    %dma_wait3A_731 = arith.constant 0 : i32
    %dma_wait3A_732 = arith.constant 0 : i32
    %dma_wait3A_733 = tpu.memref_slice %arg3[%dma_wait3A_731, %dma_wait3A_732] : memref<2048x256xf32, #tpu.memory_space<hbm>> -> memref<2048x256xf32, #tpu.memory_space<hbm>>
    tpu.wait_indirect_dma semaphore(%arg14 : memref<!tpu.dma_semaphore, #tpu.memory_space<semaphore_mem>>) src(%dma_wait3A_733 : memref<2048x256xf32, #tpu.memory_space<hbm>>) dst(%arg10 : memref<64x256xf32, #tpu.memory_space<vmem>>)
    %scan3A_734 = arith.constant 0 : i32
    %scan3A_735 = arith.constant 0 : i32
    %scan3A_736 = arith.constant 1024 : i32
    %scan3A_737 = arith.addi %scan3A_735, %scan3A_736 : i32
    %scan3A_738 = arith.constant 1 : i32
    %scan3A_739 = scf.for %scan3A_786 = %scan3A_735 to %scan3A_737 step %scan3A_738 iter_args(%scan3A_787 = %scan3A_734) -> (i32)  : i32 {
      %shift_right_logical3A = arith.constant 4 : i32
      %shift_right_logical3A_788 = arith.shrui %scan3A_786, %shift_right_logical3A : i32
      %and3A = arith.constant 15 : i32
      %and3A_789 = arith.andi %scan3A_786, %and3A : i32
      %mul3A_790 = arith.constant 16 : i32
      %mul3A_791 = arith.muli %and3A_789, %mul3A_790 : i32
      %get3A = arith.index_cast %shift_right_logical3A_788 : i32 to index
      %get3A_792 = arith.index_cast %mul3A_791 : i32 to index
      %get3A_793 = tpu.vector_load %arg9[%get3A, %get3A_792] {strides = array<i32>} : memref<64x256xf32, #tpu.memory_space<vmem>>, vector<1x16xf32>,
      %get3A_794 = vector.shape_cast %get3A_793 : vector<1x16xf32> to vector<16xf32>
      %get3A_795 = arith.index_cast %shift_right_logical3A_788 : i32 to index
      %get3A_796 = arith.index_cast %mul3A_791 : i32 to index
      %get3A_797 = tpu.vector_load %arg10[%get3A_795, %get3A_796] {strides = array<i32>} : memref<64x256xf32, #tpu.memory_space<vmem>>, vector<1x16xf32>,
      %get3A_798 = vector.shape_cast %get3A_797 : vector<1x16xf32> to vector<16xf32>
      %add3A_799 = arith.addf %get3A_794, %get3A_798 : vector<16xf32>
      %swap3A = arith.index_cast %shift_right_logical3A_788 : i32 to index
      %swap3A_800 = arith.index_cast %mul3A_791 : i32 to index
      %swap3A_801 = tpu.vector_load %arg9[%swap3A, %swap3A_800] {strides = array<i32>} : memref<64x256xf32, #tpu.memory_space<vmem>>, vector<1x16xf32>,
      %swap3A_802 = vector.shape_cast %swap3A_801 : vector<1x16xf32> to vector<16xf32>
      %swap3A_803 = vector.shape_cast %add3A_799 : vector<16xf32> to vector<1x16xf32>
      tpu.vector_store %arg9[%swap3A, %swap3A_800], %swap3A_803 {strides = array<i32>} : memref<64x256xf32, #tpu.memory_space<vmem>>, vector<1x16xf32>,
      %scan3A_804 = arith.constant 0 : i32
      scf.yield %scan3A_804 : i32
    }
    %scan3A_740 = arith.constant 1024 : i32
    %mul3A_741 = arith.constant 64 : i32
    %mul3A_742 = arith.muli %add3A_719, %mul3A_741 : i32
    %dma_start3A_743 = arith.constant 0 : i32
    %dma_start3A_744 = tpu.memref_slice %arg6[%mul3A_742, %dma_start3A_743] : memref<32768x256xf32, #tpu.memory_space<hbm>> -> memref<64x256xf32, #tpu.memory_space<hbm>>
    %dma_start3A_745 = arith.constant 0 : i32
    %dma_start3A_746 = tpu.memref_slice %arg6[%mul3A_742, %dma_start3A_745] : memref<32768x256xf32, #tpu.memory_space<hbm>> -> memref<64x256xf32, #tpu.memory_space<hbm>>
    tpu.enqueue_dma source(%arg9 : memref<64x256xf32, #tpu.memory_space<vmem>>) target(%dma_start3A_746 : memref<64x256xf32, #tpu.memory_space<hbm>>) target_semaphore(%arg15 : memref<!tpu.dma_semaphore, #tpu.memory_space<semaphore_mem>>)
    %dma_wait3A_747 = arith.constant 0 : i32
    %dma_wait3A_748 = tpu.memref_slice %arg6[%mul3A_742, %dma_wait3A_747] : memref<32768x256xf32, #tpu.memory_space<hbm>> -> memref<64x256xf32, #tpu.memory_space<hbm>>
    %dma_wait3A_749 = arith.constant 0 : i32
    %dma_wait3A_750 = tpu.memref_slice %arg6[%mul3A_742, %dma_wait3A_749] : memref<32768x256xf32, #tpu.memory_space<hbm>> -> memref<64x256xf32, #tpu.memory_space<hbm>>
    tpu.wait_dma2 semaphore(%arg15 : memref<!tpu.dma_semaphore, #tpu.memory_space<semaphore_mem>>) src(%arg9 : memref<64x256xf32, #tpu.memory_space<vmem>>) dst(%dma_wait3A_750 : memref<64x256xf32, #tpu.memory_space<hbm>>)
    %mul3A_751 = arith.constant 16 : i32
    %mul3A_752 = arith.muli %add3A, %mul3A_751 : i32
    %add3A_753 = arith.constant 15 : i32
    %add3A_754 = arith.addi %mul3A_752, %add3A_753 : i32
    %dma_wait3A_755 = arith.constant 15 : i32
    %dma_wait3A_756 = arith.constant 0 : i32
    %dma_wait3A_757 = tpu.memref_slice %arg7[%dma_wait3A_755, %dma_wait3A_756] : memref<16x64xi32, #tpu.memory_space<vmem>> -> memref<1x64xi32, #tpu.memory_space<vmem>>
    %dma_wait3A_758 = tpu.memref_squeeze %dma_wait3A_757 : memref<1x64xi32, #tpu.memory_space<vmem>> -> memref<64xi32, #tpu.memory_space<vmem>>
    %dma_wait3A_759 = arith.constant 0 : i32
    %dma_wait3A_760 = arith.constant 0 : i32
    %dma_wait3A_761 = tpu.memref_slice %arg2[%dma_wait3A_759, %dma_wait3A_760] : memref<2048x256xf32, #tpu.memory_space<hbm>> -> memref<2048x256xf32, #tpu.memory_space<hbm>>
    tpu.wait_indirect_dma semaphore(%arg13 : memref<!tpu.dma_semaphore, #tpu.memory_space<semaphore_mem>>) src(%dma_wait3A_761 : memref<2048x256xf32, #tpu.memory_space<hbm>>) dst(%arg11 : memref<64x256xf32, #tpu.memory_space<vmem>>)
    %dma_wait3A_762 = arith.constant 15 : i32
    %dma_wait3A_763 = arith.constant 0 : i32
    %dma_wait3A_764 = tpu.memref_slice %arg8[%dma_wait3A_762, %dma_wait3A_763] : memref<16x64xi32, #tpu.memory_space<vmem>> -> memref<1x64xi32, #tpu.memory_space<vmem>>
    %dma_wait3A_765 = tpu.memref_squeeze %dma_wait3A_764 : memref<1x64xi32, #tpu.memory_space<vmem>> -> memref<64xi32, #tpu.memory_space<vmem>>
    %dma_wait3A_766 = arith.constant 0 : i32
    %dma_wait3A_767 = arith.constant 0 : i32
    %dma_wait3A_768 = tpu.memref_slice %arg3[%dma_wait3A_766, %dma_wait3A_767] : memref<2048x256xf32, #tpu.memory_space<hbm>> -> memref<2048x256xf32, #tpu.memory_space<hbm>>
    tpu.wait_indirect_dma semaphore(%arg14 : memref<!tpu.dma_semaphore, #tpu.memory_space<semaphore_mem>>) src(%dma_wait3A_768 : memref<2048x256xf32, #tpu.memory_space<hbm>>) dst(%arg12 : memref<64x256xf32, #tpu.memory_space<vmem>>)
    %scan3A_769 = arith.constant 0 : i32
    %scan3A_770 = arith.constant 0 : i32
    %scan3A_771 = arith.constant 1024 : i32
    %scan3A_772 = arith.addi %scan3A_770, %scan3A_771 : i32
    %scan3A_773 = arith.constant 1 : i32
    %scan3A_774 = scf.for %scan3A_786 = %scan3A_770 to %scan3A_772 step %scan3A_773 iter_args(%scan3A_787 = %scan3A_769) -> (i32)  : i32 {
      %shift_right_logical3A = arith.constant 4 : i32
      %shift_right_logical3A_788 = arith.shrui %scan3A_786, %shift_right_logical3A : i32
      %and3A = arith.constant 15 : i32
      %and3A_789 = arith.andi %scan3A_786, %and3A : i32
      %mul3A_790 = arith.constant 16 : i32
      %mul3A_791 = arith.muli %and3A_789, %mul3A_790 : i32
      %get3A = arith.index_cast %shift_right_logical3A_788 : i32 to index
      %get3A_792 = arith.index_cast %mul3A_791 : i32 to index
      %get3A_793 = tpu.vector_load %arg11[%get3A, %get3A_792] {strides = array<i32>} : memref<64x256xf32, #tpu.memory_space<vmem>>, vector<1x16xf32>,
      %get3A_794 = vector.shape_cast %get3A_793 : vector<1x16xf32> to vector<16xf32>
      %get3A_795 = arith.index_cast %shift_right_logical3A_788 : i32 to index
      %get3A_796 = arith.index_cast %mul3A_791 : i32 to index
      %get3A_797 = tpu.vector_load %arg12[%get3A_795, %get3A_796] {strides = array<i32>} : memref<64x256xf32, #tpu.memory_space<vmem>>, vector<1x16xf32>,
      %get3A_798 = vector.shape_cast %get3A_797 : vector<1x16xf32> to vector<16xf32>
      %add3A_799 = arith.addf %get3A_794, %get3A_798 : vector<16xf32>
      %swap3A = arith.index_cast %shift_right_logical3A_788 : i32 to index
      %swap3A_800 = arith.index_cast %mul3A_791 : i32 to index
      %swap3A_801 = tpu.vector_load %arg11[%swap3A, %swap3A_800] {strides = array<i32>} : memref<64x256xf32, #tpu.memory_space<vmem>>, vector<1x16xf32>,
      %swap3A_802 = vector.shape_cast %swap3A_801 : vector<1x16xf32> to vector<16xf32>
      %swap3A_803 = vector.shape_cast %add3A_799 : vector<16xf32> to vector<1x16xf32>
      tpu.vector_store %arg11[%swap3A, %swap3A_800], %swap3A_803 {strides = array<i32>} : memref<64x256xf32, #tpu.memory_space<vmem>>, vector<1x16xf32>,
      %scan3A_804 = arith.constant 0 : i32
      scf.yield %scan3A_804 : i32
    }
    %scan3A_775 = arith.constant 1024 : i32
    %mul3A_776 = arith.constant 64 : i32
    %mul3A_777 = arith.muli %add3A_754, %mul3A_776 : i32
    %dma_start3A_778 = arith.constant 0 : i32
    %dma_start3A_779 = tpu.memref_slice %arg6[%mul3A_777, %dma_start3A_778] : memref<32768x256xf32, #tpu.memory_space<hbm>> -> memref<64x256xf32, #tpu.memory_space<hbm>>
    %dma_start3A_780 = arith.constant 0 : i32
    %dma_start3A_781 = tpu.memref_slice %arg6[%mul3A_777, %dma_start3A_780] : memref<32768x256xf32, #tpu.memory_space<hbm>> -> memref<64x256xf32, #tpu.memory_space<hbm>>
    tpu.enqueue_dma source(%arg11 : memref<64x256xf32, #tpu.memory_space<vmem>>) target(%dma_start3A_781 : memref<64x256xf32, #tpu.memory_space<hbm>>) target_semaphore(%arg15 : memref<!tpu.dma_semaphore, #tpu.memory_space<semaphore_mem>>)
    %dma_wait3A_782 = arith.constant 0 : i32
    %dma_wait3A_783 = tpu.memref_slice %arg6[%mul3A_777, %dma_wait3A_782] : memref<32768x256xf32, #tpu.memory_space<hbm>> -> memref<64x256xf32, #tpu.memory_space<hbm>>
    %dma_wait3A_784 = arith.constant 0 : i32
    %dma_wait3A_785 = tpu.memref_slice %arg6[%mul3A_777, %dma_wait3A_784] : memref<32768x256xf32, #tpu.memory_space<hbm>> -> memref<64x256xf32, #tpu.memory_space<hbm>>
    tpu.wait_dma2 semaphore(%arg15 : memref<!tpu.dma_semaphore, #tpu.memory_space<semaphore_mem>>) src(%arg11 : memref<64x256xf32, #tpu.memory_space<vmem>>) dst(%dma_wait3A_785 : memref<64x256xf32, #tpu.memory_space<hbm>>)
    return
  }
}

module attributes {stable_mosaic.version = 14 : i64} {
  func.func @_tc_prep_body(%arg0: memref<2048x256xf32, #tpu.memory_space<vmem>>, %arg1: memref<256x256xf32, #tpu.memory_space<vmem>>, %arg2: memref<1x256xf32, #tpu.memory_space<vmem>>, %arg3: memref<512x256xf32, #tpu.memory_space<vmem>>, %arg4: memref<1x256xf32, #tpu.memory_space<vmem>>, %arg5: memref<256x128xi32, #tpu.memory_space<vmem>>, %arg6: memref<256x128xi32, #tpu.memory_space<vmem>>, %arg7: memref<2048x256xf32, #tpu.memory_space<vmem>>, %arg8: memref<2048x256xf32, #tpu.memory_space<vmem>>, %arg9: memref<2048x256xf32, #tpu.memory_space<vmem>>, %arg10: memref<256x128xi32, #tpu.memory_space<vmem>>) attributes {dimension_semantics = [], scalar_prefetch = 0 : i64, scratch_operands = 0 : i64, tpu.core_type = #tpu.core_type<tc>} {
    %get3A = arith.constant 0 : index
    %get3A_0 = arith.constant 0 : index
    %get3A_1 = vector.load %arg0[%get3A, %get3A_0] : memref<2048x256xf32, #tpu.memory_space<vmem>>, vector<2048x256xf32>
    %get3A_2 = arith.constant 0 : index
    %get3A_3 = arith.constant 0 : index
    %get3A_4 = vector.load %arg1[%get3A_2, %get3A_3] : memref<256x256xf32, #tpu.memory_space<vmem>>, vector<256x256xf32>
    %dot_general3A = arith.constant dense<0.000000e+00> : vector<2048x256xf32>
    %dot_general3A_5 = tpu.matmul %get3A_1, %get3A_4, %dot_general3A {dimension_numbers = #tpu.dot_dimension_numbers<[1], [0], [0], [1], [0, 0, 1, 1], [], []>, transpose_lhs_hint = false} : vector<2048x256xf32>, vector<256x256xf32>, vector<2048x256xf32> -> vector<2048x256xf32>
    %get3A_6 = arith.constant 0 : index
    %get3A_7 = arith.constant 0 : index
    %get3A_8 = vector.load %arg2[%get3A_6, %get3A_7] : memref<1x256xf32, #tpu.memory_space<vmem>>, vector<1x256xf32>
    %add3A = vector.broadcast %get3A_8 : vector<1x256xf32> to vector<2048x256xf32>
    %add3A_9 = arith.addf %dot_general3A_5, %add3A : vector<2048x256xf32>
    %swap3A = arith.constant 0 : index
    %swap3A_10 = arith.constant 0 : index
    %swap3A_11 = vector.load %arg7[%swap3A, %swap3A_10] : memref<2048x256xf32, #tpu.memory_space<vmem>>, vector<2048x256xf32>
    tpu.vector_store %arg7[%swap3A, %swap3A_10], %add3A_9 {strides = array<i32>} : memref<2048x256xf32, #tpu.memory_space<vmem>>, vector<2048x256xf32>,
    %get3A_12 = arith.constant 0 : index
    %get3A_13 = arith.constant 0 : index
    %get3A_14 = vector.load %arg3[%get3A_12, %get3A_13] : memref<512x256xf32, #tpu.memory_space<vmem>>, vector<256x256xf32>
    %dot_general3A_15 = arith.constant dense<0.000000e+00> : vector<2048x256xf32>
    %dot_general3A_16 = tpu.matmul %get3A_1, %get3A_14, %dot_general3A_15 {dimension_numbers = #tpu.dot_dimension_numbers<[1], [0], [0], [1], [0, 0, 1, 1], [], []>, transpose_lhs_hint = false} : vector<2048x256xf32>, vector<256x256xf32>, vector<2048x256xf32> -> vector<2048x256xf32>
    %get3A_17 = arith.constant 0 : index
    %get3A_18 = arith.constant 0 : index
    %get3A_19 = vector.load %arg4[%get3A_17, %get3A_18] : memref<1x256xf32, #tpu.memory_space<vmem>>, vector<1x256xf32>
    %add3A_20 = vector.broadcast %get3A_19 : vector<1x256xf32> to vector<2048x256xf32>
    %add3A_21 = arith.addf %dot_general3A_16, %add3A_20 : vector<2048x256xf32>
    %swap3A_22 = arith.constant 0 : index
    %swap3A_23 = arith.constant 0 : index
    %swap3A_24 = vector.load %arg8[%swap3A_22, %swap3A_23] : memref<2048x256xf32, #tpu.memory_space<vmem>>, vector<2048x256xf32>
    tpu.vector_store %arg8[%swap3A_22, %swap3A_23], %add3A_21 {strides = array<i32>} : memref<2048x256xf32, #tpu.memory_space<vmem>>, vector<2048x256xf32>,
    %get3A_25 = arith.constant 256 : index
    %get3A_26 = arith.constant 0 : index
    %get3A_27 = vector.load %arg3[%get3A_25, %get3A_26] : memref<512x256xf32, #tpu.memory_space<vmem>>, vector<256x256xf32>
    %dot_general3A_28 = arith.constant dense<0.000000e+00> : vector<2048x256xf32>
    %dot_general3A_29 = tpu.matmul %get3A_1, %get3A_27, %dot_general3A_28 {dimension_numbers = #tpu.dot_dimension_numbers<[1], [0], [0], [1], [0, 0, 1, 1], [], []>, transpose_lhs_hint = false} : vector<2048x256xf32>, vector<256x256xf32>, vector<2048x256xf32> -> vector<2048x256xf32>
    %swap3A_30 = arith.constant 0 : index
    %swap3A_31 = arith.constant 0 : index
    %swap3A_32 = vector.load %arg9[%swap3A_30, %swap3A_31] : memref<2048x256xf32, #tpu.memory_space<vmem>>, vector<2048x256xf32>
    tpu.vector_store %arg9[%swap3A_30, %swap3A_31], %dot_general3A_29 {strides = array<i32>} : memref<2048x256xf32, #tpu.memory_space<vmem>>, vector<2048x256xf32>,
    %get3A_33 = arith.constant 0 : index
    %get3A_34 = arith.constant 0 : index
    %get3A_35 = vector.load %arg5[%get3A_33, %get3A_34] : memref<256x128xi32, #tpu.memory_space<vmem>>, vector<256x128xi32>
    %mul3A = arith.constant 2048 : i32
    %mul3A_36 = vector.broadcast %mul3A : i32 to vector<256x128xi32>
    %mul3A_37 = arith.muli %get3A_35, %mul3A_36 : vector<256x128xi32>
    %get3A_38 = arith.constant 0 : index
    %get3A_39 = arith.constant 0 : index
    %get3A_40 = vector.load %arg6[%get3A_38, %get3A_39] : memref<256x128xi32, #tpu.memory_space<vmem>>, vector<256x128xi32>
    %add3A_41 = arith.addi %mul3A_37, %get3A_40 : vector<256x128xi32>
    %swap3A_42 = arith.constant 0 : index
    %swap3A_43 = arith.constant 0 : index
    %swap3A_44 = vector.load %arg10[%swap3A_42, %swap3A_43] : memref<256x128xi32, #tpu.memory_space<vmem>>, vector<256x128xi32>
    tpu.vector_store %arg10[%swap3A_42, %swap3A_43], %add3A_41 {strides = array<i32>} : memref<256x128xi32, #tpu.memory_space<vmem>>, vector<256x128xi32>,
    return
  }
}

module attributes {stable_mosaic.version = 14 : i64} {
  func.func @_tc_agg_body(%arg0: i32, %arg1: memref<1x1x4096xi32, #tpu.memory_space<vmem>>, %arg2: memref<1x1x4096xi32, #tpu.memory_space<vmem>>, %arg3: memref<2048x256xbf16, #tpu.memory_space<vmem>>, %arg4: memref<2048x256xf32, #tpu.memory_space<vmem>>, %arg5: memref<2048x128xf32, #tpu.memory_space<vmem>>) attributes {dimension_semantics = [#tpu.dimension_semantics<arbitrary>], iteration_bounds = array<i64: 8>, scalar_prefetch = 0 : i64, scratch_operands = 0 : i64, tpu.core_type = #tpu.core_type<tc>, window_params = [{transform_indices = @transform_0, window_bounds = array<i64: 1, 1, 4096>}, {transform_indices = @transform_1, window_bounds = array<i64: 1, 1, 4096>}, {pipeline_mode = #tpu.pipeline_mode<synchronous>, transform_indices = @transform_2, window_bounds = array<i64: 2048, 256>}, {pipeline_mode = #tpu.pipeline_mode<synchronous>, transform_indices = @transform_3, window_bounds = array<i64: 2048, 256>}, {pipeline_mode = #tpu.pipeline_mode<synchronous>, transform_indices = @transform_4, window_bounds = array<i64: 2048, 128>}]} {
    %get3A = arith.constant 0 : index
    %get3A_0 = arith.constant 0 : index
    %get3A_1 = arith.constant 0 : index
    %get3A_2 = vector.load %arg1[%get3A, %get3A_0, %get3A_1] : memref<1x1x4096xi32, #tpu.memory_space<vmem>>, vector<1x1x4096xi32>
    %reshape3A = vector.shape_cast %get3A_2 : vector<1x1x4096xi32> to vector<1x4096xi32>
    %get3A_3 = arith.constant 0 : index
    %get3A_4 = arith.constant 0 : index
    %get3A_5 = arith.constant 0 : index
    %get3A_6 = vector.load %arg2[%get3A_3, %get3A_4, %get3A_5] : memref<1x1x4096xi32, #tpu.memory_space<vmem>>, vector<1x1x4096xi32>
    %reshape3A_7 = vector.shape_cast %get3A_6 : vector<1x1x4096xi32> to vector<4096x1xi32>
    %iota3A = tpu.iota {dimensions = array<i32: 0>} : vector<2048x4096xi32>
    %eq3A = vector.broadcast %reshape3A : vector<1x4096xi32> to vector<2048x4096xi32>
    %eq3A_8 = arith.cmpi eq, %iota3A, %eq3A : vector<2048x4096xi32>
    %convert_element_type3A = arith.extui %eq3A_8 : vector<2048x4096xi1> to vector<2048x4096xi32>
    %convert_element_type3A_9 = arith.sitofp %convert_element_type3A : vector<2048x4096xi32> to vector<2048x4096xf32>
    %convert_element_type3A_10 = arith.truncf %convert_element_type3A_9 : vector<2048x4096xf32> to vector<2048x4096xbf16>
    %iota3A_11 = tpu.iota {dimensions = array<i32: 1>} : vector<4096x2048xi32>
    %eq3A_12 = vector.broadcast %reshape3A_7 : vector<4096x1xi32> to vector<4096x2048xi32>
    %eq3A_13 = arith.cmpi eq, %iota3A_11, %eq3A_12 : vector<4096x2048xi32>
    %convert_element_type3A_14 = arith.extui %eq3A_13 : vector<4096x2048xi1> to vector<4096x2048xi32>
    %convert_element_type3A_15 = arith.sitofp %convert_element_type3A_14 : vector<4096x2048xi32> to vector<4096x2048xf32>
    %convert_element_type3A_16 = arith.truncf %convert_element_type3A_15 : vector<4096x2048xf32> to vector<4096x2048xbf16>
    %get3A_17 = arith.constant 0 : index
    %get3A_18 = arith.constant 0 : index
    %get3A_19 = vector.load %arg3[%get3A_17, %get3A_18] : memref<2048x256xbf16, #tpu.memory_space<vmem>>, vector<2048x256xbf16>
    %dot_general3A = arith.constant dense<0.000000e+00> : vector<4096x256xf32>
    %dot_general3A_20 = tpu.matmul %convert_element_type3A_16, %get3A_19, %dot_general3A {dimension_numbers = #tpu.dot_dimension_numbers<[1], [0], [0], [1], [0, 0, 1, 1], [], []>, transpose_lhs_hint = false} : vector<4096x2048xbf16>, vector<2048x256xbf16>, vector<4096x256xf32> -> vector<4096x256xf32>
    %convert_element_type3A_21 = arith.truncf %dot_general3A_20 : vector<4096x256xf32> to vector<4096x256xbf16>
    %dot_general3A_22 = arith.constant dense<0.000000e+00> : vector<2048x256xf32>
    %dot_general3A_23 = tpu.matmul %convert_element_type3A_10, %convert_element_type3A_21, %dot_general3A_22 {dimension_numbers = #tpu.dot_dimension_numbers<[1], [0], [0], [1], [0, 0, 1, 1], [], []>, transpose_lhs_hint = false} : vector<2048x4096xbf16>, vector<4096x256xbf16>, vector<2048x256xf32> -> vector<2048x256xf32>
    %convert_element_type3A_24 = arith.extf %convert_element_type3A_10 : vector<2048x4096xbf16> to vector<2048x4096xf32>
    %reduce_sum3A = arith.constant dense<0.000000e+00> : vector<2048xf32>
    %reduce_sum3A_25 = vector.multi_reduction <add>, %convert_element_type3A_24, %reduce_sum3A [1] : vector<2048x4096xf32> to vector<2048xf32>
    %broadcast_in_dim3A = vector.shape_cast %reduce_sum3A_25 : vector<2048xf32> to vector<2048x1xf32>
    %broadcast_in_dim3A_26 = vector.shape_cast %broadcast_in_dim3A : vector<2048x1xf32> to vector<2048x1xf32>
    %broadcast_in_dim3A_27 = vector.broadcast %broadcast_in_dim3A_26 : vector<2048x1xf32> to vector<2048x128xf32>
    %eq3A_28 = arith.constant 0 : i32
    %eq3A_29 = arith.cmpi eq, %arg0, %eq3A_28 : i32
    %convert_element_type3A_30 = arith.extui %eq3A_29 : i1 to i32
    %cond3A = arith.constant 0 : i32
    %cond3A_31 = arith.cmpi ne, %convert_element_type3A_30, %cond3A : i32
    scf.if %cond3A_31 {
      %swap3A = arith.constant 0 : index
      %swap3A_36 = arith.constant 0 : index
      %swap3A_37 = vector.load %arg4[%swap3A, %swap3A_36] : memref<2048x256xf32, #tpu.memory_space<vmem>>, vector<2048x256xf32>
      tpu.vector_store %arg4[%swap3A, %swap3A_36], %dot_general3A_23 {strides = array<i32>} : memref<2048x256xf32, #tpu.memory_space<vmem>>, vector<2048x256xf32>,
      %swap3A_38 = arith.constant 0 : index
      %swap3A_39 = arith.constant 0 : index
      %swap3A_40 = vector.load %arg5[%swap3A_38, %swap3A_39] : memref<2048x128xf32, #tpu.memory_space<vmem>>, vector<2048x128xf32>
      tpu.vector_store %arg5[%swap3A_38, %swap3A_39], %broadcast_in_dim3A_27 {strides = array<i32>} : memref<2048x128xf32, #tpu.memory_space<vmem>>, vector<2048x128xf32>,
    } else {
    }
    %gt3A = arith.constant 0 : i32
    %gt3A_32 = arith.cmpi sgt, %arg0, %gt3A : i32
    %convert_element_type3A_33 = arith.extui %gt3A_32 : i1 to i32
    %cond3A_34 = arith.constant 0 : i32
    %cond3A_35 = arith.cmpi ne, %convert_element_type3A_33, %cond3A_34 : i32
    scf.if %cond3A_35 {
      %get3A_36 = arith.constant 0 : index
      %get3A_37 = arith.constant 0 : index
      %get3A_38 = vector.load %arg4[%get3A_36, %get3A_37] : memref<2048x256xf32, #tpu.memory_space<vmem>>, vector<2048x256xf32>
      %add3A = arith.addf %get3A_38, %dot_general3A_23 : vector<2048x256xf32>
      %swap3A = arith.constant 0 : index
      %swap3A_39 = arith.constant 0 : index
      %swap3A_40 = vector.load %arg4[%swap3A, %swap3A_39] : memref<2048x256xf32, #tpu.memory_space<vmem>>, vector<2048x256xf32>
      tpu.vector_store %arg4[%swap3A, %swap3A_39], %add3A {strides = array<i32>} : memref<2048x256xf32, #tpu.memory_space<vmem>>, vector<2048x256xf32>,
      %get3A_41 = arith.constant 0 : index
      %get3A_42 = arith.constant 0 : index
      %get3A_43 = vector.load %arg5[%get3A_41, %get3A_42] : memref<2048x128xf32, #tpu.memory_space<vmem>>, vector<2048x128xf32>
      %add3A_44 = arith.addf %get3A_43, %broadcast_in_dim3A_27 : vector<2048x128xf32>
      %swap3A_45 = arith.constant 0 : index
      %swap3A_46 = arith.constant 0 : index
      %swap3A_47 = vector.load %arg5[%swap3A_45, %swap3A_46] : memref<2048x128xf32, #tpu.memory_space<vmem>>, vector<2048x128xf32>
      tpu.vector_store %arg5[%swap3A_45, %swap3A_46], %add3A_44 {strides = array<i32>} : memref<2048x128xf32, #tpu.memory_space<vmem>>, vector<2048x128xf32>,
    } else {
    }
    return
  }
  func.func @transform_0(%arg0: i32) -> (i32, i32, i32) {
    %c0_i32 = arith.constant 0 : i32
    %c0_i32_0 = arith.constant 0 : i32
    %c0_i32_1 = arith.constant 0 : i32
    return %arg0, %c0_i32, %c0_i32_0 : i32, i32, i32
  }
  func.func @transform_1(%arg0: i32) -> (i32, i32, i32) {
    %c0_i32 = arith.constant 0 : i32
    %c0_i32_0 = arith.constant 0 : i32
    %c0_i32_1 = arith.constant 0 : i32
    return %arg0, %c0_i32, %c0_i32_0 : i32, i32, i32
  }
  func.func @transform_2(%arg0: i32) -> (i32, i32) {
    %c0_i32 = arith.constant 0 : i32
    %c0_i32_0 = arith.constant 0 : i32
    %c0_i32_1 = arith.constant 0 : i32
    return %c0_i32, %c0_i32_0 : i32, i32
  }
  func.func @transform_3(%arg0: i32) -> (i32, i32) {
    %c0_i32 = arith.constant 0 : i32
    %c0_i32_0 = arith.constant 0 : i32
    %c0_i32_1 = arith.constant 0 : i32
    return %c0_i32, %c0_i32_0 : i32, i32
  }
  func.func @transform_4(%arg0: i32) -> (i32, i32) {
    %c0_i32 = arith.constant 0 : i32
    %c0_i32_0 = arith.constant 0 : i32
    %c0_i32_1 = arith.constant 0 : i32
    return %c0_i32, %c0_i32_0 : i32, i32
  }
}

module attributes {stable_mosaic.version = 14 : i64} {
  func.func @_tc_main_body(%arg0: i32, %arg1: memref<256x2048xbf16, #tpu.memory_space<vmem>>, %arg2: memref<2048x2048xbf16, #tpu.memory_space<vmem>>, %arg3: memref<2048x256xf32, #tpu.memory_space<vmem>>, %arg4: memref<256x256xf32, #tpu.memory_space<vmem>>, %arg5: memref<256x128xf32, #tpu.memory_space<vmem>>, %arg6: memref<256x256xf32, #tpu.memory_space<vmem>>, %arg7: memref<512x256xf32, #tpu.memory_space<vmem>>, %arg8: memref<1x256xf32, #tpu.memory_space<vmem>>, %arg9: memref<256x256xf32, #tpu.memory_space<vmem>>, %arg10: memref<1x256xf32, #tpu.memory_space<vmem>>, %arg11: memref<768x256xf32, #tpu.memory_space<vmem>>, %arg12: memref<1x256xf32, #tpu.memory_space<vmem>>, %arg13: memref<256x256xf32, #tpu.memory_space<vmem>>, %arg14: memref<1x256xf32, #tpu.memory_space<vmem>>, %arg15: memref<256x256xf32, #tpu.memory_space<vmem>>, %arg16: memref<256x256xf32, #tpu.memory_space<vmem>>) attributes {dimension_semantics = [#tpu.dimension_semantics<arbitrary>], iteration_bounds = array<i64: 8>, scalar_prefetch = 0 : i64, scratch_operands = 0 : i64, tpu.core_type = #tpu.core_type<tc>, window_params = [{transform_indices = @transform_0, window_bounds = array<i64: 256, 2048>}, {pipeline_mode = #tpu.pipeline_mode<synchronous>, transform_indices = @transform_1, window_bounds = array<i64: 2048, 2048>}, {pipeline_mode = #tpu.pipeline_mode<synchronous>, transform_indices = @transform_2, window_bounds = array<i64: 2048, 256>}, {transform_indices = @transform_3, window_bounds = array<i64: 256, 256>}, {transform_indices = @transform_4, window_bounds = array<i64: 256, 128>}, {transform_indices = @transform_5, window_bounds = array<i64: 256, 256>}, {pipeline_mode = #tpu.pipeline_mode<synchronous>, transform_indices = @transform_6, window_bounds = array<i64: 512, 256>}, {pipeline_mode = #tpu.pipeline_mode<synchronous>, transform_indices = @transform_7, window_bounds = array<i64: 1, 256>}, {pipeline_mode = #tpu.pipeline_mode<synchronous>, transform_indices = @transform_8, window_bounds = array<i64: 256, 256>}, {pipeline_mode = #tpu.pipeline_mode<synchronous>, transform_indices = @transform_9, window_bounds = array<i64: 1, 256>}, {pipeline_mode = #tpu.pipeline_mode<synchronous>, transform_indices = @transform_10, window_bounds = array<i64: 768, 256>}, {pipeline_mode = #tpu.pipeline_mode<synchronous>, transform_indices = @transform_11, window_bounds = array<i64: 1, 256>}, {pipeline_mode = #tpu.pipeline_mode<synchronous>, transform_indices = @transform_12, window_bounds = array<i64: 256, 256>}, {pipeline_mode = #tpu.pipeline_mode<synchronous>, transform_indices = @transform_13, window_bounds = array<i64: 1, 256>}, {transform_indices = @transform_14, window_bounds = array<i64: 256, 256>}, {transform_indices = @transform_15, window_bounds = array<i64: 256, 256>}]} {
    %get3A = arith.constant 0 : index
    %get3A_0 = arith.constant 0 : index
    %get3A_1 = vector.load %arg3[%get3A, %get3A_0] : memref<2048x256xf32, #tpu.memory_space<vmem>>, vector<2048x256xf32>
    %get3A_2 = arith.constant 0 : index
    %get3A_3 = arith.constant 0 : index
    %get3A_4 = vector.load %arg4[%get3A_2, %get3A_3] : memref<256x256xf32, #tpu.memory_space<vmem>>, vector<256x256xf32>
    %get3A_5 = arith.constant 0 : index
    %get3A_6 = arith.constant 0 : index
    %get3A_7 = vector.load %arg5[%get3A_5, %get3A_6] : memref<256x128xf32, #tpu.memory_space<vmem>>, vector<256x128xf32>
    %slice3A = vector.extract_strided_slice %get3A_7 {offsets = [0, 0], sizes = [256, 1], strides = [1, 1]} : vector<256x128xf32> to vector<256x1xf32>
    %get3A_8 = arith.constant 0 : index
    %get3A_9 = arith.constant 0 : index
    %get3A_10 = vector.load %arg6[%get3A_8, %get3A_9] : memref<256x256xf32, #tpu.memory_space<vmem>>, vector<256x256xf32>
    %gt3A = arith.constant 0.000000e+00 : f32
    %gt3A_11 = vector.broadcast %gt3A : f32 to vector<256x1xf32>
    %gt3A_12 = arith.cmpf ogt, %slice3A, %gt3A_11 : vector<256x1xf32>
    %max3A = arith.constant 1.000000e+00 : f32
    %max3A_13 = vector.broadcast %max3A : f32 to vector<256x1xf32>
    %max3A_14 = arith.maximumf %slice3A, %max3A_13 : vector<256x1xf32>
    %div3A = vector.broadcast %max3A_14 : vector<256x1xf32> to vector<256x256xf32>
    %div3A_15 = arith.divf %get3A_10, %div3A : vector<256x256xf32>
    %jit3A = arith.constant 0.000000e+00 : f32
    %broadcast_in_dim3A = vector.shape_cast %gt3A_12 : vector<256x1xi1> to vector<256x1xi1>
    %broadcast_in_dim3A_16 = vector.broadcast %broadcast_in_dim3A : vector<256x1xi1> to vector<256x256xi1>
    %broadcast_in_dim3A_17 = vector.broadcast %jit3A : f32 to vector<256x256xf32>
    %select_n3A = arith.select %broadcast_in_dim3A_16, %div3A_15, %broadcast_in_dim3A_17 : vector<256x256xi1>, vector<256x256xf32>
    %get3A_18 = arith.constant 0 : index
    %get3A_19 = arith.constant 0 : index
    %get3A_20 = vector.load %arg1[%get3A_18, %get3A_19] : memref<256x2048xbf16, #tpu.memory_space<vmem>>, vector<256x2048xbf16>
    %get3A_21 = arith.constant 0 : index
    %get3A_22 = arith.constant 0 : index
    %get3A_23 = vector.load %arg2[%get3A_21, %get3A_22] : memref<2048x2048xbf16, #tpu.memory_space<vmem>>, vector<2048x2048xbf16>
    %dot_general3A = arith.constant dense<0.000000e+00> : vector<256x2048xf32>
    %dot_general3A_24 = tpu.matmul %get3A_20, %get3A_23, %dot_general3A {dimension_numbers = #tpu.dot_dimension_numbers<[1], [0], [0], [1], [0, 0, 1, 1], [], []>, transpose_lhs_hint = false} : vector<256x2048xbf16>, vector<2048x2048xbf16>, vector<256x2048xf32> -> vector<256x2048xf32>
    %mul3A = arith.constant 256 : i32
    %mul3A_25 = arith.muli %arg0, %mul3A : i32
    %iota3A = tpu.iota {dimensions = array<i32: 0>} : vector<256x2048xi32>
    %add3A = vector.broadcast %mul3A_25 : i32 to vector<256x2048xi32>
    %add3A_26 = arith.addi %add3A, %iota3A : vector<256x2048xi32>
    %iota3A_27 = tpu.iota {dimensions = array<i32: 1>} : vector<256x2048xi32>
    %gt3A_28 = arith.constant 0.000000e+00 : f32
    %gt3A_29 = vector.broadcast %gt3A_28 : f32 to vector<256x2048xf32>
    %gt3A_30 = arith.cmpf ogt, %dot_general3A_24, %gt3A_29 : vector<256x2048xf32>
    %ne3A = arith.cmpi ne, %add3A_26, %iota3A_27 : vector<256x2048xi32>
    %and3A = arith.andi %gt3A_30, %ne3A : vector<256x2048xi1>
    %jit3A_31 = arith.constant 1.000000e+00 : f32
    %jit3A_32 = arith.constant 0.000000e+00 : f32
    %broadcast_in_dim3A_33 = vector.broadcast %jit3A_31 : f32 to vector<256x2048xf32>
    %broadcast_in_dim3A_34 = vector.broadcast %jit3A_32 : f32 to vector<256x2048xf32>
    %select_n3A_35 = arith.select %and3A, %broadcast_in_dim3A_33, %broadcast_in_dim3A_34 : vector<256x2048xi1>, vector<256x2048xf32>
    %reduce_sum3A = arith.constant dense<0.000000e+00> : vector<256xf32>
    %reduce_sum3A_36 = vector.multi_reduction <add>, %select_n3A_35, %reduce_sum3A [1] : vector<256x2048xf32> to vector<256xf32>
    %broadcast_in_dim3A_37 = vector.shape_cast %reduce_sum3A_36 : vector<256xf32> to vector<256x1xf32>
    %dot_general3A_38 = arith.constant dense<0.000000e+00> : vector<256x256xf32>
    %dot_general3A_39 = tpu.matmul %select_n3A_35, %get3A_1, %dot_general3A_38 {dimension_numbers = #tpu.dot_dimension_numbers<[1], [0], [0], [1], [0, 0, 1, 1], [], []>, transpose_lhs_hint = false} : vector<256x2048xf32>, vector<2048x256xf32>, vector<256x256xf32> -> vector<256x256xf32>
    %gt3A_40 = arith.constant 0.000000e+00 : f32
    %gt3A_41 = vector.broadcast %gt3A_40 : f32 to vector<256x1xf32>
    %gt3A_42 = arith.cmpf ogt, %broadcast_in_dim3A_37, %gt3A_41 : vector<256x1xf32>
    %max3A_43 = arith.constant 1.000000e+00 : f32
    %max3A_44 = vector.broadcast %max3A_43 : f32 to vector<256x1xf32>
    %max3A_45 = arith.maximumf %broadcast_in_dim3A_37, %max3A_44 : vector<256x1xf32>
    %div3A_46 = vector.broadcast %max3A_45 : vector<256x1xf32> to vector<256x256xf32>
    %div3A_47 = arith.divf %dot_general3A_39, %div3A_46 : vector<256x256xf32>
    %jit3A_48 = arith.constant 0.000000e+00 : f32
    %broadcast_in_dim3A_49 = vector.shape_cast %gt3A_42 : vector<256x1xi1> to vector<256x1xi1>
    %broadcast_in_dim3A_50 = vector.broadcast %broadcast_in_dim3A_49 : vector<256x1xi1> to vector<256x256xi1>
    %broadcast_in_dim3A_51 = vector.broadcast %jit3A_48 : f32 to vector<256x256xf32>
    %select_n3A_52 = arith.select %broadcast_in_dim3A_50, %div3A_47, %broadcast_in_dim3A_51 : vector<256x256xi1>, vector<256x256xf32>
    %get3A_53 = arith.constant 0 : index
    %get3A_54 = arith.constant 0 : index
    %get3A_55 = vector.load %arg7[%get3A_53, %get3A_54] : memref<512x256xf32, #tpu.memory_space<vmem>>, vector<256x256xf32>
    %dot_general3A_56 = arith.constant dense<0.000000e+00> : vector<256x256xf32>
    %dot_general3A_57 = tpu.matmul %get3A_4, %get3A_55, %dot_general3A_56 {dimension_numbers = #tpu.dot_dimension_numbers<[1], [0], [0], [1], [0, 0, 1, 1], [], []>, transpose_lhs_hint = false} : vector<256x256xf32>, vector<256x256xf32>, vector<256x256xf32> -> vector<256x256xf32>
    %get3A_58 = arith.constant 256 : index
    %get3A_59 = arith.constant 0 : index
    %get3A_60 = vector.load %arg7[%get3A_58, %get3A_59] : memref<512x256xf32, #tpu.memory_space<vmem>>, vector<256x256xf32>
    %dot_general3A_61 = arith.constant dense<0.000000e+00> : vector<256x256xf32>
    %dot_general3A_62 = tpu.matmul %select_n3A, %get3A_60, %dot_general3A_61 {dimension_numbers = #tpu.dot_dimension_numbers<[1], [0], [0], [1], [0, 0, 1, 1], [], []>, transpose_lhs_hint = false} : vector<256x256xf32>, vector<256x256xf32>, vector<256x256xf32> -> vector<256x256xf32>
    %add3A_63 = arith.addf %dot_general3A_57, %dot_general3A_62 : vector<256x256xf32>
    %get3A_64 = arith.constant 0 : index
    %get3A_65 = arith.constant 0 : index
    %get3A_66 = vector.load %arg8[%get3A_64, %get3A_65] : memref<1x256xf32, #tpu.memory_space<vmem>>, vector<1x256xf32>
    %add3A_67 = vector.broadcast %get3A_66 : vector<1x256xf32> to vector<256x256xf32>
    %add3A_68 = arith.addf %add3A_63, %add3A_67 : vector<256x256xf32>
    %max3A_69 = arith.constant 0.000000e+00 : f32
    %max3A_70 = vector.broadcast %max3A_69 : f32 to vector<256x256xf32>
    %max3A_71 = arith.maximumf %add3A_68, %max3A_70 : vector<256x256xf32>
    %get3A_72 = arith.constant 0 : index
    %get3A_73 = arith.constant 0 : index
    %get3A_74 = vector.load %arg9[%get3A_72, %get3A_73] : memref<256x256xf32, #tpu.memory_space<vmem>>, vector<256x256xf32>
    %dot_general3A_75 = arith.constant dense<0.000000e+00> : vector<256x256xf32>
    %dot_general3A_76 = tpu.matmul %max3A_71, %get3A_74, %dot_general3A_75 {dimension_numbers = #tpu.dot_dimension_numbers<[1], [0], [0], [1], [0, 0, 1, 1], [], []>, transpose_lhs_hint = false} : vector<256x256xf32>, vector<256x256xf32>, vector<256x256xf32> -> vector<256x256xf32>
    %get3A_77 = arith.constant 0 : index
    %get3A_78 = arith.constant 0 : index
    %get3A_79 = vector.load %arg10[%get3A_77, %get3A_78] : memref<1x256xf32, #tpu.memory_space<vmem>>, vector<1x256xf32>
    %add3A_80 = vector.broadcast %get3A_79 : vector<1x256xf32> to vector<256x256xf32>
    %add3A_81 = arith.addf %dot_general3A_76, %add3A_80 : vector<256x256xf32>
    %swap3A = arith.constant 0 : index
    %swap3A_82 = arith.constant 0 : index
    %swap3A_83 = vector.load %arg15[%swap3A, %swap3A_82] : memref<256x256xf32, #tpu.memory_space<vmem>>, vector<256x256xf32>
    tpu.vector_store %arg15[%swap3A, %swap3A_82], %add3A_81 {strides = array<i32>} : memref<256x256xf32, #tpu.memory_space<vmem>>, vector<256x256xf32>,
    %get3A_84 = arith.constant 0 : index
    %get3A_85 = arith.constant 0 : index
    %get3A_86 = vector.load %arg11[%get3A_84, %get3A_85] : memref<768x256xf32, #tpu.memory_space<vmem>>, vector<256x256xf32>
    %dot_general3A_87 = arith.constant dense<0.000000e+00> : vector<256x256xf32>
    %dot_general3A_88 = tpu.matmul %get3A_4, %get3A_86, %dot_general3A_87 {dimension_numbers = #tpu.dot_dimension_numbers<[1], [0], [0], [1], [0, 0, 1, 1], [], []>, transpose_lhs_hint = false} : vector<256x256xf32>, vector<256x256xf32>, vector<256x256xf32> -> vector<256x256xf32>
    %get3A_89 = arith.constant 256 : index
    %get3A_90 = arith.constant 0 : index
    %get3A_91 = vector.load %arg11[%get3A_89, %get3A_90] : memref<768x256xf32, #tpu.memory_space<vmem>>, vector<256x256xf32>
    %dot_general3A_92 = arith.constant dense<0.000000e+00> : vector<256x256xf32>
    %dot_general3A_93 = tpu.matmul %select_n3A, %get3A_91, %dot_general3A_92 {dimension_numbers = #tpu.dot_dimension_numbers<[1], [0], [0], [1], [0, 0, 1, 1], [], []>, transpose_lhs_hint = false} : vector<256x256xf32>, vector<256x256xf32>, vector<256x256xf32> -> vector<256x256xf32>
    %add3A_94 = arith.addf %dot_general3A_88, %dot_general3A_93 : vector<256x256xf32>
    %get3A_95 = arith.constant 512 : index
    %get3A_96 = arith.constant 0 : index
    %get3A_97 = vector.load %arg11[%get3A_95, %get3A_96] : memref<768x256xf32, #tpu.memory_space<vmem>>, vector<256x256xf32>
    %dot_general3A_98 = arith.constant dense<0.000000e+00> : vector<256x256xf32>
    %dot_general3A_99 = tpu.matmul %select_n3A_52, %get3A_97, %dot_general3A_98 {dimension_numbers = #tpu.dot_dimension_numbers<[1], [0], [0], [1], [0, 0, 1, 1], [], []>, transpose_lhs_hint = false} : vector<256x256xf32>, vector<256x256xf32>, vector<256x256xf32> -> vector<256x256xf32>
    %add3A_100 = arith.addf %add3A_94, %dot_general3A_99 : vector<256x256xf32>
    %get3A_101 = arith.constant 0 : index
    %get3A_102 = arith.constant 0 : index
    %get3A_103 = vector.load %arg12[%get3A_101, %get3A_102] : memref<1x256xf32, #tpu.memory_space<vmem>>, vector<1x256xf32>
    %add3A_104 = vector.broadcast %get3A_103 : vector<1x256xf32> to vector<256x256xf32>
    %add3A_105 = arith.addf %add3A_100, %add3A_104 : vector<256x256xf32>
    %max3A_106 = arith.constant 0.000000e+00 : f32
    %max3A_107 = vector.broadcast %max3A_106 : f32 to vector<256x256xf32>
    %max3A_108 = arith.maximumf %add3A_105, %max3A_107 : vector<256x256xf32>
    %get3A_109 = arith.constant 0 : index
    %get3A_110 = arith.constant 0 : index
    %get3A_111 = vector.load %arg13[%get3A_109, %get3A_110] : memref<256x256xf32, #tpu.memory_space<vmem>>, vector<256x256xf32>
    %dot_general3A_112 = arith.constant dense<0.000000e+00> : vector<256x256xf32>
    %dot_general3A_113 = tpu.matmul %max3A_108, %get3A_111, %dot_general3A_112 {dimension_numbers = #tpu.dot_dimension_numbers<[1], [0], [0], [1], [0, 0, 1, 1], [], []>, transpose_lhs_hint = false} : vector<256x256xf32>, vector<256x256xf32>, vector<256x256xf32> -> vector<256x256xf32>
    %get3A_114 = arith.constant 0 : index
    %get3A_115 = arith.constant 0 : index
    %get3A_116 = vector.load %arg14[%get3A_114, %get3A_115] : memref<1x256xf32, #tpu.memory_space<vmem>>, vector<1x256xf32>
    %add3A_117 = vector.broadcast %get3A_116 : vector<1x256xf32> to vector<256x256xf32>
    %add3A_118 = arith.addf %dot_general3A_113, %add3A_117 : vector<256x256xf32>
    %swap3A_119 = arith.constant 0 : index
    %swap3A_120 = arith.constant 0 : index
    %swap3A_121 = vector.load %arg16[%swap3A_119, %swap3A_120] : memref<256x256xf32, #tpu.memory_space<vmem>>, vector<256x256xf32>
    tpu.vector_store %arg16[%swap3A_119, %swap3A_120], %add3A_118 {strides = array<i32>} : memref<256x256xf32, #tpu.memory_space<vmem>>, vector<256x256xf32>,
    return
  }
  func.func @transform_0(%arg0: i32) -> (i32, i32) {
    %c0_i32 = arith.constant 0 : i32
    %c0_i32_0 = arith.constant 0 : i32
    return %arg0, %c0_i32 : i32, i32
  }
  func.func @transform_1(%arg0: i32) -> (i32, i32) {
    %c0_i32 = arith.constant 0 : i32
    %c0_i32_0 = arith.constant 0 : i32
    %c0_i32_1 = arith.constant 0 : i32
    return %c0_i32, %c0_i32_0 : i32, i32
  }
  func.func @transform_2(%arg0: i32) -> (i32, i32) {
    %c0_i32 = arith.constant 0 : i32
    %c0_i32_0 = arith.constant 0 : i32
    %c0_i32_1 = arith.constant 0 : i32
    return %c0_i32, %c0_i32_0 : i32, i32
  }
  func.func @transform_3(%arg0: i32) -> (i32, i32) {
    %c0_i32 = arith.constant 0 : i32
    %c0_i32_0 = arith.constant 0 : i32
    return %arg0, %c0_i32 : i32, i32
  }
  func.func @transform_4(%arg0: i32) -> (i32, i32) {
    %c0_i32 = arith.constant 0 : i32
    %c0_i32_0 = arith.constant 0 : i32
    return %arg0, %c0_i32 : i32, i32
  }
  func.func @transform_5(%arg0: i32) -> (i32, i32) {
    %c0_i32 = arith.constant 0 : i32
    %c0_i32_0 = arith.constant 0 : i32
    return %arg0, %c0_i32 : i32, i32
  }
  func.func @transform_6(%arg0: i32) -> (i32, i32) {
    %c0_i32 = arith.constant 0 : i32
    %c0_i32_0 = arith.constant 0 : i32
    %c0_i32_1 = arith.constant 0 : i32
    return %c0_i32, %c0_i32_0 : i32, i32
  }
  func.func @transform_7(%arg0: i32) -> (i32, i32) {
    %c0_i32 = arith.constant 0 : i32
    %c0_i32_0 = arith.constant 0 : i32
    %c0_i32_1 = arith.constant 0 : i32
    return %c0_i32, %c0_i32_0 : i32, i32
  }
  func.func @transform_8(%arg0: i32) -> (i32, i32) {
    %c0_i32 = arith.constant 0 : i32
    %c0_i32_0 = arith.constant 0 : i32
    %c0_i32_1 = arith.constant 0 : i32
    return %c0_i32, %c0_i32_0 : i32, i32
  }
  func.func @transform_9(%arg0: i32) -> (i32, i32) {
    %c0_i32 = arith.constant 0 : i32
    %c0_i32_0 = arith.constant 0 : i32
    %c0_i32_1 = arith.constant 0 : i32
    return %c0_i32, %c0_i32_0 : i32, i32
  }
  func.func @transform_10(%arg0: i32) -> (i32, i32) {
    %c0_i32 = arith.constant 0 : i32
    %c0_i32_0 = arith.constant 0 : i32
    %c0_i32_1 = arith.constant 0 : i32
    return %c0_i32, %c0_i32_0 : i32, i32
  }
  func.func @transform_11(%arg0: i32) -> (i32, i32) {
    %c0_i32 = arith.constant 0 : i32
    %c0_i32_0 = arith.constant 0 : i32
    %c0_i32_1 = arith.constant 0 : i32
    return %c0_i32, %c0_i32_0 : i32, i32
  }
  func.func @transform_12(%arg0: i32) -> (i32, i32) {
    %c0_i32 = arith.constant 0 : i32
    %c0_i32_0 = arith.constant 0 : i32
    %c0_i32_1 = arith.constant 0 : i32
    return %c0_i32, %c0_i32_0 : i32, i32
  }
  func.func @transform_13(%arg0: i32) -> (i32, i32) {
    %c0_i32 = arith.constant 0 : i32
    %c0_i32_0 = arith.constant 0 : i32
    %c0_i32_1 = arith.constant 0 : i32
    return %c0_i32, %c0_i32_0 : i32, i32
  }
  func.func @transform_14(%arg0: i32) -> (i32, i32) {
    %c0_i32 = arith.constant 0 : i32
    %c0_i32_0 = arith.constant 0 : i32
    return %arg0, %c0_i32 : i32, i32
  }
  func.func @transform_15(%arg0: i32) -> (i32, i32) {
    %c0_i32 = arith.constant 0 : i32
    %c0_i32_0 = arith.constant 0 : i32
    return %arg0, %c0_i32 : i32, i32
  }
}

</mosaic_0001>

<sc_bundles>
// kernel: kernel.10.cloned.1.call-start
scs
__scs_entry_jumppad:
0x0: {  	(pc) =	sbr.rel $0x88, $3  }
0x1: {  	(tag) =	ssettag $0x0;
	lr =	simm.s32 $0x1  }
0x2: {  	[smem:$0x3F93] =	sst lr;
	_ =	strace $0xD0000000  }
0x3: {  	_ = 	snop  }
0x4: {  	_ = 	snop  }
0x5: {  	_ = 	snop  }
0x6: {  	_ = 	snop  }
0x7: {  	_ = 	snop  }
__scs_overlays_trampoline_lowered:
0x8: {  	[smem:$0x3FA2] =	sst s0  }
0x9: {  	[smem:$0x3FA3] =	sst s1  }
0xa: {  	[smem:$0x3FA4] =	sst s2  }
0xb: {  	[smem:$0x3FA5] =	sst s3  }
0xc: {  	[smem:$0x3FA6] =	sst s4  }
0xd: {  	[smem:$0x3FA7] =	sst s5  }
0xe: {  	[smem:$0x3FA8] =	sst s6  }
0xf: {  	[smem:$0x3FA9] =	sst s7  }
0x10: {  	[smem:$0x3FAA] =	sst s8  }
0x11: {  	[smem:$0x3FAB] =	sst s9;
	s0 =	simm.s32 @!p0 $0x0  }
0x12: {  	s1 =	sld [smem:$0x3F91];
	s0 =	simm.s32 @p0 $0x1  }
0x13: {  	[smem:$0x3FAC] =	sst s0;
	s0 =	simm.s32 @!p1 $0x0  }
0x14: {  	s2 =	sld [smem:$0x3F90];
	s0 =	simm.s32 @p1 $0x1  }
0x15: {  	[smem:$0x3FAD] =	sst s0;
	s0 =	simm.s32 @!p2 $0x0  }
0x16: {  	s3 =	sld [smem:$0x3FDB];
	s0 =	simm.s32 @p2 $0x1  }
0x17: {  	s4 =	simm.s32 $0x1BF5;
	[smem:$0x3FAF] =	sst s0  }
0x18: {  	s0 =	sld [smem:$0x3F92];
	_ =	swait.ge [sflag:s4], $0x0  }
0x19: {  	s7 =	sld [smem:$0x3F93]  }
0x1a: {  	s8 =	sadd.s32 $0xFFFFE003, lr  }
0x1b: {  	s9 =	sadd.s32 $0xFFFFFEF7, lr;
	s5 =	simm.s32 $0xFFFFFFFF;
	p2 =	slt.u32 s8, $0xFFFFF086  }
0x1c: {  	p1 =	slt.u32 s9, $0xF7A;
	s5 =	simm.s32 @!p2 $0x0  }
0x1d: {  	s5 =	simm.s32 @p1 $0x1;
	p0 =	seq.s32 s7, s2  }
0x1e: {  	s7 =	smul.u32 @!p0 $0xF7A, s2;
	p2 =	seq.s32 @!p0 s5, $0x0  }
0x1f: {  	s9 =	smul.u32 $0xF7A, s1;
	s8 =	simm.s32 @!p0 $0x1BF5;
	p2 =	por !p2, p0  }
0x20: {  	[sflag:s8] =	ssyncset.s32 @!p0 $0xFFFFF086;
	s6 =	sadd.s32 @!p0 s3, s7;
	s7 =	simm.s32 @!p0 $0x108  }
0x21: {  	s3 =	sadd.s32 s3, s9;
	s6 =	sadd.s32 @!p0 $0x88, s6;
	s7 =	simm.s32 @p2 $0x1082  }
0x22: {  	[simem:s7], [sflag:s8] =	dma.local @!p0 [hbm:s6], $0xF7A  }
0x23: {  	s9 =	sor.u32 $0xD0000000, s2;
	s6 =	simm.s32 $0x108;
	_ =	swait.ge @!p0 [sflag:s8], $0x0  }
0x24: {  	s3 =	sadd.s32 $0x88, s3;
	s6 =	simm.s32 @!p1 $0x1082;
	[sflag:s4] =	ssyncset.s32 $0xFFFFF086  }
0x25: {  	[simem:s6], [sflag:s4] =	dma.local [hbm:s3], $0xF7A  }
0x26: {  	[smem:$0x3F93] =	sst s1;
	(tag) =	ssettag s2;
	_ =	strace s9  }
0x27: {  	s1 =	sld [smem:$0x3FA3]  }
0x28: {  	s2 =	sld [smem:$0x3FA4]  }
0x29: {  	s4 =	sld [smem:$0x3FA6]  }
0x2a: {  	p0 =	seq.s32 s5, $0x0;
	s5 =	sld [smem:$0x3FA7]  }
0x2b: {  	s6 =	sld [smem:$0x3FA8]  }
0x2c: {  	s7 =	sld [smem:$0x3FA9]  }
0x2d: {  	s3 =	simm.s32 $0x108;
	s8 =	sld [smem:$0x3FAA]  }
0x2e: {  	s3 =	simm.s32 @!p0 $0x1082;
	s9 =	sld [smem:$0x3FAB]  }
0x2f: {  	lr =	sadd.s32 s0, s3;
	s0 =	sld [smem:$0x3FA2]  }
0x30: {  	s3 =	sld [smem:$0x3FA5]  }
0x31: {  	[smem:$0x3FAE] =	sst s10  }
0x32: {  	s10 =	sld [smem:$0x3FAC];
	_ =	sdelay $0x3  }
0x33: {  	p0 =	seq.s32 s10, $0x1;
	s10 =	sld [smem:$0x3FAE];
	_ =	sdelay $0x3  }
0x34: {  	[smem:$0x3FAE] =	sst s10  }
0x35: {  	s10 =	sld [smem:$0x3FAD];
	_ =	sdelay $0x3  }
0x36: {  	p1 =	seq.s32 s10, $0x1;
	s10 =	sld [smem:$0x3FAE];
	_ =	sdelay $0x3  }
0x37: {  	[smem:$0x3FAE] =	sst s10  }
0x38: {  	s10 =	sld [smem:$0x3FAF]  }
0x39: {  	_ = 	snop;
	(pc) =	sbr.ind lr, $3  }
0x3a: {  	_ = 	snop  }
0x3b: {  	_ = 	snop  }
0x3c: {  	p2 =	seq.s32 s10, $0x1;
	s10 =	sld [smem:$0x3FAE]  }
0x3d: {  	_ =	shalt  }
0x3e: {  	_ =	shalt  }
0x3f: {  	_ =	shalt  }
0x40: {  	_ =	shalt  }
0x41: {  	_ =	shalt  }
0x42: {  	_ =	shalt  }
0x43: {  	_ =	shalt  }
0x44: {  	_ =	shalt  }
0x45: {  	_ =	shalt  }
0x46: {  	_ =	shalt  }
0x47: {  	_ =	shalt  }
0x48: {  	_ =	shalt  }
0x49: {  	_ =	shalt  }
0x4a: {  	_ =	shalt  }
0x4b: {  	_ =	shalt  }
0x4c: {  	_ =	shalt  }
0x4d: {  	_ =	shalt  }
0x4e: {  	_ =	shalt  }
0x4f: {  	_ =	shalt  }
0x50: {  	_ =	shalt  }
0x51: {  	_ =	shalt  }
0x52: {  	_ =	shalt  }
0x53: {  	_ =	shalt  }
0x54: {  	_ =	shalt  }
0x55: {  	_ =	shalt  }
0x56: {  	_ =	shalt  }
0x57: {  	_ =	shalt  }
0x58: {  	_ =	shalt  }
0x59: {  	_ =	shalt  }
0x5a: {  	_ =	shalt  }
0x5b: {  	_ =	shalt  }
0x5c: {  	_ =	shalt  }
0x5d: {  	_ =	shalt  }
0x5e: {  	_ =	shalt  }
0x5f: {  	_ =	shalt  }
0x60: {  	_ =	shalt  }
0x61: {  	_ =	shalt  }
0x62: {  	_ =	shalt  }
0x63: {  	_ =	shalt  }
0x64: {  	_ =	shalt  }
0x65: {  	_ =	shalt  }
0x66: {  	_ =	shalt  }
0x67: {  	_ =	shalt  }
0x68: {  	_ =	shalt  }
0x69: {  	_ =	shalt  }
0x6a: {  	_ =	shalt  }
0x6b: {  	_ =	shalt  }
0x6c: {  	_ =	shalt  }
0x6d: {  	_ =	shalt  }
0x6e: {  	_ =	shalt  }
0x6f: {  	_ =	shalt  }
0x70: {  	_ =	shalt  }
0x71: {  	_ =	shalt  }
0x72: {  	_ =	shalt  }
0x73: {  	_ =	shalt  }
0x74: {  	_ =	shalt  }
0x75: {  	_ =	shalt  }
0x76: {  	_ =	shalt  }
0x77: {  	_ =	shalt  }
0x78: {  	_ =	shalt  }
0x79: {  	_ =	shalt  }
0x7a: {  	_ =	shalt  }
0x7b: {  	_ =	shalt  }
0x7c: {  	_ =	shalt  }
0x7d: {  	_ =	shalt  }
0x7e: {  	_ =	shalt  }
0x7f: {  	_ =	shalt  }
0x80: {  	_ =	shalt  }
0x81: {  	_ =	shalt  }
0x82: {  	_ =	shalt  }
0x83: {  	_ =	shalt  }
0x84: {  	_ =	shalt  }
0x85: {  	_ =	shalt  }
0x86: {  	_ =	shalt  }
0x87: {  	_ =	shalt  }
.Lfunc_end0:
.L_simem_size_0:
called_computation.1_lowered:
.L_overlay_start_0:
0x88: {  	s2 =	sld [smem:$0x3FD9]  }
0x89: {  	s3 =	sld [smem:$0x3FFE];
	_ =	sdelay $0x1  }
0x8a: {  	s1 =	srdreg.scid  }
0x8b: {  	s0 =	sand.u32 $0x1, s1  }
0x8c: {  	s15 =	sshll.u32 s0, $0xA;
	s2 =	sadd.s32 s3, s2  }
0x8d: {  	s2 =	sadd.s32 s2, s15  }
0x8e: {  	[smem:$0x3FBA] =	sst s2  }
0x8f: {  	_ = 	snop  }
0x90: {  	s2 =	sld [smem:$0x3FD0];
	_ =	sdelay $0x2  }
0x91: {  	s16 =	simm.s32 $0xB;
	s4 =	simm.s32 $0x10  }
0x92: {  	[smem:s4], [sflag:s16] =	dma.local [hbm:s2], $0x1  }
0x93: {  	_ =	swait.eq [sflag:s16], $0x1  }
0x94: {  	[sflag:s16] =	ssyncset.done $0x0  }
0x95: {  	[sflag:s16] =	ssyncadd.s32 $0xFFFFFFFF  }
0x96: {  	s17 =	sld [smem:$0x11];
	(tm) =	ssettm $0x1  }
0x97: {  	s18 =	sld [smem:$0x3FFB];
	_ =	sdelay $0x3  }
0x98: {  	_ =	strace s18  }
0x99: {  	s2 =	sld [smem:$0x3FFC];
	_ =	sdelay $0x3  }
0x9a: {  	_ =	strace s2  }
0x9b: {  	s2 =	sld [smem:$0x3FFD];
	_ =	sdelay $0x3  }
0x9c: {  	_ =	strace s2  }
0x9d: {  	_ =	strace $0x8FFFFFFF  }
0x9e: {  	s19 =	sld [smem:$0x3FDB];
	_ =	sdelay $0x1  }
0x9f: {  	s20 =	simm.s32 $_scs_section_size  }
0xa0: {  	s5 =	simm.s32 $_size__tile_overlayer_lowered;
	s6 =	simm.s32 $_tile_overlayer_lowered  }
0xa1: {  	s7 =	simm.s32 $0x1BFF;
	s21 =	sshll.u32 s6, $0x1;
	s4 =	sadd.s32 s20, s19  }
0xa2: {  	s22 =	simm.s32 $0x0;
	s5 =	sshll.u32 s5, $0x1;
	s6 =	sadd.s32 s21, s4  }
0xa3: {  	[timem:s22], [sflag:s7] =	dma.local [hbm:s6], s5  }
0xa4: {  	_ =	swait.ge [sflag:s7], s5  }
0xa5: {  	s5 =	ssub.s32 $0x0, s5;
	[sflag:s7] =	ssyncset.done $0x0  }
0xa6: {  	[sflag:s7] =	ssyncadd.s32 s5;
	_ =	sdelay $0x1  }
0xa7: {  	s23 =	simm.s32 $0x1B8B  }
0xa8: {  	_ =	swait.ge [sflag:s23], $0x1  }
0xa9: {  	[sflag:s23] =	ssyncset.done $0x0  }
0xaa: {  	[sflag:s23] =	ssyncadd.s32 $0xFFFFFFFF  }
0xab: {  	s5 =	sld [smem:$0x0]  }
0xac: {  	s6 =	sand.u32 $0xFFFFFFFE, s1  }
0xad: {  	p0 =	sne.s32 s1, s6  }
0xae: {  	s6 =	sshll.u32 @p0 s6, $0xE  }
0xaf: {  	s6 =	sadd.s32 @p0 $0x11B8D, s6;
	s7 =	sshll.u32 @p0 s5, $0x11  }
0xb0: {  	s6 =	sor.u32 @p0 s7, s6  }
0xb1: {  	[sflag:s6] =	ssyncadd.remote.s32 @p0 $0x1;
	_ =	sdelay $0x1  }
0xb2: {  	s6 =	simm.s32 @p0 $0x1B8D  }
0xb3: {  	_ =	swait.eq @p0 [sflag:s6], $0x1  }
0xb4: {  	[sflag:s6] =	ssyncadd.s32 @p0 $0xFFFFFFFF  }
0xb5: {  	s7 =	sshll.u32 @!p0 s1, $0xE  }
0xb6: {  	s7 =	sor.u32 @!p0 $0x4000, s7;
	s6 =	simm.s32 @!p0 $0x1B8D  }
0xb7: {  	s5 =	sshll.u32 @!p0 s5, $0x11;
	s7 =	sadd.s32 @!p0 $0x11B8D, s7;
	_ =	swait.eq @!p0 [sflag:s6], $0x1  }
0xb8: {  	s5 =	sor.u32 @!p0 s5, s7;
	[sflag:s6] =	ssyncadd.s32 @!p0 $0xFFFFFFFF  }
0xb9: {  	s25 =	simm.s32 $0x1B8E;
	s24 =	sld [smem:$0x3FFE];
	[sflag:s5] =	ssyncadd.remote.s32 @!p0 $0x1  }
0xba: {  	s26 =	simm.s32 $execute0_lowered;
	[smem:$0x3FD2] =	sst s25  }
0xbb: {  	s6 =	sshll.u32 s26, $0x1;
	_ =	strace $0x80000049;
	[dreg:$0x1] =	wrdreg $0xFFFFFFFF  }
0xbc: {  	s28 =	simm.s32 $_size_execute0_lowered;
	s4 =	sadd.s32 s4, s6;
	[dreg:$0x0] =	wrdreg $0x0  }
0xbd: {  	s6 =	sshll.u32 s28, $0x1;
	[dreg:$0x2] =	wrdreg s4  }
0xbe: {  	[dreg:$0x3] =	wrdreg s6  }
0xbf: {  	[dreg:$0x4] =	wrdreg $0xC0  }
0xc0: {  	_ =	task [dreg:s22], $0x5FFFF  }
0xc1: {  	[dreg:$0x1] =	wrdreg $0xFFFFFFFF  }
0xc2: {  	[dreg:$0x0] =	wrdreg $0x60  }
0xc3: {  	[dreg:$0x2] =	wrdreg s24  }
0xc4: {  	[dreg:$0x3] =	wrdreg s17  }
0xc5: {  	[dreg:$0x4] =	wrdreg $0xA  }
0xc6: {  	_ =	task.clear_ibuf [dreg:s22], $0x5FFFF;
	_ =	strace $0x90000049  }
0xc7: {  	s29 =	simm.s32 $0xA;
	_ =	strace $0x8000004B  }
0xc8: {  	_ =	swait.ge [sflag:s29], $0x1  }
0xc9: {  	[sflag:s29] =	ssyncadd.s32 $0xFFFFFFFF  }
0xca: {  	_ =	strace $0x9000004B  }
0xcb: {  	_ =	sfence  }
0xcc: {  	s30 =	sld [smem:$0x0];
	_ =	sdelay $0x2  }
0xcd: {  	s31 =	sshll.u32 s1, $0xD;
	s1 =	sshrl.u32 s1, $0x2  }
0xce: {  	s4 =	sand.u32 $0x4000, s31;
	s1 =	sadd.s32 s1, s30  }
0xcf: {  	s0 =	sor.u32 s4, s0;
	s1 =	sshll.u32 s1, $0x11  }
0xd0: {  	s0 =	sor.u32 s1, s0  }
0xd1: {  	s0 =	sadd.s32 $0x8F2B, s0  }
0xd2: {  	[sflag:s0] =	ssyncadd.remote.s32 $0x1  }
0xd3: {  	_ =	sfence.sel $0xFFFF  }
0xd4: {  	[dreg:$0x0] =	wrdreg $0xFFFFFFFF;
	(pc) =	sbr.abs _section_cstart, $3  }
0xd5: {  	[dreg:$0x1] =	wrdreg $0xFFFFFFFF  }
0xd6: {  	_ =	task.clear_ibuf [dreg:s22], $0x2FFFF;
	_ =	strace $0x9FFFFFFF  }
0xd7: {  	(tm) =	ssettm $0x7FFFFFFF  }
tec
execute0_lowered:
.L_overlay_start_1:
0x0: {  	(tag) =	ssettag $0x1  }
0x1: {  	s0 =	rddreg [dreg:$0x0]  }
0x2: {  	s1 =	rddreg [dreg:$0x1]  }
0x3: {  	s3 =	srdreg.scid;
	s5 =	stileid.u32  }
0x4: {  	s2 =	simm.s32 $0x0;
	s4 =	sand.u32 $0x1, s3;
	s5 =	sshll.u32 s5, $0x1  }
0x5: {  	[smem:$0x7FF] =	sst s2;
	s3 =	sadd.s32 $0x2800, s0;
	s5 =	sor.u32 s4, s5  }
0x6: {  	s6 =	ssub.s32 $0x2, s4;
	s7 =	sshll.u32 s5, $0x8;
	s5 =	sshll.u32 s5, $0xF  }
0x7: {  	s4 =	sadd.s32 $0x12800, s0;
	s0 =	sadd.s32 s7, s0;
	s12 =	sadd.s32 s1, s5  }
0x8: {  	_ =	strace $0x8000004A;
	s7 =	sadd.s32 $0xA4800, s0;
	[dreg:$0x5] =	wrdreg s12  }
0x9: {  	s0 =	sadd.s32 $0xA2800, s0;
	[dreg:$0x3] =	wrdreg s7  }
0xa: {  	s1 =	sadd.s32 $0x800, s12;
	[dreg:$0x4] =	wrdreg s0  }
0xb: {  	s13 =	sadd.s32 $0x1000, s12;
	[dreg:$0x6] =	wrdreg s1  }
0xc: {  	s14 =	sadd.s32 $0x1800, s12;
	[dreg:$0x7] =	wrdreg s13  }
0xd: {  	s15 =	sadd.s32 $0x2000, s12;
	[dreg:$0x8] =	wrdreg s14  }
0xe: {  	s16 =	sadd.s32 $0x2800, s12;
	[dreg:$0x9] =	wrdreg s15  }
0xf: {  	s17 =	sadd.s32 $0x3000, s12;
	[dreg:$0xa] =	wrdreg s16  }
0x10: {  	s18 =	sadd.s32 $0x3800, s12;
	[dreg:$0xb] =	wrdreg s17  }
0x11: {  	s28 =	simm.s32 $0xF000;
	s19 =	sadd.s32 $0x4000, s12;
	[dreg:$0xc] =	wrdreg s18  }
0x12: {  	s29 =	simm.s32 $0xF800;
	s20 =	sadd.s32 $0x4800, s12;
	[dreg:$0xd] =	wrdreg s19  }
0x13: {  	s30 =	simm.s32 $0x10000;
	s21 =	sadd.s32 $0x5000, s12;
	[dreg:$0xe] =	wrdreg s20  }
0x14: {  	s31 =	simm.s32 $0x10800;
	s22 =	sadd.s32 $0x5800, s12;
	[dreg:$0xf] =	wrdreg s21  }
0x15: {  	s8 =	sshrl.u32 s6, $0x1;
	s23 =	sadd.s32 $0x6000, s12;
	[dreg:$0x10] =	wrdreg s22  }
0x16: {  	s6 =	ssub.s32 s6, s8;
	s24 =	sadd.s32 $0x6800, s12;
	[dreg:$0x11] =	wrdreg s23  }
0x17: {  	s5 =	simm.s32 $0x0;
	s25 =	sadd.s32 $0x7000, s12;
	[dreg:$0x12] =	wrdreg s24  }
0x18: {  	s26 =	smax.u32 s6, $0x1;
	[dreg:$0x13] =	wrdreg s25;
	s0 =	sadd.s32 $0x7800, s12  }
0x19: {  	[dreg:$0x15] =	wrdreg s26;
	s26 =	simm.s32 $0x1000;
	s14 =	simm.s32 $0x9000  }
0x1a: {  	s15 =	simm.s32 $0x9800;
	s16 =	simm.s32 $0xA000;
	s17 =	simm.s32 $0xA800  }
0x1b: {  	s18 =	simm.s32 $0xB000;
	s19 =	simm.s32 $0xB800;
	s20 =	simm.s32 $0xC000  }
0x1c: {  	v2 =	vlaneseq.u32;
	s21 =	simm.s32 $0xC800;
	s22 =	simm.s32 $0xD000;
	s23 =	simm.s32 $0xD800  }
0x1d: {  	vm0 =	vmmov $0xffff;
	v1 =	vshrl.u32 v2, $0x3;
	s7 =	simm.s32 $0xE000;
	s24 =	simm.s32 $0xE800;
	s1 =	simm.s32 $0x2  }
0x1e: {  	v0 =	vand.u32 $0x7, v2;
	v2 =	vor.u32 $0x8, v2;
	v1 =	vmul.u32 $0x8, v1;
	s25 =	simm.s32 $0x3;
	[dreg:$0x14] =	wrdreg s0;
	s0 =	simm.s32 $0x1  }
.LBB2_1:
0x1f: {  	s6 =	rddreg [dreg:$0x3];
	s8 =	simm.s32 $0x4  }
0x20: {  	[tilespmem:s2], [sflag:$0x4] =	stream.linear.gather [hbm4b:s6+s2], $0x800, $0x38;
	[tilespmem:$0x11000] =	vst v63  }
0x21: {  	_ =	swait.ge [sflag:s8], $0x800  }
0x22: {  	[sflag:s8] =	ssyncset.done $0x0  }
0x23: {  	s9 =	simm.s32 $0x800;
	s13 =	rddreg [dreg:$0x4];
	[sflag:s8] =	ssyncadd.s32 $0xFFFFF800  }
0x24: {  	[tilespmem:s9], [sflag:$0x4] =	stream.linear.gather [hbm4b:s13+s2], $0x800, $0x38;
	[tilespmem:$0x11000] =	vst v63  }
0x25: {  	_ =	swait.ge [sflag:s8], $0x800  }
0x26: {  	[sflag:s8] =	ssyncset.done $0x0  }
0x27: {  	[sflag:s8] =	ssyncadd.s32 $0xFFFFF800  }
0x28: {  	v3 =	vld [tilespmem:$0x0];
	_ =	sdelay $0x4  }
0x29: {  	v4 =	vshll.u32 v3, $0x1  }
0x2a: {  	v3 =	vand.u32 $0x7, v3;
	v4 =	vand.u32 $0xFFFFFFF0, v4  }
0x2b: {  	v3 =	vor.u32 v3, v4  }
0x2c: {  	v4 =	vperm.xlane v3, v0;
	_ =	sdelay $0x1  }
0x2d: {  	v3 =	vperm.xlane v3, v2;
	v4 =	vadd.s32 v1, v4;
	_ =	sdelay $0x1  }
0x2e: {  	v3 =	vadd.s32 v1, v3;
	_ =	sdelay $0x2  }
0x2f: {  	[tilespmem:s26], [sflag:$0x1] =	stream.indirect_vreg.gather [hbm4b:s3+s2], $0x80, v4, vm0, $0xb8;
	[tilespmem:$0x11000] =	vst v63  }
0x30: {  	s8 =	simm.s32 $0x1800  }
0x31: {  	[tilespmem:s8], [sflag:$0x1] =	stream.indirect_vreg.gather [hbm4b:s3+s2], $0x80, v3, vm0, $0xb8;
	[tilespmem:$0x11000] =	vst v63  }
0x32: {  	v3 =	vld [tilespmem:$0x10];
	_ =	sdelay $0x4  }
0x33: {  	v4 =	vshll.u32 v3, $0x1  }
0x34: {  	v3 =	vand.u32 $0x7, v3;
	v4 =	vand.u32 $0xFFFFFFF0, v4  }
0x35: {  	v3 =	vor.u32 v3, v4  }
0x36: {  	v4 =	vperm.xlane v3, v0;
	_ =	sdelay $0x1  }
0x37: {  	v3 =	vperm.xlane v3, v2;
	v4 =	vadd.s32 v1, v4;
	_ =	sdelay $0x1  }
0x38: {  	v3 =	vadd.s32 v1, v3;
	_ =	sdelay $0x1  }
0x39: {  	s9 =	simm.s32 $0x2000  }
0x3a: {  	[tilespmem:s9], [sflag:$0x1] =	stream.indirect_vreg.gather [hbm4b:s3+s2], $0x80, v4, vm0, $0xb8;
	[tilespmem:$0x11000] =	vst v63  }
0x3b: {  	s10 =	simm.s32 $0x2800  }
0x3c: {  	[tilespmem:s10], [sflag:$0x1] =	stream.indirect_vreg.gather [hbm4b:s3+s2], $0x80, v3, vm0, $0xb8;
	[tilespmem:$0x11000] =	vst v63  }
0x3d: {  	v3 =	vld [tilespmem:$0x20];
	_ =	sdelay $0x4  }
0x3e: {  	v4 =	vshll.u32 v3, $0x1  }
0x3f: {  	v3 =	vand.u32 $0x7, v3;
	v4 =	vand.u32 $0xFFFFFFF0, v4  }
0x40: {  	v3 =	vor.u32 v3, v4  }
0x41: {  	v4 =	vperm.xlane v3, v0;
	_ =	sdelay $0x1  }
0x42: {  	v3 =	vperm.xlane v3, v2;
	v4 =	vadd.s32 v1, v4;
	_ =	sdelay $0x1  }
0x43: {  	v3 =	vadd.s32 v1, v3;
	_ =	sdelay $0x1  }
0x44: {  	s11 =	simm.s32 $0x3000  }
0x45: {  	[tilespmem:s11], [sflag:$0x1] =	stream.indirect_vreg.gather [hbm4b:s3+s2], $0x80, v4, vm0, $0xb8;
	[tilespmem:$0x11000] =	vst v63  }
0x46: {  	s12 =	simm.s32 $0x3800  }
0x47: {  	[tilespmem:s12], [sflag:$0x1] =	stream.indirect_vreg.gather [hbm4b:s3+s2], $0x80, v3, vm0, $0xb8;
	[tilespmem:$0x11000] =	vst v63  }
0x48: {  	v3 =	vld [tilespmem:$0x30];
	_ =	sdelay $0x4  }
0x49: {  	v4 =	vshll.u32 v3, $0x1  }
0x4a: {  	v3 =	vand.u32 $0x7, v3;
	v4 =	vand.u32 $0xFFFFFFF0, v4  }
0x4b: {  	v3 =	vor.u32 v3, v4  }
0x4c: {  	v4 =	vperm.xlane v3, v0;
	_ =	sdelay $0x1  }
0x4d: {  	v3 =	vperm.xlane v3, v2;
	v4 =	vadd.s32 v1, v4;
	_ =	sdelay $0x1  }
0x4e: {  	v3 =	vadd.s32 v1, v3;
	_ =	sdelay $0x1  }
0x4f: {  	s13 =	simm.s32 $0x4000  }
0x50: {  	[tilespmem:s13], [sflag:$0x1] =	stream.indirect_vreg.gather [hbm4b:s3+s2], $0x80, v4, vm0, $0xb8;
	[tilespmem:$0x11000] =	vst v63  }
0x51: {  	s8 =	simm.s32 $0x4800  }
0x52: {  	[tilespmem:s8], [sflag:$0x1] =	stream.indirect_vreg.gather [hbm4b:s3+s2], $0x80, v3, vm0, $0xb8;
	[tilespmem:$0x11000] =	vst v63  }
0x53: {  	v3 =	vld [tilespmem:$0x800];
	_ =	sdelay $0x4  }
0x54: {  	v4 =	vshll.u32 v3, $0x1  }
0x55: {  	v3 =	vand.u32 $0x7, v3;
	v4 =	vand.u32 $0xFFFFFFF0, v4  }
0x56: {  	v3 =	vor.u32 v3, v4  }
0x57: {  	v4 =	vperm.xlane v3, v0;
	_ =	sdelay $0x1  }
0x58: {  	v3 =	vperm.xlane v3, v2;
	v4 =	vadd.s32 v1, v4;
	_ =	sdelay $0x1  }
0x59: {  	v3 =	vadd.s32 v1, v3;
	_ =	sdelay $0x1  }
0x5a: {  	s9 =	simm.s32 $0x5000  }
0x5b: {  	[tilespmem:s9], [sflag:$0x2] =	stream.indirect_vreg.gather [hbm4b:s4+s2], $0x80, v4, vm0, $0xb8;
	[tilespmem:$0x11000] =	vst v63  }
0x5c: {  	s10 =	simm.s32 $0x5800  }
0x5d: {  	[tilespmem:s10], [sflag:$0x2] =	stream.indirect_vreg.gather [hbm4b:s4+s2], $0x80, v3, vm0, $0xb8;
	[tilespmem:$0x11000] =	vst v63  }
0x5e: {  	v3 =	vld [tilespmem:$0x810];
	_ =	sdelay $0x4  }
0x5f: {  	v4 =	vshll.u32 v3, $0x1  }
0x60: {  	v3 =	vand.u32 $0x7, v3;
	v4 =	vand.u32 $0xFFFFFFF0, v4  }
0x61: {  	v3 =	vor.u32 v3, v4  }
0x62: {  	v4 =	vperm.xlane v3, v0;
	_ =	sdelay $0x1  }
0x63: {  	v3 =	vperm.xlane v3, v2;
	v4 =	vadd.s32 v1, v4;
	_ =	sdelay $0x1  }
0x64: {  	v3 =	vadd.s32 v1, v3;
	_ =	sdelay $0x1  }
0x65: {  	s11 =	simm.s32 $0x6000  }
0x66: {  	[tilespmem:s11], [sflag:$0x2] =	stream.indirect_vreg.gather [hbm4b:s4+s2], $0x80, v4, vm0, $0xb8;
	[tilespmem:$0x11000] =	vst v63  }
0x67: {  	s12 =	simm.s32 $0x6800  }
0x68: {  	[tilespmem:s12], [sflag:$0x2] =	stream.indirect_vreg.gather [hbm4b:s4+s2], $0x80, v3, vm0, $0xb8;
	[tilespmem:$0x11000] =	vst v63  }
0x69: {  	v3 =	vld [tilespmem:$0x820];
	_ =	sdelay $0x4  }
0x6a: {  	v4 =	vshll.u32 v3, $0x1  }
0x6b: {  	v3 =	vand.u32 $0x7, v3;
	v4 =	vand.u32 $0xFFFFFFF0, v4  }
0x6c: {  	v3 =	vor.u32 v3, v4  }
0x6d: {  	v4 =	vperm.xlane v3, v0;
	_ =	sdelay $0x1  }
0x6e: {  	v3 =	vperm.xlane v3, v2;
	v4 =	vadd.s32 v1, v4;
	_ =	sdelay $0x1  }
0x6f: {  	v3 =	vadd.s32 v1, v3;
	_ =	sdelay $0x1  }
0x70: {  	s13 =	simm.s32 $0x7000  }
0x71: {  	[tilespmem:s13], [sflag:$0x2] =	stream.indirect_vreg.gather [hbm4b:s4+s2], $0x80, v4, vm0, $0xb8;
	[tilespmem:$0x11000] =	vst v63  }
0x72: {  	s8 =	simm.s32 $0x7800  }
0x73: {  	[tilespmem:s8], [sflag:$0x2] =	stream.indirect_vreg.gather [hbm4b:s4+s2], $0x80, v3, vm0, $0xb8;
	[tilespmem:$0x11000] =	vst v63  }
0x74: {  	v3 =	vld [tilespmem:$0x830];
	_ =	sdelay $0x4  }
0x75: {  	v4 =	vshll.u32 v3, $0x1  }
0x76: {  	v3 =	vand.u32 $0x7, v3;
	v4 =	vand.u32 $0xFFFFFFF0, v4  }
0x77: {  	v3 =	vor.u32 v3, v4  }
0x78: {  	v4 =	vperm.xlane v3, v0;
	_ =	sdelay $0x1  }
0x79: {  	v3 =	vperm.xlane v3, v2;
	v4 =	vadd.s32 v1, v4;
	_ =	sdelay $0x1  }
0x7a: {  	v3 =	vadd.s32 v1, v3;
	_ =	sdelay $0x1  }
0x7b: {  	s9 =	simm.s32 $0x8000  }
0x7c: {  	[tilespmem:s9], [sflag:$0x2] =	stream.indirect_vreg.gather [hbm4b:s4+s2], $0x80, v4, vm0, $0xb8;
	[tilespmem:$0x11000] =	vst v63  }
0x7d: {  	s10 =	simm.s32 $0x8800  }
0x7e: {  	[tilespmem:s10], [sflag:$0x2] =	stream.indirect_vreg.gather [hbm4b:s4+s2], $0x80, v3, vm0, $0xb8;
	[tilespmem:$0x11000] =	vst v63  }
0x7f: {  	v3 =	vld [tilespmem:$0x80];
	_ =	sdelay $0x4  }
0x80: {  	v4 =	vshll.u32 v3, $0x1  }
0x81: {  	v3 =	vand.u32 $0x7, v3;
	v4 =	vand.u32 $0xFFFFFFF0, v4  }
0x82: {  	v3 =	vor.u32 v3, v4  }
0x83: {  	v4 =	vperm.xlane v3, v0;
	_ =	sdelay $0x1  }
0x84: {  	v3 =	vperm.xlane v3, v2;
	v4 =	vadd.s32 v1, v4;
	_ =	sdelay $0x1  }
0x85: {  	v3 =	vadd.s32 v1, v3;
	_ =	sdelay $0x2  }
0x86: {  	[tilespmem:s14], [sflag:$0x1] =	stream.indirect_vreg.gather [hbm4b:s3+s2], $0x80, v4, vm0, $0xb8;
	[tilespmem:$0x11000] =	vst v63  }
0x87: {  	_ = 	snop  }
0x88: {  	[tilespmem:s15], [sflag:$0x1] =	stream.indirect_vreg.gather [hbm4b:s3+s2], $0x80, v3, vm0, $0xb8;
	[tilespmem:$0x11000] =	vst v63  }
0x89: {  	v3 =	vld [tilespmem:$0x90];
	_ =	sdelay $0x4  }
0x8a: {  	v4 =	vshll.u32 v3, $0x1  }
0x8b: {  	v3 =	vand.u32 $0x7, v3;
	v4 =	vand.u32 $0xFFFFFFF0, v4  }
0x8c: {  	v3 =	vor.u32 v3, v4  }
0x8d: {  	v4 =	vperm.xlane v3, v0;
	_ =	sdelay $0x1  }
0x8e: {  	v3 =	vperm.xlane v3, v2;
	v4 =	vadd.s32 v1, v4;
	_ =	sdelay $0x1  }
0x8f: {  	v3 =	vadd.s32 v1, v3;
	_ =	sdelay $0x2  }
0x90: {  	[tilespmem:s16], [sflag:$0x1] =	stream.indirect_vreg.gather [hbm4b:s3+s2], $0x80, v4, vm0, $0xb8;
	[tilespmem:$0x11000] =	vst v63  }
0x91: {  	_ = 	snop  }
0x92: {  	[tilespmem:s17], [sflag:$0x1] =	stream.indirect_vreg.gather [hbm4b:s3+s2], $0x80, v3, vm0, $0xb8;
	[tilespmem:$0x11000] =	vst v63  }
0x93: {  	v3 =	vld [tilespmem:$0xA0];
	_ =	sdelay $0x4  }
0x94: {  	v4 =	vshll.u32 v3, $0x1  }
0x95: {  	v3 =	vand.u32 $0x7, v3;
	v4 =	vand.u32 $0xFFFFFFF0, v4  }
0x96: {  	v3 =	vor.u32 v3, v4  }
0x97: {  	v4 =	vperm.xlane v3, v0;
	_ =	sdelay $0x1  }
0x98: {  	v3 =	vperm.xlane v3, v2;
	v4 =	vadd.s32 v1, v4;
	_ =	sdelay $0x1  }
0x99: {  	v3 =	vadd.s32 v1, v3;
	_ =	sdelay $0x2  }
0x9a: {  	[tilespmem:s18], [sflag:$0x1] =	stream.indirect_vreg.gather [hbm4b:s3+s2], $0x80, v4, vm0, $0xb8;
	[tilespmem:$0x11000] =	vst v63  }
0x9b: {  	_ = 	snop  }
0x9c: {  	[tilespmem:s19], [sflag:$0x1] =	stream.indirect_vreg.gather [hbm4b:s3+s2], $0x80, v3, vm0, $0xb8;
	[tilespmem:$0x11000] =	vst v63  }
0x9d: {  	v3 =	vld [tilespmem:$0xB0];
	_ =	sdelay $0x4  }
0x9e: {  	v4 =	vshll.u32 v3, $0x1  }
0x9f: {  	v3 =	vand.u32 $0x7, v3;
	v4 =	vand.u32 $0xFFFFFFF0, v4  }
0xa0: {  	v3 =	vor.u32 v3, v4  }
0xa1: {  	v4 =	vperm.xlane v3, v0;
	_ =	sdelay $0x1  }
0xa2: {  	v3 =	vperm.xlane v3, v2;
	v4 =	vadd.s32 v1, v4;
	_ =	sdelay $0x1  }
0xa3: {  	v3 =	vadd.s32 v1, v3;
	_ =	sdelay $0x2  }
0xa4: {  	[tilespmem:s20], [sflag:$0x1] =	stream.indirect_vreg.gather [hbm4b:s3+s2], $0x80, v4, vm0, $0xb8;
	[tilespmem:$0x11000] =	vst v63  }
0xa5: {  	_ = 	snop  }
0xa6: {  	[tilespmem:s21], [sflag:$0x1] =	stream.indirect_vreg.gather [hbm4b:s3+s2], $0x80, v3, vm0, $0xb8;
	[tilespmem:$0x11000] =	vst v63  }
0xa7: {  	v3 =	vld [tilespmem:$0x880];
	_ =	sdelay $0x4  }
0xa8: {  	v4 =	vshll.u32 v3, $0x1  }
0xa9: {  	v3 =	vand.u32 $0x7, v3;
	v4 =	vand.u32 $0xFFFFFFF0, v4  }
0xaa: {  	v3 =	vor.u32 v3, v4  }
0xab: {  	v4 =	vperm.xlane v3, v0;
	_ =	sdelay $0x1  }
0xac: {  	v3 =	vperm.xlane v3, v2;
	v4 =	vadd.s32 v1, v4;
	_ =	sdelay $0x1  }
0xad: {  	v3 =	vadd.s32 v1, v3;
	_ =	sdelay $0x2  }
0xae: {  	[tilespmem:s22], [sflag:$0x2] =	stream.indirect_vreg.gather [hbm4b:s4+s2], $0x80, v4, vm0, $0xb8;
	[tilespmem:$0x11000] =	vst v63  }
0xaf: {  	_ = 	snop  }
0xb0: {  	[tilespmem:s23], [sflag:$0x2] =	stream.indirect_vreg.gather [hbm4b:s4+s2], $0x80, v3, vm0, $0xb8;
	[tilespmem:$0x11000] =	vst v63  }
0xb1: {  	v3 =	vld [tilespmem:$0x890];
	_ =	sdelay $0x4  }
0xb2: {  	v4 =	vshll.u32 v3, $0x1  }
0xb3: {  	v3 =	vand.u32 $0x7, v3;
	v4 =	vand.u32 $0xFFFFFFF0, v4  }
0xb4: {  	v3 =	vor.u32 v3, v4  }
0xb5: {  	v4 =	vperm.xlane v3, v0;
	_ =	sdelay $0x1  }
0xb6: {  	v3 =	vperm.xlane v3, v2;
	v4 =	vadd.s32 v1, v4;
	_ =	sdelay $0x1  }
0xb7: {  	v3 =	vadd.s32 v1, v3;
	_ =	sdelay $0x2  }
0xb8: {  	[tilespmem:s7], [sflag:$0x2] =	stream.indirect_vreg.gather [hbm4b:s4+s2], $0x80, v4, vm0, $0xb8;
	[tilespmem:$0x11000] =	vst v63  }
0xb9: {  	_ = 	snop  }
0xba: {  	[tilespmem:s24], [sflag:$0x2] =	stream.indirect_vreg.gather [hbm4b:s4+s2], $0x80, v3, vm0, $0xb8;
	[tilespmem:$0x11000] =	vst v63  }
0xbb: {  	v3 =	vld [tilespmem:$0x8A0];
	_ =	sdelay $0x4  }
0xbc: {  	v4 =	vshll.u32 v3, $0x1  }
0xbd: {  	v3 =	vand.u32 $0x7, v3;
	v4 =	vand.u32 $0xFFFFFFF0, v4  }
0xbe: {  	v3 =	vor.u32 v3, v4  }
0xbf: {  	v4 =	vperm.xlane v3, v0;
	_ =	sdelay $0x1  }
0xc0: {  	v3 =	vperm.xlane v3, v2;
	v4 =	vadd.s32 v1, v4;
	_ =	sdelay $0x1  }
0xc1: {  	v3 =	vadd.s32 v1, v3;
	_ =	sdelay $0x2  }
0xc2: {  	[tilespmem:s28], [sflag:$0x2] =	stream.indirect_vreg.gather [hbm4b:s4+s2], $0x80, v4, vm0, $0xb8;
	[tilespmem:$0x11000] =	vst v63  }
0xc3: {  	_ = 	snop  }
0xc4: {  	[tilespmem:s29], [sflag:$0x2] =	stream.indirect_vreg.gather [hbm4b:s4+s2], $0x80, v3, vm0, $0xb8;
	[tilespmem:$0x11000] =	vst v63  }
0xc5: {  	v3 =	vld [tilespmem:$0x8B0];
	_ =	sdelay $0x4  }
0xc6: {  	v4 =	vshll.u32 v3, $0x1  }
0xc7: {  	v3 =	vand.u32 $0x7, v3;
	v4 =	vand.u32 $0xFFFFFFF0, v4  }
0xc8: {  	v3 =	vor.u32 v3, v4  }
0xc9: {  	v4 =	vperm.xlane v3, v0;
	_ =	sdelay $0x1  }
0xca: {  	v3 =	vperm.xlane v3, v2;
	v4 =	vadd.s32 v1, v4;
	_ =	sdelay $0x1  }
0xcb: {  	v3 =	vadd.s32 v1, v3;
	_ =	sdelay $0x2  }
0xcc: {  	[tilespmem:s30], [sflag:$0x2] =	stream.indirect_vreg.gather [hbm4b:s4+s2], $0x80, v4, vm0, $0xb8;
	[tilespmem:$0x11000] =	vst v63  }
0xcd: {  	_ = 	snop  }
0xce: {  	[tilespmem:s31], [sflag:$0x2] =	stream.indirect_vreg.gather [hbm4b:s4+s2], $0x80, v3, vm0, $0xb8;
	[tilespmem:$0x11000] =	vst v63  }
0xcf: {  	_ =	swait.ge [sflag:s0], $0x4000  }
0xd0: {  	[sflag:s0] =	ssyncset.done $0x0  }
0xd1: {  	s11 =	sand.u32 $0x3800, s2;
	s12 =	sand.u32 $0x400, s2;
	[sflag:s0] =	ssyncadd.s32 $0xFFFFC000  }
0xd2: {  	s6 =	sor.u32 s12, s11;
	s13 =	sand.u32 $0x380, s2;
	_ =	swait.ge [sflag:s1], $0x4000  }
0xd3: {  	s6 =	sor.u32 s13, s6;
	s10 =	sand.u32 $0x70, s2;
	[sflag:s1] =	ssyncset.done $0x0  }
0xd4: {  	s6 =	sor.u32 s10, s6;
	[sflag:s1] =	ssyncadd.s32 $0xFFFFC000  }
0xd5: {  	v3 =	vld [tilespmem:s6+$0x5000]  }
0xd6: {  	v4 =	vld [tilespmem:s6+$0x1000];
	_ =	sdelay $0x1  }
0xd7: {  	s8 =	simm.s32 $0x80;
	s9 =	simm.s32 $0x10  }
0xd8: {  	s12 =	sand.u32 $0x400, s8;
	s11 =	sand.u32 $0x3800, s9;
	s10 =	simm.s32 $0x8  }
0xd9: {  	s12 =	sor.u32 s12, s11;
	s11 =	simm.s32 $0x20;
	s13 =	sand.u32 $0x380, s10  }
.LBB2_2:
0xda: {  	p0 =	sne.s32 s11, $0x3FF0;
	s9 =	sand.u32 $0x70, s9;
	s12 =	sor.u32 s13, s12;
	v4 =	vadd.f32 v3, v4  }
0xdb: {  	s12 =	sor.u32 s9, s12;
	s9 =	smov.u32 s11  }
0xdc: {  	v3 =	vld [tilespmem:s12+$0x5000];
	[tilespmem:s6+$0x1000] =	vst v4;
	s6 =	smov.u32 s12  }
.Ltmp0:
0xdd: {  	v4 =	vld [tilespmem:s6+$0x1000];
	(pc) =	sbr.rel @p0 .LBB2_2-.Ltmp0, $4  }
0xde: {  	_ = 	snop  }
0xdf: {  	s8 =	sadd.s32 $0x80, s8  }
0xe0: {  	s10 =	sadd.s32 $0x8, s10;
	s13 =	sand.u32 $0x400, s8;
	s12 =	sand.u32 $0x3800, s11  }
0xe1: {  	s11 =	sadd.s32 $0x10, s11;
	s12 =	sor.u32 s13, s12;
	s13 =	sand.u32 $0x380, s10  }
0xe2: {  	s8 =	sand.u32 $0x70, s9;
	s13 =	sor.u32 s13, s12;
	v3 =	vadd.f32 v3, v4  }
0xe3: {  	s8 =	sor.u32 s8, s13  }
0xe4: {  	v4 =	vld [tilespmem:s8+$0x5000];
	[tilespmem:s6+$0x1000] =	vst v3  }
0xe5: {  	v3 =	vld [tilespmem:s8+$0x1000];
	_ =	sdelay $0x4  }
0xe6: {  	v3 =	vadd.f32 v4, v3;
	_ =	sdelay $0x1  }
0xe7: {  	s9 =	rddreg [dreg:$0x5];
	s6 =	simm.s32 $0x0;
	[tilespmem:s8+$0x1000] =	vst v3  }
0xe8: {  	[hbm4b:s9+s6] =	stream.linear.scatter [tilespmem:s26], [sflag:$0x3], $0x4000, $0x38;
	[tilespmem:$0x11000] =	vst v63  }
0xe9: {  	v3 =	vld [tilespmem:$0x100];
	_ =	sdelay $0x4  }
0xea: {  	v4 =	vshll.u32 v3, $0x1  }
0xeb: {  	v3 =	vand.u32 $0x7, v3;
	v4 =	vand.u32 $0xFFFFFFF0, v4  }
0xec: {  	v3 =	vor.u32 v3, v4  }
0xed: {  	v4 =	vperm.xlane v3, v0;
	_ =	sdelay $0x1  }
0xee: {  	v3 =	vperm.xlane v3, v2;
	v4 =	vadd.s32 v1, v4;
	_ =	sdelay $0x1  }
0xef: {  	v3 =	vadd.s32 v1, v3;
	_ =	sdelay $0x2  }
0xf0: {  	[tilespmem:s26], [sflag:$0x1] =	stream.indirect_vreg.gather [hbm4b:s3+s6], $0x80, v4, vm0, $0xb8;
	[tilespmem:$0x11000] =	vst v63  }
0xf1: {  	s10 =	simm.s32 $0x1800  }
0xf2: {  	[tilespmem:s10], [sflag:$0x1] =	stream.indirect_vreg.gather [hbm4b:s3+s6], $0x80, v3, vm0, $0xb8;
	[tilespmem:$0x11000] =	vst v63  }
0xf3: {  	v3 =	vld [tilespmem:$0x110];
	_ =	sdelay $0x4  }
0xf4: {  	v4 =	vshll.u32 v3, $0x1  }
0xf5: {  	v3 =	vand.u32 $0x7, v3;
	v4 =	vand.u32 $0xFFFFFFF0, v4  }
0xf6: {  	v3 =	vor.u32 v3, v4  }
0xf7: {  	v4 =	vperm.xlane v3, v0;
	_ =	sdelay $0x1  }
0xf8: {  	v3 =	vperm.xlane v3, v2;
	v4 =	vadd.s32 v1, v4;
	_ =	sdelay $0x1  }
0xf9: {  	v3 =	vadd.s32 v1, v3;
	_ =	sdelay $0x1  }
0xfa: {  	s11 =	simm.s32 $0x2000  }
0xfb: {  	[tilespmem:s11], [sflag:$0x1] =	stream.indirect_vreg.gather [hbm4b:s3+s6], $0x80, v4, vm0, $0xb8;
	[tilespmem:$0x11000] =	vst v63  }
0xfc: {  	s12 =	simm.s32 $0x2800  }
0xfd: {  	[tilespmem:s12], [sflag:$0x1] =	stream.indirect_vreg.gather [hbm4b:s3+s6], $0x80, v3, vm0, $0xb8;
	[tilespmem:$0x11000] =	vst v63  }
0xfe: {  	v3 =	vld [tilespmem:$0x120];
	_ =	sdelay $0x4  }
0xff: {  	v4 =	vshll.u32 v3, $0x1  }
0x100: {  	v3 =	vand.u32 $0x7, v3;
	v4 =	vand.u32 $0xFFFFFFF0, v4  }
0x101: {  	v3 =	vor.u32 v3, v4  }
0x102: {  	v4 =	vperm.xlane v3, v0;
	_ =	sdelay $0x1  }
0x103: {  	v3 =	vperm.xlane v3, v2;
	v4 =	vadd.s32 v1, v4;
	_ =	sdelay $0x1  }
0x104: {  	v3 =	vadd.s32 v1, v3;
	_ =	sdelay $0x1  }
0x105: {  	s13 =	simm.s32 $0x3000  }
0x106: {  	[tilespmem:s13], [sflag:$0x1] =	stream.indirect_vreg.gather [hbm4b:s3+s6], $0x80, v4, vm0, $0xb8;
	[tilespmem:$0x11000] =	vst v63  }
0x107: {  	s9 =	simm.s32 $0x3800  }
0x108: {  	[tilespmem:s9], [sflag:$0x1] =	stream.indirect_vreg.gather [hbm4b:s3+s6], $0x80, v3, vm0, $0xb8;
	[tilespmem:$0x11000] =	vst v63  }
0x109: {  	v3 =	vld [tilespmem:$0x130];
	_ =	sdelay $0x4  }
0x10a: {  	v4 =	vshll.u32 v3, $0x1  }
0x10b: {  	v3 =	vand.u32 $0x7, v3;
	v4 =	vand.u32 $0xFFFFFFF0, v4  }
0x10c: {  	v3 =	vor.u32 v3, v4  }
0x10d: {  	v4 =	vperm.xlane v3, v0;
	_ =	sdelay $0x1  }
0x10e: {  	v3 =	vperm.xlane v3, v2;
	v4 =	vadd.s32 v1, v4;
	_ =	sdelay $0x1  }
0x10f: {  	v3 =	vadd.s32 v1, v3;
	_ =	sdelay $0x1  }
0x110: {  	s10 =	simm.s32 $0x4000  }
0x111: {  	[tilespmem:s10], [sflag:$0x1] =	stream.indirect_vreg.gather [hbm4b:s3+s6], $0x80, v4, vm0, $0xb8;
	[tilespmem:$0x11000] =	vst v63  }
0x112: {  	s11 =	simm.s32 $0x4800  }
0x113: {  	[tilespmem:s11], [sflag:$0x1] =	stream.indirect_vreg.gather [hbm4b:s3+s6], $0x80, v3, vm0, $0xb8;
	[tilespmem:$0x11000] =	vst v63  }
0x114: {  	v3 =	vld [tilespmem:$0x900];
	_ =	sdelay $0x4  }
0x115: {  	v4 =	vshll.u32 v3, $0x1  }
0x116: {  	v3 =	vand.u32 $0x7, v3;
	v4 =	vand.u32 $0xFFFFFFF0, v4  }
0x117: {  	v3 =	vor.u32 v3, v4  }
0x118: {  	v4 =	vperm.xlane v3, v0;
	_ =	sdelay $0x1  }
0x119: {  	v3 =	vperm.xlane v3, v2;
	v4 =	vadd.s32 v1, v4;
	_ =	sdelay $0x1  }
0x11a: {  	v3 =	vadd.s32 v1, v3;
	_ =	sdelay $0x1  }
0x11b: {  	s12 =	simm.s32 $0x5000  }
0x11c: {  	[tilespmem:s12], [sflag:$0x2] =	stream.indirect_vreg.gather [hbm4b:s4+s6], $0x80, v4, vm0, $0xb8;
	[tilespmem:$0x11000] =	vst v63  }
0x11d: {  	s13 =	simm.s32 $0x5800  }
0x11e: {  	[tilespmem:s13], [sflag:$0x2] =	stream.indirect_vreg.gather [hbm4b:s4+s6], $0x80, v3, vm0, $0xb8;
	[tilespmem:$0x11000] =	vst v63  }
0x11f: {  	v3 =	vld [tilespmem:$0x910];
	_ =	sdelay $0x4  }
0x120: {  	v4 =	vshll.u32 v3, $0x1  }
0x121: {  	v3 =	vand.u32 $0x7, v3;
	v4 =	vand.u32 $0xFFFFFFF0, v4  }
0x122: {  	v3 =	vor.u32 v3, v4  }
0x123: {  	v4 =	vperm.xlane v3, v0;
	_ =	sdelay $0x1  }
0x124: {  	v3 =	vperm.xlane v3, v2;
	v4 =	vadd.s32 v1, v4;
	_ =	sdelay $0x1  }
0x125: {  	v3 =	vadd.s32 v1, v3;
	_ =	sdelay $0x1  }
0x126: {  	s9 =	simm.s32 $0x6000  }
0x127: {  	[tilespmem:s9], [sflag:$0x2] =	stream.indirect_vreg.gather [hbm4b:s4+s6], $0x80, v4, vm0, $0xb8;
	[tilespmem:$0x11000] =	vst v63  }
0x128: {  	s10 =	simm.s32 $0x6800  }
0x129: {  	[tilespmem:s10], [sflag:$0x2] =	stream.indirect_vreg.gather [hbm4b:s4+s6], $0x80, v3, vm0, $0xb8;
	[tilespmem:$0x11000] =	vst v63  }
0x12a: {  	v3 =	vld [tilespmem:$0x920];
	_ =	sdelay $0x4  }
0x12b: {  	v4 =	vshll.u32 v3, $0x1  }
0x12c: {  	v3 =	vand.u32 $0x7, v3;
	v4 =	vand.u32 $0xFFFFFFF0, v4  }
0x12d: {  	v3 =	vor.u32 v3, v4  }
0x12e: {  	v4 =	vperm.xlane v3, v0;
	_ =	sdelay $0x1  }
0x12f: {  	v3 =	vperm.xlane v3, v2;
	v4 =	vadd.s32 v1, v4;
	_ =	sdelay $0x1  }
0x130: {  	v3 =	vadd.s32 v1, v3;
	_ =	sdelay $0x1  }
0x131: {  	s11 =	simm.s32 $0x7000  }
0x132: {  	[tilespmem:s11], [sflag:$0x2] =	stream.indirect_vreg.gather [hbm4b:s4+s6], $0x80, v4, vm0, $0xb8;
	[tilespmem:$0x11000] =	vst v63  }
0x133: {  	s12 =	simm.s32 $0x7800  }
0x134: {  	[tilespmem:s12], [sflag:$0x2] =	stream.indirect_vreg.gather [hbm4b:s4+s6], $0x80, v3, vm0, $0xb8;
	[tilespmem:$0x11000] =	vst v63  }
0x135: {  	v3 =	vld [tilespmem:$0x930];
	_ =	sdelay $0x4  }
0x136: {  	v4 =	vshll.u32 v3, $0x1  }
0x137: {  	v3 =	vand.u32 $0x7, v3;
	v4 =	vand.u32 $0xFFFFFFF0, v4  }
0x138: {  	v3 =	vor.u32 v3, v4  }
0x139: {  	v4 =	vperm.xlane v3, v0;
	_ =	sdelay $0x1  }
0x13a: {  	v3 =	vperm.xlane v3, v2;
	v4 =	vadd.s32 v1, v4;
	_ =	sdelay $0x1  }
0x13b: {  	v3 =	vadd.s32 v1, v3;
	_ =	sdelay $0x1  }
0x13c: {  	s13 =	simm.s32 $0x8000  }
0x13d: {  	[tilespmem:s13], [sflag:$0x2] =	stream.indirect_vreg.gather [hbm4b:s4+s6], $0x80, v4, vm0, $0xb8;
	[tilespmem:$0x11000] =	vst v63  }
0x13e: {  	s9 =	simm.s32 $0x8800  }
0x13f: {  	[tilespmem:s9], [sflag:$0x2] =	stream.indirect_vreg.gather [hbm4b:s4+s6], $0x80, v3, vm0, $0xb8;
	[tilespmem:$0x11000] =	vst v63  }
0x140: {  	_ =	swait.ge [sflag:s25], $0x4000  }
0x141: {  	[sflag:s25] =	ssyncset.done $0x0  }
0x142: {  	[sflag:s25] =	ssyncadd.s32 $0xFFFFC000  }
0x143: {  	_ =	swait.ge [sflag:s0], $0x4000  }
0x144: {  	[sflag:s0] =	ssyncset.done $0x0  }
0x145: {  	s10 =	sand.u32 $0x3800, s6;
	s11 =	sand.u32 $0x400, s6;
	[sflag:s0] =	ssyncadd.s32 $0xFFFFC000  }
0x146: {  	s8 =	sor.u32 s11, s10;
	s12 =	sand.u32 $0x380, s6;
	_ =	swait.ge [sflag:s1], $0x4000  }
0x147: {  	s8 =	sor.u32 s12, s8;
	s6 =	sand.u32 $0x70, s6;
	[sflag:s1] =	ssyncset.done $0x0  }
0x148: {  	s6 =	sor.u32 s6, s8;
	[sflag:s1] =	ssyncadd.s32 $0xFFFFC000  }
0x149: {  	v3 =	vld [tilespmem:s6+$0xD000]  }
0x14a: {  	v4 =	vld [tilespmem:s6+$0x9000];
	_ =	sdelay $0x1  }
0x14b: {  	s9 =	simm.s32 $0x10;
	s8 =	simm.s32 $0x80  }
0x14c: {  	s10 =	simm.s32 $0x8;
	s11 =	sand.u32 $0x3800, s9;
	s13 =	sand.u32 $0x400, s8  }
0x14d: {  	s12 =	sor.u32 s13, s11;
	s13 =	sand.u32 $0x380, s10;
	s11 =	simm.s32 $0x20  }
.LBB2_4:
0x14e: {  	p0 =	sne.s32 s11, $0x3FF0;
	s9 =	sand.u32 $0x70, s9;
	s12 =	sor.u32 s13, s12;
	v4 =	vadd.f32 v3, v4  }
0x14f: {  	s12 =	sor.u32 s9, s12;
	s9 =	smov.u32 s11  }
0x150: {  	v3 =	vld [tilespmem:s12+$0xD000];
	[tilespmem:s6+$0x9000] =	vst v4;
	s6 =	smov.u32 s12  }
.Ltmp1:
0x151: {  	v4 =	vld [tilespmem:s6+$0x9000];
	(pc) =	sbr.rel @p0 .LBB2_4-.Ltmp1, $4  }
0x152: {  	_ = 	snop  }
0x153: {  	s8 =	sadd.s32 $0x80, s8  }
0x154: {  	s10 =	sadd.s32 $0x8, s10;
	s13 =	sand.u32 $0x400, s8;
	s12 =	sand.u32 $0x3800, s11  }
0x155: {  	s11 =	sadd.s32 $0x10, s11;
	s12 =	sor.u32 s13, s12;
	s13 =	sand.u32 $0x380, s10  }
0x156: {  	s8 =	sand.u32 $0x70, s9;
	s12 =	sor.u32 s13, s12;
	v3 =	vadd.f32 v3, v4  }
0x157: {  	s8 =	sor.u32 s8, s12  }
0x158: {  	v4 =	vld [tilespmem:s8+$0xD000];
	[tilespmem:s6+$0x9000] =	vst v3  }
0x159: {  	v3 =	vld [tilespmem:s8+$0x9000];
	_ =	sdelay $0x4  }
0x15a: {  	v3 =	vadd.f32 v4, v3;
	_ =	sdelay $0x1  }
0x15b: {  	s13 =	simm.s32 $0x0;
	s9 =	rddreg [dreg:$0x6];
	[tilespmem:s8+$0x9000] =	vst v3  }
0x15c: {  	[hbm4b:s9+s13] =	stream.linear.scatter [tilespmem:s14], [sflag:$0x3], $0x4000, $0x38;
	[tilespmem:$0x11000] =	vst v63  }
0x15d: {  	v3 =	vld [tilespmem:$0x180];
	_ =	sdelay $0x4  }
0x15e: {  	v4 =	vshll.u32 v3, $0x1  }
0x15f: {  	v3 =	vand.u32 $0x7, v3;
	v4 =	vand.u32 $0xFFFFFFF0, v4  }
0x160: {  	v3 =	vor.u32 v3, v4  }
0x161: {  	v4 =	vperm.xlane v3, v0;
	_ =	sdelay $0x1  }
0x162: {  	v3 =	vperm.xlane v3, v2;
	v4 =	vadd.s32 v1, v4;
	_ =	sdelay $0x1  }
0x163: {  	v3 =	vadd.s32 v1, v3;
	_ =	sdelay $0x2  }
0x164: {  	[tilespmem:s14], [sflag:$0x1] =	stream.indirect_vreg.gather [hbm4b:s3+s13], $0x80, v4, vm0, $0xb8;
	[tilespmem:$0x11000] =	vst v63  }
0x165: {  	_ = 	snop  }
0x166: {  	[tilespmem:s15], [sflag:$0x1] =	stream.indirect_vreg.gather [hbm4b:s3+s13], $0x80, v3, vm0, $0xb8;
	[tilespmem:$0x11000] =	vst v63  }
0x167: {  	v3 =	vld [tilespmem:$0x190];
	_ =	sdelay $0x4  }
0x168: {  	v4 =	vshll.u32 v3, $0x1  }
0x169: {  	v3 =	vand.u32 $0x7, v3;
	v4 =	vand.u32 $0xFFFFFFF0, v4  }
0x16a: {  	v3 =	vor.u32 v3, v4  }
0x16b: {  	v4 =	vperm.xlane v3, v0;
	_ =	sdelay $0x1  }
0x16c: {  	v3 =	vperm.xlane v3, v2;
	v4 =	vadd.s32 v1, v4;
	_ =	sdelay $0x1  }
0x16d: {  	v3 =	vadd.s32 v1, v3;
	_ =	sdelay $0x2  }
0x16e: {  	[tilespmem:s16], [sflag:$0x1] =	stream.indirect_vreg.gather [hbm4b:s3+s13], $0x80, v4, vm0, $0xb8;
	[tilespmem:$0x11000] =	vst v63  }
0x16f: {  	_ = 	snop  }
0x170: {  	[tilespmem:s17], [sflag:$0x1] =	stream.indirect_vreg.gather [hbm4b:s3+s13], $0x80, v3, vm0, $0xb8;
	[tilespmem:$0x11000] =	vst v63  }
0x171: {  	v3 =	vld [tilespmem:$0x1A0];
	_ =	sdelay $0x4  }
0x172: {  	v4 =	vshll.u32 v3, $0x1  }
0x173: {  	v3 =	vand.u32 $0x7, v3;
	v4 =	vand.u32 $0xFFFFFFF0, v4  }
0x174: {  	v3 =	vor.u32 v3, v4  }
0x175: {  	v4 =	vperm.xlane v3, v0;
	_ =	sdelay $0x1  }
0x176: {  	v3 =	vperm.xlane v3, v2;
	v4 =	vadd.s32 v1, v4;
	_ =	sdelay $0x1  }
0x177: {  	v3 =	vadd.s32 v1, v3;
	_ =	sdelay $0x2  }
0x178: {  	[tilespmem:s18], [sflag:$0x1] =	stream.indirect_vreg.gather [hbm4b:s3+s13], $0x80, v4, vm0, $0xb8;
	[tilespmem:$0x11000] =	vst v63  }
0x179: {  	_ = 	snop  }
0x17a: {  	[tilespmem:s19], [sflag:$0x1] =	stream.indirect_vreg.gather [hbm4b:s3+s13], $0x80, v3, vm0, $0xb8;
	[tilespmem:$0x11000] =	vst v63  }
0x17b: {  	v3 =	vld [tilespmem:$0x1B0];
	_ =	sdelay $0x4  }
0x17c: {  	v4 =	vshll.u32 v3, $0x1  }
0x17d: {  	v3 =	vand.u32 $0x7, v3;
	v4 =	vand.u32 $0xFFFFFFF0, v4  }
0x17e: {  	v3 =	vor.u32 v3, v4  }
0x17f: {  	v4 =	vperm.xlane v3, v0;
	_ =	sdelay $0x1  }
0x180: {  	v3 =	vperm.xlane v3, v2;
	v4 =	vadd.s32 v1, v4;
	_ =	sdelay $0x1  }
0x181: {  	v3 =	vadd.s32 v1, v3;
	_ =	sdelay $0x2  }
0x182: {  	[tilespmem:s20], [sflag:$0x1] =	stream.indirect_vreg.gather [hbm4b:s3+s13], $0x80, v4, vm0, $0xb8;
	[tilespmem:$0x11000] =	vst v63  }
0x183: {  	_ = 	snop  }
0x184: {  	[tilespmem:s21], [sflag:$0x1] =	stream.indirect_vreg.gather [hbm4b:s3+s13], $0x80, v3, vm0, $0xb8;
	[tilespmem:$0x11000] =	vst v63  }
0x185: {  	v3 =	vld [tilespmem:$0x980];
	_ =	sdelay $0x4  }
0x186: {  	v4 =	vshll.u32 v3, $0x1  }
0x187: {  	v3 =	vand.u32 $0x7, v3;
	v4 =	vand.u32 $0xFFFFFFF0, v4  }
0x188: {  	v3 =	vor.u32 v3, v4  }
0x189: {  	v4 =	vperm.xlane v3, v0;
	_ =	sdelay $0x1  }
0x18a: {  	v3 =	vperm.xlane v3, v2;
	v4 =	vadd.s32 v1, v4;
	_ =	sdelay $0x1  }
0x18b: {  	v3 =	vadd.s32 v1, v3;
	_ =	sdelay $0x2  }
0x18c: {  	[tilespmem:s22], [sflag:$0x2] =	stream.indirect_vreg.gather [hbm4b:s4+s13], $0x80, v4, vm0, $0xb8;
	[tilespmem:$0x11000] =	vst v63  }
0x18d: {  	_ = 	snop  }
0x18e: {  	[tilespmem:s23], [sflag:$0x2] =	stream.indirect_vreg.gather [hbm4b:s4+s13], $0x80, v3, vm0, $0xb8;
	[tilespmem:$0x11000] =	vst v63  }
0x18f: {  	v3 =	vld [tilespmem:$0x990];
	_ =	sdelay $0x4  }
0x190: {  	v4 =	vshll.u32 v3, $0x1  }
0x191: {  	v3 =	vand.u32 $0x7, v3;
	v4 =	vand.u32 $0xFFFFFFF0, v4  }
0x192: {  	v3 =	vor.u32 v3, v4  }
0x193: {  	v4 =	vperm.xlane v3, v0;
	_ =	sdelay $0x1  }
0x194: {  	v3 =	vperm.xlane v3, v2;
	v4 =	vadd.s32 v1, v4;
	_ =	sdelay $0x1  }
0x195: {  	v3 =	vadd.s32 v1, v3;
	_ =	sdelay $0x2  }
0x196: {  	[tilespmem:s7], [sflag:$0x2] =	stream.indirect_vreg.gather [hbm4b:s4+s13], $0x80, v4, vm0, $0xb8;
	[tilespmem:$0x11000] =	vst v63  }
0x197: {  	_ = 	snop  }
0x198: {  	[tilespmem:s24], [sflag:$0x2] =	stream.indirect_vreg.gather [hbm4b:s4+s13], $0x80, v3, vm0, $0xb8;
	[tilespmem:$0x11000] =	vst v63  }
0x199: {  	v3 =	vld [tilespmem:$0x9A0];
	_ =	sdelay $0x4  }
0x19a: {  	v4 =	vshll.u32 v3, $0x1  }
0x19b: {  	v3 =	vand.u32 $0x7, v3;
	v4 =	vand.u32 $0xFFFFFFF0, v4  }
0x19c: {  	v3 =	vor.u32 v3, v4  }
0x19d: {  	v4 =	vperm.xlane v3, v0;
	_ =	sdelay $0x1  }
0x19e: {  	v3 =	vperm.xlane v3, v2;
	v4 =	vadd.s32 v1, v4;
	_ =	sdelay $0x1  }
0x19f: {  	v3 =	vadd.s32 v1, v3;
	_ =	sdelay $0x2  }
0x1a0: {  	[tilespmem:s28], [sflag:$0x2] =	stream.indirect_vreg.gather [hbm4b:s4+s13], $0x80, v4, vm0, $0xb8;
	[tilespmem:$0x11000] =	vst v63  }
0x1a1: {  	_ = 	snop  }
0x1a2: {  	[tilespmem:s29], [sflag:$0x2] =	stream.indirect_vreg.gather [hbm4b:s4+s13], $0x80, v3, vm0, $0xb8;
	[tilespmem:$0x11000] =	vst v63  }
0x1a3: {  	v3 =	vld [tilespmem:$0x9B0];
	_ =	sdelay $0x4  }
0x1a4: {  	v4 =	vshll.u32 v3, $0x1  }
0x1a5: {  	v3 =	vand.u32 $0x7, v3;
	v4 =	vand.u32 $0xFFFFFFF0, v4  }
0x1a6: {  	v3 =	vor.u32 v3, v4  }
0x1a7: {  	v4 =	vperm.xlane v3, v0;
	_ =	sdelay $0x1  }
0x1a8: {  	v3 =	vperm.xlane v3, v2;
	v4 =	vadd.s32 v1, v4;
	_ =	sdelay $0x1  }
0x1a9: {  	v3 =	vadd.s32 v1, v3;
	_ =	sdelay $0x2  }
0x1aa: {  	[tilespmem:s30], [sflag:$0x2] =	stream.indirect_vreg.gather [hbm4b:s4+s13], $0x80, v4, vm0, $0xb8;
	[tilespmem:$0x11000] =	vst v63  }
0x1ab: {  	_ = 	snop  }
0x1ac: {  	[tilespmem:s31], [sflag:$0x2] =	stream.indirect_vreg.gather [hbm4b:s4+s13], $0x80, v3, vm0, $0xb8;
	[tilespmem:$0x11000] =	vst v63  }
0x1ad: {  	_ =	swait.ge [sflag:s25], $0x4000  }
0x1ae: {  	[sflag:s25] =	ssyncset.done $0x0  }
0x1af: {  	[sflag:s25] =	ssyncadd.s32 $0xFFFFC000  }
0x1b0: {  	_ =	swait.ge [sflag:s0], $0x4000  }
0x1b1: {  	[sflag:s0] =	ssyncset.done $0x0  }
0x1b2: {  	s10 =	sand.u32 $0x3800, s13;
	s11 =	sand.u32 $0x400, s13;
	[sflag:s0] =	ssyncadd.s32 $0xFFFFC000  }
0x1b3: {  	s12 =	sand.u32 $0x380, s13;
	s8 =	sor.u32 s11, s10;
	_ =	swait.ge [sflag:s1], $0x4000  }
0x1b4: {  	s6 =	sand.u32 $0x70, s13;
	s8 =	sor.u32 s12, s8;
	[sflag:s1] =	ssyncset.done $0x0  }
0x1b5: {  	s6 =	sor.u32 s6, s8;
	[sflag:s1] =	ssyncadd.s32 $0xFFFFC000  }
0x1b6: {  	v3 =	vld [tilespmem:s6+$0x5000]  }
0x1b7: {  	v4 =	vld [tilespmem:s6+$0x1000];
	_ =	sdelay $0x1  }
0x1b8: {  	s9 =	simm.s32 $0x10;
	s8 =	simm.s32 $0x80  }
0x1b9: {  	s10 =	simm.s32 $0x8;
	s11 =	sand.u32 $0x3800, s9;
	s13 =	sand.u32 $0x400, s8  }
0x1ba: {  	s12 =	sor.u32 s13, s11;
	s13 =	sand.u32 $0x380, s10;
	s11 =	simm.s32 $0x20  }
.LBB2_6:
0x1bb: {  	p0 =	sne.s32 s11, $0x3FF0;
	s9 =	sand.u32 $0x70, s9;
	s12 =	sor.u32 s13, s12;
	v4 =	vadd.f32 v3, v4  }
0x1bc: {  	s12 =	sor.u32 s9, s12;
	s9 =	smov.u32 s11  }
0x1bd: {  	v3 =	vld [tilespmem:s12+$0x5000];
	[tilespmem:s6+$0x1000] =	vst v4;
	s6 =	smov.u32 s12  }
.Ltmp2:
0x1be: {  	v4 =	vld [tilespmem:s6+$0x1000];
	(pc) =	sbr.rel @p0 .LBB2_6-.Ltmp2, $4  }
0x1bf: {  	_ = 	snop  }
0x1c0: {  	s8 =	sadd.s32 $0x80, s8  }
0x1c1: {  	s10 =	sadd.s32 $0x8, s10;
	s13 =	sand.u32 $0x400, s8;
	s12 =	sand.u32 $0x3800, s11  }
0x1c2: {  	s11 =	sadd.s32 $0x10, s11;
	s12 =	sor.u32 s13, s12;
	s13 =	sand.u32 $0x380, s10  }
0x1c3: {  	s8 =	sand.u32 $0x70, s9;
	s13 =	sor.u32 s13, s12;
	v3 =	vadd.f32 v3, v4  }
0x1c4: {  	s8 =	sor.u32 s8, s13  }
0x1c5: {  	v4 =	vld [tilespmem:s8+$0x5000];
	[tilespmem:s6+$0x1000] =	vst v3  }
0x1c6: {  	v3 =	vld [tilespmem:s8+$0x1000];
	_ =	sdelay $0x4  }
0x1c7: {  	v3 =	vadd.f32 v4, v3;
	_ =	sdelay $0x1  }
0x1c8: {  	s9 =	rddreg [dreg:$0x7];
	s6 =	simm.s32 $0x0;
	[tilespmem:s8+$0x1000] =	vst v3  }
0x1c9: {  	[hbm4b:s9+s6] =	stream.linear.scatter [tilespmem:s26], [sflag:$0x3], $0x4000, $0x38;
	[tilespmem:$0x11000] =	vst v63  }
0x1ca: {  	v3 =	vld [tilespmem:$0x200];
	_ =	sdelay $0x4  }
0x1cb: {  	v4 =	vshll.u32 v3, $0x1  }
0x1cc: {  	v3 =	vand.u32 $0x7, v3;
	v4 =	vand.u32 $0xFFFFFFF0, v4  }
0x1cd: {  	v3 =	vor.u32 v3, v4  }
0x1ce: {  	v4 =	vperm.xlane v3, v0;
	_ =	sdelay $0x1  }
0x1cf: {  	v3 =	vperm.xlane v3, v2;
	v4 =	vadd.s32 v1, v4;
	_ =	sdelay $0x1  }
0x1d0: {  	v3 =	vadd.s32 v1, v3;
	_ =	sdelay $0x2  }
0x1d1: {  	[tilespmem:s26], [sflag:$0x1] =	stream.indirect_vreg.gather [hbm4b:s3+s6], $0x80, v4, vm0, $0xb8;
	[tilespmem:$0x11000] =	vst v63  }
0x1d2: {  	s10 =	simm.s32 $0x1800  }
0x1d3: {  	[tilespmem:s10], [sflag:$0x1] =	stream.indirect_vreg.gather [hbm4b:s3+s6], $0x80, v3, vm0, $0xb8;
	[tilespmem:$0x11000] =	vst v63  }
0x1d4: {  	v3 =	vld [tilespmem:$0x210];
	_ =	sdelay $0x4  }
0x1d5: {  	v4 =	vshll.u32 v3, $0x1  }
0x1d6: {  	v3 =	vand.u32 $0x7, v3;
	v4 =	vand.u32 $0xFFFFFFF0, v4  }
0x1d7: {  	v3 =	vor.u32 v3, v4  }
0x1d8: {  	v4 =	vperm.xlane v3, v0;
	_ =	sdelay $0x1  }
0x1d9: {  	v3 =	vperm.xlane v3, v2;
	v4 =	vadd.s32 v1, v4;
	_ =	sdelay $0x1  }
0x1da: {  	v3 =	vadd.s32 v1, v3;
	_ =	sdelay $0x1  }
0x1db: {  	s11 =	simm.s32 $0x2000  }
0x1dc: {  	[tilespmem:s11], [sflag:$0x1] =	stream.indirect_vreg.gather [hbm4b:s3+s6], $0x80, v4, vm0, $0xb8;
	[tilespmem:$0x11000] =	vst v63  }
0x1dd: {  	s12 =	simm.s32 $0x2800  }
0x1de: {  	[tilespmem:s12], [sflag:$0x1] =	stream.indirect_vreg.gather [hbm4b:s3+s6], $0x80, v3, vm0, $0xb8;
	[tilespmem:$0x11000] =	vst v63  }
0x1df: {  	v3 =	vld [tilespmem:$0x220];
	_ =	sdelay $0x4  }
0x1e0: {  	v4 =	vshll.u32 v3, $0x1  }
0x1e1: {  	v3 =	vand.u32 $0x7, v3;
	v4 =	vand.u32 $0xFFFFFFF0, v4  }
0x1e2: {  	v3 =	vor.u32 v3, v4  }
0x1e3: {  	v4 =	vperm.xlane v3, v0;
	_ =	sdelay $0x1  }
0x1e4: {  	v3 =	vperm.xlane v3, v2;
	v4 =	vadd.s32 v1, v4;
	_ =	sdelay $0x1  }
0x1e5: {  	v3 =	vadd.s32 v1, v3;
	_ =	sdelay $0x1  }
0x1e6: {  	s13 =	simm.s32 $0x3000  }
0x1e7: {  	[tilespmem:s13], [sflag:$0x1] =	stream.indirect_vreg.gather [hbm4b:s3+s6], $0x80, v4, vm0, $0xb8;
	[tilespmem:$0x11000] =	vst v63  }
0x1e8: {  	s9 =	simm.s32 $0x3800  }
0x1e9: {  	[tilespmem:s9], [sflag:$0x1] =	stream.indirect_vreg.gather [hbm4b:s3+s6], $0x80, v3, vm0, $0xb8;
	[tilespmem:$0x11000] =	vst v63  }
0x1ea: {  	v3 =	vld [tilespmem:$0x230];
	_ =	sdelay $0x4  }
0x1eb: {  	v4 =	vshll.u32 v3, $0x1  }
0x1ec: {  	v3 =	vand.u32 $0x7, v3;
	v4 =	vand.u32 $0xFFFFFFF0, v4  }
0x1ed: {  	v3 =	vor.u32 v3, v4  }
0x1ee: {  	v4 =	vperm.xlane v3, v0;
	_ =	sdelay $0x1  }
0x1ef: {  	v3 =	vperm.xlane v3, v2;
	v4 =	vadd.s32 v1, v4;
	_ =	sdelay $0x1  }
0x1f0: {  	v3 =	vadd.s32 v1, v3;
	_ =	sdelay $0x1  }
0x1f1: {  	s10 =	simm.s32 $0x4000  }
0x1f2: {  	[tilespmem:s10], [sflag:$0x1] =	stream.indirect_vreg.gather [hbm4b:s3+s6], $0x80, v4, vm0, $0xb8;
	[tilespmem:$0x11000] =	vst v63  }
0x1f3: {  	s11 =	simm.s32 $0x4800  }
0x1f4: {  	[tilespmem:s11], [sflag:$0x1] =	stream.indirect_vreg.gather [hbm4b:s3+s6], $0x80, v3, vm0, $0xb8;
	[tilespmem:$0x11000] =	vst v63  }
0x1f5: {  	v3 =	vld [tilespmem:$0xA00];
	_ =	sdelay $0x4  }
0x1f6: {  	v4 =	vshll.u32 v3, $0x1  }
0x1f7: {  	v3 =	vand.u32 $0x7, v3;
	v4 =	vand.u32 $0xFFFFFFF0, v4  }
0x1f8: {  	v3 =	vor.u32 v3, v4  }
0x1f9: {  	v4 =	vperm.xlane v3, v0;
	_ =	sdelay $0x1  }
0x1fa: {  	v3 =	vperm.xlane v3, v2;
	v4 =	vadd.s32 v1, v4;
	_ =	sdelay $0x1  }
0x1fb: {  	v3 =	vadd.s32 v1, v3;
	_ =	sdelay $0x1  }
0x1fc: {  	s12 =	simm.s32 $0x5000  }
0x1fd: {  	[tilespmem:s12], [sflag:$0x2] =	stream.indirect_vreg.gather [hbm4b:s4+s6], $0x80, v4, vm0, $0xb8;
	[tilespmem:$0x11000] =	vst v63  }
0x1fe: {  	s13 =	simm.s32 $0x5800  }
0x1ff: {  	[tilespmem:s13], [sflag:$0x2] =	stream.indirect_vreg.gather [hbm4b:s4+s6], $0x80, v3, vm0, $0xb8;
	[tilespmem:$0x11000] =	vst v63  }
0x200: {  	v3 =	vld [tilespmem:$0xA10];
	_ =	sdelay $0x4  }
0x201: {  	v4 =	vshll.u32 v3, $0x1  }
0x202: {  	v3 =	vand.u32 $0x7, v3;
	v4 =	vand.u32 $0xFFFFFFF0, v4  }
0x203: {  	v3 =	vor.u32 v3, v4  }
0x204: {  	v4 =	vperm.xlane v3, v0;
	_ =	sdelay $0x1  }
0x205: {  	v3 =	vperm.xlane v3, v2;
	v4 =	vadd.s32 v1, v4;
	_ =	sdelay $0x1  }
0x206: {  	v3 =	vadd.s32 v1, v3;
	_ =	sdelay $0x1  }
0x207: {  	s9 =	simm.s32 $0x6000  }
0x208: {  	[tilespmem:s9], [sflag:$0x2] =	stream.indirect_vreg.gather [hbm4b:s4+s6], $0x80, v4, vm0, $0xb8;
	[tilespmem:$0x11000] =	vst v63  }
0x209: {  	s10 =	simm.s32 $0x6800  }
0x20a: {  	[tilespmem:s10], [sflag:$0x2] =	stream.indirect_vreg.gather [hbm4b:s4+s6], $0x80, v3, vm0, $0xb8;
	[tilespmem:$0x11000] =	vst v63  }
0x20b: {  	v3 =	vld [tilespmem:$0xA20];
	_ =	sdelay $0x4  }
0x20c: {  	v4 =	vshll.u32 v3, $0x1  }
0x20d: {  	v3 =	vand.u32 $0x7, v3;
	v4 =	vand.u32 $0xFFFFFFF0, v4  }
0x20e: {  	v3 =	vor.u32 v3, v4  }
0x20f: {  	v4 =	vperm.xlane v3, v0;
	_ =	sdelay $0x1  }
0x210: {  	v3 =	vperm.xlane v3, v2;
	v4 =	vadd.s32 v1, v4;
	_ =	sdelay $0x1  }
0x211: {  	v3 =	vadd.s32 v1, v3;
	_ =	sdelay $0x1  }
0x212: {  	s11 =	simm.s32 $0x7000  }
0x213: {  	[tilespmem:s11], [sflag:$0x2] =	stream.indirect_vreg.gather [hbm4b:s4+s6], $0x80, v4, vm0, $0xb8;
	[tilespmem:$0x11000] =	vst v63  }
0x214: {  	s12 =	simm.s32 $0x7800  }
0x215: {  	[tilespmem:s12], [sflag:$0x2] =	stream.indirect_vreg.gather [hbm4b:s4+s6], $0x80, v3, vm0, $0xb8;
	[tilespmem:$0x11000] =	vst v63  }
0x216: {  	v3 =	vld [tilespmem:$0xA30];
	_ =	sdelay $0x4  }
0x217: {  	v4 =	vshll.u32 v3, $0x1  }
0x218: {  	v3 =	vand.u32 $0x7, v3;
	v4 =	vand.u32 $0xFFFFFFF0, v4  }
0x219: {  	v3 =	vor.u32 v3, v4  }
0x21a: {  	v4 =	vperm.xlane v3, v0;
	_ =	sdelay $0x1  }
0x21b: {  	v3 =	vperm.xlane v3, v2;
	v4 =	vadd.s32 v1, v4;
	_ =	sdelay $0x1  }
0x21c: {  	v3 =	vadd.s32 v1, v3;
	_ =	sdelay $0x1  }
0x21d: {  	s13 =	simm.s32 $0x8000  }
0x21e: {  	[tilespmem:s13], [sflag:$0x2] =	stream.indirect_vreg.gather [hbm4b:s4+s6], $0x80, v4, vm0, $0xb8;
	[tilespmem:$0x11000] =	vst v63  }
0x21f: {  	s9 =	simm.s32 $0x8800  }
0x220: {  	[tilespmem:s9], [sflag:$0x2] =	stream.indirect_vreg.gather [hbm4b:s4+s6], $0x80, v3, vm0, $0xb8;
	[tilespmem:$0x11000] =	vst v63  }
0x221: {  	_ =	swait.ge [sflag:s25], $0x4000  }
0x222: {  	[sflag:s25] =	ssyncset.done $0x0  }
0x223: {  	[sflag:s25] =	ssyncadd.s32 $0xFFFFC000  }
0x224: {  	_ =	swait.ge [sflag:s0], $0x4000  }
0x225: {  	[sflag:s0] =	ssyncset.done $0x0  }
0x226: {  	s10 =	sand.u32 $0x3800, s6;
	s11 =	sand.u32 $0x400, s6;
	[sflag:s0] =	ssyncadd.s32 $0xFFFFC000  }
0x227: {  	s8 =	sor.u32 s11, s10;
	s12 =	sand.u32 $0x380, s6;
	_ =	swait.ge [sflag:s1], $0x4000  }
0x228: {  	s8 =	sor.u32 s12, s8;
	s6 =	sand.u32 $0x70, s6;
	[sflag:s1] =	ssyncset.done $0x0  }
0x229: {  	s6 =	sor.u32 s6, s8;
	[sflag:s1] =	ssyncadd.s32 $0xFFFFC000  }
0x22a: {  	v3 =	vld [tilespmem:s6+$0xD000]  }
0x22b: {  	v4 =	vld [tilespmem:s6+$0x9000];
	_ =	sdelay $0x1  }
0x22c: {  	s9 =	simm.s32 $0x10;
	s8 =	simm.s32 $0x80  }
0x22d: {  	s10 =	simm.s32 $0x8;
	s11 =	sand.u32 $0x3800, s9;
	s13 =	sand.u32 $0x400, s8  }
0x22e: {  	s12 =	sor.u32 s13, s11;
	s13 =	sand.u32 $0x380, s10;
	s11 =	simm.s32 $0x20  }
.LBB2_8:
0x22f: {  	p0 =	sne.s32 s11, $0x3FF0;
	s9 =	sand.u32 $0x70, s9;
	s12 =	sor.u32 s13, s12;
	v4 =	vadd.f32 v3, v4  }
0x230: {  	s12 =	sor.u32 s9, s12;
	s9 =	smov.u32 s11  }
0x231: {  	v3 =	vld [tilespmem:s12+$0xD000];
	[tilespmem:s6+$0x9000] =	vst v4;
	s6 =	smov.u32 s12  }
.Ltmp3:
0x232: {  	v4 =	vld [tilespmem:s6+$0x9000];
	(pc) =	sbr.rel @p0 .LBB2_8-.Ltmp3, $4  }
0x233: {  	_ = 	snop  }
0x234: {  	s8 =	sadd.s32 $0x80, s8  }
0x235: {  	s10 =	sadd.s32 $0x8, s10;
	s13 =	sand.u32 $0x400, s8;
	s12 =	sand.u32 $0x3800, s11  }
0x236: {  	s11 =	sadd.s32 $0x10, s11;
	s12 =	sor.u32 s13, s12;
	s13 =	sand.u32 $0x380, s10  }
0x237: {  	s8 =	sand.u32 $0x70, s9;
	s12 =	sor.u32 s13, s12;
	v3 =	vadd.f32 v3, v4  }
0x238: {  	s8 =	sor.u32 s8, s12  }
0x239: {  	v4 =	vld [tilespmem:s8+$0xD000];
	[tilespmem:s6+$0x9000] =	vst v3  }
0x23a: {  	v3 =	vld [tilespmem:s8+$0x9000];
	_ =	sdelay $0x4  }
0x23b: {  	v3 =	vadd.f32 v4, v3;
	_ =	sdelay $0x1  }
0x23c: {  	s13 =	simm.s32 $0x0;
	s9 =	rddreg [dreg:$0x8];
	[tilespmem:s8+$0x9000] =	vst v3  }
0x23d: {  	[hbm4b:s9+s13] =	stream.linear.scatter [tilespmem:s14], [sflag:$0x3], $0x4000, $0x38;
	[tilespmem:$0x11000] =	vst v63  }
0x23e: {  	v3 =	vld [tilespmem:$0x280];
	_ =	sdelay $0x4  }
0x23f: {  	v4 =	vshll.u32 v3, $0x1  }
0x240: {  	v3 =	vand.u32 $0x7, v3;
	v4 =	vand.u32 $0xFFFFFFF0, v4  }
0x241: {  	v3 =	vor.u32 v3, v4  }
0x242: {  	v4 =	vperm.xlane v3, v0;
	_ =	sdelay $0x1  }
0x243: {  	v3 =	vperm.xlane v3, v2;
	v4 =	vadd.s32 v1, v4;
	_ =	sdelay $0x1  }
0x244: {  	v3 =	vadd.s32 v1, v3;
	_ =	sdelay $0x2  }
0x245: {  	[tilespmem:s14], [sflag:$0x1] =	stream.indirect_vreg.gather [hbm4b:s3+s13], $0x80, v4, vm0, $0xb8;
	[tilespmem:$0x11000] =	vst v63  }
0x246: {  	_ = 	snop  }
0x247: {  	[tilespmem:s15], [sflag:$0x1] =	stream.indirect_vreg.gather [hbm4b:s3+s13], $0x80, v3, vm0, $0xb8;
	[tilespmem:$0x11000] =	vst v63  }
0x248: {  	v3 =	vld [tilespmem:$0x290];
	_ =	sdelay $0x4  }
0x249: {  	v4 =	vshll.u32 v3, $0x1  }
0x24a: {  	v3 =	vand.u32 $0x7, v3;
	v4 =	vand.u32 $0xFFFFFFF0, v4  }
0x24b: {  	v3 =	vor.u32 v3, v4  }
0x24c: {  	v4 =	vperm.xlane v3, v0;
	_ =	sdelay $0x1  }
0x24d: {  	v3 =	vperm.xlane v3, v2;
	v4 =	vadd.s32 v1, v4;
	_ =	sdelay $0x1  }
0x24e: {  	v3 =	vadd.s32 v1, v3;
	_ =	sdelay $0x2  }
0x24f: {  	[tilespmem:s16], [sflag:$0x1] =	stream.indirect_vreg.gather [hbm4b:s3+s13], $0x80, v4, vm0, $0xb8;
	[tilespmem:$0x11000] =	vst v63  }
0x250: {  	_ = 	snop  }
0x251: {  	[tilespmem:s17], [sflag:$0x1] =	stream.indirect_vreg.gather [hbm4b:s3+s13], $0x80, v3, vm0, $0xb8;
	[tilespmem:$0x11000] =	vst v63  }
0x252: {  	v3 =	vld [tilespmem:$0x2A0];
	_ =	sdelay $0x4  }
0x253: {  	v4 =	vshll.u32 v3, $0x1  }
0x254: {  	v3 =	vand.u32 $0x7, v3;
	v4 =	vand.u32 $0xFFFFFFF0, v4  }
0x255: {  	v3 =	vor.u32 v3, v4  }
0x256: {  	v4 =	vperm.xlane v3, v0;
	_ =	sdelay $0x1  }
0x257: {  	v3 =	vperm.xlane v3, v2;
	v4 =	vadd.s32 v1, v4;
	_ =	sdelay $0x1  }
0x258: {  	v3 =	vadd.s32 v1, v3;
	_ =	sdelay $0x2  }
0x259: {  	[tilespmem:s18], [sflag:$0x1] =	stream.indirect_vreg.gather [hbm4b:s3+s13], $0x80, v4, vm0, $0xb8;
	[tilespmem:$0x11000] =	vst v63  }
0x25a: {  	_ = 	snop  }
0x25b: {  	[tilespmem:s19], [sflag:$0x1] =	stream.indirect_vreg.gather [hbm4b:s3+s13], $0x80, v3, vm0, $0xb8;
	[tilespmem:$0x11000] =	vst v63  }
0x25c: {  	v3 =	vld [tilespmem:$0x2B0];
	_ =	sdelay $0x4  }
0x25d: {  	v4 =	vshll.u32 v3, $0x1  }
0x25e: {  	v3 =	vand.u32 $0x7, v3;
	v4 =	vand.u32 $0xFFFFFFF0, v4  }
0x25f: {  	v3 =	vor.u32 v3, v4  }
0x260: {  	v4 =	vperm.xlane v3, v0;
	_ =	sdelay $0x1  }
0x261: {  	v3 =	vperm.xlane v3, v2;
	v4 =	vadd.s32 v1, v4;
	_ =	sdelay $0x1  }
0x262: {  	v3 =	vadd.s32 v1, v3;
	_ =	sdelay $0x2  }
0x263: {  	[tilespmem:s20], [sflag:$0x1] =	stream.indirect_vreg.gather [hbm4b:s3+s13], $0x80, v4, vm0, $0xb8;
	[tilespmem:$0x11000] =	vst v63  }
0x264: {  	_ = 	snop  }
0x265: {  	[tilespmem:s21], [sflag:$0x1] =	stream.indirect_vreg.gather [hbm4b:s3+s13], $0x80, v3, vm0, $0xb8;
	[tilespmem:$0x11000] =	vst v63  }
0x266: {  	v3 =	vld [tilespmem:$0xA80];
	_ =	sdelay $0x4  }
0x267: {  	v4 =	vshll.u32 v3, $0x1  }
0x268: {  	v3 =	vand.u32 $0x7, v3;
	v4 =	vand.u32 $0xFFFFFFF0, v4  }
0x269: {  	v3 =	vor.u32 v3, v4  }
0x26a: {  	v4 =	vperm.xlane v3, v0;
	_ =	sdelay $0x1  }
0x26b: {  	v3 =	vperm.xlane v3, v2;
	v4 =	vadd.s32 v1, v4;
	_ =	sdelay $0x1  }
0x26c: {  	v3 =	vadd.s32 v1, v3;
	_ =	sdelay $0x2  }
0x26d: {  	[tilespmem:s22], [sflag:$0x2] =	stream.indirect_vreg.gather [hbm4b:s4+s13], $0x80, v4, vm0, $0xb8;
	[tilespmem:$0x11000] =	vst v63  }
0x26e: {  	_ = 	snop  }
0x26f: {  	[tilespmem:s23], [sflag:$0x2] =	stream.indirect_vreg.gather [hbm4b:s4+s13], $0x80, v3, vm0, $0xb8;
	[tilespmem:$0x11000] =	vst v63  }
0x270: {  	v3 =	vld [tilespmem:$0xA90];
	_ =	sdelay $0x4  }
0x271: {  	v4 =	vshll.u32 v3, $0x1  }
0x272: {  	v3 =	vand.u32 $0x7, v3;
	v4 =	vand.u32 $0xFFFFFFF0, v4  }
0x273: {  	v3 =	vor.u32 v3, v4  }
0x274: {  	v4 =	vperm.xlane v3, v0;
	_ =	sdelay $0x1  }
0x275: {  	v3 =	vperm.xlane v3, v2;
	v4 =	vadd.s32 v1, v4;
	_ =	sdelay $0x1  }
0x276: {  	v3 =	vadd.s32 v1, v3;
	_ =	sdelay $0x2  }
0x277: {  	[tilespmem:s7], [sflag:$0x2] =	stream.indirect_vreg.gather [hbm4b:s4+s13], $0x80, v4, vm0, $0xb8;
	[tilespmem:$0x11000] =	vst v63  }
0x278: {  	_ = 	snop  }
0x279: {  	[tilespmem:s24], [sflag:$0x2] =	stream.indirect_vreg.gather [hbm4b:s4+s13], $0x80, v3, vm0, $0xb8;
	[tilespmem:$0x11000] =	vst v63  }
0x27a: {  	v3 =	vld [tilespmem:$0xAA0];
	_ =	sdelay $0x4  }
0x27b: {  	v4 =	vshll.u32 v3, $0x1  }
0x27c: {  	v3 =	vand.u32 $0x7, v3;
	v4 =	vand.u32 $0xFFFFFFF0, v4  }
0x27d: {  	v3 =	vor.u32 v3, v4  }
0x27e: {  	v4 =	vperm.xlane v3, v0;
	_ =	sdelay $0x1  }
0x27f: {  	v3 =	vperm.xlane v3, v2;
	v4 =	vadd.s32 v1, v4;
	_ =	sdelay $0x1  }
0x280: {  	v3 =	vadd.s32 v1, v3;
	_ =	sdelay $0x2  }
0x281: {  	[tilespmem:s28], [sflag:$0x2] =	stream.indirect_vreg.gather [hbm4b:s4+s13], $0x80, v4, vm0, $0xb8;
	[tilespmem:$0x11000] =	vst v63  }
0x282: {  	_ = 	snop  }
0x283: {  	[tilespmem:s29], [sflag:$0x2] =	stream.indirect_vreg.gather [hbm4b:s4+s13], $0x80, v3, vm0, $0xb8;
	[tilespmem:$0x11000] =	vst v63  }
0x284: {  	v3 =	vld [tilespmem:$0xAB0];
	_ =	sdelay $0x4  }
0x285: {  	v4 =	vshll.u32 v3, $0x1  }
0x286: {  	v3 =	vand.u32 $0x7, v3;
	v4 =	vand.u32 $0xFFFFFFF0, v4  }
0x287: {  	v3 =	vor.u32 v3, v4  }
0x288: {  	v4 =	vperm.xlane v3, v0;
	_ =	sdelay $0x1  }
0x289: {  	v3 =	vperm.xlane v3, v2;
	v4 =	vadd.s32 v1, v4;
	_ =	sdelay $0x1  }
0x28a: {  	v3 =	vadd.s32 v1, v3;
	_ =	sdelay $0x2  }
0x28b: {  	[tilespmem:s30], [sflag:$0x2] =	stream.indirect_vreg.gather [hbm4b:s4+s13], $0x80, v4, vm0, $0xb8;
	[tilespmem:$0x11000] =	vst v63  }
0x28c: {  	_ = 	snop  }
0x28d: {  	[tilespmem:s31], [sflag:$0x2] =	stream.indirect_vreg.gather [hbm4b:s4+s13], $0x80, v3, vm0, $0xb8;
	[tilespmem:$0x11000] =	vst v63  }
0x28e: {  	_ =	swait.ge [sflag:s25], $0x4000  }
0x28f: {  	[sflag:s25] =	ssyncset.done $0x0  }
0x290: {  	[sflag:s25] =	ssyncadd.s32 $0xFFFFC000  }
0x291: {  	_ =	swait.ge [sflag:s0], $0x4000  }
0x292: {  	[sflag:s0] =	ssyncset.done $0x0  }
0x293: {  	s10 =	sand.u32 $0x3800, s13;
	s11 =	sand.u32 $0x400, s13;
	[sflag:s0] =	ssyncadd.s32 $0xFFFFC000  }
0x294: {  	s12 =	sand.u32 $0x380, s13;
	s8 =	sor.u32 s11, s10;
	_ =	swait.ge [sflag:s1], $0x4000  }
0x295: {  	s6 =	sand.u32 $0x70, s13;
	s8 =	sor.u32 s12, s8;
	[sflag:s1] =	ssyncset.done $0x0  }
0x296: {  	s6 =	sor.u32 s6, s8;
	[sflag:s1] =	ssyncadd.s32 $0xFFFFC000  }
0x297: {  	v3 =	vld [tilespmem:s6+$0x5000]  }
0x298: {  	v4 =	vld [tilespmem:s6+$0x1000];
	_ =	sdelay $0x1  }
0x299: {  	s9 =	simm.s32 $0x10;
	s8 =	simm.s32 $0x80  }
0x29a: {  	s10 =	simm.s32 $0x8;
	s11 =	sand.u32 $0x3800, s9;
	s13 =	sand.u32 $0x400, s8  }
0x29b: {  	s12 =	sor.u32 s13, s11;
	s13 =	sand.u32 $0x380, s10;
	s11 =	simm.s32 $0x20  }
.LBB2_10:
0x29c: {  	p0 =	sne.s32 s11, $0x3FF0;
	s9 =	sand.u32 $0x70, s9;
	s12 =	sor.u32 s13, s12;
	v4 =	vadd.f32 v3, v4  }
0x29d: {  	s12 =	sor.u32 s9, s12;
	s9 =	smov.u32 s11  }
0x29e: {  	v3 =	vld [tilespmem:s12+$0x5000];
	[tilespmem:s6+$0x1000] =	vst v4;
	s6 =	smov.u32 s12  }
.Ltmp4:
0x29f: {  	v4 =	vld [tilespmem:s6+$0x1000];
	(pc) =	sbr.rel @p0 .LBB2_10-.Ltmp4, $4  }
0x2a0: {  	_ = 	snop  }
0x2a1: {  	s8 =	sadd.s32 $0x80, s8  }
0x2a2: {  	s10 =	sadd.s32 $0x8, s10;
	s13 =	sand.u32 $0x400, s8;
	s12 =	sand.u32 $0x3800, s11  }
0x2a3: {  	s11 =	sadd.s32 $0x10, s11;
	s12 =	sor.u32 s13, s12;
	s13 =	sand.u32 $0x380, s10  }
0x2a4: {  	s8 =	sand.u32 $0x70, s9;
	s13 =	sor.u32 s13, s12;
	v3 =	vadd.f32 v3, v4  }
0x2a5: {  	s8 =	sor.u32 s8, s13  }
0x2a6: {  	v4 =	vld [tilespmem:s8+$0x5000];
	[tilespmem:s6+$0x1000] =	vst v3  }
0x2a7: {  	v3 =	vld [tilespmem:s8+$0x1000];
	_ =	sdelay $0x4  }
0x2a8: {  	v3 =	vadd.f32 v4, v3;
	_ =	sdelay $0x1  }
0x2a9: {  	s9 =	rddreg [dreg:$0x9];
	s6 =	simm.s32 $0x0;
	[tilespmem:s8+$0x1000] =	vst v3  }
0x2aa: {  	[hbm4b:s9+s6] =	stream.linear.scatter [tilespmem:s26], [sflag:$0x3], $0x4000, $0x38;
	[tilespmem:$0x11000] =	vst v63  }
0x2ab: {  	v3 =	vld [tilespmem:$0x300];
	_ =	sdelay $0x4  }
0x2ac: {  	v4 =	vshll.u32 v3, $0x1  }
0x2ad: {  	v3 =	vand.u32 $0x7, v3;
	v4 =	vand.u32 $0xFFFFFFF0, v4  }
0x2ae: {  	v3 =	vor.u32 v3, v4  }
0x2af: {  	v4 =	vperm.xlane v3, v0;
	_ =	sdelay $0x1  }
0x2b0: {  	v3 =	vperm.xlane v3, v2;
	v4 =	vadd.s32 v1, v4;
	_ =	sdelay $0x1  }
0x2b1: {  	v3 =	vadd.s32 v1, v3;
	_ =	sdelay $0x2  }
0x2b2: {  	[tilespmem:s26], [sflag:$0x1] =	stream.indirect_vreg.gather [hbm4b:s3+s6], $0x80, v4, vm0, $0xb8;
	[tilespmem:$0x11000] =	vst v63  }
0x2b3: {  	s10 =	simm.s32 $0x1800  }
0x2b4: {  	[tilespmem:s10], [sflag:$0x1] =	stream.indirect_vreg.gather [hbm4b:s3+s6], $0x80, v3, vm0, $0xb8;
	[tilespmem:$0x11000] =	vst v63  }
0x2b5: {  	v3 =	vld [tilespmem:$0x310];
	_ =	sdelay $0x4  }
0x2b6: {  	v4 =	vshll.u32 v3, $0x1  }
0x2b7: {  	v3 =	vand.u32 $0x7, v3;
	v4 =	vand.u32 $0xFFFFFFF0, v4  }
0x2b8: {  	v3 =	vor.u32 v3, v4  }
0x2b9: {  	v4 =	vperm.xlane v3, v0;
	_ =	sdelay $0x1  }
0x2ba: {  	v3 =	vperm.xlane v3, v2;
	v4 =	vadd.s32 v1, v4;
	_ =	sdelay $0x1  }
0x2bb: {  	v3 =	vadd.s32 v1, v3;
	_ =	sdelay $0x1  }
0x2bc: {  	s11 =	simm.s32 $0x2000  }
0x2bd: {  	[tilespmem:s11], [sflag:$0x1] =	stream.indirect_vreg.gather [hbm4b:s3+s6], $0x80, v4, vm0, $0xb8;
	[tilespmem:$0x11000] =	vst v63  }
0x2be: {  	s12 =	simm.s32 $0x2800  }
0x2bf: {  	[tilespmem:s12], [sflag:$0x1] =	stream.indirect_vreg.gather [hbm4b:s3+s6], $0x80, v3, vm0, $0xb8;
	[tilespmem:$0x11000] =	vst v63  }
0x2c0: {  	v3 =	vld [tilespmem:$0x320];
	_ =	sdelay $0x4  }
0x2c1: {  	v4 =	vshll.u32 v3, $0x1  }
0x2c2: {  	v3 =	vand.u32 $0x7, v3;
	v4 =	vand.u32 $0xFFFFFFF0, v4  }
0x2c3: {  	v3 =	vor.u32 v3, v4  }
0x2c4: {  	v4 =	vperm.xlane v3, v0;
	_ =	sdelay $0x1  }
0x2c5: {  	v3 =	vperm.xlane v3, v2;
	v4 =	vadd.s32 v1, v4;
	_ =	sdelay $0x1  }
0x2c6: {  	v3 =	vadd.s32 v1, v3;
	_ =	sdelay $0x1  }
0x2c7: {  	s13 =	simm.s32 $0x3000  }
0x2c8: {  	[tilespmem:s13], [sflag:$0x1] =	stream.indirect_vreg.gather [hbm4b:s3+s6], $0x80, v4, vm0, $0xb8;
	[tilespmem:$0x11000] =	vst v63  }
0x2c9: {  	s9 =	simm.s32 $0x3800  }
0x2ca: {  	[tilespmem:s9], [sflag:$0x1] =	stream.indirect_vreg.gather [hbm4b:s3+s6], $0x80, v3, vm0, $0xb8;
	[tilespmem:$0x11000] =	vst v63  }
0x2cb: {  	v3 =	vld [tilespmem:$0x330];
	_ =	sdelay $0x4  }
0x2cc: {  	v4 =	vshll.u32 v3, $0x1  }
0x2cd: {  	v3 =	vand.u32 $0x7, v3;
	v4 =	vand.u32 $0xFFFFFFF0, v4  }
0x2ce: {  	v3 =	vor.u32 v3, v4  }
0x2cf: {  	v4 =	vperm.xlane v3, v0;
	_ =	sdelay $0x1  }
0x2d0: {  	v3 =	vperm.xlane v3, v2;
	v4 =	vadd.s32 v1, v4;
	_ =	sdelay $0x1  }
0x2d1: {  	v3 =	vadd.s32 v1, v3;
	_ =	sdelay $0x1  }
0x2d2: {  	s10 =	simm.s32 $0x4000  }
0x2d3: {  	[tilespmem:s10], [sflag:$0x1] =	stream.indirect_vreg.gather [hbm4b:s3+s6], $0x80, v4, vm0, $0xb8;
	[tilespmem:$0x11000] =	vst v63  }
0x2d4: {  	s11 =	simm.s32 $0x4800  }
0x2d5: {  	[tilespmem:s11], [sflag:$0x1] =	stream.indirect_vreg.gather [hbm4b:s3+s6], $0x80, v3, vm0, $0xb8;
	[tilespmem:$0x11000] =	vst v63  }
0x2d6: {  	v3 =	vld [tilespmem:$0xB00];
	_ =	sdelay $0x4  }
0x2d7: {  	v4 =	vshll.u32 v3, $0x1  }
0x2d8: {  	v3 =	vand.u32 $0x7, v3;
	v4 =	vand.u32 $0xFFFFFFF0, v4  }
0x2d9: {  	v3 =	vor.u32 v3, v4  }
0x2da: {  	v4 =	vperm.xlane v3, v0;
	_ =	sdelay $0x1  }
0x2db: {  	v3 =	vperm.xlane v3, v2;
	v4 =	vadd.s32 v1, v4;
	_ =	sdelay $0x1  }
0x2dc: {  	v3 =	vadd.s32 v1, v3;
	_ =	sdelay $0x1  }
0x2dd: {  	s12 =	simm.s32 $0x5000  }
0x2de: {  	[tilespmem:s12], [sflag:$0x2] =	stream.indirect_vreg.gather [hbm4b:s4+s6], $0x80, v4, vm0, $0xb8;
	[tilespmem:$0x11000] =	vst v63  }
0x2df: {  	s13 =	simm.s32 $0x5800  }
0x2e0: {  	[tilespmem:s13], [sflag:$0x2] =	stream.indirect_vreg.gather [hbm4b:s4+s6], $0x80, v3, vm0, $0xb8;
	[tilespmem:$0x11000] =	vst v63  }
0x2e1: {  	v3 =	vld [tilespmem:$0xB10];
	_ =	sdelay $0x4  }
0x2e2: {  	v4 =	vshll.u32 v3, $0x1  }
0x2e3: {  	v3 =	vand.u32 $0x7, v3;
	v4 =	vand.u32 $0xFFFFFFF0, v4  }
0x2e4: {  	v3 =	vor.u32 v3, v4  }
0x2e5: {  	v4 =	vperm.xlane v3, v0;
	_ =	sdelay $0x1  }
0x2e6: {  	v3 =	vperm.xlane v3, v2;
	v4 =	vadd.s32 v1, v4;
	_ =	sdelay $0x1  }
0x2e7: {  	v3 =	vadd.s32 v1, v3;
	_ =	sdelay $0x1  }
0x2e8: {  	s9 =	simm.s32 $0x6000  }
0x2e9: {  	[tilespmem:s9], [sflag:$0x2] =	stream.indirect_vreg.gather [hbm4b:s4+s6], $0x80, v4, vm0, $0xb8;
	[tilespmem:$0x11000] =	vst v63  }
0x2ea: {  	s10 =	simm.s32 $0x6800  }
0x2eb: {  	[tilespmem:s10], [sflag:$0x2] =	stream.indirect_vreg.gather [hbm4b:s4+s6], $0x80, v3, vm0, $0xb8;
	[tilespmem:$0x11000] =	vst v63  }
0x2ec: {  	v3 =	vld [tilespmem:$0xB20];
	_ =	sdelay $0x4  }
0x2ed: {  	v4 =	vshll.u32 v3, $0x1  }
0x2ee: {  	v3 =	vand.u32 $0x7, v3;
	v4 =	vand.u32 $0xFFFFFFF0, v4  }
0x2ef: {  	v3 =	vor.u32 v3, v4  }
0x2f0: {  	v4 =	vperm.xlane v3, v0;
	_ =	sdelay $0x1  }
0x2f1: {  	v3 =	vperm.xlane v3, v2;
	v4 =	vadd.s32 v1, v4;
	_ =	sdelay $0x1  }
0x2f2: {  	v3 =	vadd.s32 v1, v3;
	_ =	sdelay $0x1  }
0x2f3: {  	s11 =	simm.s32 $0x7000  }
0x2f4: {  	[tilespmem:s11], [sflag:$0x2] =	stream.indirect_vreg.gather [hbm4b:s4+s6], $0x80, v4, vm0, $0xb8;
	[tilespmem:$0x11000] =	vst v63  }
0x2f5: {  	s12 =	simm.s32 $0x7800  }
0x2f6: {  	[tilespmem:s12], [sflag:$0x2] =	stream.indirect_vreg.gather [hbm4b:s4+s6], $0x80, v3, vm0, $0xb8;
	[tilespmem:$0x11000] =	vst v63  }
0x2f7: {  	v3 =	vld [tilespmem:$0xB30];
	_ =	sdelay $0x4  }
0x2f8: {  	v4 =	vshll.u32 v3, $0x1  }
0x2f9: {  	v3 =	vand.u32 $0x7, v3;
	v4 =	vand.u32 $0xFFFFFFF0, v4  }
0x2fa: {  	v3 =	vor.u32 v3, v4  }
0x2fb: {  	v4 =	vperm.xlane v3, v0;
	_ =	sdelay $0x1  }
0x2fc: {  	v3 =	vperm.xlane v3, v2;
	v4 =	vadd.s32 v1, v4;
	_ =	sdelay $0x1  }
0x2fd: {  	v3 =	vadd.s32 v1, v3;
	_ =	sdelay $0x1  }
0x2fe: {  	s13 =	simm.s32 $0x8000  }
0x2ff: {  	[tilespmem:s13], [sflag:$0x2] =	stream.indirect_vreg.gather [hbm4b:s4+s6], $0x80, v4, vm0, $0xb8;
	[tilespmem:$0x11000] =	vst v63  }
0x300: {  	s9 =	simm.s32 $0x8800  }
0x301: {  	[tilespmem:s9], [sflag:$0x2] =	stream.indirect_vreg.gather [hbm4b:s4+s6], $0x80, v3, vm0, $0xb8;
	[tilespmem:$0x11000] =	vst v63  }
0x302: {  	_ =	swait.ge [sflag:s25], $0x4000  }
0x303: {  	[sflag:s25] =	ssyncset.done $0x0  }
0x304: {  	[sflag:s25] =	ssyncadd.s32 $0xFFFFC000  }
0x305: {  	_ =	swait.ge [sflag:s0], $0x4000  }
0x306: {  	[sflag:s0] =	ssyncset.done $0x0  }
0x307: {  	s10 =	sand.u32 $0x3800, s6;
	s11 =	sand.u32 $0x400, s6;
	[sflag:s0] =	ssyncadd.s32 $0xFFFFC000  }
0x308: {  	s8 =	sor.u32 s11, s10;
	s12 =	sand.u32 $0x380, s6;
	_ =	swait.ge [sflag:s1], $0x4000  }
0x309: {  	s8 =	sor.u32 s12, s8;
	s6 =	sand.u32 $0x70, s6;
	[sflag:s1] =	ssyncset.done $0x0  }
0x30a: {  	s6 =	sor.u32 s6, s8;
	[sflag:s1] =	ssyncadd.s32 $0xFFFFC000  }
0x30b: {  	v3 =	vld [tilespmem:s6+$0xD000]  }
0x30c: {  	v4 =	vld [tilespmem:s6+$0x9000];
	_ =	sdelay $0x1  }
0x30d: {  	s9 =	simm.s32 $0x10;
	s8 =	simm.s32 $0x80  }
0x30e: {  	s10 =	simm.s32 $0x8;
	s11 =	sand.u32 $0x3800, s9;
	s13 =	sand.u32 $0x400, s8  }
0x30f: {  	s12 =	sor.u32 s13, s11;
	s13 =	sand.u32 $0x380, s10;
	s11 =	simm.s32 $0x20  }
.LBB2_12:
0x310: {  	p0 =	sne.s32 s11, $0x3FF0;
	s9 =	sand.u32 $0x70, s9;
	s12 =	sor.u32 s13, s12;
	v4 =	vadd.f32 v3, v4  }
0x311: {  	s12 =	sor.u32 s9, s12;
	s9 =	smov.u32 s11  }
0x312: {  	v3 =	vld [tilespmem:s12+$0xD000];
	[tilespmem:s6+$0x9000] =	vst v4;
	s6 =	smov.u32 s12  }
.Ltmp5:
0x313: {  	v4 =	vld [tilespmem:s6+$0x9000];
	(pc) =	sbr.rel @p0 .LBB2_12-.Ltmp5, $4  }
0x314: {  	_ = 	snop  }
0x315: {  	s8 =	sadd.s32 $0x80, s8  }
0x316: {  	s10 =	sadd.s32 $0x8, s10;
	s13 =	sand.u32 $0x400, s8;
	s12 =	sand.u32 $0x3800, s11  }
0x317: {  	s11 =	sadd.s32 $0x10, s11;
	s12 =	sor.u32 s13, s12;
	s13 =	sand.u32 $0x380, s10  }
0x318: {  	s8 =	sand.u32 $0x70, s9;
	s12 =	sor.u32 s13, s12;
	v3 =	vadd.f32 v3, v4  }
0x319: {  	s8 =	sor.u32 s8, s12  }
0x31a: {  	v4 =	vld [tilespmem:s8+$0xD000];
	[tilespmem:s6+$0x9000] =	vst v3  }
0x31b: {  	v3 =	vld [tilespmem:s8+$0x9000];
	_ =	sdelay $0x4  }
0x31c: {  	v3 =	vadd.f32 v4, v3;
	_ =	sdelay $0x1  }
0x31d: {  	s13 =	simm.s32 $0x0;
	s9 =	rddreg [dreg:$0xa];
	[tilespmem:s8+$0x9000] =	vst v3  }
0x31e: {  	[hbm4b:s9+s13] =	stream.linear.scatter [tilespmem:s14], [sflag:$0x3], $0x4000, $0x38;
	[tilespmem:$0x11000] =	vst v63  }
0x31f: {  	v3 =	vld [tilespmem:$0x380];
	_ =	sdelay $0x4  }
0x320: {  	v4 =	vshll.u32 v3, $0x1  }
0x321: {  	v3 =	vand.u32 $0x7, v3;
	v4 =	vand.u32 $0xFFFFFFF0, v4  }
0x322: {  	v3 =	vor.u32 v3, v4  }
0x323: {  	v4 =	vperm.xlane v3, v0;
	_ =	sdelay $0x1  }
0x324: {  	v3 =	vperm.xlane v3, v2;
	v4 =	vadd.s32 v1, v4;
	_ =	sdelay $0x1  }
0x325: {  	v3 =	vadd.s32 v1, v3;
	_ =	sdelay $0x2  }
0x326: {  	[tilespmem:s14], [sflag:$0x1] =	stream.indirect_vreg.gather [hbm4b:s3+s13], $0x80, v4, vm0, $0xb8;
	[tilespmem:$0x11000] =	vst v63  }
0x327: {  	_ = 	snop  }
0x328: {  	[tilespmem:s15], [sflag:$0x1] =	stream.indirect_vreg.gather [hbm4b:s3+s13], $0x80, v3, vm0, $0xb8;
	[tilespmem:$0x11000] =	vst v63  }
0x329: {  	v3 =	vld [tilespmem:$0x390];
	_ =	sdelay $0x4  }
0x32a: {  	v4 =	vshll.u32 v3, $0x1  }
0x32b: {  	v3 =	vand.u32 $0x7, v3;
	v4 =	vand.u32 $0xFFFFFFF0, v4  }
0x32c: {  	v3 =	vor.u32 v3, v4  }
0x32d: {  	v4 =	vperm.xlane v3, v0;
	_ =	sdelay $0x1  }
0x32e: {  	v3 =	vperm.xlane v3, v2;
	v4 =	vadd.s32 v1, v4;
	_ =	sdelay $0x1  }
0x32f: {  	v3 =	vadd.s32 v1, v3;
	_ =	sdelay $0x2  }
0x330: {  	[tilespmem:s16], [sflag:$0x1] =	stream.indirect_vreg.gather [hbm4b:s3+s13], $0x80, v4, vm0, $0xb8;
	[tilespmem:$0x11000] =	vst v63  }
0x331: {  	_ = 	snop  }
0x332: {  	[tilespmem:s17], [sflag:$0x1] =	stream.indirect_vreg.gather [hbm4b:s3+s13], $0x80, v3, vm0, $0xb8;
	[tilespmem:$0x11000] =	vst v63  }
0x333: {  	v3 =	vld [tilespmem:$0x3A0];
	_ =	sdelay $0x4  }
0x334: {  	v4 =	vshll.u32 v3, $0x1  }
0x335: {  	v3 =	vand.u32 $0x7, v3;
	v4 =	vand.u32 $0xFFFFFFF0, v4  }
0x336: {  	v3 =	vor.u32 v3, v4  }
0x337: {  	v4 =	vperm.xlane v3, v0;
	_ =	sdelay $0x1  }
0x338: {  	v3 =	vperm.xlane v3, v2;
	v4 =	vadd.s32 v1, v4;
	_ =	sdelay $0x1  }
0x339: {  	v3 =	vadd.s32 v1, v3;
	_ =	sdelay $0x2  }
0x33a: {  	[tilespmem:s18], [sflag:$0x1] =	stream.indirect_vreg.gather [hbm4b:s3+s13], $0x80, v4, vm0, $0xb8;
	[tilespmem:$0x11000] =	vst v63  }
0x33b: {  	_ = 	snop  }
0x33c: {  	[tilespmem:s19], [sflag:$0x1] =	stream.indirect_vreg.gather [hbm4b:s3+s13], $0x80, v3, vm0, $0xb8;
	[tilespmem:$0x11000] =	vst v63  }
0x33d: {  	v3 =	vld [tilespmem:$0x3B0];
	_ =	sdelay $0x4  }
0x33e: {  	v4 =	vshll.u32 v3, $0x1  }
0x33f: {  	v3 =	vand.u32 $0x7, v3;
	v4 =	vand.u32 $0xFFFFFFF0, v4  }
0x340: {  	v3 =	vor.u32 v3, v4  }
0x341: {  	v4 =	vperm.xlane v3, v0;
	_ =	sdelay $0x1  }
0x342: {  	v3 =	vperm.xlane v3, v2;
	v4 =	vadd.s32 v1, v4;
	_ =	sdelay $0x1  }
0x343: {  	v3 =	vadd.s32 v1, v3;
	_ =	sdelay $0x2  }
0x344: {  	[tilespmem:s20], [sflag:$0x1] =	stream.indirect_vreg.gather [hbm4b:s3+s13], $0x80, v4, vm0, $0xb8;
	[tilespmem:$0x11000] =	vst v63  }
0x345: {  	_ = 	snop  }
0x346: {  	[tilespmem:s21], [sflag:$0x1] =	stream.indirect_vreg.gather [hbm4b:s3+s13], $0x80, v3, vm0, $0xb8;
	[tilespmem:$0x11000] =	vst v63  }
0x347: {  	v3 =	vld [tilespmem:$0xB80];
	_ =	sdelay $0x4  }
0x348: {  	v4 =	vshll.u32 v3, $0x1  }
0x349: {  	v3 =	vand.u32 $0x7, v3;
	v4 =	vand.u32 $0xFFFFFFF0, v4  }
0x34a: {  	v3 =	vor.u32 v3, v4  }
0x34b: {  	v4 =	vperm.xlane v3, v0;
	_ =	sdelay $0x1  }
0x34c: {  	v3 =	vperm.xlane v3, v2;
	v4 =	vadd.s32 v1, v4;
	_ =	sdelay $0x1  }
0x34d: {  	v3 =	vadd.s32 v1, v3;
	_ =	sdelay $0x2  }
0x34e: {  	[tilespmem:s22], [sflag:$0x2] =	stream.indirect_vreg.gather [hbm4b:s4+s13], $0x80, v4, vm0, $0xb8;
	[tilespmem:$0x11000] =	vst v63  }
0x34f: {  	_ = 	snop  }
0x350: {  	[tilespmem:s23], [sflag:$0x2] =	stream.indirect_vreg.gather [hbm4b:s4+s13], $0x80, v3, vm0, $0xb8;
	[tilespmem:$0x11000] =	vst v63  }
0x351: {  	v3 =	vld [tilespmem:$0xB90];
	_ =	sdelay $0x4  }
0x352: {  	v4 =	vshll.u32 v3, $0x1  }
0x353: {  	v3 =	vand.u32 $0x7, v3;
	v4 =	vand.u32 $0xFFFFFFF0, v4  }
0x354: {  	v3 =	vor.u32 v3, v4  }
0x355: {  	v4 =	vperm.xlane v3, v0;
	_ =	sdelay $0x1  }
0x356: {  	v3 =	vperm.xlane v3, v2;
	v4 =	vadd.s32 v1, v4;
	_ =	sdelay $0x1  }
0x357: {  	v3 =	vadd.s32 v1, v3;
	_ =	sdelay $0x2  }
0x358: {  	[tilespmem:s7], [sflag:$0x2] =	stream.indirect_vreg.gather [hbm4b:s4+s13], $0x80, v4, vm0, $0xb8;
	[tilespmem:$0x11000] =	vst v63  }
0x359: {  	_ = 	snop  }
0x35a: {  	[tilespmem:s24], [sflag:$0x2] =	stream.indirect_vreg.gather [hbm4b:s4+s13], $0x80, v3, vm0, $0xb8;
	[tilespmem:$0x11000] =	vst v63  }
0x35b: {  	v3 =	vld [tilespmem:$0xBA0];
	_ =	sdelay $0x4  }
0x35c: {  	v4 =	vshll.u32 v3, $0x1  }
0x35d: {  	v3 =	vand.u32 $0x7, v3;
	v4 =	vand.u32 $0xFFFFFFF0, v4  }
0x35e: {  	v3 =	vor.u32 v3, v4  }
0x35f: {  	v4 =	vperm.xlane v3, v0;
	_ =	sdelay $0x1  }
0x360: {  	v3 =	vperm.xlane v3, v2;
	v4 =	vadd.s32 v1, v4;
	_ =	sdelay $0x1  }
0x361: {  	v3 =	vadd.s32 v1, v3;
	_ =	sdelay $0x2  }
0x362: {  	[tilespmem:s28], [sflag:$0x2] =	stream.indirect_vreg.gather [hbm4b:s4+s13], $0x80, v4, vm0, $0xb8;
	[tilespmem:$0x11000] =	vst v63  }
0x363: {  	_ = 	snop  }
0x364: {  	[tilespmem:s29], [sflag:$0x2] =	stream.indirect_vreg.gather [hbm4b:s4+s13], $0x80, v3, vm0, $0xb8;
	[tilespmem:$0x11000] =	vst v63  }
0x365: {  	v3 =	vld [tilespmem:$0xBB0];
	_ =	sdelay $0x4  }
0x366: {  	v4 =	vshll.u32 v3, $0x1  }
0x367: {  	v3 =	vand.u32 $0x7, v3;
	v4 =	vand.u32 $0xFFFFFFF0, v4  }
0x368: {  	v3 =	vor.u32 v3, v4  }
0x369: {  	v4 =	vperm.xlane v3, v0;
	_ =	sdelay $0x1  }
0x36a: {  	v3 =	vperm.xlane v3, v2;
	v4 =	vadd.s32 v1, v4;
	_ =	sdelay $0x1  }
0x36b: {  	v3 =	vadd.s32 v1, v3;
	_ =	sdelay $0x2  }
0x36c: {  	[tilespmem:s30], [sflag:$0x2] =	stream.indirect_vreg.gather [hbm4b:s4+s13], $0x80, v4, vm0, $0xb8;
	[tilespmem:$0x11000] =	vst v63  }
0x36d: {  	_ = 	snop  }
0x36e: {  	[tilespmem:s31], [sflag:$0x2] =	stream.indirect_vreg.gather [hbm4b:s4+s13], $0x80, v3, vm0, $0xb8;
	[tilespmem:$0x11000] =	vst v63  }
0x36f: {  	_ =	swait.ge [sflag:s25], $0x4000  }
0x370: {  	[sflag:s25] =	ssyncset.done $0x0  }
0x371: {  	[sflag:s25] =	ssyncadd.s32 $0xFFFFC000  }
0x372: {  	_ =	swait.ge [sflag:s0], $0x4000  }
0x373: {  	[sflag:s0] =	ssyncset.done $0x0  }
0x374: {  	s10 =	sand.u32 $0x3800, s13;
	s11 =	sand.u32 $0x400, s13;
	[sflag:s0] =	ssyncadd.s32 $0xFFFFC000  }
0x375: {  	s12 =	sand.u32 $0x380, s13;
	s8 =	sor.u32 s11, s10;
	_ =	swait.ge [sflag:s1], $0x4000  }
0x376: {  	s6 =	sand.u32 $0x70, s13;
	s8 =	sor.u32 s12, s8;
	[sflag:s1] =	ssyncset.done $0x0  }
0x377: {  	s6 =	sor.u32 s6, s8;
	[sflag:s1] =	ssyncadd.s32 $0xFFFFC000  }
0x378: {  	v3 =	vld [tilespmem:s6+$0x5000]  }
0x379: {  	v4 =	vld [tilespmem:s6+$0x1000];
	_ =	sdelay $0x1  }
0x37a: {  	s9 =	simm.s32 $0x10;
	s8 =	simm.s32 $0x80  }
0x37b: {  	s10 =	simm.s32 $0x8;
	s11 =	sand.u32 $0x3800, s9;
	s13 =	sand.u32 $0x400, s8  }
0x37c: {  	s12 =	sor.u32 s13, s11;
	s13 =	sand.u32 $0x380, s10;
	s11 =	simm.s32 $0x20  }
.LBB2_14:
0x37d: {  	p0 =	sne.s32 s11, $0x3FF0;
	s9 =	sand.u32 $0x70, s9;
	s12 =	sor.u32 s13, s12;
	v4 =	vadd.f32 v3, v4  }
0x37e: {  	s12 =	sor.u32 s9, s12;
	s9 =	smov.u32 s11  }
0x37f: {  	v3 =	vld [tilespmem:s12+$0x5000];
	[tilespmem:s6+$0x1000] =	vst v4;
	s6 =	smov.u32 s12  }
.Ltmp6:
0x380: {  	v4 =	vld [tilespmem:s6+$0x1000];
	(pc) =	sbr.rel @p0 .LBB2_14-.Ltmp6, $4  }
0x381: {  	_ = 	snop  }
0x382: {  	s8 =	sadd.s32 $0x80, s8  }
0x383: {  	s10 =	sadd.s32 $0x8, s10;
	s13 =	sand.u32 $0x400, s8;
	s12 =	sand.u32 $0x3800, s11  }
0x384: {  	s11 =	sadd.s32 $0x10, s11;
	s12 =	sor.u32 s13, s12;
	s13 =	sand.u32 $0x380, s10  }
0x385: {  	s8 =	sand.u32 $0x70, s9;
	s13 =	sor.u32 s13, s12;
	v3 =	vadd.f32 v3, v4  }
0x386: {  	s8 =	sor.u32 s8, s13  }
0x387: {  	v4 =	vld [tilespmem:s8+$0x5000];
	[tilespmem:s6+$0x1000] =	vst v3  }
0x388: {  	v3 =	vld [tilespmem:s8+$0x1000];
	_ =	sdelay $0x4  }
0x389: {  	v3 =	vadd.f32 v4, v3;
	_ =	sdelay $0x1  }
0x38a: {  	s9 =	rddreg [dreg:$0xb];
	s6 =	simm.s32 $0x0;
	[tilespmem:s8+$0x1000] =	vst v3  }
0x38b: {  	[hbm4b:s9+s6] =	stream.linear.scatter [tilespmem:s26], [sflag:$0x3], $0x4000, $0x38;
	[tilespmem:$0x11000] =	vst v63  }
0x38c: {  	v3 =	vld [tilespmem:$0x400];
	_ =	sdelay $0x4  }
0x38d: {  	v4 =	vshll.u32 v3, $0x1  }
0x38e: {  	v3 =	vand.u32 $0x7, v3;
	v4 =	vand.u32 $0xFFFFFFF0, v4  }
0x38f: {  	v3 =	vor.u32 v3, v4  }
0x390: {  	v4 =	vperm.xlane v3, v0;
	_ =	sdelay $0x1  }
0x391: {  	v3 =	vperm.xlane v3, v2;
	v4 =	vadd.s32 v1, v4;
	_ =	sdelay $0x1  }
0x392: {  	v3 =	vadd.s32 v1, v3;
	_ =	sdelay $0x2  }
0x393: {  	[tilespmem:s26], [sflag:$0x1] =	stream.indirect_vreg.gather [hbm4b:s3+s6], $0x80, v4, vm0, $0xb8;
	[tilespmem:$0x11000] =	vst v63  }
0x394: {  	s10 =	simm.s32 $0x1800  }
0x395: {  	[tilespmem:s10], [sflag:$0x1] =	stream.indirect_vreg.gather [hbm4b:s3+s6], $0x80, v3, vm0, $0xb8;
	[tilespmem:$0x11000] =	vst v63  }
0x396: {  	v3 =	vld [tilespmem:$0x410];
	_ =	sdelay $0x4  }
0x397: {  	v4 =	vshll.u32 v3, $0x1  }
0x398: {  	v3 =	vand.u32 $0x7, v3;
	v4 =	vand.u32 $0xFFFFFFF0, v4  }
0x399: {  	v3 =	vor.u32 v3, v4  }
0x39a: {  	v4 =	vperm.xlane v3, v0;
	_ =	sdelay $0x1  }
0x39b: {  	v3 =	vperm.xlane v3, v2;
	v4 =	vadd.s32 v1, v4;
	_ =	sdelay $0x1  }
0x39c: {  	v3 =	vadd.s32 v1, v3;
	_ =	sdelay $0x1  }
0x39d: {  	s11 =	simm.s32 $0x2000  }
0x39e: {  	[tilespmem:s11], [sflag:$0x1] =	stream.indirect_vreg.gather [hbm4b:s3+s6], $0x80, v4, vm0, $0xb8;
	[tilespmem:$0x11000] =	vst v63  }
0x39f: {  	s12 =	simm.s32 $0x2800  }
0x3a0: {  	[tilespmem:s12], [sflag:$0x1] =	stream.indirect_vreg.gather [hbm4b:s3+s6], $0x80, v3, vm0, $0xb8;
	[tilespmem:$0x11000] =	vst v63  }
0x3a1: {  	v3 =	vld [tilespmem:$0x420];
	_ =	sdelay $0x4  }
0x3a2: {  	v4 =	vshll.u32 v3, $0x1  }
0x3a3: {  	v3 =	vand.u32 $0x7, v3;
	v4 =	vand.u32 $0xFFFFFFF0, v4  }
0x3a4: {  	v3 =	vor.u32 v3, v4  }
0x3a5: {  	v4 =	vperm.xlane v3, v0;
	_ =	sdelay $0x1  }
0x3a6: {  	v3 =	vperm.xlane v3, v2;
	v4 =	vadd.s32 v1, v4;
	_ =	sdelay $0x1  }
0x3a7: {  	v3 =	vadd.s32 v1, v3;
	_ =	sdelay $0x1  }
0x3a8: {  	s13 =	simm.s32 $0x3000  }
0x3a9: {  	[tilespmem:s13], [sflag:$0x1] =	stream.indirect_vreg.gather [hbm4b:s3+s6], $0x80, v4, vm0, $0xb8;
	[tilespmem:$0x11000] =	vst v63  }
0x3aa: {  	s9 =	simm.s32 $0x3800  }
0x3ab: {  	[tilespmem:s9], [sflag:$0x1] =	stream.indirect_vreg.gather [hbm4b:s3+s6], $0x80, v3, vm0, $0xb8;
	[tilespmem:$0x11000] =	vst v63  }
0x3ac: {  	v3 =	vld [tilespmem:$0x430];
	_ =	sdelay $0x4  }
0x3ad: {  	v4 =	vshll.u32 v3, $0x1  }
0x3ae: {  	v3 =	vand.u32 $0x7, v3;
	v4 =	vand.u32 $0xFFFFFFF0, v4  }
0x3af: {  	v3 =	vor.u32 v3, v4  }
0x3b0: {  	v4 =	vperm.xlane v3, v0;
	_ =	sdelay $0x1  }
0x3b1: {  	v3 =	vperm.xlane v3, v2;
	v4 =	vadd.s32 v1, v4;
	_ =	sdelay $0x1  }
0x3b2: {  	v3 =	vadd.s32 v1, v3;
	_ =	sdelay $0x1  }
0x3b3: {  	s10 =	simm.s32 $0x4000  }
0x3b4: {  	[tilespmem:s10], [sflag:$0x1] =	stream.indirect_vreg.gather [hbm4b:s3+s6], $0x80, v4, vm0, $0xb8;
	[tilespmem:$0x11000] =	vst v63  }
0x3b5: {  	s11 =	simm.s32 $0x4800  }
0x3b6: {  	[tilespmem:s11], [sflag:$0x1] =	stream.indirect_vreg.gather [hbm4b:s3+s6], $0x80, v3, vm0, $0xb8;
	[tilespmem:$0x11000] =	vst v63  }
0x3b7: {  	v3 =	vld [tilespmem:$0xC00];
	_ =	sdelay $0x4  }
0x3b8: {  	v4 =	vshll.u32 v3, $0x1  }
0x3b9: {  	v3 =	vand.u32 $0x7, v3;
	v4 =	vand.u32 $0xFFFFFFF0, v4  }
0x3ba: {  	v3 =	vor.u32 v3, v4  }
0x3bb: {  	v4 =	vperm.xlane v3, v0;
	_ =	sdelay $0x1  }
0x3bc: {  	v3 =	vperm.xlane v3, v2;
	v4 =	vadd.s32 v1, v4;
	_ =	sdelay $0x1  }
0x3bd: {  	v3 =	vadd.s32 v1, v3;
	_ =	sdelay $0x1  }
0x3be: {  	s12 =	simm.s32 $0x5000  }
0x3bf: {  	[tilespmem:s12], [sflag:$0x2] =	stream.indirect_vreg.gather [hbm4b:s4+s6], $0x80, v4, vm0, $0xb8;
	[tilespmem:$0x11000] =	vst v63  }
0x3c0: {  	s13 =	simm.s32 $0x5800  }
0x3c1: {  	[tilespmem:s13], [sflag:$0x2] =	stream.indirect_vreg.gather [hbm4b:s4+s6], $0x80, v3, vm0, $0xb8;
	[tilespmem:$0x11000] =	vst v63  }
0x3c2: {  	v3 =	vld [tilespmem:$0xC10];
	_ =	sdelay $0x4  }
0x3c3: {  	v4 =	vshll.u32 v3, $0x1  }
0x3c4: {  	v3 =	vand.u32 $0x7, v3;
	v4 =	vand.u32 $0xFFFFFFF0, v4  }
0x3c5: {  	v3 =	vor.u32 v3, v4  }
0x3c6: {  	v4 =	vperm.xlane v3, v0;
	_ =	sdelay $0x1  }
0x3c7: {  	v3 =	vperm.xlane v3, v2;
	v4 =	vadd.s32 v1, v4;
	_ =	sdelay $0x1  }
0x3c8: {  	v3 =	vadd.s32 v1, v3;
	_ =	sdelay $0x1  }
0x3c9: {  	s9 =	simm.s32 $0x6000  }
0x3ca: {  	[tilespmem:s9], [sflag:$0x2] =	stream.indirect_vreg.gather [hbm4b:s4+s6], $0x80, v4, vm0, $0xb8;
	[tilespmem:$0x11000] =	vst v63  }
0x3cb: {  	s10 =	simm.s32 $0x6800  }
0x3cc: {  	[tilespmem:s10], [sflag:$0x2] =	stream.indirect_vreg.gather [hbm4b:s4+s6], $0x80, v3, vm0, $0xb8;
	[tilespmem:$0x11000] =	vst v63  }
0x3cd: {  	v3 =	vld [tilespmem:$0xC20];
	_ =	sdelay $0x4  }
0x3ce: {  	v4 =	vshll.u32 v3, $0x1  }
0x3cf: {  	v3 =	vand.u32 $0x7, v3;
	v4 =	vand.u32 $0xFFFFFFF0, v4  }
0x3d0: {  	v3 =	vor.u32 v3, v4  }
0x3d1: {  	v4 =	vperm.xlane v3, v0;
	_ =	sdelay $0x1  }
0x3d2: {  	v3 =	vperm.xlane v3, v2;
	v4 =	vadd.s32 v1, v4;
	_ =	sdelay $0x1  }
0x3d3: {  	v3 =	vadd.s32 v1, v3;
	_ =	sdelay $0x1  }
0x3d4: {  	s11 =	simm.s32 $0x7000  }
0x3d5: {  	[tilespmem:s11], [sflag:$0x2] =	stream.indirect_vreg.gather [hbm4b:s4+s6], $0x80, v4, vm0, $0xb8;
	[tilespmem:$0x11000] =	vst v63  }
0x3d6: {  	s12 =	simm.s32 $0x7800  }
0x3d7: {  	[tilespmem:s12], [sflag:$0x2] =	stream.indirect_vreg.gather [hbm4b:s4+s6], $0x80, v3, vm0, $0xb8;
	[tilespmem:$0x11000] =	vst v63  }
0x3d8: {  	v3 =	vld [tilespmem:$0xC30];
	_ =	sdelay $0x4  }
0x3d9: {  	v4 =	vshll.u32 v3, $0x1  }
0x3da: {  	v3 =	vand.u32 $0x7, v3;
	v4 =	vand.u32 $0xFFFFFFF0, v4  }
0x3db: {  	v3 =	vor.u32 v3, v4  }
0x3dc: {  	v4 =	vperm.xlane v3, v0;
	_ =	sdelay $0x1  }
0x3dd: {  	v3 =	vperm.xlane v3, v2;
	v4 =	vadd.s32 v1, v4;
	_ =	sdelay $0x1  }
0x3de: {  	v3 =	vadd.s32 v1, v3;
	_ =	sdelay $0x1  }
0x3df: {  	s13 =	simm.s32 $0x8000  }
0x3e0: {  	[tilespmem:s13], [sflag:$0x2] =	stream.indirect_vreg.gather [hbm4b:s4+s6], $0x80, v4, vm0, $0xb8;
	[tilespmem:$0x11000] =	vst v63  }
0x3e1: {  	s9 =	simm.s32 $0x8800  }
0x3e2: {  	[tilespmem:s9], [sflag:$0x2] =	stream.indirect_vreg.gather [hbm4b:s4+s6], $0x80, v3, vm0, $0xb8;
	[tilespmem:$0x11000] =	vst v63  }
0x3e3: {  	_ =	swait.ge [sflag:s25], $0x4000  }
0x3e4: {  	[sflag:s25] =	ssyncset.done $0x0  }
0x3e5: {  	[sflag:s25] =	ssyncadd.s32 $0xFFFFC000  }
0x3e6: {  	_ =	swait.ge [sflag:s0], $0x4000  }
0x3e7: {  	[sflag:s0] =	ssyncset.done $0x0  }
0x3e8: {  	s10 =	sand.u32 $0x3800, s6;
	s11 =	sand.u32 $0x400, s6;
	[sflag:s0] =	ssyncadd.s32 $0xFFFFC000  }
0x3e9: {  	s8 =	sor.u32 s11, s10;
	s12 =	sand.u32 $0x380, s6;
	_ =	swait.ge [sflag:s1], $0x4000  }
0x3ea: {  	s8 =	sor.u32 s12, s8;
	s6 =	sand.u32 $0x70, s6;
	[sflag:s1] =	ssyncset.done $0x0  }
0x3eb: {  	s6 =	sor.u32 s6, s8;
	[sflag:s1] =	ssyncadd.s32 $0xFFFFC000  }
0x3ec: {  	v3 =	vld [tilespmem:s6+$0xD000]  }
0x3ed: {  	v4 =	vld [tilespmem:s6+$0x9000];
	_ =	sdelay $0x1  }
0x3ee: {  	s9 =	simm.s32 $0x10;
	s8 =	simm.s32 $0x80  }
0x3ef: {  	s10 =	simm.s32 $0x8;
	s11 =	sand.u32 $0x3800, s9;
	s13 =	sand.u32 $0x400, s8  }
0x3f0: {  	s12 =	sor.u32 s13, s11;
	s13 =	sand.u32 $0x380, s10;
	s11 =	simm.s32 $0x20  }
.LBB2_16:
0x3f1: {  	p0 =	sne.s32 s11, $0x3FF0;
	s9 =	sand.u32 $0x70, s9;
	s12 =	sor.u32 s13, s12;
	v4 =	vadd.f32 v3, v4  }
0x3f2: {  	s12 =	sor.u32 s9, s12;
	s9 =	smov.u32 s11  }
0x3f3: {  	v3 =	vld [tilespmem:s12+$0xD000];
	[tilespmem:s6+$0x9000] =	vst v4;
	s6 =	smov.u32 s12  }
.Ltmp7:
0x3f4: {  	v4 =	vld [tilespmem:s6+$0x9000];
	(pc) =	sbr.rel @p0 .LBB2_16-.Ltmp7, $4  }
0x3f5: {  	_ = 	snop  }
0x3f6: {  	s8 =	sadd.s32 $0x80, s8  }
0x3f7: {  	s10 =	sadd.s32 $0x8, s10;
	s13 =	sand.u32 $0x400, s8;
	s12 =	sand.u32 $0x3800, s11  }
0x3f8: {  	s11 =	sadd.s32 $0x10, s11;
	s12 =	sor.u32 s13, s12;
	s13 =	sand.u32 $0x380, s10  }
0x3f9: {  	s8 =	sand.u32 $0x70, s9;
	s12 =	sor.u32 s13, s12;
	v3 =	vadd.f32 v3, v4  }
0x3fa: {  	s8 =	sor.u32 s8, s12  }
0x3fb: {  	v4 =	vld [tilespmem:s8+$0xD000];
	[tilespmem:s6+$0x9000] =	vst v3  }
0x3fc: {  	v3 =	vld [tilespmem:s8+$0x9000];
	_ =	sdelay $0x4  }
0x3fd: {  	v3 =	vadd.f32 v4, v3;
	_ =	sdelay $0x1  }
0x3fe: {  	s13 =	simm.s32 $0x0;
	s9 =	rddreg [dreg:$0xc];
	[tilespmem:s8+$0x9000] =	vst v3  }
0x3ff: {  	[hbm4b:s9+s13] =	stream.linear.scatter [tilespmem:s14], [sflag:$0x3], $0x4000, $0x38;
	[tilespmem:$0x11000] =	vst v63  }
0x400: {  	v3 =	vld [tilespmem:$0x480];
	_ =	sdelay $0x4  }
0x401: {  	v4 =	vshll.u32 v3, $0x1  }
0x402: {  	v3 =	vand.u32 $0x7, v3;
	v4 =	vand.u32 $0xFFFFFFF0, v4  }
0x403: {  	v3 =	vor.u32 v3, v4  }
0x404: {  	v4 =	vperm.xlane v3, v0;
	_ =	sdelay $0x1  }
0x405: {  	v3 =	vperm.xlane v3, v2;
	v4 =	vadd.s32 v1, v4;
	_ =	sdelay $0x1  }
0x406: {  	v3 =	vadd.s32 v1, v3;
	_ =	sdelay $0x2  }
0x407: {  	[tilespmem:s14], [sflag:$0x1] =	stream.indirect_vreg.gather [hbm4b:s3+s13], $0x80, v4, vm0, $0xb8;
	[tilespmem:$0x11000] =	vst v63  }
0x408: {  	_ = 	snop  }
0x409: {  	[tilespmem:s15], [sflag:$0x1] =	stream.indirect_vreg.gather [hbm4b:s3+s13], $0x80, v3, vm0, $0xb8;
	[tilespmem:$0x11000] =	vst v63  }
0x40a: {  	v3 =	vld [tilespmem:$0x490];
	_ =	sdelay $0x4  }
0x40b: {  	v4 =	vshll.u32 v3, $0x1  }
0x40c: {  	v3 =	vand.u32 $0x7, v3;
	v4 =	vand.u32 $0xFFFFFFF0, v4  }
0x40d: {  	v3 =	vor.u32 v3, v4  }
0x40e: {  	v4 =	vperm.xlane v3, v0;
	_ =	sdelay $0x1  }
0x40f: {  	v3 =	vperm.xlane v3, v2;
	v4 =	vadd.s32 v1, v4;
	_ =	sdelay $0x1  }
0x410: {  	v3 =	vadd.s32 v1, v3;
	_ =	sdelay $0x2  }
0x411: {  	[tilespmem:s16], [sflag:$0x1] =	stream.indirect_vreg.gather [hbm4b:s3+s13], $0x80, v4, vm0, $0xb8;
	[tilespmem:$0x11000] =	vst v63  }
0x412: {  	_ = 	snop  }
0x413: {  	[tilespmem:s17], [sflag:$0x1] =	stream.indirect_vreg.gather [hbm4b:s3+s13], $0x80, v3, vm0, $0xb8;
	[tilespmem:$0x11000] =	vst v63  }
0x414: {  	v3 =	vld [tilespmem:$0x4A0];
	_ =	sdelay $0x4  }
0x415: {  	v4 =	vshll.u32 v3, $0x1  }
0x416: {  	v3 =	vand.u32 $0x7, v3;
	v4 =	vand.u32 $0xFFFFFFF0, v4  }
0x417: {  	v3 =	vor.u32 v3, v4  }
0x418: {  	v4 =	vperm.xlane v3, v0;
	_ =	sdelay $0x1  }
0x419: {  	v3 =	vperm.xlane v3, v2;
	v4 =	vadd.s32 v1, v4;
	_ =	sdelay $0x1  }
0x41a: {  	v3 =	vadd.s32 v1, v3;
	_ =	sdelay $0x2  }
0x41b: {  	[tilespmem:s18], [sflag:$0x1] =	stream.indirect_vreg.gather [hbm4b:s3+s13], $0x80, v4, vm0, $0xb8;
	[tilespmem:$0x11000] =	vst v63  }
0x41c: {  	_ = 	snop  }
0x41d: {  	[tilespmem:s19], [sflag:$0x1] =	stream.indirect_vreg.gather [hbm4b:s3+s13], $0x80, v3, vm0, $0xb8;
	[tilespmem:$0x11000] =	vst v63  }
0x41e: {  	v3 =	vld [tilespmem:$0x4B0];
	_ =	sdelay $0x4  }
0x41f: {  	v4 =	vshll.u32 v3, $0x1  }
0x420: {  	v3 =	vand.u32 $0x7, v3;
	v4 =	vand.u32 $0xFFFFFFF0, v4  }
0x421: {  	v3 =	vor.u32 v3, v4  }
0x422: {  	v4 =	vperm.xlane v3, v0;
	_ =	sdelay $0x1  }
0x423: {  	v3 =	vperm.xlane v3, v2;
	v4 =	vadd.s32 v1, v4;
	_ =	sdelay $0x1  }
0x424: {  	v3 =	vadd.s32 v1, v3;
	_ =	sdelay $0x2  }
0x425: {  	[tilespmem:s20], [sflag:$0x1] =	stream.indirect_vreg.gather [hbm4b:s3+s13], $0x80, v4, vm0, $0xb8;
	[tilespmem:$0x11000] =	vst v63  }
0x426: {  	_ = 	snop  }
0x427: {  	[tilespmem:s21], [sflag:$0x1] =	stream.indirect_vreg.gather [hbm4b:s3+s13], $0x80, v3, vm0, $0xb8;
	[tilespmem:$0x11000] =	vst v63  }
0x428: {  	v3 =	vld [tilespmem:$0xC80];
	_ =	sdelay $0x4  }
0x429: {  	v4 =	vshll.u32 v3, $0x1  }
0x42a: {  	v3 =	vand.u32 $0x7, v3;
	v4 =	vand.u32 $0xFFFFFFF0, v4  }
0x42b: {  	v3 =	vor.u32 v3, v4  }
0x42c: {  	v4 =	vperm.xlane v3, v0;
	_ =	sdelay $0x1  }
0x42d: {  	v3 =	vperm.xlane v3, v2;
	v4 =	vadd.s32 v1, v4;
	_ =	sdelay $0x1  }
0x42e: {  	v3 =	vadd.s32 v1, v3;
	_ =	sdelay $0x2  }
0x42f: {  	[tilespmem:s22], [sflag:$0x2] =	stream.indirect_vreg.gather [hbm4b:s4+s13], $0x80, v4, vm0, $0xb8;
	[tilespmem:$0x11000] =	vst v63  }
0x430: {  	_ = 	snop  }
0x431: {  	[tilespmem:s23], [sflag:$0x2] =	stream.indirect_vreg.gather [hbm4b:s4+s13], $0x80, v3, vm0, $0xb8;
	[tilespmem:$0x11000] =	vst v63  }
0x432: {  	v3 =	vld [tilespmem:$0xC90];
	_ =	sdelay $0x4  }
0x433: {  	v4 =	vshll.u32 v3, $0x1  }
0x434: {  	v3 =	vand.u32 $0x7, v3;
	v4 =	vand.u32 $0xFFFFFFF0, v4  }
0x435: {  	v3 =	vor.u32 v3, v4  }
0x436: {  	v4 =	vperm.xlane v3, v0;
	_ =	sdelay $0x1  }
0x437: {  	v3 =	vperm.xlane v3, v2;
	v4 =	vadd.s32 v1, v4;
	_ =	sdelay $0x1  }
0x438: {  	v3 =	vadd.s32 v1, v3;
	_ =	sdelay $0x2  }
0x439: {  	[tilespmem:s7], [sflag:$0x2] =	stream.indirect_vreg.gather [hbm4b:s4+s13], $0x80, v4, vm0, $0xb8;
	[tilespmem:$0x11000] =	vst v63  }
0x43a: {  	_ = 	snop  }
0x43b: {  	[tilespmem:s24], [sflag:$0x2] =	stream.indirect_vreg.gather [hbm4b:s4+s13], $0x80, v3, vm0, $0xb8;
	[tilespmem:$0x11000] =	vst v63  }
0x43c: {  	v3 =	vld [tilespmem:$0xCA0];
	_ =	sdelay $0x4  }
0x43d: {  	v4 =	vshll.u32 v3, $0x1  }
0x43e: {  	v3 =	vand.u32 $0x7, v3;
	v4 =	vand.u32 $0xFFFFFFF0, v4  }
0x43f: {  	v3 =	vor.u32 v3, v4  }
0x440: {  	v4 =	vperm.xlane v3, v0;
	_ =	sdelay $0x1  }
0x441: {  	v3 =	vperm.xlane v3, v2;
	v4 =	vadd.s32 v1, v4;
	_ =	sdelay $0x1  }
0x442: {  	v3 =	vadd.s32 v1, v3;
	_ =	sdelay $0x2  }
0x443: {  	[tilespmem:s28], [sflag:$0x2] =	stream.indirect_vreg.gather [hbm4b:s4+s13], $0x80, v4, vm0, $0xb8;
	[tilespmem:$0x11000] =	vst v63  }
0x444: {  	_ = 	snop  }
0x445: {  	[tilespmem:s29], [sflag:$0x2] =	stream.indirect_vreg.gather [hbm4b:s4+s13], $0x80, v3, vm0, $0xb8;
	[tilespmem:$0x11000] =	vst v63  }
0x446: {  	v3 =	vld [tilespmem:$0xCB0];
	_ =	sdelay $0x4  }
0x447: {  	v4 =	vshll.u32 v3, $0x1  }
0x448: {  	v3 =	vand.u32 $0x7, v3;
	v4 =	vand.u32 $0xFFFFFFF0, v4  }
0x449: {  	v3 =	vor.u32 v3, v4  }
0x44a: {  	v4 =	vperm.xlane v3, v0;
	_ =	sdelay $0x1  }
0x44b: {  	v3 =	vperm.xlane v3, v2;
	v4 =	vadd.s32 v1, v4;
	_ =	sdelay $0x1  }
0x44c: {  	v3 =	vadd.s32 v1, v3;
	_ =	sdelay $0x2  }
0x44d: {  	[tilespmem:s30], [sflag:$0x2] =	stream.indirect_vreg.gather [hbm4b:s4+s13], $0x80, v4, vm0, $0xb8;
	[tilespmem:$0x11000] =	vst v63  }
0x44e: {  	_ = 	snop  }
0x44f: {  	[tilespmem:s31], [sflag:$0x2] =	stream.indirect_vreg.gather [hbm4b:s4+s13], $0x80, v3, vm0, $0xb8;
	[tilespmem:$0x11000] =	vst v63  }
0x450: {  	_ =	swait.ge [sflag:s25], $0x4000  }
0x451: {  	[sflag:s25] =	ssyncset.done $0x0  }
0x452: {  	[sflag:s25] =	ssyncadd.s32 $0xFFFFC000  }
0x453: {  	_ =	swait.ge [sflag:s0], $0x4000  }
0x454: {  	[sflag:s0] =	ssyncset.done $0x0  }
0x455: {  	s10 =	sand.u32 $0x3800, s13;
	s11 =	sand.u32 $0x400, s13;
	[sflag:s0] =	ssyncadd.s32 $0xFFFFC000  }
0x456: {  	s12 =	sand.u32 $0x380, s13;
	s8 =	sor.u32 s11, s10;
	_ =	swait.ge [sflag:s1], $0x4000  }
0x457: {  	s6 =	sand.u32 $0x70, s13;
	s8 =	sor.u32 s12, s8;
	[sflag:s1] =	ssyncset.done $0x0  }
0x458: {  	s6 =	sor.u32 s6, s8;
	[sflag:s1] =	ssyncadd.s32 $0xFFFFC000  }
0x459: {  	v3 =	vld [tilespmem:s6+$0x5000]  }
0x45a: {  	v4 =	vld [tilespmem:s6+$0x1000];
	_ =	sdelay $0x1  }
0x45b: {  	s9 =	simm.s32 $0x10;
	s8 =	simm.s32 $0x80  }
0x45c: {  	s10 =	simm.s32 $0x8;
	s11 =	sand.u32 $0x3800, s9;
	s13 =	sand.u32 $0x400, s8  }
0x45d: {  	s12 =	sor.u32 s13, s11;
	s13 =	sand.u32 $0x380, s10;
	s11 =	simm.s32 $0x20  }
.LBB2_18:
0x45e: {  	p0 =	sne.s32 s11, $0x3FF0;
	s9 =	sand.u32 $0x70, s9;
	s12 =	sor.u32 s13, s12;
	v4 =	vadd.f32 v3, v4  }
0x45f: {  	s12 =	sor.u32 s9, s12;
	s9 =	smov.u32 s11  }
0x460: {  	v3 =	vld [tilespmem:s12+$0x5000];
	[tilespmem:s6+$0x1000] =	vst v4;
	s6 =	smov.u32 s12  }
.Ltmp8:
0x461: {  	v4 =	vld [tilespmem:s6+$0x1000];
	(pc) =	sbr.rel @p0 .LBB2_18-.Ltmp8, $4  }
0x462: {  	_ = 	snop  }
0x463: {  	s8 =	sadd.s32 $0x80, s8  }
0x464: {  	s10 =	sadd.s32 $0x8, s10;
	s13 =	sand.u32 $0x400, s8;
	s12 =	sand.u32 $0x3800, s11  }
0x465: {  	s11 =	sadd.s32 $0x10, s11;
	s12 =	sor.u32 s13, s12;
	s13 =	sand.u32 $0x380, s10  }
0x466: {  	s8 =	sand.u32 $0x70, s9;
	s13 =	sor.u32 s13, s12;
	v3 =	vadd.f32 v3, v4  }
0x467: {  	s8 =	sor.u32 s8, s13  }
0x468: {  	v4 =	vld [tilespmem:s8+$0x5000];
	[tilespmem:s6+$0x1000] =	vst v3  }
0x469: {  	v3 =	vld [tilespmem:s8+$0x1000];
	_ =	sdelay $0x4  }
0x46a: {  	v3 =	vadd.f32 v4, v3;
	_ =	sdelay $0x1  }
0x46b: {  	s9 =	rddreg [dreg:$0xd];
	s6 =	simm.s32 $0x0;
	[tilespmem:s8+$0x1000] =	vst v3  }
0x46c: {  	[hbm4b:s9+s6] =	stream.linear.scatter [tilespmem:s26], [sflag:$0x3], $0x4000, $0x38;
	[tilespmem:$0x11000] =	vst v63  }
0x46d: {  	v3 =	vld [tilespmem:$0x500];
	_ =	sdelay $0x4  }
0x46e: {  	v4 =	vshll.u32 v3, $0x1  }
0x46f: {  	v3 =	vand.u32 $0x7, v3;
	v4 =	vand.u32 $0xFFFFFFF0, v4  }
0x470: {  	v3 =	vor.u32 v3, v4  }
0x471: {  	v4 =	vperm.xlane v3, v0;
	_ =	sdelay $0x1  }
0x472: {  	v3 =	vperm.xlane v3, v2;
	v4 =	vadd.s32 v1, v4;
	_ =	sdelay $0x1  }
0x473: {  	v3 =	vadd.s32 v1, v3;
	_ =	sdelay $0x2  }
0x474: {  	[tilespmem:s26], [sflag:$0x1] =	stream.indirect_vreg.gather [hbm4b:s3+s6], $0x80, v4, vm0, $0xb8;
	[tilespmem:$0x11000] =	vst v63  }
0x475: {  	s10 =	simm.s32 $0x1800  }
0x476: {  	[tilespmem:s10], [sflag:$0x1] =	stream.indirect_vreg.gather [hbm4b:s3+s6], $0x80, v3, vm0, $0xb8;
	[tilespmem:$0x11000] =	vst v63  }
0x477: {  	v3 =	vld [tilespmem:$0x510];
	_ =	sdelay $0x4  }
0x478: {  	v4 =	vshll.u32 v3, $0x1  }
0x479: {  	v3 =	vand.u32 $0x7, v3;
	v4 =	vand.u32 $0xFFFFFFF0, v4  }
0x47a: {  	v3 =	vor.u32 v3, v4  }
0x47b: {  	v4 =	vperm.xlane v3, v0;
	_ =	sdelay $0x1  }
0x47c: {  	v3 =	vperm.xlane v3, v2;
	v4 =	vadd.s32 v1, v4;
	_ =	sdelay $0x1  }
0x47d: {  	v3 =	vadd.s32 v1, v3;
	_ =	sdelay $0x1  }
0x47e: {  	s11 =	simm.s32 $0x2000  }
0x47f: {  	[tilespmem:s11], [sflag:$0x1] =	stream.indirect_vreg.gather [hbm4b:s3+s6], $0x80, v4, vm0, $0xb8;
	[tilespmem:$0x11000] =	vst v63  }
0x480: {  	s12 =	simm.s32 $0x2800  }
0x481: {  	[tilespmem:s12], [sflag:$0x1] =	stream.indirect_vreg.gather [hbm4b:s3+s6], $0x80, v3, vm0, $0xb8;
	[tilespmem:$0x11000] =	vst v63  }
0x482: {  	v3 =	vld [tilespmem:$0x520];
	_ =	sdelay $0x4  }
0x483: {  	v4 =	vshll.u32 v3, $0x1  }
0x484: {  	v3 =	vand.u32 $0x7, v3;
	v4 =	vand.u32 $0xFFFFFFF0, v4  }
0x485: {  	v3 =	vor.u32 v3, v4  }
0x486: {  	v4 =	vperm.xlane v3, v0;
	_ =	sdelay $0x1  }
0x487: {  	v3 =	vperm.xlane v3, v2;
	v4 =	vadd.s32 v1, v4;
	_ =	sdelay $0x1  }
0x488: {  	v3 =	vadd.s32 v1, v3;
	_ =	sdelay $0x1  }
0x489: {  	s13 =	simm.s32 $0x3000  }
0x48a: {  	[tilespmem:s13], [sflag:$0x1] =	stream.indirect_vreg.gather [hbm4b:s3+s6], $0x80, v4, vm0, $0xb8;
	[tilespmem:$0x11000] =	vst v63  }
0x48b: {  	s9 =	simm.s32 $0x3800  }
0x48c: {  	[tilespmem:s9], [sflag:$0x1] =	stream.indirect_vreg.gather [hbm4b:s3+s6], $0x80, v3, vm0, $0xb8;
	[tilespmem:$0x11000] =	vst v63  }
0x48d: {  	v3 =	vld [tilespmem:$0x530];
	_ =	sdelay $0x4  }
0x48e: {  	v4 =	vshll.u32 v3, $0x1  }
0x48f: {  	v3 =	vand.u32 $0x7, v3;
	v4 =	vand.u32 $0xFFFFFFF0, v4  }
0x490: {  	v3 =	vor.u32 v3, v4  }
0x491: {  	v4 =	vperm.xlane v3, v0;
	_ =	sdelay $0x1  }
0x492: {  	v3 =	vperm.xlane v3, v2;
	v4 =	vadd.s32 v1, v4;
	_ =	sdelay $0x1  }
0x493: {  	v3 =	vadd.s32 v1, v3;
	_ =	sdelay $0x1  }
0x494: {  	s10 =	simm.s32 $0x4000  }
0x495: {  	[tilespmem:s10], [sflag:$0x1] =	stream.indirect_vreg.gather [hbm4b:s3+s6], $0x80, v4, vm0, $0xb8;
	[tilespmem:$0x11000] =	vst v63  }
0x496: {  	s11 =	simm.s32 $0x4800  }
0x497: {  	[tilespmem:s11], [sflag:$0x1] =	stream.indirect_vreg.gather [hbm4b:s3+s6], $0x80, v3, vm0, $0xb8;
	[tilespmem:$0x11000] =	vst v63  }
0x498: {  	v3 =	vld [tilespmem:$0xD00];
	_ =	sdelay $0x4  }
0x499: {  	v4 =	vshll.u32 v3, $0x1  }
0x49a: {  	v3 =	vand.u32 $0x7, v3;
	v4 =	vand.u32 $0xFFFFFFF0, v4  }
0x49b: {  	v3 =	vor.u32 v3, v4  }
0x49c: {  	v4 =	vperm.xlane v3, v0;
	_ =	sdelay $0x1  }
0x49d: {  	v3 =	vperm.xlane v3, v2;
	v4 =	vadd.s32 v1, v4;
	_ =	sdelay $0x1  }
0x49e: {  	v3 =	vadd.s32 v1, v3;
	_ =	sdelay $0x1  }
0x49f: {  	s12 =	simm.s32 $0x5000  }
0x4a0: {  	[tilespmem:s12], [sflag:$0x2] =	stream.indirect_vreg.gather [hbm4b:s4+s6], $0x80, v4, vm0, $0xb8;
	[tilespmem:$0x11000] =	vst v63  }
0x4a1: {  	s13 =	simm.s32 $0x5800  }
0x4a2: {  	[tilespmem:s13], [sflag:$0x2] =	stream.indirect_vreg.gather [hbm4b:s4+s6], $0x80, v3, vm0, $0xb8;
	[tilespmem:$0x11000] =	vst v63  }
0x4a3: {  	v3 =	vld [tilespmem:$0xD10];
	_ =	sdelay $0x4  }
0x4a4: {  	v4 =	vshll.u32 v3, $0x1  }
0x4a5: {  	v3 =	vand.u32 $0x7, v3;
	v4 =	vand.u32 $0xFFFFFFF0, v4  }
0x4a6: {  	v3 =	vor.u32 v3, v4  }
0x4a7: {  	v4 =	vperm.xlane v3, v0;
	_ =	sdelay $0x1  }
0x4a8: {  	v3 =	vperm.xlane v3, v2;
	v4 =	vadd.s32 v1, v4;
	_ =	sdelay $0x1  }
0x4a9: {  	v3 =	vadd.s32 v1, v3;
	_ =	sdelay $0x1  }
0x4aa: {  	s9 =	simm.s32 $0x6000  }
0x4ab: {  	[tilespmem:s9], [sflag:$0x2] =	stream.indirect_vreg.gather [hbm4b:s4+s6], $0x80, v4, vm0, $0xb8;
	[tilespmem:$0x11000] =	vst v63  }
0x4ac: {  	s10 =	simm.s32 $0x6800  }
0x4ad: {  	[tilespmem:s10], [sflag:$0x2] =	stream.indirect_vreg.gather [hbm4b:s4+s6], $0x80, v3, vm0, $0xb8;
	[tilespmem:$0x11000] =	vst v63  }
0x4ae: {  	v3 =	vld [tilespmem:$0xD20];
	_ =	sdelay $0x4  }
0x4af: {  	v4 =	vshll.u32 v3, $0x1  }
0x4b0: {  	v3 =	vand.u32 $0x7, v3;
	v4 =	vand.u32 $0xFFFFFFF0, v4  }
0x4b1: {  	v3 =	vor.u32 v3, v4  }
0x4b2: {  	v4 =	vperm.xlane v3, v0;
	_ =	sdelay $0x1  }
0x4b3: {  	v3 =	vperm.xlane v3, v2;
	v4 =	vadd.s32 v1, v4;
	_ =	sdelay $0x1  }
0x4b4: {  	v3 =	vadd.s32 v1, v3;
	_ =	sdelay $0x1  }
0x4b5: {  	s11 =	simm.s32 $0x7000  }
0x4b6: {  	[tilespmem:s11], [sflag:$0x2] =	stream.indirect_vreg.gather [hbm4b:s4+s6], $0x80, v4, vm0, $0xb8;
	[tilespmem:$0x11000] =	vst v63  }
0x4b7: {  	s12 =	simm.s32 $0x7800  }
0x4b8: {  	[tilespmem:s12], [sflag:$0x2] =	stream.indirect_vreg.gather [hbm4b:s4+s6], $0x80, v3, vm0, $0xb8;
	[tilespmem:$0x11000] =	vst v63  }
0x4b9: {  	v3 =	vld [tilespmem:$0xD30];
	_ =	sdelay $0x4  }
0x4ba: {  	v4 =	vshll.u32 v3, $0x1  }
0x4bb: {  	v3 =	vand.u32 $0x7, v3;
	v4 =	vand.u32 $0xFFFFFFF0, v4  }
0x4bc: {  	v3 =	vor.u32 v3, v4  }
0x4bd: {  	v4 =	vperm.xlane v3, v0;
	_ =	sdelay $0x1  }
0x4be: {  	v3 =	vperm.xlane v3, v2;
	v4 =	vadd.s32 v1, v4;
	_ =	sdelay $0x1  }
0x4bf: {  	v3 =	vadd.s32 v1, v3;
	_ =	sdelay $0x1  }
0x4c0: {  	s13 =	simm.s32 $0x8000  }
0x4c1: {  	[tilespmem:s13], [sflag:$0x2] =	stream.indirect_vreg.gather [hbm4b:s4+s6], $0x80, v4, vm0, $0xb8;
	[tilespmem:$0x11000] =	vst v63  }
0x4c2: {  	s9 =	simm.s32 $0x8800  }
0x4c3: {  	[tilespmem:s9], [sflag:$0x2] =	stream.indirect_vreg.gather [hbm4b:s4+s6], $0x80, v3, vm0, $0xb8;
	[tilespmem:$0x11000] =	vst v63  }
0x4c4: {  	_ =	swait.ge [sflag:s25], $0x4000  }
0x4c5: {  	[sflag:s25] =	ssyncset.done $0x0  }
0x4c6: {  	[sflag:s25] =	ssyncadd.s32 $0xFFFFC000  }
0x4c7: {  	_ =	swait.ge [sflag:s0], $0x4000  }
0x4c8: {  	[sflag:s0] =	ssyncset.done $0x0  }
0x4c9: {  	s10 =	sand.u32 $0x3800, s6;
	s11 =	sand.u32 $0x400, s6;
	[sflag:s0] =	ssyncadd.s32 $0xFFFFC000  }
0x4ca: {  	s8 =	sor.u32 s11, s10;
	s12 =	sand.u32 $0x380, s6;
	_ =	swait.ge [sflag:s1], $0x4000  }
0x4cb: {  	s8 =	sor.u32 s12, s8;
	s6 =	sand.u32 $0x70, s6;
	[sflag:s1] =	ssyncset.done $0x0  }
0x4cc: {  	s6 =	sor.u32 s6, s8;
	[sflag:s1] =	ssyncadd.s32 $0xFFFFC000  }
0x4cd: {  	v3 =	vld [tilespmem:s6+$0xD000]  }
0x4ce: {  	v4 =	vld [tilespmem:s6+$0x9000];
	_ =	sdelay $0x1  }
0x4cf: {  	s9 =	simm.s32 $0x10;
	s8 =	simm.s32 $0x80  }
0x4d0: {  	s10 =	simm.s32 $0x8;
	s11 =	sand.u32 $0x3800, s9;
	s13 =	sand.u32 $0x400, s8  }
0x4d1: {  	s12 =	sor.u32 s13, s11;
	s13 =	sand.u32 $0x380, s10;
	s11 =	simm.s32 $0x20  }
.LBB2_20:
0x4d2: {  	p0 =	sne.s32 s11, $0x3FF0;
	s9 =	sand.u32 $0x70, s9;
	s12 =	sor.u32 s13, s12;
	v4 =	vadd.f32 v3, v4  }
0x4d3: {  	s12 =	sor.u32 s9, s12;
	s9 =	smov.u32 s11  }
0x4d4: {  	v3 =	vld [tilespmem:s12+$0xD000];
	[tilespmem:s6+$0x9000] =	vst v4;
	s6 =	smov.u32 s12  }
.Ltmp9:
0x4d5: {  	v4 =	vld [tilespmem:s6+$0x9000];
	(pc) =	sbr.rel @p0 .LBB2_20-.Ltmp9, $4  }
0x4d6: {  	_ = 	snop  }
0x4d7: {  	s8 =	sadd.s32 $0x80, s8  }
0x4d8: {  	s10 =	sadd.s32 $0x8, s10;
	s13 =	sand.u32 $0x400, s8;
	s12 =	sand.u32 $0x3800, s11  }
0x4d9: {  	s11 =	sadd.s32 $0x10, s11;
	s12 =	sor.u32 s13, s12;
	s13 =	sand.u32 $0x380, s10  }
0x4da: {  	s8 =	sand.u32 $0x70, s9;
	s12 =	sor.u32 s13, s12;
	v3 =	vadd.f32 v3, v4  }
0x4db: {  	s8 =	sor.u32 s8, s12  }
0x4dc: {  	v4 =	vld [tilespmem:s8+$0xD000];
	[tilespmem:s6+$0x9000] =	vst v3  }
0x4dd: {  	v3 =	vld [tilespmem:s8+$0x9000];
	_ =	sdelay $0x4  }
0x4de: {  	v3 =	vadd.f32 v4, v3;
	_ =	sdelay $0x1  }
0x4df: {  	s13 =	simm.s32 $0x0;
	s9 =	rddreg [dreg:$0xe];
	[tilespmem:s8+$0x9000] =	vst v3  }
0x4e0: {  	[hbm4b:s9+s13] =	stream.linear.scatter [tilespmem:s14], [sflag:$0x3], $0x4000, $0x38;
	[tilespmem:$0x11000] =	vst v63  }
0x4e1: {  	v3 =	vld [tilespmem:$0x580];
	_ =	sdelay $0x4  }
0x4e2: {  	v4 =	vshll.u32 v3, $0x1  }
0x4e3: {  	v3 =	vand.u32 $0x7, v3;
	v4 =	vand.u32 $0xFFFFFFF0, v4  }
0x4e4: {  	v3 =	vor.u32 v3, v4  }
0x4e5: {  	v4 =	vperm.xlane v3, v0;
	_ =	sdelay $0x1  }
0x4e6: {  	v3 =	vperm.xlane v3, v2;
	v4 =	vadd.s32 v1, v4;
	_ =	sdelay $0x1  }
0x4e7: {  	v3 =	vadd.s32 v1, v3;
	_ =	sdelay $0x2  }
0x4e8: {  	[tilespmem:s14], [sflag:$0x1] =	stream.indirect_vreg.gather [hbm4b:s3+s13], $0x80, v4, vm0, $0xb8;
	[tilespmem:$0x11000] =	vst v63  }
0x4e9: {  	_ = 	snop  }
0x4ea: {  	[tilespmem:s15], [sflag:$0x1] =	stream.indirect_vreg.gather [hbm4b:s3+s13], $0x80, v3, vm0, $0xb8;
	[tilespmem:$0x11000] =	vst v63  }
0x4eb: {  	v3 =	vld [tilespmem:$0x590];
	_ =	sdelay $0x4  }
0x4ec: {  	v4 =	vshll.u32 v3, $0x1  }
0x4ed: {  	v3 =	vand.u32 $0x7, v3;
	v4 =	vand.u32 $0xFFFFFFF0, v4  }
0x4ee: {  	v3 =	vor.u32 v3, v4  }
0x4ef: {  	v4 =	vperm.xlane v3, v0;
	_ =	sdelay $0x1  }
0x4f0: {  	v3 =	vperm.xlane v3, v2;
	v4 =	vadd.s32 v1, v4;
	_ =	sdelay $0x1  }
0x4f1: {  	v3 =	vadd.s32 v1, v3;
	_ =	sdelay $0x2  }
0x4f2: {  	[tilespmem:s16], [sflag:$0x1] =	stream.indirect_vreg.gather [hbm4b:s3+s13], $0x80, v4, vm0, $0xb8;
	[tilespmem:$0x11000] =	vst v63  }
0x4f3: {  	_ = 	snop  }
0x4f4: {  	[tilespmem:s17], [sflag:$0x1] =	stream.indirect_vreg.gather [hbm4b:s3+s13], $0x80, v3, vm0, $0xb8;
	[tilespmem:$0x11000] =	vst v63  }
0x4f5: {  	v3 =	vld [tilespmem:$0x5A0];
	_ =	sdelay $0x4  }
0x4f6: {  	v4 =	vshll.u32 v3, $0x1  }
0x4f7: {  	v3 =	vand.u32 $0x7, v3;
	v4 =	vand.u32 $0xFFFFFFF0, v4  }
0x4f8: {  	v3 =	vor.u32 v3, v4  }
0x4f9: {  	v4 =	vperm.xlane v3, v0;
	_ =	sdelay $0x1  }
0x4fa: {  	v3 =	vperm.xlane v3, v2;
	v4 =	vadd.s32 v1, v4;
	_ =	sdelay $0x1  }
0x4fb: {  	v3 =	vadd.s32 v1, v3;
	_ =	sdelay $0x2  }
0x4fc: {  	[tilespmem:s18], [sflag:$0x1] =	stream.indirect_vreg.gather [hbm4b:s3+s13], $0x80, v4, vm0, $0xb8;
	[tilespmem:$0x11000] =	vst v63  }
0x4fd: {  	_ = 	snop  }
0x4fe: {  	[tilespmem:s19], [sflag:$0x1] =	stream.indirect_vreg.gather [hbm4b:s3+s13], $0x80, v3, vm0, $0xb8;
	[tilespmem:$0x11000] =	vst v63  }
0x4ff: {  	v3 =	vld [tilespmem:$0x5B0];
	_ =	sdelay $0x4  }
0x500: {  	v4 =	vshll.u32 v3, $0x1  }
0x501: {  	v3 =	vand.u32 $0x7, v3;
	v4 =	vand.u32 $0xFFFFFFF0, v4  }
0x502: {  	v3 =	vor.u32 v3, v4  }
0x503: {  	v4 =	vperm.xlane v3, v0;
	_ =	sdelay $0x1  }
0x504: {  	v3 =	vperm.xlane v3, v2;
	v4 =	vadd.s32 v1, v4;
	_ =	sdelay $0x1  }
0x505: {  	v3 =	vadd.s32 v1, v3;
	_ =	sdelay $0x2  }
0x506: {  	[tilespmem:s20], [sflag:$0x1] =	stream.indirect_vreg.gather [hbm4b:s3+s13], $0x80, v4, vm0, $0xb8;
	[tilespmem:$0x11000] =	vst v63  }
0x507: {  	_ = 	snop  }
0x508: {  	[tilespmem:s21], [sflag:$0x1] =	stream.indirect_vreg.gather [hbm4b:s3+s13], $0x80, v3, vm0, $0xb8;
	[tilespmem:$0x11000] =	vst v63  }
0x509: {  	v3 =	vld [tilespmem:$0xD80];
	_ =	sdelay $0x4  }
0x50a: {  	v4 =	vshll.u32 v3, $0x1  }
0x50b: {  	v3 =	vand.u32 $0x7, v3;
	v4 =	vand.u32 $0xFFFFFFF0, v4  }
0x50c: {  	v3 =	vor.u32 v3, v4  }
0x50d: {  	v4 =	vperm.xlane v3, v0;
	_ =	sdelay $0x1  }
0x50e: {  	v3 =	vperm.xlane v3, v2;
	v4 =	vadd.s32 v1, v4;
	_ =	sdelay $0x1  }
0x50f: {  	v3 =	vadd.s32 v1, v3;
	_ =	sdelay $0x2  }
0x510: {  	[tilespmem:s22], [sflag:$0x2] =	stream.indirect_vreg.gather [hbm4b:s4+s13], $0x80, v4, vm0, $0xb8;
	[tilespmem:$0x11000] =	vst v63  }
0x511: {  	_ = 	snop  }
0x512: {  	[tilespmem:s23], [sflag:$0x2] =	stream.indirect_vreg.gather [hbm4b:s4+s13], $0x80, v3, vm0, $0xb8;
	[tilespmem:$0x11000] =	vst v63  }
0x513: {  	v3 =	vld [tilespmem:$0xD90];
	_ =	sdelay $0x4  }
0x514: {  	v4 =	vshll.u32 v3, $0x1  }
0x515: {  	v3 =	vand.u32 $0x7, v3;
	v4 =	vand.u32 $0xFFFFFFF0, v4  }
0x516: {  	v3 =	vor.u32 v3, v4  }
0x517: {  	v4 =	vperm.xlane v3, v0;
	_ =	sdelay $0x1  }
0x518: {  	v3 =	vperm.xlane v3, v2;
	v4 =	vadd.s32 v1, v4;
	_ =	sdelay $0x1  }
0x519: {  	v3 =	vadd.s32 v1, v3;
	_ =	sdelay $0x2  }
0x51a: {  	[tilespmem:s7], [sflag:$0x2] =	stream.indirect_vreg.gather [hbm4b:s4+s13], $0x80, v4, vm0, $0xb8;
	[tilespmem:$0x11000] =	vst v63  }
0x51b: {  	_ = 	snop  }
0x51c: {  	[tilespmem:s24], [sflag:$0x2] =	stream.indirect_vreg.gather [hbm4b:s4+s13], $0x80, v3, vm0, $0xb8;
	[tilespmem:$0x11000] =	vst v63  }
0x51d: {  	v3 =	vld [tilespmem:$0xDA0];
	_ =	sdelay $0x4  }
0x51e: {  	v4 =	vshll.u32 v3, $0x1  }
0x51f: {  	v3 =	vand.u32 $0x7, v3;
	v4 =	vand.u32 $0xFFFFFFF0, v4  }
0x520: {  	v3 =	vor.u32 v3, v4  }
0x521: {  	v4 =	vperm.xlane v3, v0;
	_ =	sdelay $0x1  }
0x522: {  	v3 =	vperm.xlane v3, v2;
	v4 =	vadd.s32 v1, v4;
	_ =	sdelay $0x1  }
0x523: {  	v3 =	vadd.s32 v1, v3;
	_ =	sdelay $0x2  }
0x524: {  	[tilespmem:s28], [sflag:$0x2] =	stream.indirect_vreg.gather [hbm4b:s4+s13], $0x80, v4, vm0, $0xb8;
	[tilespmem:$0x11000] =	vst v63  }
0x525: {  	_ = 	snop  }
0x526: {  	[tilespmem:s29], [sflag:$0x2] =	stream.indirect_vreg.gather [hbm4b:s4+s13], $0x80, v3, vm0, $0xb8;
	[tilespmem:$0x11000] =	vst v63  }
0x527: {  	v3 =	vld [tilespmem:$0xDB0];
	_ =	sdelay $0x4  }
0x528: {  	v4 =	vshll.u32 v3, $0x1  }
0x529: {  	v3 =	vand.u32 $0x7, v3;
	v4 =	vand.u32 $0xFFFFFFF0, v4  }
0x52a: {  	v3 =	vor.u32 v3, v4  }
0x52b: {  	v4 =	vperm.xlane v3, v0;
	_ =	sdelay $0x1  }
0x52c: {  	v3 =	vperm.xlane v3, v2;
	v4 =	vadd.s32 v1, v4;
	_ =	sdelay $0x1  }
0x52d: {  	v3 =	vadd.s32 v1, v3;
	_ =	sdelay $0x2  }
0x52e: {  	[tilespmem:s30], [sflag:$0x2] =	stream.indirect_vreg.gather [hbm4b:s4+s13], $0x80, v4, vm0, $0xb8;
	[tilespmem:$0x11000] =	vst v63  }
0x52f: {  	_ = 	snop  }
0x530: {  	[tilespmem:s31], [sflag:$0x2] =	stream.indirect_vreg.gather [hbm4b:s4+s13], $0x80, v3, vm0, $0xb8;
	[tilespmem:$0x11000] =	vst v63  }
0x531: {  	_ =	swait.ge [sflag:s25], $0x4000  }
0x532: {  	[sflag:s25] =	ssyncset.done $0x0  }
0x533: {  	[sflag:s25] =	ssyncadd.s32 $0xFFFFC000  }
0x534: {  	_ =	swait.ge [sflag:s0], $0x4000  }
0x535: {  	[sflag:s0] =	ssyncset.done $0x0  }
0x536: {  	s10 =	sand.u32 $0x3800, s13;
	s11 =	sand.u32 $0x400, s13;
	[sflag:s0] =	ssyncadd.s32 $0xFFFFC000  }
0x537: {  	s12 =	sand.u32 $0x380, s13;
	s8 =	sor.u32 s11, s10;
	_ =	swait.ge [sflag:s1], $0x4000  }
0x538: {  	s6 =	sand.u32 $0x70, s13;
	s8 =	sor.u32 s12, s8;
	[sflag:s1] =	ssyncset.done $0x0  }
0x539: {  	s6 =	sor.u32 s6, s8;
	[sflag:s1] =	ssyncadd.s32 $0xFFFFC000  }
0x53a: {  	v3 =	vld [tilespmem:s6+$0x5000]  }
0x53b: {  	v4 =	vld [tilespmem:s6+$0x1000];
	_ =	sdelay $0x1  }
0x53c: {  	s9 =	simm.s32 $0x10;
	s8 =	simm.s32 $0x80  }
0x53d: {  	s10 =	simm.s32 $0x8;
	s11 =	sand.u32 $0x3800, s9;
	s13 =	sand.u32 $0x400, s8  }
0x53e: {  	s12 =	sor.u32 s13, s11;
	s13 =	sand.u32 $0x380, s10;
	s11 =	simm.s32 $0x20  }
.LBB2_22:
0x53f: {  	p0 =	sne.s32 s11, $0x3FF0;
	s9 =	sand.u32 $0x70, s9;
	s12 =	sor.u32 s13, s12;
	v4 =	vadd.f32 v3, v4  }
0x540: {  	s12 =	sor.u32 s9, s12;
	s9 =	smov.u32 s11  }
0x541: {  	v3 =	vld [tilespmem:s12+$0x5000];
	[tilespmem:s6+$0x1000] =	vst v4;
	s6 =	smov.u32 s12  }
.Ltmp10:
0x542: {  	v4 =	vld [tilespmem:s6+$0x1000];
	(pc) =	sbr.rel @p0 .LBB2_22-.Ltmp10, $4  }
0x543: {  	_ = 	snop  }
0x544: {  	s8 =	sadd.s32 $0x80, s8  }
0x545: {  	s10 =	sadd.s32 $0x8, s10;
	s13 =	sand.u32 $0x400, s8;
	s12 =	sand.u32 $0x3800, s11  }
0x546: {  	s11 =	sadd.s32 $0x10, s11;
	s12 =	sor.u32 s13, s12;
	s13 =	sand.u32 $0x380, s10  }
0x547: {  	s8 =	sand.u32 $0x70, s9;
	s13 =	sor.u32 s13, s12;
	v3 =	vadd.f32 v3, v4  }
0x548: {  	s8 =	sor.u32 s8, s13  }
0x549: {  	v4 =	vld [tilespmem:s8+$0x5000];
	[tilespmem:s6+$0x1000] =	vst v3  }
0x54a: {  	v3 =	vld [tilespmem:s8+$0x1000];
	_ =	sdelay $0x4  }
0x54b: {  	v3 =	vadd.f32 v4, v3;
	_ =	sdelay $0x1  }
0x54c: {  	s9 =	rddreg [dreg:$0xf];
	s6 =	simm.s32 $0x0;
	[tilespmem:s8+$0x1000] =	vst v3  }
0x54d: {  	[hbm4b:s9+s6] =	stream.linear.scatter [tilespmem:s26], [sflag:$0x3], $0x4000, $0x38;
	[tilespmem:$0x11000] =	vst v63  }
0x54e: {  	v3 =	vld [tilespmem:$0x600];
	_ =	sdelay $0x4  }
0x54f: {  	v4 =	vshll.u32 v3, $0x1  }
0x550: {  	v3 =	vand.u32 $0x7, v3;
	v4 =	vand.u32 $0xFFFFFFF0, v4  }
0x551: {  	v3 =	vor.u32 v3, v4  }
0x552: {  	v4 =	vperm.xlane v3, v0;
	_ =	sdelay $0x1  }
0x553: {  	v3 =	vperm.xlane v3, v2;
	v4 =	vadd.s32 v1, v4;
	_ =	sdelay $0x1  }
0x554: {  	v3 =	vadd.s32 v1, v3;
	_ =	sdelay $0x2  }
0x555: {  	[tilespmem:s26], [sflag:$0x1] =	stream.indirect_vreg.gather [hbm4b:s3+s6], $0x80, v4, vm0, $0xb8;
	[tilespmem:$0x11000] =	vst v63  }
0x556: {  	s10 =	simm.s32 $0x1800  }
0x557: {  	[tilespmem:s10], [sflag:$0x1] =	stream.indirect_vreg.gather [hbm4b:s3+s6], $0x80, v3, vm0, $0xb8;
	[tilespmem:$0x11000] =	vst v63  }
0x558: {  	v3 =	vld [tilespmem:$0x610];
	_ =	sdelay $0x4  }
0x559: {  	v4 =	vshll.u32 v3, $0x1  }
0x55a: {  	v3 =	vand.u32 $0x7, v3;
	v4 =	vand.u32 $0xFFFFFFF0, v4  }
0x55b: {  	v3 =	vor.u32 v3, v4  }
0x55c: {  	v4 =	vperm.xlane v3, v0;
	_ =	sdelay $0x1  }
0x55d: {  	v3 =	vperm.xlane v3, v2;
	v4 =	vadd.s32 v1, v4;
	_ =	sdelay $0x1  }
0x55e: {  	v3 =	vadd.s32 v1, v3;
	_ =	sdelay $0x1  }
0x55f: {  	s11 =	simm.s32 $0x2000  }
0x560: {  	[tilespmem:s11], [sflag:$0x1] =	stream.indirect_vreg.gather [hbm4b:s3+s6], $0x80, v4, vm0, $0xb8;
	[tilespmem:$0x11000] =	vst v63  }
0x561: {  	s12 =	simm.s32 $0x2800  }
0x562: {  	[tilespmem:s12], [sflag:$0x1] =	stream.indirect_vreg.gather [hbm4b:s3+s6], $0x80, v3, vm0, $0xb8;
	[tilespmem:$0x11000] =	vst v63  }
0x563: {  	v3 =	vld [tilespmem:$0x620];
	_ =	sdelay $0x4  }
0x564: {  	v4 =	vshll.u32 v3, $0x1  }
0x565: {  	v3 =	vand.u32 $0x7, v3;
	v4 =	vand.u32 $0xFFFFFFF0, v4  }
0x566: {  	v3 =	vor.u32 v3, v4  }
0x567: {  	v4 =	vperm.xlane v3, v0;
	_ =	sdelay $0x1  }
0x568: {  	v3 =	vperm.xlane v3, v2;
	v4 =	vadd.s32 v1, v4;
	_ =	sdelay $0x1  }
0x569: {  	v3 =	vadd.s32 v1, v3;
	_ =	sdelay $0x1  }
0x56a: {  	s13 =	simm.s32 $0x3000  }
0x56b: {  	[tilespmem:s13], [sflag:$0x1] =	stream.indirect_vreg.gather [hbm4b:s3+s6], $0x80, v4, vm0, $0xb8;
	[tilespmem:$0x11000] =	vst v63  }
0x56c: {  	s9 =	simm.s32 $0x3800  }
0x56d: {  	[tilespmem:s9], [sflag:$0x1] =	stream.indirect_vreg.gather [hbm4b:s3+s6], $0x80, v3, vm0, $0xb8;
	[tilespmem:$0x11000] =	vst v63  }
0x56e: {  	v3 =	vld [tilespmem:$0x630];
	_ =	sdelay $0x4  }
0x56f: {  	v4 =	vshll.u32 v3, $0x1  }
0x570: {  	v3 =	vand.u32 $0x7, v3;
	v4 =	vand.u32 $0xFFFFFFF0, v4  }
0x571: {  	v3 =	vor.u32 v3, v4  }
0x572: {  	v4 =	vperm.xlane v3, v0;
	_ =	sdelay $0x1  }
0x573: {  	v3 =	vperm.xlane v3, v2;
	v4 =	vadd.s32 v1, v4;
	_ =	sdelay $0x1  }
0x574: {  	v3 =	vadd.s32 v1, v3;
	_ =	sdelay $0x1  }
0x575: {  	s10 =	simm.s32 $0x4000  }
0x576: {  	[tilespmem:s10], [sflag:$0x1] =	stream.indirect_vreg.gather [hbm4b:s3+s6], $0x80, v4, vm0, $0xb8;
	[tilespmem:$0x11000] =	vst v63  }
0x577: {  	s11 =	simm.s32 $0x4800  }
0x578: {  	[tilespmem:s11], [sflag:$0x1] =	stream.indirect_vreg.gather [hbm4b:s3+s6], $0x80, v3, vm0, $0xb8;
	[tilespmem:$0x11000] =	vst v63  }
0x579: {  	v3 =	vld [tilespmem:$0xE00];
	_ =	sdelay $0x4  }
0x57a: {  	v4 =	vshll.u32 v3, $0x1  }
0x57b: {  	v3 =	vand.u32 $0x7, v3;
	v4 =	vand.u32 $0xFFFFFFF0, v4  }
0x57c: {  	v3 =	vor.u32 v3, v4  }
0x57d: {  	v4 =	vperm.xlane v3, v0;
	_ =	sdelay $0x1  }
0x57e: {  	v3 =	vperm.xlane v3, v2;
	v4 =	vadd.s32 v1, v4;
	_ =	sdelay $0x1  }
0x57f: {  	v3 =	vadd.s32 v1, v3;
	_ =	sdelay $0x1  }
0x580: {  	s12 =	simm.s32 $0x5000  }
0x581: {  	[tilespmem:s12], [sflag:$0x2] =	stream.indirect_vreg.gather [hbm4b:s4+s6], $0x80, v4, vm0, $0xb8;
	[tilespmem:$0x11000] =	vst v63  }
0x582: {  	s13 =	simm.s32 $0x5800  }
0x583: {  	[tilespmem:s13], [sflag:$0x2] =	stream.indirect_vreg.gather [hbm4b:s4+s6], $0x80, v3, vm0, $0xb8;
	[tilespmem:$0x11000] =	vst v63  }
0x584: {  	v3 =	vld [tilespmem:$0xE10];
	_ =	sdelay $0x4  }
0x585: {  	v4 =	vshll.u32 v3, $0x1  }
0x586: {  	v3 =	vand.u32 $0x7, v3;
	v4 =	vand.u32 $0xFFFFFFF0, v4  }
0x587: {  	v3 =	vor.u32 v3, v4  }
0x588: {  	v4 =	vperm.xlane v3, v0;
	_ =	sdelay $0x1  }
0x589: {  	v3 =	vperm.xlane v3, v2;
	v4 =	vadd.s32 v1, v4;
	_ =	sdelay $0x1  }
0x58a: {  	v3 =	vadd.s32 v1, v3;
	_ =	sdelay $0x1  }
0x58b: {  	s9 =	simm.s32 $0x6000  }
0x58c: {  	[tilespmem:s9], [sflag:$0x2] =	stream.indirect_vreg.gather [hbm4b:s4+s6], $0x80, v4, vm0, $0xb8;
	[tilespmem:$0x11000] =	vst v63  }
0x58d: {  	s10 =	simm.s32 $0x6800  }
0x58e: {  	[tilespmem:s10], [sflag:$0x2] =	stream.indirect_vreg.gather [hbm4b:s4+s6], $0x80, v3, vm0, $0xb8;
	[tilespmem:$0x11000] =	vst v63  }
0x58f: {  	v3 =	vld [tilespmem:$0xE20];
	_ =	sdelay $0x4  }
0x590: {  	v4 =	vshll.u32 v3, $0x1  }
0x591: {  	v3 =	vand.u32 $0x7, v3;
	v4 =	vand.u32 $0xFFFFFFF0, v4  }
0x592: {  	v3 =	vor.u32 v3, v4  }
0x593: {  	v4 =	vperm.xlane v3, v0;
	_ =	sdelay $0x1  }
0x594: {  	v3 =	vperm.xlane v3, v2;
	v4 =	vadd.s32 v1, v4;
	_ =	sdelay $0x1  }
0x595: {  	v3 =	vadd.s32 v1, v3;
	_ =	sdelay $0x1  }
0x596: {  	s11 =	simm.s32 $0x7000  }
0x597: {  	[tilespmem:s11], [sflag:$0x2] =	stream.indirect_vreg.gather [hbm4b:s4+s6], $0x80, v4, vm0, $0xb8;
	[tilespmem:$0x11000] =	vst v63  }
0x598: {  	s12 =	simm.s32 $0x7800  }
0x599: {  	[tilespmem:s12], [sflag:$0x2] =	stream.indirect_vreg.gather [hbm4b:s4+s6], $0x80, v3, vm0, $0xb8;
	[tilespmem:$0x11000] =	vst v63  }
0x59a: {  	v3 =	vld [tilespmem:$0xE30];
	_ =	sdelay $0x4  }
0x59b: {  	v4 =	vshll.u32 v3, $0x1  }
0x59c: {  	v3 =	vand.u32 $0x7, v3;
	v4 =	vand.u32 $0xFFFFFFF0, v4  }
0x59d: {  	v3 =	vor.u32 v3, v4  }
0x59e: {  	v4 =	vperm.xlane v3, v0;
	_ =	sdelay $0x1  }
0x59f: {  	v3 =	vperm.xlane v3, v2;
	v4 =	vadd.s32 v1, v4;
	_ =	sdelay $0x1  }
0x5a0: {  	v3 =	vadd.s32 v1, v3;
	_ =	sdelay $0x1  }
0x5a1: {  	s13 =	simm.s32 $0x8000  }
0x5a2: {  	[tilespmem:s13], [sflag:$0x2] =	stream.indirect_vreg.gather [hbm4b:s4+s6], $0x80, v4, vm0, $0xb8;
	[tilespmem:$0x11000] =	vst v63  }
0x5a3: {  	s9 =	simm.s32 $0x8800  }
0x5a4: {  	[tilespmem:s9], [sflag:$0x2] =	stream.indirect_vreg.gather [hbm4b:s4+s6], $0x80, v3, vm0, $0xb8;
	[tilespmem:$0x11000] =	vst v63  }
0x5a5: {  	_ =	swait.ge [sflag:s25], $0x4000  }
0x5a6: {  	[sflag:s25] =	ssyncset.done $0x0  }
0x5a7: {  	[sflag:s25] =	ssyncadd.s32 $0xFFFFC000  }
0x5a8: {  	_ =	swait.ge [sflag:s0], $0x4000  }
0x5a9: {  	[sflag:s0] =	ssyncset.done $0x0  }
0x5aa: {  	s10 =	sand.u32 $0x3800, s6;
	s11 =	sand.u32 $0x400, s6;
	[sflag:s0] =	ssyncadd.s32 $0xFFFFC000  }
0x5ab: {  	s8 =	sor.u32 s11, s10;
	s12 =	sand.u32 $0x380, s6;
	_ =	swait.ge [sflag:s1], $0x4000  }
0x5ac: {  	s8 =	sor.u32 s12, s8;
	s6 =	sand.u32 $0x70, s6;
	[sflag:s1] =	ssyncset.done $0x0  }
0x5ad: {  	s6 =	sor.u32 s6, s8;
	[sflag:s1] =	ssyncadd.s32 $0xFFFFC000  }
0x5ae: {  	v3 =	vld [tilespmem:s6+$0xD000]  }
0x5af: {  	v4 =	vld [tilespmem:s6+$0x9000];
	_ =	sdelay $0x1  }
0x5b0: {  	s9 =	simm.s32 $0x10;
	s8 =	simm.s32 $0x80  }
0x5b1: {  	s10 =	simm.s32 $0x8;
	s11 =	sand.u32 $0x3800, s9;
	s13 =	sand.u32 $0x400, s8  }
0x5b2: {  	s12 =	sor.u32 s13, s11;
	s13 =	sand.u32 $0x380, s10;
	s11 =	simm.s32 $0x20  }
.LBB2_24:
0x5b3: {  	p0 =	sne.s32 s11, $0x3FF0;
	s9 =	sand.u32 $0x70, s9;
	s12 =	sor.u32 s13, s12;
	v4 =	vadd.f32 v3, v4  }
0x5b4: {  	s12 =	sor.u32 s9, s12;
	s9 =	smov.u32 s11  }
0x5b5: {  	v3 =	vld [tilespmem:s12+$0xD000];
	[tilespmem:s6+$0x9000] =	vst v4;
	s6 =	smov.u32 s12  }
.Ltmp11:
0x5b6: {  	v4 =	vld [tilespmem:s6+$0x9000];
	(pc) =	sbr.rel @p0 .LBB2_24-.Ltmp11, $4  }
0x5b7: {  	_ = 	snop  }
0x5b8: {  	s8 =	sadd.s32 $0x80, s8  }
0x5b9: {  	s10 =	sadd.s32 $0x8, s10;
	s13 =	sand.u32 $0x400, s8;
	s12 =	sand.u32 $0x3800, s11  }
0x5ba: {  	s11 =	sadd.s32 $0x10, s11;
	s12 =	sor.u32 s13, s12;
	s13 =	sand.u32 $0x380, s10  }
0x5bb: {  	s8 =	sand.u32 $0x70, s9;
	s12 =	sor.u32 s13, s12;
	v3 =	vadd.f32 v3, v4  }
0x5bc: {  	s8 =	sor.u32 s8, s12  }
0x5bd: {  	v4 =	vld [tilespmem:s8+$0xD000];
	[tilespmem:s6+$0x9000] =	vst v3  }
0x5be: {  	v3 =	vld [tilespmem:s8+$0x9000];
	_ =	sdelay $0x4  }
0x5bf: {  	v3 =	vadd.f32 v4, v3;
	_ =	sdelay $0x1  }
0x5c0: {  	s13 =	simm.s32 $0x0;
	s9 =	rddreg [dreg:$0x10];
	[tilespmem:s8+$0x9000] =	vst v3  }
0x5c1: {  	[hbm4b:s9+s13] =	stream.linear.scatter [tilespmem:s14], [sflag:$0x3], $0x4000, $0x38;
	[tilespmem:$0x11000] =	vst v63  }
0x5c2: {  	v3 =	vld [tilespmem:$0x680];
	_ =	sdelay $0x4  }
0x5c3: {  	v4 =	vshll.u32 v3, $0x1  }
0x5c4: {  	v3 =	vand.u32 $0x7, v3;
	v4 =	vand.u32 $0xFFFFFFF0, v4  }
0x5c5: {  	v3 =	vor.u32 v3, v4  }
0x5c6: {  	v4 =	vperm.xlane v3, v0;
	_ =	sdelay $0x1  }
0x5c7: {  	v3 =	vperm.xlane v3, v2;
	v4 =	vadd.s32 v1, v4;
	_ =	sdelay $0x1  }
0x5c8: {  	v3 =	vadd.s32 v1, v3;
	_ =	sdelay $0x2  }
0x5c9: {  	[tilespmem:s14], [sflag:$0x1] =	stream.indirect_vreg.gather [hbm4b:s3+s13], $0x80, v4, vm0, $0xb8;
	[tilespmem:$0x11000] =	vst v63  }
0x5ca: {  	_ = 	snop  }
0x5cb: {  	[tilespmem:s15], [sflag:$0x1] =	stream.indirect_vreg.gather [hbm4b:s3+s13], $0x80, v3, vm0, $0xb8;
	[tilespmem:$0x11000] =	vst v63  }
0x5cc: {  	v3 =	vld [tilespmem:$0x690];
	_ =	sdelay $0x4  }
0x5cd: {  	v4 =	vshll.u32 v3, $0x1  }
0x5ce: {  	v3 =	vand.u32 $0x7, v3;
	v4 =	vand.u32 $0xFFFFFFF0, v4  }
0x5cf: {  	v3 =	vor.u32 v3, v4  }
0x5d0: {  	v4 =	vperm.xlane v3, v0;
	_ =	sdelay $0x1  }
0x5d1: {  	v3 =	vperm.xlane v3, v2;
	v4 =	vadd.s32 v1, v4;
	_ =	sdelay $0x1  }
0x5d2: {  	v3 =	vadd.s32 v1, v3;
	_ =	sdelay $0x2  }
0x5d3: {  	[tilespmem:s16], [sflag:$0x1] =	stream.indirect_vreg.gather [hbm4b:s3+s13], $0x80, v4, vm0, $0xb8;
	[tilespmem:$0x11000] =	vst v63  }
0x5d4: {  	_ = 	snop  }
0x5d5: {  	[tilespmem:s17], [sflag:$0x1] =	stream.indirect_vreg.gather [hbm4b:s3+s13], $0x80, v3, vm0, $0xb8;
	[tilespmem:$0x11000] =	vst v63  }
0x5d6: {  	v3 =	vld [tilespmem:$0x6A0];
	_ =	sdelay $0x4  }
0x5d7: {  	v4 =	vshll.u32 v3, $0x1  }
0x5d8: {  	v3 =	vand.u32 $0x7, v3;
	v4 =	vand.u32 $0xFFFFFFF0, v4  }
0x5d9: {  	v3 =	vor.u32 v3, v4  }
0x5da: {  	v4 =	vperm.xlane v3, v0;
	_ =	sdelay $0x1  }
0x5db: {  	v3 =	vperm.xlane v3, v2;
	v4 =	vadd.s32 v1, v4;
	_ =	sdelay $0x1  }
0x5dc: {  	v3 =	vadd.s32 v1, v3;
	_ =	sdelay $0x2  }
0x5dd: {  	[tilespmem:s18], [sflag:$0x1] =	stream.indirect_vreg.gather [hbm4b:s3+s13], $0x80, v4, vm0, $0xb8;
	[tilespmem:$0x11000] =	vst v63  }
0x5de: {  	_ = 	snop  }
0x5df: {  	[tilespmem:s19], [sflag:$0x1] =	stream.indirect_vreg.gather [hbm4b:s3+s13], $0x80, v3, vm0, $0xb8;
	[tilespmem:$0x11000] =	vst v63  }
0x5e0: {  	v3 =	vld [tilespmem:$0x6B0];
	_ =	sdelay $0x4  }
0x5e1: {  	v4 =	vshll.u32 v3, $0x1  }
0x5e2: {  	v3 =	vand.u32 $0x7, v3;
	v4 =	vand.u32 $0xFFFFFFF0, v4  }
0x5e3: {  	v3 =	vor.u32 v3, v4  }
0x5e4: {  	v4 =	vperm.xlane v3, v0;
	_ =	sdelay $0x1  }
0x5e5: {  	v3 =	vperm.xlane v3, v2;
	v4 =	vadd.s32 v1, v4;
	_ =	sdelay $0x1  }
0x5e6: {  	v3 =	vadd.s32 v1, v3;
	_ =	sdelay $0x2  }
0x5e7: {  	[tilespmem:s20], [sflag:$0x1] =	stream.indirect_vreg.gather [hbm4b:s3+s13], $0x80, v4, vm0, $0xb8;
	[tilespmem:$0x11000] =	vst v63  }
0x5e8: {  	_ = 	snop  }
0x5e9: {  	[tilespmem:s21], [sflag:$0x1] =	stream.indirect_vreg.gather [hbm4b:s3+s13], $0x80, v3, vm0, $0xb8;
	[tilespmem:$0x11000] =	vst v63  }
0x5ea: {  	v3 =	vld [tilespmem:$0xE80];
	_ =	sdelay $0x4  }
0x5eb: {  	v4 =	vshll.u32 v3, $0x1  }
0x5ec: {  	v3 =	vand.u32 $0x7, v3;
	v4 =	vand.u32 $0xFFFFFFF0, v4  }
0x5ed: {  	v3 =	vor.u32 v3, v4  }
0x5ee: {  	v4 =	vperm.xlane v3, v0;
	_ =	sdelay $0x1  }
0x5ef: {  	v3 =	vperm.xlane v3, v2;
	v4 =	vadd.s32 v1, v4;
	_ =	sdelay $0x1  }
0x5f0: {  	v3 =	vadd.s32 v1, v3;
	_ =	sdelay $0x2  }
0x5f1: {  	[tilespmem:s22], [sflag:$0x2] =	stream.indirect_vreg.gather [hbm4b:s4+s13], $0x80, v4, vm0, $0xb8;
	[tilespmem:$0x11000] =	vst v63  }
0x5f2: {  	_ = 	snop  }
0x5f3: {  	[tilespmem:s23], [sflag:$0x2] =	stream.indirect_vreg.gather [hbm4b:s4+s13], $0x80, v3, vm0, $0xb8;
	[tilespmem:$0x11000] =	vst v63  }
0x5f4: {  	v3 =	vld [tilespmem:$0xE90];
	_ =	sdelay $0x4  }
0x5f5: {  	v4 =	vshll.u32 v3, $0x1  }
0x5f6: {  	v3 =	vand.u32 $0x7, v3;
	v4 =	vand.u32 $0xFFFFFFF0, v4  }
0x5f7: {  	v3 =	vor.u32 v3, v4  }
0x5f8: {  	v4 =	vperm.xlane v3, v0;
	_ =	sdelay $0x1  }
0x5f9: {  	v3 =	vperm.xlane v3, v2;
	v4 =	vadd.s32 v1, v4;
	_ =	sdelay $0x1  }
0x5fa: {  	v3 =	vadd.s32 v1, v3;
	_ =	sdelay $0x2  }
0x5fb: {  	[tilespmem:s7], [sflag:$0x2] =	stream.indirect_vreg.gather [hbm4b:s4+s13], $0x80, v4, vm0, $0xb8;
	[tilespmem:$0x11000] =	vst v63  }
0x5fc: {  	_ = 	snop  }
0x5fd: {  	[tilespmem:s24], [sflag:$0x2] =	stream.indirect_vreg.gather [hbm4b:s4+s13], $0x80, v3, vm0, $0xb8;
	[tilespmem:$0x11000] =	vst v63  }
0x5fe: {  	v3 =	vld [tilespmem:$0xEA0];
	_ =	sdelay $0x4  }
0x5ff: {  	v4 =	vshll.u32 v3, $0x1  }
0x600: {  	v3 =	vand.u32 $0x7, v3;
	v4 =	vand.u32 $0xFFFFFFF0, v4  }
0x601: {  	v3 =	vor.u32 v3, v4  }
0x602: {  	v4 =	vperm.xlane v3, v0;
	_ =	sdelay $0x1  }
0x603: {  	v3 =	vperm.xlane v3, v2;
	v4 =	vadd.s32 v1, v4;
	_ =	sdelay $0x1  }
0x604: {  	v3 =	vadd.s32 v1, v3;
	_ =	sdelay $0x2  }
0x605: {  	[tilespmem:s28], [sflag:$0x2] =	stream.indirect_vreg.gather [hbm4b:s4+s13], $0x80, v4, vm0, $0xb8;
	[tilespmem:$0x11000] =	vst v63  }
0x606: {  	_ = 	snop  }
0x607: {  	[tilespmem:s29], [sflag:$0x2] =	stream.indirect_vreg.gather [hbm4b:s4+s13], $0x80, v3, vm0, $0xb8;
	[tilespmem:$0x11000] =	vst v63  }
0x608: {  	v3 =	vld [tilespmem:$0xEB0];
	_ =	sdelay $0x4  }
0x609: {  	v4 =	vshll.u32 v3, $0x1  }
0x60a: {  	v3 =	vand.u32 $0x7, v3;
	v4 =	vand.u32 $0xFFFFFFF0, v4  }
0x60b: {  	v3 =	vor.u32 v3, v4  }
0x60c: {  	v4 =	vperm.xlane v3, v0;
	_ =	sdelay $0x1  }
0x60d: {  	v3 =	vperm.xlane v3, v2;
	v4 =	vadd.s32 v1, v4;
	_ =	sdelay $0x1  }
0x60e: {  	v3 =	vadd.s32 v1, v3;
	_ =	sdelay $0x2  }
0x60f: {  	[tilespmem:s30], [sflag:$0x2] =	stream.indirect_vreg.gather [hbm4b:s4+s13], $0x80, v4, vm0, $0xb8;
	[tilespmem:$0x11000] =	vst v63  }
0x610: {  	_ = 	snop  }
0x611: {  	[tilespmem:s31], [sflag:$0x2] =	stream.indirect_vreg.gather [hbm4b:s4+s13], $0x80, v3, vm0, $0xb8;
	[tilespmem:$0x11000] =	vst v63  }
0x612: {  	_ =	swait.ge [sflag:s25], $0x4000  }
0x613: {  	[sflag:s25] =	ssyncset.done $0x0  }
0x614: {  	[sflag:s25] =	ssyncadd.s32 $0xFFFFC000  }
0x615: {  	_ =	swait.ge [sflag:s0], $0x4000  }
0x616: {  	[sflag:s0] =	ssyncset.done $0x0  }
0x617: {  	s10 =	sand.u32 $0x3800, s13;
	s11 =	sand.u32 $0x400, s13;
	[sflag:s0] =	ssyncadd.s32 $0xFFFFC000  }
0x618: {  	s12 =	sand.u32 $0x380, s13;
	s8 =	sor.u32 s11, s10;
	_ =	swait.ge [sflag:s1], $0x4000  }
0x619: {  	s6 =	sand.u32 $0x70, s13;
	s8 =	sor.u32 s12, s8;
	[sflag:s1] =	ssyncset.done $0x0  }
0x61a: {  	s6 =	sor.u32 s6, s8;
	[sflag:s1] =	ssyncadd.s32 $0xFFFFC000  }
0x61b: {  	v3 =	vld [tilespmem:s6+$0x5000]  }
0x61c: {  	v4 =	vld [tilespmem:s6+$0x1000];
	_ =	sdelay $0x1  }
0x61d: {  	s9 =	simm.s32 $0x10;
	s8 =	simm.s32 $0x80  }
0x61e: {  	s10 =	simm.s32 $0x8;
	s11 =	sand.u32 $0x3800, s9;
	s13 =	sand.u32 $0x400, s8  }
0x61f: {  	s12 =	sor.u32 s13, s11;
	s13 =	sand.u32 $0x380, s10;
	s11 =	simm.s32 $0x20  }
.LBB2_26:
0x620: {  	p0 =	sne.s32 s11, $0x3FF0;
	s9 =	sand.u32 $0x70, s9;
	s12 =	sor.u32 s13, s12;
	v4 =	vadd.f32 v3, v4  }
0x621: {  	s12 =	sor.u32 s9, s12;
	s9 =	smov.u32 s11  }
0x622: {  	v3 =	vld [tilespmem:s12+$0x5000];
	[tilespmem:s6+$0x1000] =	vst v4;
	s6 =	smov.u32 s12  }
.Ltmp12:
0x623: {  	v4 =	vld [tilespmem:s6+$0x1000];
	(pc) =	sbr.rel @p0 .LBB2_26-.Ltmp12, $4  }
0x624: {  	_ = 	snop  }
0x625: {  	s8 =	sadd.s32 $0x80, s8  }
0x626: {  	s10 =	sadd.s32 $0x8, s10;
	s13 =	sand.u32 $0x400, s8;
	s12 =	sand.u32 $0x3800, s11  }
0x627: {  	s11 =	sadd.s32 $0x10, s11;
	s12 =	sor.u32 s13, s12;
	s13 =	sand.u32 $0x380, s10  }
0x628: {  	s8 =	sand.u32 $0x70, s9;
	s13 =	sor.u32 s13, s12;
	v3 =	vadd.f32 v3, v4  }
0x629: {  	s8 =	sor.u32 s8, s13  }
0x62a: {  	v4 =	vld [tilespmem:s8+$0x5000];
	[tilespmem:s6+$0x1000] =	vst v3  }
0x62b: {  	v3 =	vld [tilespmem:s8+$0x1000];
	_ =	sdelay $0x4  }
0x62c: {  	v3 =	vadd.f32 v4, v3;
	_ =	sdelay $0x1  }
0x62d: {  	s9 =	rddreg [dreg:$0x11];
	s6 =	simm.s32 $0x0;
	[tilespmem:s8+$0x1000] =	vst v3  }
0x62e: {  	[hbm4b:s9+s6] =	stream.linear.scatter [tilespmem:s26], [sflag:$0x3], $0x4000, $0x38;
	[tilespmem:$0x11000] =	vst v63  }
0x62f: {  	v3 =	vld [tilespmem:$0x700];
	_ =	sdelay $0x4  }
0x630: {  	v4 =	vshll.u32 v3, $0x1  }
0x631: {  	v3 =	vand.u32 $0x7, v3;
	v4 =	vand.u32 $0xFFFFFFF0, v4  }
0x632: {  	v3 =	vor.u32 v3, v4  }
0x633: {  	v4 =	vperm.xlane v3, v0;
	_ =	sdelay $0x1  }
0x634: {  	v3 =	vperm.xlane v3, v2;
	v4 =	vadd.s32 v1, v4;
	_ =	sdelay $0x1  }
0x635: {  	v3 =	vadd.s32 v1, v3;
	_ =	sdelay $0x2  }
0x636: {  	[tilespmem:s26], [sflag:$0x1] =	stream.indirect_vreg.gather [hbm4b:s3+s6], $0x80, v4, vm0, $0xb8;
	[tilespmem:$0x11000] =	vst v63  }
0x637: {  	s10 =	simm.s32 $0x1800  }
0x638: {  	[tilespmem:s10], [sflag:$0x1] =	stream.indirect_vreg.gather [hbm4b:s3+s6], $0x80, v3, vm0, $0xb8;
	[tilespmem:$0x11000] =	vst v63  }
0x639: {  	v3 =	vld [tilespmem:$0x710];
	_ =	sdelay $0x4  }
0x63a: {  	v4 =	vshll.u32 v3, $0x1  }
0x63b: {  	v3 =	vand.u32 $0x7, v3;
	v4 =	vand.u32 $0xFFFFFFF0, v4  }
0x63c: {  	v3 =	vor.u32 v3, v4  }
0x63d: {  	v4 =	vperm.xlane v3, v0;
	_ =	sdelay $0x1  }
0x63e: {  	v3 =	vperm.xlane v3, v2;
	v4 =	vadd.s32 v1, v4;
	_ =	sdelay $0x1  }
0x63f: {  	v3 =	vadd.s32 v1, v3;
	_ =	sdelay $0x1  }
0x640: {  	s11 =	simm.s32 $0x2000  }
0x641: {  	[tilespmem:s11], [sflag:$0x1] =	stream.indirect_vreg.gather [hbm4b:s3+s6], $0x80, v4, vm0, $0xb8;
	[tilespmem:$0x11000] =	vst v63  }
0x642: {  	s12 =	simm.s32 $0x2800  }
0x643: {  	[tilespmem:s12], [sflag:$0x1] =	stream.indirect_vreg.gather [hbm4b:s3+s6], $0x80, v3, vm0, $0xb8;
	[tilespmem:$0x11000] =	vst v63  }
0x644: {  	v3 =	vld [tilespmem:$0x720];
	_ =	sdelay $0x4  }
0x645: {  	v4 =	vshll.u32 v3, $0x1  }
0x646: {  	v3 =	vand.u32 $0x7, v3;
	v4 =	vand.u32 $0xFFFFFFF0, v4  }
0x647: {  	v3 =	vor.u32 v3, v4  }
0x648: {  	v4 =	vperm.xlane v3, v0;
	_ =	sdelay $0x1  }
0x649: {  	v3 =	vperm.xlane v3, v2;
	v4 =	vadd.s32 v1, v4;
	_ =	sdelay $0x1  }
0x64a: {  	v3 =	vadd.s32 v1, v3;
	_ =	sdelay $0x1  }
0x64b: {  	s13 =	simm.s32 $0x3000  }
0x64c: {  	[tilespmem:s13], [sflag:$0x1] =	stream.indirect_vreg.gather [hbm4b:s3+s6], $0x80, v4, vm0, $0xb8;
	[tilespmem:$0x11000] =	vst v63  }
0x64d: {  	s9 =	simm.s32 $0x3800  }
0x64e: {  	[tilespmem:s9], [sflag:$0x1] =	stream.indirect_vreg.gather [hbm4b:s3+s6], $0x80, v3, vm0, $0xb8;
	[tilespmem:$0x11000] =	vst v63  }
0x64f: {  	v3 =	vld [tilespmem:$0x730];
	_ =	sdelay $0x4  }
0x650: {  	v4 =	vshll.u32 v3, $0x1  }
0x651: {  	v3 =	vand.u32 $0x7, v3;
	v4 =	vand.u32 $0xFFFFFFF0, v4  }
0x652: {  	v3 =	vor.u32 v3, v4  }
0x653: {  	v4 =	vperm.xlane v3, v0;
	_ =	sdelay $0x1  }
0x654: {  	v3 =	vperm.xlane v3, v2;
	v4 =	vadd.s32 v1, v4;
	_ =	sdelay $0x1  }
0x655: {  	v3 =	vadd.s32 v1, v3;
	_ =	sdelay $0x1  }
0x656: {  	s10 =	simm.s32 $0x4000  }
0x657: {  	[tilespmem:s10], [sflag:$0x1] =	stream.indirect_vreg.gather [hbm4b:s3+s6], $0x80, v4, vm0, $0xb8;
	[tilespmem:$0x11000] =	vst v63  }
0x658: {  	s11 =	simm.s32 $0x4800  }
0x659: {  	[tilespmem:s11], [sflag:$0x1] =	stream.indirect_vreg.gather [hbm4b:s3+s6], $0x80, v3, vm0, $0xb8;
	[tilespmem:$0x11000] =	vst v63  }
0x65a: {  	v3 =	vld [tilespmem:$0xF00];
	_ =	sdelay $0x4  }
0x65b: {  	v4 =	vshll.u32 v3, $0x1  }
0x65c: {  	v3 =	vand.u32 $0x7, v3;
	v4 =	vand.u32 $0xFFFFFFF0, v4  }
0x65d: {  	v3 =	vor.u32 v3, v4  }
0x65e: {  	v4 =	vperm.xlane v3, v0;
	_ =	sdelay $0x1  }
0x65f: {  	v3 =	vperm.xlane v3, v2;
	v4 =	vadd.s32 v1, v4;
	_ =	sdelay $0x1  }
0x660: {  	v3 =	vadd.s32 v1, v3;
	_ =	sdelay $0x1  }
0x661: {  	s12 =	simm.s32 $0x5000  }
0x662: {  	[tilespmem:s12], [sflag:$0x2] =	stream.indirect_vreg.gather [hbm4b:s4+s6], $0x80, v4, vm0, $0xb8;
	[tilespmem:$0x11000] =	vst v63  }
0x663: {  	s13 =	simm.s32 $0x5800  }
0x664: {  	[tilespmem:s13], [sflag:$0x2] =	stream.indirect_vreg.gather [hbm4b:s4+s6], $0x80, v3, vm0, $0xb8;
	[tilespmem:$0x11000] =	vst v63  }
0x665: {  	v3 =	vld [tilespmem:$0xF10];
	_ =	sdelay $0x4  }
0x666: {  	v4 =	vshll.u32 v3, $0x1  }
0x667: {  	v3 =	vand.u32 $0x7, v3;
	v4 =	vand.u32 $0xFFFFFFF0, v4  }
0x668: {  	v3 =	vor.u32 v3, v4  }
0x669: {  	v4 =	vperm.xlane v3, v0;
	_ =	sdelay $0x1  }
0x66a: {  	v3 =	vperm.xlane v3, v2;
	v4 =	vadd.s32 v1, v4;
	_ =	sdelay $0x1  }
0x66b: {  	v3 =	vadd.s32 v1, v3;
	_ =	sdelay $0x1  }
0x66c: {  	s9 =	simm.s32 $0x6000  }
0x66d: {  	[tilespmem:s9], [sflag:$0x2] =	stream.indirect_vreg.gather [hbm4b:s4+s6], $0x80, v4, vm0, $0xb8;
	[tilespmem:$0x11000] =	vst v63  }
0x66e: {  	s10 =	simm.s32 $0x6800  }
0x66f: {  	[tilespmem:s10], [sflag:$0x2] =	stream.indirect_vreg.gather [hbm4b:s4+s6], $0x80, v3, vm0, $0xb8;
	[tilespmem:$0x11000] =	vst v63  }
0x670: {  	v3 =	vld [tilespmem:$0xF20];
	_ =	sdelay $0x4  }
0x671: {  	v4 =	vshll.u32 v3, $0x1  }
0x672: {  	v3 =	vand.u32 $0x7, v3;
	v4 =	vand.u32 $0xFFFFFFF0, v4  }
0x673: {  	v3 =	vor.u32 v3, v4  }
0x674: {  	v4 =	vperm.xlane v3, v0;
	_ =	sdelay $0x1  }
0x675: {  	v3 =	vperm.xlane v3, v2;
	v4 =	vadd.s32 v1, v4;
	_ =	sdelay $0x1  }
0x676: {  	v3 =	vadd.s32 v1, v3;
	_ =	sdelay $0x1  }
0x677: {  	s11 =	simm.s32 $0x7000  }
0x678: {  	[tilespmem:s11], [sflag:$0x2] =	stream.indirect_vreg.gather [hbm4b:s4+s6], $0x80, v4, vm0, $0xb8;
	[tilespmem:$0x11000] =	vst v63  }
0x679: {  	s12 =	simm.s32 $0x7800  }
0x67a: {  	[tilespmem:s12], [sflag:$0x2] =	stream.indirect_vreg.gather [hbm4b:s4+s6], $0x80, v3, vm0, $0xb8;
	[tilespmem:$0x11000] =	vst v63  }
0x67b: {  	v3 =	vld [tilespmem:$0xF30];
	_ =	sdelay $0x4  }
0x67c: {  	v4 =	vshll.u32 v3, $0x1  }
0x67d: {  	v3 =	vand.u32 $0x7, v3;
	v4 =	vand.u32 $0xFFFFFFF0, v4  }
0x67e: {  	v3 =	vor.u32 v3, v4  }
0x67f: {  	v4 =	vperm.xlane v3, v0;
	_ =	sdelay $0x1  }
0x680: {  	v3 =	vperm.xlane v3, v2;
	v4 =	vadd.s32 v1, v4;
	_ =	sdelay $0x1  }
0x681: {  	v3 =	vadd.s32 v1, v3;
	_ =	sdelay $0x1  }
0x682: {  	s13 =	simm.s32 $0x8000  }
0x683: {  	[tilespmem:s13], [sflag:$0x2] =	stream.indirect_vreg.gather [hbm4b:s4+s6], $0x80, v4, vm0, $0xb8;
	[tilespmem:$0x11000] =	vst v63  }
0x684: {  	s9 =	simm.s32 $0x8800  }
0x685: {  	[tilespmem:s9], [sflag:$0x2] =	stream.indirect_vreg.gather [hbm4b:s4+s6], $0x80, v3, vm0, $0xb8;
	[tilespmem:$0x11000] =	vst v63  }
0x686: {  	_ =	swait.ge [sflag:s25], $0x4000  }
0x687: {  	[sflag:s25] =	ssyncset.done $0x0  }
0x688: {  	[sflag:s25] =	ssyncadd.s32 $0xFFFFC000  }
0x689: {  	_ =	swait.ge [sflag:s0], $0x4000  }
0x68a: {  	[sflag:s0] =	ssyncset.done $0x0  }
0x68b: {  	s10 =	sand.u32 $0x3800, s6;
	s11 =	sand.u32 $0x400, s6;
	[sflag:s0] =	ssyncadd.s32 $0xFFFFC000  }
0x68c: {  	s8 =	sor.u32 s11, s10;
	s12 =	sand.u32 $0x380, s6;
	_ =	swait.ge [sflag:s1], $0x4000  }
0x68d: {  	s8 =	sor.u32 s12, s8;
	s6 =	sand.u32 $0x70, s6;
	[sflag:s1] =	ssyncset.done $0x0  }
0x68e: {  	s6 =	sor.u32 s6, s8;
	[sflag:s1] =	ssyncadd.s32 $0xFFFFC000  }
0x68f: {  	v3 =	vld [tilespmem:s6+$0xD000]  }
0x690: {  	v4 =	vld [tilespmem:s6+$0x9000];
	_ =	sdelay $0x1  }
0x691: {  	s9 =	simm.s32 $0x10;
	s8 =	simm.s32 $0x80  }
0x692: {  	s10 =	simm.s32 $0x8;
	s11 =	sand.u32 $0x3800, s9;
	s13 =	sand.u32 $0x400, s8  }
0x693: {  	s12 =	sor.u32 s13, s11;
	s13 =	sand.u32 $0x380, s10;
	s11 =	simm.s32 $0x20  }
.LBB2_28:
0x694: {  	p0 =	sne.s32 s11, $0x3FF0;
	s9 =	sand.u32 $0x70, s9;
	s12 =	sor.u32 s13, s12;
	v4 =	vadd.f32 v3, v4  }
0x695: {  	s12 =	sor.u32 s9, s12;
	s9 =	smov.u32 s11  }
0x696: {  	v3 =	vld [tilespmem:s12+$0xD000];
	[tilespmem:s6+$0x9000] =	vst v4;
	s6 =	smov.u32 s12  }
.Ltmp13:
0x697: {  	v4 =	vld [tilespmem:s6+$0x9000];
	(pc) =	sbr.rel @p0 .LBB2_28-.Ltmp13, $4  }
0x698: {  	_ = 	snop  }
0x699: {  	s8 =	sadd.s32 $0x80, s8  }
0x69a: {  	s10 =	sadd.s32 $0x8, s10;
	s13 =	sand.u32 $0x400, s8;
	s12 =	sand.u32 $0x3800, s11  }
0x69b: {  	s11 =	sadd.s32 $0x10, s11;
	s12 =	sor.u32 s13, s12;
	s13 =	sand.u32 $0x380, s10  }
0x69c: {  	s8 =	sand.u32 $0x70, s9;
	s12 =	sor.u32 s13, s12;
	v3 =	vadd.f32 v3, v4  }
0x69d: {  	s8 =	sor.u32 s8, s12  }
0x69e: {  	v4 =	vld [tilespmem:s8+$0xD000];
	[tilespmem:s6+$0x9000] =	vst v3  }
0x69f: {  	v3 =	vld [tilespmem:s8+$0x9000];
	_ =	sdelay $0x4  }
0x6a0: {  	v3 =	vadd.f32 v4, v3;
	_ =	sdelay $0x1  }
0x6a1: {  	s13 =	simm.s32 $0x0;
	s9 =	rddreg [dreg:$0x12];
	[tilespmem:s8+$0x9000] =	vst v3  }
0x6a2: {  	[hbm4b:s9+s13] =	stream.linear.scatter [tilespmem:s14], [sflag:$0x3], $0x4000, $0x38;
	[tilespmem:$0x11000] =	vst v63  }
0x6a3: {  	v3 =	vld [tilespmem:$0x780];
	_ =	sdelay $0x4  }
0x6a4: {  	v4 =	vshll.u32 v3, $0x1  }
0x6a5: {  	v3 =	vand.u32 $0x7, v3;
	v4 =	vand.u32 $0xFFFFFFF0, v4  }
0x6a6: {  	v3 =	vor.u32 v3, v4  }
0x6a7: {  	v4 =	vperm.xlane v3, v0;
	_ =	sdelay $0x1  }
0x6a8: {  	v3 =	vperm.xlane v3, v2;
	v4 =	vadd.s32 v1, v4;
	_ =	sdelay $0x1  }
0x6a9: {  	v3 =	vadd.s32 v1, v3;
	_ =	sdelay $0x2  }
0x6aa: {  	[tilespmem:s14], [sflag:$0x1] =	stream.indirect_vreg.gather [hbm4b:s3+s13], $0x80, v4, vm0, $0xb8;
	[tilespmem:$0x11000] =	vst v63  }
0x6ab: {  	_ = 	snop  }
0x6ac: {  	[tilespmem:s15], [sflag:$0x1] =	stream.indirect_vreg.gather [hbm4b:s3+s13], $0x80, v3, vm0, $0xb8;
	[tilespmem:$0x11000] =	vst v63  }
0x6ad: {  	v3 =	vld [tilespmem:$0x790];
	_ =	sdelay $0x4  }
0x6ae: {  	v4 =	vshll.u32 v3, $0x1  }
0x6af: {  	v3 =	vand.u32 $0x7, v3;
	v4 =	vand.u32 $0xFFFFFFF0, v4  }
0x6b0: {  	v3 =	vor.u32 v3, v4  }
0x6b1: {  	v4 =	vperm.xlane v3, v0;
	_ =	sdelay $0x1  }
0x6b2: {  	v3 =	vperm.xlane v3, v2;
	v4 =	vadd.s32 v1, v4;
	_ =	sdelay $0x1  }
0x6b3: {  	v3 =	vadd.s32 v1, v3;
	_ =	sdelay $0x2  }
0x6b4: {  	[tilespmem:s16], [sflag:$0x1] =	stream.indirect_vreg.gather [hbm4b:s3+s13], $0x80, v4, vm0, $0xb8;
	[tilespmem:$0x11000] =	vst v63  }
0x6b5: {  	_ = 	snop  }
0x6b6: {  	[tilespmem:s17], [sflag:$0x1] =	stream.indirect_vreg.gather [hbm4b:s3+s13], $0x80, v3, vm0, $0xb8;
	[tilespmem:$0x11000] =	vst v63  }
0x6b7: {  	v3 =	vld [tilespmem:$0x7A0];
	_ =	sdelay $0x4  }
0x6b8: {  	v4 =	vshll.u32 v3, $0x1  }
0x6b9: {  	v3 =	vand.u32 $0x7, v3;
	v4 =	vand.u32 $0xFFFFFFF0, v4  }
0x6ba: {  	v3 =	vor.u32 v3, v4  }
0x6bb: {  	v4 =	vperm.xlane v3, v0;
	_ =	sdelay $0x1  }
0x6bc: {  	v3 =	vperm.xlane v3, v2;
	v4 =	vadd.s32 v1, v4;
	_ =	sdelay $0x1  }
0x6bd: {  	v3 =	vadd.s32 v1, v3;
	_ =	sdelay $0x2  }
0x6be: {  	[tilespmem:s18], [sflag:$0x1] =	stream.indirect_vreg.gather [hbm4b:s3+s13], $0x80, v4, vm0, $0xb8;
	[tilespmem:$0x11000] =	vst v63  }
0x6bf: {  	_ = 	snop  }
0x6c0: {  	[tilespmem:s19], [sflag:$0x1] =	stream.indirect_vreg.gather [hbm4b:s3+s13], $0x80, v3, vm0, $0xb8;
	[tilespmem:$0x11000] =	vst v63  }
0x6c1: {  	v3 =	vld [tilespmem:$0x7B0];
	_ =	sdelay $0x4  }
0x6c2: {  	v4 =	vshll.u32 v3, $0x1  }
0x6c3: {  	v3 =	vand.u32 $0x7, v3;
	v4 =	vand.u32 $0xFFFFFFF0, v4  }
0x6c4: {  	v3 =	vor.u32 v3, v4  }
0x6c5: {  	v4 =	vperm.xlane v3, v0;
	_ =	sdelay $0x1  }
0x6c6: {  	v3 =	vperm.xlane v3, v2;
	v4 =	vadd.s32 v1, v4;
	_ =	sdelay $0x1  }
0x6c7: {  	v3 =	vadd.s32 v1, v3;
	_ =	sdelay $0x2  }
0x6c8: {  	[tilespmem:s20], [sflag:$0x1] =	stream.indirect_vreg.gather [hbm4b:s3+s13], $0x80, v4, vm0, $0xb8;
	[tilespmem:$0x11000] =	vst v63  }
0x6c9: {  	_ = 	snop  }
0x6ca: {  	[tilespmem:s21], [sflag:$0x1] =	stream.indirect_vreg.gather [hbm4b:s3+s13], $0x80, v3, vm0, $0xb8;
	[tilespmem:$0x11000] =	vst v63  }
0x6cb: {  	v3 =	vld [tilespmem:$0xF80];
	_ =	sdelay $0x4  }
0x6cc: {  	v4 =	vshll.u32 v3, $0x1  }
0x6cd: {  	v3 =	vand.u32 $0x7, v3;
	v4 =	vand.u32 $0xFFFFFFF0, v4  }
0x6ce: {  	v3 =	vor.u32 v3, v4  }
0x6cf: {  	v4 =	vperm.xlane v3, v0;
	_ =	sdelay $0x1  }
0x6d0: {  	v3 =	vperm.xlane v3, v2;
	v4 =	vadd.s32 v1, v4;
	_ =	sdelay $0x1  }
0x6d1: {  	v3 =	vadd.s32 v1, v3;
	_ =	sdelay $0x2  }
0x6d2: {  	[tilespmem:s22], [sflag:$0x2] =	stream.indirect_vreg.gather [hbm4b:s4+s13], $0x80, v4, vm0, $0xb8;
	[tilespmem:$0x11000] =	vst v63  }
0x6d3: {  	_ = 	snop  }
0x6d4: {  	[tilespmem:s23], [sflag:$0x2] =	stream.indirect_vreg.gather [hbm4b:s4+s13], $0x80, v3, vm0, $0xb8;
	[tilespmem:$0x11000] =	vst v63  }
0x6d5: {  	v3 =	vld [tilespmem:$0xF90];
	_ =	sdelay $0x4  }
0x6d6: {  	v4 =	vshll.u32 v3, $0x1  }
0x6d7: {  	v3 =	vand.u32 $0x7, v3;
	v4 =	vand.u32 $0xFFFFFFF0, v4  }
0x6d8: {  	v3 =	vor.u32 v3, v4  }
0x6d9: {  	v4 =	vperm.xlane v3, v0;
	_ =	sdelay $0x1  }
0x6da: {  	v3 =	vperm.xlane v3, v2;
	v4 =	vadd.s32 v1, v4;
	_ =	sdelay $0x1  }
0x6db: {  	v3 =	vadd.s32 v1, v3;
	_ =	sdelay $0x2  }
0x6dc: {  	[tilespmem:s7], [sflag:$0x2] =	stream.indirect_vreg.gather [hbm4b:s4+s13], $0x80, v4, vm0, $0xb8;
	[tilespmem:$0x11000] =	vst v63  }
0x6dd: {  	_ = 	snop  }
0x6de: {  	[tilespmem:s24], [sflag:$0x2] =	stream.indirect_vreg.gather [hbm4b:s4+s13], $0x80, v3, vm0, $0xb8;
	[tilespmem:$0x11000] =	vst v63  }
0x6df: {  	v3 =	vld [tilespmem:$0xFA0];
	_ =	sdelay $0x4  }
0x6e0: {  	v4 =	vshll.u32 v3, $0x1  }
0x6e1: {  	v3 =	vand.u32 $0x7, v3;
	v4 =	vand.u32 $0xFFFFFFF0, v4  }
0x6e2: {  	v3 =	vor.u32 v3, v4  }
0x6e3: {  	v4 =	vperm.xlane v3, v0;
	_ =	sdelay $0x1  }
0x6e4: {  	v3 =	vperm.xlane v3, v2;
	v4 =	vadd.s32 v1, v4;
	_ =	sdelay $0x1  }
0x6e5: {  	v3 =	vadd.s32 v1, v3;
	_ =	sdelay $0x2  }
0x6e6: {  	[tilespmem:s28], [sflag:$0x2] =	stream.indirect_vreg.gather [hbm4b:s4+s13], $0x80, v4, vm0, $0xb8;
	[tilespmem:$0x11000] =	vst v63  }
0x6e7: {  	_ = 	snop  }
0x6e8: {  	[tilespmem:s29], [sflag:$0x2] =	stream.indirect_vreg.gather [hbm4b:s4+s13], $0x80, v3, vm0, $0xb8;
	[tilespmem:$0x11000] =	vst v63  }
0x6e9: {  	v3 =	vld [tilespmem:$0xFB0];
	_ =	sdelay $0x4  }
0x6ea: {  	v4 =	vshll.u32 v3, $0x1  }
0x6eb: {  	v3 =	vand.u32 $0x7, v3;
	v4 =	vand.u32 $0xFFFFFFF0, v4  }
0x6ec: {  	v3 =	vor.u32 v3, v4  }
0x6ed: {  	v4 =	vperm.xlane v3, v0;
	_ =	sdelay $0x1  }
0x6ee: {  	v3 =	vperm.xlane v3, v2;
	v4 =	vadd.s32 v1, v4;
	_ =	sdelay $0x1  }
0x6ef: {  	v3 =	vadd.s32 v1, v3;
	_ =	sdelay $0x2  }
0x6f0: {  	[tilespmem:s30], [sflag:$0x2] =	stream.indirect_vreg.gather [hbm4b:s4+s13], $0x80, v4, vm0, $0xb8;
	[tilespmem:$0x11000] =	vst v63  }
0x6f1: {  	_ = 	snop  }
0x6f2: {  	[tilespmem:s31], [sflag:$0x2] =	stream.indirect_vreg.gather [hbm4b:s4+s13], $0x80, v3, vm0, $0xb8;
	[tilespmem:$0x11000] =	vst v63  }
0x6f3: {  	_ =	swait.ge [sflag:s25], $0x4000  }
0x6f4: {  	[sflag:s25] =	ssyncset.done $0x0  }
0x6f5: {  	[sflag:s25] =	ssyncadd.s32 $0xFFFFC000  }
0x6f6: {  	_ =	swait.ge [sflag:s0], $0x4000  }
0x6f7: {  	[sflag:s0] =	ssyncset.done $0x0  }
0x6f8: {  	s10 =	sand.u32 $0x3800, s13;
	s11 =	sand.u32 $0x400, s13;
	[sflag:s0] =	ssyncadd.s32 $0xFFFFC000  }
0x6f9: {  	s12 =	sand.u32 $0x380, s13;
	s8 =	sor.u32 s11, s10;
	_ =	swait.ge [sflag:s1], $0x4000  }
0x6fa: {  	s6 =	sand.u32 $0x70, s13;
	s8 =	sor.u32 s12, s8;
	[sflag:s1] =	ssyncset.done $0x0  }
0x6fb: {  	s6 =	sor.u32 s6, s8;
	[sflag:s1] =	ssyncadd.s32 $0xFFFFC000  }
0x6fc: {  	v3 =	vld [tilespmem:s6+$0x5000]  }
0x6fd: {  	v4 =	vld [tilespmem:s6+$0x1000];
	_ =	sdelay $0x1  }
0x6fe: {  	s9 =	simm.s32 $0x10;
	s8 =	simm.s32 $0x80  }
0x6ff: {  	s10 =	simm.s32 $0x8;
	s11 =	sand.u32 $0x3800, s9;
	s13 =	sand.u32 $0x400, s8  }
0x700: {  	s12 =	sor.u32 s13, s11;
	s13 =	sand.u32 $0x380, s10;
	s11 =	simm.s32 $0x20  }
.LBB2_30:
0x701: {  	p0 =	sne.s32 s11, $0x3FF0;
	s9 =	sand.u32 $0x70, s9;
	s12 =	sor.u32 s13, s12;
	v4 =	vadd.f32 v3, v4  }
0x702: {  	s12 =	sor.u32 s9, s12;
	s9 =	smov.u32 s11  }
0x703: {  	v3 =	vld [tilespmem:s12+$0x5000];
	[tilespmem:s6+$0x1000] =	vst v4;
	s6 =	smov.u32 s12  }
.Ltmp14:
0x704: {  	v4 =	vld [tilespmem:s6+$0x1000];
	(pc) =	sbr.rel @p0 .LBB2_30-.Ltmp14, $4  }
0x705: {  	_ = 	snop  }
0x706: {  	s8 =	sadd.s32 $0x80, s8  }
0x707: {  	s10 =	sadd.s32 $0x8, s10;
	s13 =	sand.u32 $0x400, s8;
	s12 =	sand.u32 $0x3800, s11  }
0x708: {  	s11 =	sadd.s32 $0x10, s11;
	s12 =	sor.u32 s13, s12;
	s13 =	sand.u32 $0x380, s10  }
0x709: {  	s8 =	sand.u32 $0x70, s9;
	s12 =	sor.u32 s13, s12;
	v3 =	vadd.f32 v3, v4  }
0x70a: {  	s8 =	sor.u32 s8, s12  }
0x70b: {  	v4 =	vld [tilespmem:s8+$0x5000];
	[tilespmem:s6+$0x1000] =	vst v3  }
0x70c: {  	v3 =	vld [tilespmem:s8+$0x1000];
	_ =	sdelay $0x4  }
0x70d: {  	v3 =	vadd.f32 v4, v3;
	_ =	sdelay $0x1  }
0x70e: {  	s13 =	simm.s32 $0x0;
	s9 =	rddreg [dreg:$0x13];
	[tilespmem:s8+$0x1000] =	vst v3  }
0x70f: {  	[hbm4b:s9+s13] =	stream.linear.scatter [tilespmem:s26], [sflag:$0x3], $0x4000, $0x38;
	[tilespmem:$0x11000] =	vst v63  }
0x710: {  	_ =	swait.ge [sflag:s25], $0x4000  }
0x711: {  	[sflag:s25] =	ssyncset.done $0x0  }
0x712: {  	[sflag:s25] =	ssyncadd.s32 $0xFFFFC000  }
0x713: {  	_ =	swait.ge [sflag:s0], $0x4000  }
0x714: {  	[sflag:s0] =	ssyncset.done $0x0  }
0x715: {  	s10 =	sand.u32 $0x3800, s13;
	s11 =	sand.u32 $0x400, s13;
	[sflag:s0] =	ssyncadd.s32 $0xFFFFC000  }
0x716: {  	s12 =	sand.u32 $0x380, s13;
	s8 =	sor.u32 s11, s10;
	_ =	swait.ge [sflag:s1], $0x4000  }
0x717: {  	s6 =	sand.u32 $0x70, s13;
	s8 =	sor.u32 s12, s8;
	[sflag:s1] =	ssyncset.done $0x0  }
0x718: {  	s6 =	sor.u32 s6, s8;
	[sflag:s1] =	ssyncadd.s32 $0xFFFFC000  }
0x719: {  	v3 =	vld [tilespmem:s6+$0xD000]  }
0x71a: {  	v4 =	vld [tilespmem:s6+$0x9000];
	_ =	sdelay $0x1  }
0x71b: {  	s9 =	simm.s32 $0x10;
	s8 =	simm.s32 $0x80  }
0x71c: {  	s10 =	simm.s32 $0x8;
	s11 =	sand.u32 $0x3800, s9;
	s13 =	sand.u32 $0x400, s8  }
0x71d: {  	s12 =	sor.u32 s13, s11;
	s13 =	sand.u32 $0x380, s10;
	s11 =	simm.s32 $0x20  }
.LBB2_32:
0x71e: {  	p0 =	sne.s32 s11, $0x3FF0;
	s9 =	sand.u32 $0x70, s9;
	s12 =	sor.u32 s13, s12;
	v4 =	vadd.f32 v3, v4  }
0x71f: {  	s12 =	sor.u32 s9, s12;
	s9 =	smov.u32 s11  }
0x720: {  	v3 =	vld [tilespmem:s12+$0xD000];
	[tilespmem:s6+$0x9000] =	vst v4;
	s6 =	smov.u32 s12  }
.Ltmp15:
0x721: {  	v4 =	vld [tilespmem:s6+$0x9000];
	(pc) =	sbr.rel @p0 .LBB2_32-.Ltmp15, $4  }
0x722: {  	_ = 	snop  }
0x723: {  	s8 =	sadd.s32 $0x80, s8  }
0x724: {  	s10 =	sadd.s32 $0x8, s10;
	s13 =	sand.u32 $0x400, s8;
	s12 =	sand.u32 $0x3800, s11  }
0x725: {  	s11 =	sadd.s32 $0x10, s11;
	s12 =	sor.u32 s13, s12;
	s13 =	sand.u32 $0x380, s10  }
0x726: {  	s8 =	sand.u32 $0x70, s9;
	s11 =	sor.u32 s13, s12;
	v3 =	vadd.f32 v3, v4  }
0x727: {  	s8 =	sor.u32 s8, s11  }
0x728: {  	v63 =	vld [tilespmem:s8+$0xD000];
	[tilespmem:s6+$0x9000] =	vst v3  }
0x729: {  	v3 =	vld [tilespmem:s8+$0x9000];
	_ =	sdelay $0x4  }
0x72a: {  	v3 =	vadd.f32 v63, v3;
	_ =	sdelay $0x1  }
0x72b: {  	s12 =	rddreg [dreg:$0x14];
	[tilespmem:s8+$0x9000] =	vst v3  }
0x72c: {  	[hbm4b:s12+s2] =	stream.linear.scatter [tilespmem:s14], [sflag:$0x3], $0x4000, $0x38;
	[tilespmem:$0x11000] =	vst v63  }
0x72d: {  	_ =	swait.ge [sflag:s25], $0x4000  }
0x72e: {  	s5 =	sadd.s32 $0x1, s5;
	s13 =	rddreg [dreg:$0x15]  }
0x72f: {  	p0 =	sne.s32 s5, s13  }
.Ltmp16:
0x730: {  	_ = 	snop;
	(pc) =	sbr.rel @p0 .LBB2_1-.Ltmp16, $3  }
0x731: {  	_ =	sdelay $0x1  }
0x732: {  	[sflag:s25] =	ssyncset.done $0x0  }
0x733: {  	[sflag:s25] =	ssyncadd.s32 $0xFFFFC000  }
0x734: {  	_ =	sfence.sel $0x180000  }
0x735: {  	[bflag:$0x0] =	sbarrier.arrive $0xFFFF  }
0x736: {  	_ =	strace $0x9000004A  }
0x737: {  	s0 =	stileid.u32;
	[bflag:$0x2] =	sbarrier.arrive $0xFFFF  }
0x738: {  	p0 =	sne.s32 s0, $0x0;
	s0 =	rddreg [dreg:$0x2]  }
0x739: {  	s0 =	sadd.s32 @!p0 $0x100000, s0  }
0x73a: {  	[sflag:s0] =	ssyncadd.tile.s32 @!p0 $0x1;
	_ =	shalt  }
.Lfunc_end2:
_tile_overlayer_lowered:
.L_overlay_start_2:
0x73b: {  	(tag) =	ssettag $0x2  }
0x73c: {  	s0 =	rddreg [dreg:$0x0];
	s2 =	stileid.u32  }
0x73d: {  	s1 =	rddreg [dreg:$0x1];
	p0 =	sne.s32 s2, $0x0  }
0x73e: {  	s3 =	rddreg [dreg:$0x2];
	[bflag:$0x3] =	sbarrier.arrive $0xFFFF;
	s2 =	simm.s32 @!p0 $0x1C04  }
0x73f: {  	[timem:s3], [sflag:s2] =	dma.local @!p0 [hbm:s0], s1  }
0x740: {  	s0 =	simm.s32 @!p0 $0x4  }
0x741: {  	_ =	swait.ge @!p0 [sflag:s0], s1  }
0x742: {  	s1 =	ssub.s32 @!p0 $0x0, s1;
	[sflag:s0] =	ssyncset.done @!p0 $0x0  }
0x743: {  	[sflag:s0] =	ssyncadd.s32 @!p0 s1  }
0x744: {  	[bflag:$0x3] =	sbarrier.arrive $0xFFFF  }
0x745: {  	_ =	shalt  }

// kernel: kernel.7.cloned.1.call-start
scs
__scs_entry_jumppad:
0x0: {  	(pc) =	sbr.rel $0x88, $3  }
0x1: {  	(tag) =	ssettag $0x0;
	lr =	simm.s32 $0x1  }
0x2: {  	[smem:$0x3F93] =	sst lr;
	_ =	strace $0xD0000000  }
0x3: {  	_ = 	snop  }
0x4: {  	_ = 	snop  }
0x5: {  	_ = 	snop  }
0x6: {  	_ = 	snop  }
0x7: {  	_ = 	snop  }
__scs_overlays_trampoline_lowered:
0x8: {  	[smem:$0x3FA2] =	sst s0  }
0x9: {  	[smem:$0x3FA3] =	sst s1  }
0xa: {  	[smem:$0x3FA4] =	sst s2  }
0xb: {  	[smem:$0x3FA5] =	sst s3  }
0xc: {  	[smem:$0x3FA6] =	sst s4  }
0xd: {  	[smem:$0x3FA7] =	sst s5  }
0xe: {  	[smem:$0x3FA8] =	sst s6  }
0xf: {  	[smem:$0x3FA9] =	sst s7  }
0x10: {  	[smem:$0x3FAA] =	sst s8  }
0x11: {  	[smem:$0x3FAB] =	sst s9;
	s0 =	simm.s32 @!p0 $0x0  }
0x12: {  	s1 =	sld [smem:$0x3F91];
	s0 =	simm.s32 @p0 $0x1  }
0x13: {  	[smem:$0x3FAC] =	sst s0;
	s0 =	simm.s32 @!p1 $0x0  }
0x14: {  	s2 =	sld [smem:$0x3F90];
	s0 =	simm.s32 @p1 $0x1  }
0x15: {  	[smem:$0x3FAD] =	sst s0;
	s0 =	simm.s32 @!p2 $0x0  }
0x16: {  	s3 =	sld [smem:$0x3FDB];
	s0 =	simm.s32 @p2 $0x1  }
0x17: {  	s4 =	simm.s32 $0x1BF5;
	[smem:$0x3FAF] =	sst s0  }
0x18: {  	s0 =	sld [smem:$0x3F92];
	_ =	swait.ge [sflag:s4], $0x0  }
0x19: {  	s7 =	sld [smem:$0x3F93]  }
0x1a: {  	s8 =	sadd.s32 $0xFFFFE003, lr  }
0x1b: {  	s9 =	sadd.s32 $0xFFFFFEF7, lr;
	s5 =	simm.s32 $0xFFFFFFFF;
	p2 =	slt.u32 s8, $0xFFFFF086  }
0x1c: {  	p1 =	slt.u32 s9, $0xF7A;
	s5 =	simm.s32 @!p2 $0x0  }
0x1d: {  	s5 =	simm.s32 @p1 $0x1;
	p0 =	seq.s32 s7, s2  }
0x1e: {  	s7 =	smul.u32 @!p0 $0xF7A, s2;
	p2 =	seq.s32 @!p0 s5, $0x0  }
0x1f: {  	s9 =	smul.u32 $0xF7A, s1;
	s8 =	simm.s32 @!p0 $0x1BF5;
	p2 =	por !p2, p0  }
0x20: {  	[sflag:s8] =	ssyncset.s32 @!p0 $0xFFFFF086;
	s6 =	sadd.s32 @!p0 s3, s7;
	s7 =	simm.s32 @!p0 $0x108  }
0x21: {  	s3 =	sadd.s32 s3, s9;
	s6 =	sadd.s32 @!p0 $0x88, s6;
	s7 =	simm.s32 @p2 $0x1082  }
0x22: {  	[simem:s7], [sflag:s8] =	dma.local @!p0 [hbm:s6], $0xF7A  }
0x23: {  	s9 =	sor.u32 $0xD0000000, s2;
	s6 =	simm.s32 $0x108;
	_ =	swait.ge @!p0 [sflag:s8], $0x0  }
0x24: {  	s3 =	sadd.s32 $0x88, s3;
	s6 =	simm.s32 @!p1 $0x1082;
	[sflag:s4] =	ssyncset.s32 $0xFFFFF086  }
0x25: {  	[simem:s6], [sflag:s4] =	dma.local [hbm:s3], $0xF7A  }
0x26: {  	[smem:$0x3F93] =	sst s1;
	(tag) =	ssettag s2;
	_ =	strace s9  }
0x27: {  	s1 =	sld [smem:$0x3FA3]  }
0x28: {  	s2 =	sld [smem:$0x3FA4]  }
0x29: {  	s4 =	sld [smem:$0x3FA6]  }
0x2a: {  	p0 =	seq.s32 s5, $0x0;
	s5 =	sld [smem:$0x3FA7]  }
0x2b: {  	s6 =	sld [smem:$0x3FA8]  }
0x2c: {  	s7 =	sld [smem:$0x3FA9]  }
0x2d: {  	s3 =	simm.s32 $0x108;
	s8 =	sld [smem:$0x3FAA]  }
0x2e: {  	s3 =	simm.s32 @!p0 $0x1082;
	s9 =	sld [smem:$0x3FAB]  }
0x2f: {  	lr =	sadd.s32 s0, s3;
	s0 =	sld [smem:$0x3FA2]  }
0x30: {  	s3 =	sld [smem:$0x3FA5]  }
0x31: {  	[smem:$0x3FAE] =	sst s10  }
0x32: {  	s10 =	sld [smem:$0x3FAC];
	_ =	sdelay $0x3  }
0x33: {  	p0 =	seq.s32 s10, $0x1;
	s10 =	sld [smem:$0x3FAE];
	_ =	sdelay $0x3  }
0x34: {  	[smem:$0x3FAE] =	sst s10  }
0x35: {  	s10 =	sld [smem:$0x3FAD];
	_ =	sdelay $0x3  }
0x36: {  	p1 =	seq.s32 s10, $0x1;
	s10 =	sld [smem:$0x3FAE];
	_ =	sdelay $0x3  }
0x37: {  	[smem:$0x3FAE] =	sst s10  }
0x38: {  	s10 =	sld [smem:$0x3FAF]  }
0x39: {  	_ = 	snop;
	(pc) =	sbr.ind lr, $3  }
0x3a: {  	_ = 	snop  }
0x3b: {  	_ = 	snop  }
0x3c: {  	p2 =	seq.s32 s10, $0x1;
	s10 =	sld [smem:$0x3FAE]  }
0x3d: {  	_ =	shalt  }
0x3e: {  	_ =	shalt  }
0x3f: {  	_ =	shalt  }
0x40: {  	_ =	shalt  }
0x41: {  	_ =	shalt  }
0x42: {  	_ =	shalt  }
0x43: {  	_ =	shalt  }
0x44: {  	_ =	shalt  }
0x45: {  	_ =	shalt  }
0x46: {  	_ =	shalt  }
0x47: {  	_ =	shalt  }
0x48: {  	_ =	shalt  }
0x49: {  	_ =	shalt  }
0x4a: {  	_ =	shalt  }
0x4b: {  	_ =	shalt  }
0x4c: {  	_ =	shalt  }
0x4d: {  	_ =	shalt  }
0x4e: {  	_ =	shalt  }
0x4f: {  	_ =	shalt  }
0x50: {  	_ =	shalt  }
0x51: {  	_ =	shalt  }
0x52: {  	_ =	shalt  }
0x53: {  	_ =	shalt  }
0x54: {  	_ =	shalt  }
0x55: {  	_ =	shalt  }
0x56: {  	_ =	shalt  }
0x57: {  	_ =	shalt  }
0x58: {  	_ =	shalt  }
0x59: {  	_ =	shalt  }
0x5a: {  	_ =	shalt  }
0x5b: {  	_ =	shalt  }
0x5c: {  	_ =	shalt  }
0x5d: {  	_ =	shalt  }
0x5e: {  	_ =	shalt  }
0x5f: {  	_ =	shalt  }
0x60: {  	_ =	shalt  }
0x61: {  	_ =	shalt  }
0x62: {  	_ =	shalt  }
0x63: {  	_ =	shalt  }
0x64: {  	_ =	shalt  }
0x65: {  	_ =	shalt  }
0x66: {  	_ =	shalt  }
0x67: {  	_ =	shalt  }
0x68: {  	_ =	shalt  }
0x69: {  	_ =	shalt  }
0x6a: {  	_ =	shalt  }
0x6b: {  	_ =	shalt  }
0x6c: {  	_ =	shalt  }
0x6d: {  	_ =	shalt  }
0x6e: {  	_ =	shalt  }
0x6f: {  	_ =	shalt  }
0x70: {  	_ =	shalt  }
0x71: {  	_ =	shalt  }
0x72: {  	_ =	shalt  }
0x73: {  	_ =	shalt  }
0x74: {  	_ =	shalt  }
0x75: {  	_ =	shalt  }
0x76: {  	_ =	shalt  }
0x77: {  	_ =	shalt  }
0x78: {  	_ =	shalt  }
0x79: {  	_ =	shalt  }
0x7a: {  	_ =	shalt  }
0x7b: {  	_ =	shalt  }
0x7c: {  	_ =	shalt  }
0x7d: {  	_ =	shalt  }
0x7e: {  	_ =	shalt  }
0x7f: {  	_ =	shalt  }
0x80: {  	_ =	shalt  }
0x81: {  	_ =	shalt  }
0x82: {  	_ =	shalt  }
0x83: {  	_ =	shalt  }
0x84: {  	_ =	shalt  }
0x85: {  	_ =	shalt  }
0x86: {  	_ =	shalt  }
0x87: {  	_ =	shalt  }
.Lfunc_end0:
.L_simem_size_0:
called_computation_lowered:
.L_overlay_start_0:
0x88: {  	s2 =	sld [smem:$0x3FD9]  }
0x89: {  	s3 =	sld [smem:$0x3FFE];
	_ =	sdelay $0x1  }
0x8a: {  	s1 =	srdreg.scid  }
0x8b: {  	s0 =	sand.u32 $0x1, s1  }
0x8c: {  	s14 =	sshll.u32 s0, $0xA;
	s2 =	sadd.s32 s3, s2  }
0x8d: {  	s2 =	sadd.s32 s2, s14  }
0x8e: {  	[smem:$0x3FBA] =	sst s2  }
0x8f: {  	_ = 	snop  }
0x90: {  	s2 =	sld [smem:$0x3FD0];
	_ =	sdelay $0x2  }
0x91: {  	s15 =	simm.s32 $0xB;
	s4 =	simm.s32 $0x10  }
0x92: {  	[smem:s4], [sflag:s15] =	dma.local [hbm:s2], $0x1  }
0x93: {  	_ =	swait.eq [sflag:s15], $0x1  }
0x94: {  	[sflag:s15] =	ssyncset.done $0x0  }
0x95: {  	[sflag:s15] =	ssyncadd.s32 $0xFFFFFFFF  }
0x96: {  	s16 =	sld [smem:$0x13];
	(tm) =	ssettm $0x1  }
0x97: {  	s17 =	sld [smem:$0x3FFB];
	_ =	sdelay $0x3  }
0x98: {  	_ =	strace s17  }
0x99: {  	s3 =	sld [smem:$0x3FFC];
	_ =	sdelay $0x3  }
0x9a: {  	_ =	strace s3  }
0x9b: {  	s3 =	sld [smem:$0x3FFD];
	_ =	sdelay $0x3  }
0x9c: {  	_ =	strace s3  }
0x9d: {  	_ =	strace $0x8FFFFFFF  }
0x9e: {  	s18 =	sld [smem:$0x3FDB];
	_ =	sdelay $0x1  }
0x9f: {  	s19 =	simm.s32 $_scs_section_size  }
0xa0: {  	s5 =	simm.s32 $_size__tile_overlayer_lowered;
	s6 =	simm.s32 $_tile_overlayer_lowered  }
0xa1: {  	s22 =	simm.s32 $0x1BFF;
	s21 =	sshll.u32 s6, $0x1;
	s3 =	sadd.s32 s19, s18  }
0xa2: {  	s7 =	simm.s32 $0x0;
	s20 =	sshll.u32 s5, $0x1;
	s5 =	sadd.s32 s21, s3  }
0xa3: {  	[timem:s7], [sflag:s22] =	dma.local [hbm:s5], s20  }
0xa4: {  	_ =	swait.ge [sflag:s22], s20  }
0xa5: {  	s4 =	ssub.s32 $0x0, s20;
	[sflag:s22] =	ssyncset.done $0x0  }
0xa6: {  	[sflag:s22] =	ssyncadd.s32 s4;
	_ =	sdelay $0x1  }
0xa7: {  	s23 =	simm.s32 $0x1B8B  }
0xa8: {  	_ =	swait.ge [sflag:s23], $0x1  }
0xa9: {  	[sflag:s23] =	ssyncset.done $0x0  }
0xaa: {  	s25 =	simm.s32 $0x1B8E;
	s24 =	sld [smem:$0x3FFE];
	[sflag:s23] =	ssyncadd.s32 $0xFFFFFFFF  }
0xab: {  	s26 =	simm.s32 $execute0_lowered;
	[smem:$0x3FD2] =	sst s25  }
0xac: {  	s5 =	sshll.u32 s26, $0x1;
	_ =	strace $0x80000046;
	[dreg:$0x1] =	wrdreg $0xFFFFFFFF  }
0xad: {  	s28 =	simm.s32 $_size_execute0_lowered;
	s3 =	sadd.s32 s3, s5;
	[dreg:$0x0] =	wrdreg $0x0  }
0xae: {  	s5 =	sshll.u32 s28, $0x1;
	[dreg:$0x2] =	wrdreg s3  }
0xaf: {  	[dreg:$0x3] =	wrdreg s5  }
0xb0: {  	[dreg:$0x4] =	wrdreg $0xC0  }
0xb1: {  	_ =	task [dreg:s7], $0x5FFFF  }
0xb2: {  	[dreg:$0x1] =	wrdreg $0xFFFFFFFF  }
0xb3: {  	[dreg:$0x0] =	wrdreg $0x60  }
0xb4: {  	[dreg:$0x2] =	wrdreg s16  }
0xb5: {  	[dreg:$0x3] =	wrdreg s24  }
0xb6: {  	[dreg:$0x4] =	wrdreg $0x9  }
0xb7: {  	_ =	task.clear_ibuf [dreg:s7], $0x5FFFF;
	_ =	strace $0x90000046  }
0xb8: {  	s29 =	simm.s32 $0x9;
	_ =	strace $0x80000048  }
0xb9: {  	_ =	swait.ge [sflag:s29], $0x1  }
0xba: {  	[sflag:s29] =	ssyncadd.s32 $0xFFFFFFFF  }
0xbb: {  	_ =	strace $0x90000048  }
0xbc: {  	_ =	sfence  }
0xbd: {  	s30 =	sld [smem:$0x0];
	_ =	sdelay $0x2  }
0xbe: {  	s31 =	sshll.u32 s1, $0xD;
	s1 =	sshrl.u32 s1, $0x2  }
0xbf: {  	s3 =	sand.u32 $0x4000, s31;
	s1 =	sadd.s32 s1, s30  }
0xc0: {  	s0 =	sor.u32 s3, s0;
	s1 =	sshll.u32 s1, $0x11  }
0xc1: {  	s0 =	sor.u32 s1, s0  }
0xc2: {  	s0 =	sadd.s32 $0x8F2B, s0  }
0xc3: {  	[sflag:s0] =	ssyncadd.remote.s32 $0x1  }
0xc4: {  	_ =	sfence.sel $0xFFFF  }
0xc5: {  	[dreg:$0x0] =	wrdreg $0xFFFFFFFF;
	(pc) =	sbr.abs _section_cstart, $3  }
0xc6: {  	[dreg:$0x1] =	wrdreg $0xFFFFFFFF  }
0xc7: {  	_ =	task.clear_ibuf [dreg:s7], $0x2FFFF;
	_ =	strace $0x9FFFFFFF  }
0xc8: {  	(tm) =	ssettm $0x7FFFFFFF  }
0xc9: {  	_ =	shalt  }
tec
execute0_lowered:
.L_overlay_start_1:
0x0: {  	(tag) =	ssettag $0x1  }
0x1: {  	s2 =	rddreg [dreg:$0x0]  }
0x2: {  	s4 =	rddreg [dreg:$0x1]  }
0x3: {  	s0 =	rddreg [dreg:$0x2];
	s5 =	srdreg.scid  }
0x4: {  	s1 =	stileid.u32;
	s3 =	simm.s32 $0x0;
	s5 =	sand.u32 $0x1, s5  }
0x5: {  	s6 =	sshll.u32 s1, $0x1;
	[smem:$0x7FF] =	sst s3;
	s8 =	sadd.s32 $0x22800, s4  }
0x6: {  	s6 =	sor.u32 s5, s6;
	_ =	strace $0x80000047;
	s5 =	ssub.s32 $0x2, s5  }
0x7: {  	s7 =	sshll.u32 s6, $0x11;
	s29 =	sshrl.u32 s5, $0x1;
	s30 =	sshll.u32 s6, $0xE  }
0x8: {  	s9 =	sor.u32 $0x10000, s7;
	s10 =	ssub.s32 s5, s29;
	s4 =	sadd.s32 s8, s30  }
0x9: {  	v0 =	vmov s7;
	s7 =	simm.s32 $0x1;
	s31 =	sshrl.u32 s9, $0x3;
	s6 =	smax.u32 s10, $0x1  }
0xa: {  	v2 =	vimm.s32 $0x0;
	v1 =	vmov s9;
	s9 =	simm.s32 $0x0;
	s5 =	sadd.s32 s8, s31;
	s8 =	simm.s32 $0x8000  }
.LBB2_1:
0xb: {  	[tilespmem:s3], [sflag:$0x1] =	stream.linear.gather [hbm4b:s2+s3], $0x8000, $0x38;
	[tilespmem:$0x18000] =	vst v63  }
0xc: {  	_ =	swait.ge [sflag:s7], $0x8000  }
0xd: {  	[sflag:s7] =	ssyncset.done $0x0  }
0xe: {  	s10 =	simm.s32 $0x0;
	s11 =	simm.s32 $0x200;
	[sflag:s7] =	ssyncadd.s32 $0xFFFF8000  }
.LBB2_2:
0xf: {  	p0 =	sne.s32 s11, $0x3FE00;
	[tilespmem:s10+$0x8070] =	vst v2  }
0x10: {  	[tilespmem:s10+$0x8000] =	vst v2  }
0x11: {  	[tilespmem:s10+$0x8010] =	vst v2  }
.Ltmp0:
0x12: {  	[tilespmem:s10+$0x8020] =	vst v2;
	(pc) =	sbr.rel @p0 .LBB2_2-.Ltmp0, $4  }
0x13: {  	[tilespmem:s10+$0x8030] =	vst v2  }
0x14: {  	[tilespmem:s10+$0x8040] =	vst v2  }
0x15: {  	[tilespmem:s10+$0x8050] =	vst v2  }
0x16: {  	[tilespmem:s10+$0x8060] =	vst v2;
	s10 =	sshra.s32 s11, $0x2;
	s11 =	sadd.s32 $0x200, s11  }
0x17: {  	[tilespmem:s10+$0x8070] =	vst v2  }
0x18: {  	[tilespmem:s10+$0x8000] =	vst v2  }
0x19: {  	[tilespmem:s10+$0x8010] =	vst v2  }
0x1a: {  	[tilespmem:s10+$0x8020] =	vst v2  }
0x1b: {  	[tilespmem:s10+$0x8030] =	vst v2  }
0x1c: {  	[tilespmem:s10+$0x8040] =	vst v2  }
0x1d: {  	[tilespmem:s10+$0x8050] =	vst v2  }
0x1e: {  	[tilespmem:s10+$0x8060] =	vst v2;
	s10 =	simm.s32 $0x0  }
.LBB2_4:
0x1f: {  	s11 =	sshra.s32 s10, $0x2  }
0x20: {  	v3 =	vld [tilespmem:s11+$0x0];
	_ =	sdelay $0x4  }
0x21: {  	v4 =	vsub.s32 v3, v0  }
0x22: {  	v3 =	vand.u32 $0x7F, v3;
	vm0 =	vlt.u32 v4, $0x10000;
	v5 =	vand.u32 $0xFFFFFF80, v4  }
0x23: {  	v3 =	vor.u32 v3, v5;
	_ =	sdelay $0x2  }
0x24: {  	vm1 =	vgt.s32 v4, $0xFFFFFFFF  }
0x25: {  	v4 =	vsel vm1, $0x1, v2  }
0x26: {  	[tilespmem:v3+s8+$0x0] =	vst.idx.msk vm0, v4  }
0x27: {  	v3 =	vld [tilespmem:s11+$0x10];
	_ =	sdelay $0x4  }
0x28: {  	v50 =	vsub.s32 v3, v0  }
0x29: {  	v3 =	vand.u32 $0x7F, v3;
	vm14 =	vlt.u32 v50, $0x10000;
	v51 =	vand.u32 $0xFFFFFF80, v50  }
0x2a: {  	v3 =	vor.u32 v3, v51;
	_ =	sdelay $0x2  }
0x2b: {  	vm15 =	vgt.s32 v50, $0xFFFFFFFF  }
0x2c: {  	v4 =	vsel vm15, $0x1, v2  }
0x2d: {  	[tilespmem:v3+s8+$0x0] =	vst.idx.msk vm14, v4  }
0x2e: {  	v3 =	vld [tilespmem:s11+$0x20];
	_ =	sdelay $0x4  }
0x2f: {  	v52 =	vsub.s32 v3, v0  }
0x30: {  	v3 =	vand.u32 $0x7F, v3;
	vm4 =	vlt.u32 v52, $0x10000;
	v53 =	vand.u32 $0xFFFFFF80, v52  }
0x31: {  	v3 =	vor.u32 v3, v53;
	_ =	sdelay $0x2  }
0x32: {  	vm5 =	vgt.s32 v52, $0xFFFFFFFF  }
0x33: {  	v4 =	vsel vm5, $0x1, v2  }
0x34: {  	[tilespmem:v3+s8+$0x0] =	vst.idx.msk vm4, v4  }
0x35: {  	v3 =	vld [tilespmem:s11+$0x30];
	_ =	sdelay $0x4  }
0x36: {  	v54 =	vsub.s32 v3, v0  }
0x37: {  	v3 =	vand.u32 $0x7F, v3;
	vm6 =	vlt.u32 v54, $0x10000;
	v55 =	vand.u32 $0xFFFFFF80, v54  }
0x38: {  	v3 =	vor.u32 v3, v55;
	_ =	sdelay $0x2  }
0x39: {  	vm7 =	vgt.s32 v54, $0xFFFFFFFF  }
0x3a: {  	v4 =	vsel vm7, $0x1, v2  }
0x3b: {  	[tilespmem:v3+s8+$0x0] =	vst.idx.msk vm6, v4  }
0x3c: {  	v3 =	vld [tilespmem:s11+$0x40];
	_ =	sdelay $0x4  }
0x3d: {  	v56 =	vsub.s32 v3, v0  }
0x3e: {  	v3 =	vand.u32 $0x7F, v3;
	vm8 =	vlt.u32 v56, $0x10000;
	v57 =	vand.u32 $0xFFFFFF80, v56  }
0x3f: {  	v3 =	vor.u32 v3, v57;
	_ =	sdelay $0x2  }
0x40: {  	vm9 =	vgt.s32 v56, $0xFFFFFFFF  }
0x41: {  	v4 =	vsel vm9, $0x1, v2  }
0x42: {  	[tilespmem:v3+s8+$0x0] =	vst.idx.msk vm8, v4  }
0x43: {  	v3 =	vld [tilespmem:s11+$0x50];
	_ =	sdelay $0x4  }
0x44: {  	v58 =	vsub.s32 v3, v0  }
0x45: {  	v3 =	vand.u32 $0x7F, v3;
	vm10 =	vlt.u32 v58, $0x10000;
	v59 =	vand.u32 $0xFFFFFF80, v58  }
0x46: {  	v3 =	vor.u32 v3, v59;
	_ =	sdelay $0x2  }
0x47: {  	vm11 =	vgt.s32 v58, $0xFFFFFFFF  }
0x48: {  	v4 =	vsel vm11, $0x1, v2  }
0x49: {  	[tilespmem:v3+s8+$0x0] =	vst.idx.msk vm10, v4  }
0x4a: {  	v3 =	vld [tilespmem:s11+$0x60];
	_ =	sdelay $0x4  }
0x4b: {  	v60 =	vsub.s32 v3, v0  }
0x4c: {  	v3 =	vand.u32 $0x7F, v3;
	vm12 =	vlt.u32 v60, $0x10000;
	v61 =	vand.u32 $0xFFFFFF80, v60  }
0x4d: {  	v3 =	vor.u32 v3, v61;
	_ =	sdelay $0x2  }
0x4e: {  	vm13 =	vgt.s32 v60, $0xFFFFFFFF  }
0x4f: {  	v4 =	vsel vm13, $0x1, v2  }
0x50: {  	[tilespmem:v3+s8+$0x0] =	vst.idx.msk vm12, v4  }
0x51: {  	v3 =	vld [tilespmem:s11+$0x70];
	_ =	sdelay $0x4  }
0x52: {  	v62 =	vsub.s32 v3, v0  }
0x53: {  	v3 =	vand.u32 $0x7F, v3;
	vm14 =	vlt.u32 v62, $0x10000;
	v63 =	vand.u32 $0xFFFFFF80, v62  }
0x54: {  	p0 =	sne.s32 s10, $0x1FE00;
	v3 =	vor.u32 v3, v63  }
.Ltmp1:
0x55: {  	_ = 	snop;
	(pc) =	sbr.rel @p0 .LBB2_4-.Ltmp1, $4  }
0x56: {  	_ = 	snop  }
0x57: {  	vm15 =	vgt.s32 v62, $0xFFFFFFFF  }
0x58: {  	v4 =	vsel vm15, $0x1, v2  }
0x59: {  	s10 =	sadd.s32 $0x200, s10;
	[tilespmem:v3+s8+$0x0] =	vst.idx.msk vm14, v4  }
0x5a: {  	s10 =	simm.s32 $0x0  }
0x5b: {  	[hbm4b:s4+s10] =	stream.linear.scatter [tilespmem:s8], [sflag:$0x1], $0x10000, $0x38;
	[tilespmem:$0x18000] =	vst v63  }
0x5c: {  	_ =	swait.ge [sflag:s7], $0x10000  }
0x5d: {  	[sflag:s7] =	ssyncset.done $0x0  }
0x5e: {  	s11 =	simm.s32 $0x0;
	s12 =	simm.s32 $0x200;
	[sflag:s7] =	ssyncadd.s32 $0xFFFF0000  }
.LBB2_6:
0x5f: {  	p0 =	sne.s32 s12, $0x3FE00;
	[tilespmem:s11+$0x8070] =	vst v2  }
0x60: {  	[tilespmem:s11+$0x8000] =	vst v2  }
0x61: {  	[tilespmem:s11+$0x8010] =	vst v2  }
.Ltmp2:
0x62: {  	[tilespmem:s11+$0x8020] =	vst v2;
	(pc) =	sbr.rel @p0 .LBB2_6-.Ltmp2, $4  }
0x63: {  	[tilespmem:s11+$0x8030] =	vst v2  }
0x64: {  	[tilespmem:s11+$0x8040] =	vst v2  }
0x65: {  	[tilespmem:s11+$0x8050] =	vst v2  }
0x66: {  	[tilespmem:s11+$0x8060] =	vst v2;
	s11 =	sshra.s32 s12, $0x2;
	s12 =	sadd.s32 $0x200, s12  }
0x67: {  	[tilespmem:s11+$0x8070] =	vst v2  }
0x68: {  	[tilespmem:s11+$0x8000] =	vst v2  }
0x69: {  	[tilespmem:s11+$0x8010] =	vst v2  }
0x6a: {  	[tilespmem:s11+$0x8020] =	vst v2  }
0x6b: {  	[tilespmem:s11+$0x8030] =	vst v2  }
0x6c: {  	[tilespmem:s11+$0x8040] =	vst v2  }
0x6d: {  	[tilespmem:s11+$0x8050] =	vst v2  }
0x6e: {  	[tilespmem:s11+$0x8060] =	vst v2  }
.LBB2_8:
0x6f: {  	s11 =	sshra.s32 s10, $0x2  }
0x70: {  	v3 =	vld [tilespmem:s11+$0x0];
	_ =	sdelay $0x4  }
0x71: {  	v4 =	vsub.s32 v3, v1  }
0x72: {  	v3 =	vand.u32 $0x7F, v3;
	vm0 =	vlt.u32 v4, $0x10000;
	v5 =	vand.u32 $0xFFFFFF80, v4  }
0x73: {  	v3 =	vor.u32 v3, v5;
	_ =	sdelay $0x2  }
0x74: {  	vm1 =	vgt.s32 v4, $0xFFFFFFFF  }
0x75: {  	v4 =	vsel vm1, $0x1, v2  }
0x76: {  	[tilespmem:v3+s8+$0x0] =	vst.idx.msk vm0, v4  }
0x77: {  	v3 =	vld [tilespmem:s11+$0x10];
	_ =	sdelay $0x4  }
0x78: {  	v50 =	vsub.s32 v3, v1  }
0x79: {  	v3 =	vand.u32 $0x7F, v3;
	vm14 =	vlt.u32 v50, $0x10000;
	v51 =	vand.u32 $0xFFFFFF80, v50  }
0x7a: {  	v3 =	vor.u32 v3, v51;
	_ =	sdelay $0x2  }
0x7b: {  	vm15 =	vgt.s32 v50, $0xFFFFFFFF  }
0x7c: {  	v4 =	vsel vm15, $0x1, v2  }
0x7d: {  	[tilespmem:v3+s8+$0x0] =	vst.idx.msk vm14, v4  }
0x7e: {  	v3 =	vld [tilespmem:s11+$0x20];
	_ =	sdelay $0x4  }
0x7f: {  	v52 =	vsub.s32 v3, v1  }
0x80: {  	v3 =	vand.u32 $0x7F, v3;
	vm4 =	vlt.u32 v52, $0x10000;
	v53 =	vand.u32 $0xFFFFFF80, v52  }
0x81: {  	v3 =	vor.u32 v3, v53;
	_ =	sdelay $0x2  }
0x82: {  	vm5 =	vgt.s32 v52, $0xFFFFFFFF  }
0x83: {  	v4 =	vsel vm5, $0x1, v2  }
0x84: {  	[tilespmem:v3+s8+$0x0] =	vst.idx.msk vm4, v4  }
0x85: {  	v3 =	vld [tilespmem:s11+$0x30];
	_ =	sdelay $0x4  }
0x86: {  	v54 =	vsub.s32 v3, v1  }
0x87: {  	v3 =	vand.u32 $0x7F, v3;
	vm6 =	vlt.u32 v54, $0x10000;
	v55 =	vand.u32 $0xFFFFFF80, v54  }
0x88: {  	v3 =	vor.u32 v3, v55;
	_ =	sdelay $0x2  }
0x89: {  	vm7 =	vgt.s32 v54, $0xFFFFFFFF  }
0x8a: {  	v4 =	vsel vm7, $0x1, v2  }
0x8b: {  	[tilespmem:v3+s8+$0x0] =	vst.idx.msk vm6, v4  }
0x8c: {  	v3 =	vld [tilespmem:s11+$0x40];
	_ =	sdelay $0x4  }
0x8d: {  	v56 =	vsub.s32 v3, v1  }
0x8e: {  	v3 =	vand.u32 $0x7F, v3;
	vm8 =	vlt.u32 v56, $0x10000;
	v57 =	vand.u32 $0xFFFFFF80, v56  }
0x8f: {  	v3 =	vor.u32 v3, v57;
	_ =	sdelay $0x2  }
0x90: {  	vm9 =	vgt.s32 v56, $0xFFFFFFFF  }
0x91: {  	v4 =	vsel vm9, $0x1, v2  }
0x92: {  	[tilespmem:v3+s8+$0x0] =	vst.idx.msk vm8, v4  }
0x93: {  	v3 =	vld [tilespmem:s11+$0x50];
	_ =	sdelay $0x4  }
0x94: {  	v58 =	vsub.s32 v3, v1  }
0x95: {  	v3 =	vand.u32 $0x7F, v3;
	vm10 =	vlt.u32 v58, $0x10000;
	v59 =	vand.u32 $0xFFFFFF80, v58  }
0x96: {  	v3 =	vor.u32 v3, v59;
	_ =	sdelay $0x2  }
0x97: {  	vm11 =	vgt.s32 v58, $0xFFFFFFFF  }
0x98: {  	v4 =	vsel vm11, $0x1, v2  }
0x99: {  	[tilespmem:v3+s8+$0x0] =	vst.idx.msk vm10, v4  }
0x9a: {  	v3 =	vld [tilespmem:s11+$0x60];
	_ =	sdelay $0x4  }
0x9b: {  	v60 =	vsub.s32 v3, v1  }
0x9c: {  	v3 =	vand.u32 $0x7F, v3;
	vm12 =	vlt.u32 v60, $0x10000;
	v61 =	vand.u32 $0xFFFFFF80, v60  }
0x9d: {  	v3 =	vor.u32 v3, v61;
	_ =	sdelay $0x2  }
0x9e: {  	vm13 =	vgt.s32 v60, $0xFFFFFFFF  }
0x9f: {  	v4 =	vsel vm13, $0x1, v2  }
0xa0: {  	[tilespmem:v3+s8+$0x0] =	vst.idx.msk vm12, v4  }
0xa1: {  	v3 =	vld [tilespmem:s11+$0x70];
	_ =	sdelay $0x4  }
0xa2: {  	v62 =	vsub.s32 v3, v1  }
0xa3: {  	v3 =	vand.u32 $0x7F, v3;
	vm14 =	vlt.u32 v62, $0x10000;
	v63 =	vand.u32 $0xFFFFFF80, v62  }
0xa4: {  	p0 =	sne.s32 s10, $0x1FE00;
	v3 =	vor.u32 v3, v63  }
.Ltmp3:
0xa5: {  	_ = 	snop;
	(pc) =	sbr.rel @p0 .LBB2_8-.Ltmp3, $4  }
0xa6: {  	_ = 	snop  }
0xa7: {  	vm15 =	vgt.s32 v62, $0xFFFFFFFF  }
0xa8: {  	v4 =	vsel vm15, $0x1, v2  }
0xa9: {  	s10 =	sadd.s32 $0x200, s10;
	[tilespmem:v3+s8+$0x0] =	vst.idx.msk vm14, v4  }
0xaa: {  	s9 =	sadd.s32 $0x1, s9  }
0xab: {  	p0 =	sne.s32 s9, s6  }
.Ltmp4:
0xac: {  	_ = 	snop;
	(pc) =	sbr.rel @p0 .LBB2_1-.Ltmp4, $4  }
0xad: {  	[hbm4b:s5+s3] =	stream.linear.scatter [tilespmem:s8], [sflag:$0x1], $0x10000, $0x38;
	[tilespmem:$0x18000] =	vst v63  }
0xae: {  	_ =	swait.ge [sflag:s7], $0x10000  }
0xaf: {  	[sflag:s7] =	ssyncset.done $0x0  }
0xb0: {  	[sflag:s7] =	ssyncadd.s32 $0xFFFF0000  }
0xb1: {  	_ =	sfence.sel $0x180000  }
0xb2: {  	[bflag:$0x0] =	sbarrier.arrive $0xFFFF  }
0xb3: {  	p0 =	sne.s32 s1, $0x0;
	_ =	strace $0x90000047  }
0xb4: {  	s0 =	sadd.s32 @!p0 $0x100000, s0;
	[bflag:$0x2] =	sbarrier.arrive $0xFFFF  }
0xb5: {  	[sflag:s0] =	ssyncadd.tile.s32 @!p0 $0x1;
	_ =	shalt  }
.Lfunc_end2:
_tile_overlayer_lowered:
.L_overlay_start_2:
0xb6: {  	(tag) =	ssettag $0x2  }
0xb7: {  	s0 =	rddreg [dreg:$0x0];
	s2 =	stileid.u32  }
0xb8: {  	s1 =	rddreg [dreg:$0x1];
	p0 =	sne.s32 s2, $0x0  }
0xb9: {  	s3 =	rddreg [dreg:$0x2];
	[bflag:$0x3] =	sbarrier.arrive $0xFFFF;
	s2 =	simm.s32 @!p0 $0x1C01  }
0xba: {  	[timem:s3], [sflag:s2] =	dma.local @!p0 [hbm:s0], s1  }
0xbb: {  	s0 =	simm.s32 @!p0 $0x1  }
0xbc: {  	_ =	swait.ge @!p0 [sflag:s0], s1  }
0xbd: {  	s1 =	ssub.s32 @!p0 $0x0, s1;
	[sflag:s0] =	ssyncset.done @!p0 $0x0  }
0xbe: {  	[sflag:s0] =	ssyncadd.s32 @!p0 s1  }
0xbf: {  	[bflag:$0x3] =	sbarrier.arrive $0xFFFF  }
0xc0: {  	_ =	shalt  }

</sc_bundles>
